<compile_context>
chip_gen: v7x
topology: tpu7x:2x2x1
jax: 0.10.2.dev20260603
libtpu: 0.0.44.dev20260713+nightly
codegen_flags: <defaults>
</compile_context>

<pallas_src>
import functools

import jax
import jax.numpy as jnp
from jax import lax
from jax.experimental import pallas as pl
from jax.experimental.pallas import tpu as pltpu
from jax.experimental.pallas import tpu_sc as plsc



def _proj_body(nsa_ref, nsb_ref, wa_ref, wb_ref, pa_ref, pb_ref):
    xa = nsa_ref[...]
    xb = nsb_ref[...]
    wa = wa_ref[...]
    wb = wb_ref[...]
    pa_ref[...] = jnp.concatenate(
        [jnp.dot(xa, wa, preferred_element_type=jnp.float32),
         jnp.dot(xb, wa, preferred_element_type=jnp.float32)], axis=1)
    pb_ref[...] = jnp.concatenate(
        [jnp.dot(xa, wb, preferred_element_type=jnp.float32),
         jnp.dot(xb, wb, preferred_element_type=jnp.float32)], axis=1)


def _project_nodes(ns, wa, wb, block=5000):
    n, s = ns.shape
    f = wa.shape[1]
    grid = (n // 2) // block
    pa2, pb2 = pl.pallas_call(
        _proj_body,
        grid=(grid,),
        in_specs=[
            pl.BlockSpec((block, s), lambda i: (i, 0)),
            pl.BlockSpec((block, s), lambda i, g=grid: (i + g, 0)),
            pl.BlockSpec((s, f), lambda i: (0, 0)),
            pl.BlockSpec((s, f), lambda i: (0, 0)),
        ],
        out_specs=[
            pl.BlockSpec((block, 2 * f), lambda i: (i, 0)),
            pl.BlockSpec((block, 2 * f), lambda i: (i, 0)),
        ],
        out_shape=[
            jax.ShapeDtypeStruct((n // 2, 2 * f), jnp.float32),
            jax.ShapeDtypeStruct((n // 2, 2 * f), jnp.float32),
        ],
    )(ns, ns, wa, wb)
    return pa2.reshape(n, f), pb2.reshape(n, f)



_CH = 128


def _make_gather_sum(e_total, f):
    info = plsc.get_sparse_core_info()
    nc, ns_ = info.num_cores, info.num_subcores
    nw = nc * ns_
    assert e_total % nw == 0
    cpw = e_total // nw
    nfull = cpw // _CH
    tail = cpw - nfull * _CH
    assert nfull % 2 == 1
    half = e_total // 2
    assert half % cpw == 0

    mesh = plsc.VectorSubcoreMesh(core_axis_name="c", subcore_axis_name="s")

    buf_set = [
        pltpu.VMEM((_CH,), jnp.int32),
        pltpu.VMEM((_CH,), jnp.int32),
        pltpu.VMEM((_CH, f), jnp.float32),
        pltpu.VMEM((_CH, f), jnp.float32),
        pltpu.SemaphoreType.DMA,
    ]
    scratch = buf_set + buf_set
    if tail:
        scratch += [
            pltpu.VMEM((tail,), jnp.int32),
            pltpu.VMEM((tail,), jnp.int32),
            pltpu.VMEM((tail, f), jnp.float32),
            pltpu.VMEM((tail, f), jnp.float32),
        ]

    @functools.partial(
        pl.kernel,
        mesh=mesh,
        out_type=jax.ShapeDtypeStruct((half, 2 * f), jnp.float32),
        scratch_types=scratch,
        compiler_params=pltpu.CompilerParams(use_tc_tiling_on_sc=False),
    )
    def gather_sum(tsrc, tdst, srci, dsti, out, *bufs):
        wid = lax.axis_index("s") * nc + lax.axis_index("c")
        base = wid * cpw
        h = base // half
        col = h * f
        sets = (bufs[0:5], bufs[5:10])

        def fire(ci, s):
            i_s, i_d, r_a, r_b, sem = s
            cbase = base + ci * _CH
            pltpu.sync_copy(srci.at[pl.ds(cbase, _CH)], i_s)
            pltpu.sync_copy(dsti.at[pl.ds(cbase, _CH)], i_d)
            pltpu.make_async_copy(tsrc.at[i_s], r_a, sem).start()
            pltpu.make_async_copy(tdst.at[i_d], r_b, sem).start()

        def process(ci, ch, s):
            i_s, i_d, r_a, r_b, sem = s
            pltpu.make_async_copy(tsrc.at[i_s], r_a, sem).wait()
            pltpu.make_async_copy(tdst.at[i_d], r_b, sem).wait()

            def add_row(r, carry):
                for c in range(f // 16):
                    sl = (r, pl.ds(16 * c, 16))
                    plsc.addupdate(r_a.at[sl], r_b[sl])
                return carry

            lax.fori_loop(0, ch, add_row, 0)
            pltpu.sync_copy(r_a, out.at[pl.ds(base + ci * _CH - h * half, ch),
                                        pl.ds(col, f)])

        npairs = (nfull - 1) // 2
        fire(0, sets[0])

        def body(k, carry):
            fire(2 * k + 1, sets[1])
            process(2 * k, _CH, sets[0])
            fire(2 * k + 2, sets[0])
            process(2 * k + 1, _CH, sets[1])
            return carry

        lax.fori_loop(0, npairs, body, 0)
        process(nfull - 1, _CH, sets[0])
        if tail:
            i_st, i_dt, r_at, r_bt = bufs[10:14]
            cbase = base + nfull * _CH
            sem = sets[1][4]
            pltpu.sync_copy(srci.at[pl.ds(cbase, tail)], i_st)
            pltpu.sync_copy(dsti.at[pl.ds(cbase, tail)], i_dt)
            pltpu.make_async_copy(tsrc.at[i_st], r_at, sem).start()
            pltpu.make_async_copy(tdst.at[i_dt], r_bt, sem).start()
            pltpu.make_async_copy(tsrc.at[i_st], r_at, sem).wait()
            pltpu.make_async_copy(tdst.at[i_dt], r_bt, sem).wait()

            def add_row_t(r, carry):
                for c in range(f // 16):
                    sl = (r, pl.ds(16 * c, 16))
                    plsc.addupdate(r_at.at[sl], r_bt[sl])
                return carry

            lax.fori_loop(0, tail, add_row_t, 0)
            pltpu.sync_copy(r_at, out.at[pl.ds(cbase - h * half, tail),
                                         pl.ds(col, f)])

    return gather_sum




def _edge_body(g_ref, eft_ref, dt_ref, eye_ref, w1c_ref, w1d_ref, b1_ref,
               w2_ref, b2_ref, gam_ref, bet_ref, *rest):
    o_ref = rest[-1]
    dn0 = (((0,), (0,)), ((), ()))
    eft = eft_ref[...]
    gt = lax.dot_general(eye_ref[0], g_ref[...], (((1,), (1,)), ((), ())),
                         preferred_element_type=jnp.float32)
    pre = (gt
           + lax.dot_general(w1c_ref[...], eft, dn0,
                             preferred_element_type=jnp.float32)
           + lax.dot_general(w1d_ref[...], dt_ref[...], dn0,
                             preferred_element_type=jnp.float32)
           + b1_ref[...])
    h = pre * jax.nn.sigmoid(pre)
    pre2 = lax.dot_general(w2_ref[...], h, dn0,
                           preferred_element_type=jnp.float32) + b2_ref[...]
    h2 = pre2 * jax.nn.sigmoid(pre2)
    y = eft + h2
    mu = jnp.mean(y, axis=0, keepdims=True)
    var = jnp.mean((y - mu) * (y - mu), axis=0, keepdims=True)
    o_ref[...] = (y - mu) * lax.rsqrt(var + 1e-5) * gam_ref[...] + bet_ref[...]


def _edge_mlp_range(gsum2_k, ef_t, d_t, w1c, w1d, b1c, w2, b2c, gamc, betc,
                    blk0, out_prev, block=3200):
    f, e = ef_t.shape
    r = d_t.shape[0]
    hb = (gsum2_k.shape[0]) // block
    eyes = jnp.stack([
        jnp.concatenate([jnp.eye(f, dtype=jnp.float32),
                         jnp.zeros((f, f), jnp.float32)], axis=1),
        jnp.concatenate([jnp.zeros((f, f), jnp.float32),
                         jnp.eye(f, dtype=jnp.float32)], axis=1),
    ])
    full = lambda a, b: pl.BlockSpec((a, b), lambda i, h: (0, 0))
    col = lambda i, h: (0, blk0 + i + h * hb)
    in_specs = [
        pl.BlockSpec((block, 2 * f), lambda i, h: (i, 0)),
        pl.BlockSpec((f, block), col),
        pl.BlockSpec((r, block), col),
        pl.BlockSpec((1, f, 2 * f), lambda i, h: (h, 0, 0)),
        full(f, f),
        full(r, f),
        full(f, 1),
        full(f, f),
        full(f, 1),
        full(f, 1),
        full(f, 1),
    ]
    args = [gsum2_k, ef_t, d_t, eyes, w1c, w1d, b1c, w2, b2c, gamc, betc]
    aliases = {}
    if out_prev is not None:
        in_specs.append(pl.BlockSpec(memory_space=pl.ANY))
        args.append(out_prev)
        aliases = {11: 0}
    return pl.pallas_call(
        _edge_body,
        grid=(hb, 2),
        in_specs=in_specs,
        out_specs=pl.BlockSpec((f, block), col),
        out_shape=jax.ShapeDtypeStruct((f, e), jnp.float32),
        input_output_aliases=aliases,
    )(*args)




def kernel(node_scalars, edge_feats, d, W1, b1, W2, b2, ln_gamma, ln_beta, edge_index):
    n, s = node_scalars.shape
    e, f = edge_feats.shape

    w1a = W1[:s]
    w1b = W1[s:2 * s]
    w1c = W1[2 * s:2 * s + f]
    w1d = W1[2 * s + f:]

    tsrc, tdst = _project_nodes(node_scalars, w1a, w1b)

    src = edge_index[0].astype(jnp.int32)
    dst = edge_index[1].astype(jnp.int32)
    nh = n // 2
    src = jnp.where(src < nh, src * 2, (src - nh) * 2 + 1)
    dst = jnp.where(dst < nh, dst * 2, (dst - nh) * 2 + 1)

    K = 5
    block = 3200
    ec = e // K
    gather = _make_gather_sum(ec, f)
    ef_t = edge_feats.T
    d_t = d.T
    b1c = b1.reshape(f, 1)
    b2c = b2.reshape(f, 1)
    gamc = ln_gamma.reshape(f, 1)
    betc = ln_beta.reshape(f, 1)

    gsums = [
        gather(tsrc, tdst, src[k * ec:(k + 1) * ec], dst[k * ec:(k + 1) * ec])
        for k in range(K)
    ]
    out_t = None
    for k in range(K):
        out_t = _edge_mlp_range(
            gsums[k], ef_t, d_t, w1c, w1d, b1c, W2, b2c, gamc, betc,
            blk0=k * (ec // block), out_prev=out_t, block=block,
        )
    return out_t.T

# --- scband reference (transcript-rebuilt; emitter-appended) ---
"""Pipeline reference for scband-endpoint-vector-field-11038065950782 (READ-ONLY COPY).

The authoritative reference and input builder live on the scoring server;
editing this copy changes nothing except your own understanding.
"""

import jax, jax.numpy as jnp
import numpy as np

N = 50000
E = 800000
S = 64   # n_hidden_scalars
F = 64   # n_hidden_edge_feats
R = 16   # rbf_dim


def setup_inputs(seed: int = 0) -> dict:
    key = jax.random.key(seed)
    ks = jax.random.split(key, 10)
    node_scalars = jax.random.normal(ks[0], (N, S), dtype=jnp.float32)
    edge_index = jax.random.randint(ks[1], (2, E), 0, N)
    edge_feats = jax.random.normal(ks[2], (E, F), dtype=jnp.float32)
    d = jax.random.uniform(ks[3], (E, R), dtype=jnp.float32)
    in_dim = 2 * S + F + R
    W1 = jax.random.normal(ks[4], (in_dim, F), dtype=jnp.float32) / np.sqrt(in_dim)
    b1 = jnp.zeros((F,), dtype=jnp.float32)
    W2 = jax.random.normal(ks[5], (F, F), dtype=jnp.float32) / np.sqrt(F)
    b2 = jnp.zeros((F,), dtype=jnp.float32)
    ln_gamma = jnp.ones((F,), dtype=jnp.float32)
    ln_beta = jnp.zeros((F,), dtype=jnp.float32)
    return {
        "node_scalars": node_scalars,
        "edge_feats": edge_feats,
        "d": d,
        "W1": W1, "b1": b1, "W2": W2, "b2": b2,
        "ln_gamma": ln_gamma, "ln_beta": ln_beta,
        "edge_index": edge_index,
    }


def _layer_norm(x, gamma, beta, eps=1e-5):
    mu = jnp.mean(x, axis=-1, keepdims=True)
    var = jnp.var(x, axis=-1, keepdims=True)
    return (x - mu) / jnp.sqrt(var + eps) * gamma + beta


def reference(node_scalars, edge_feats, d, W1, b1, W2, b2, ln_gamma, ln_beta, edge_index):
    # EdgeUpdate.forward (update_edge_w_distance=True, single etype 'lig_lig'):
    # gather src/dst node scalars per edge, concat with edge feats and rbf dists,
    # 2-layer SiLU MLP, residual add, LayerNorm.
    src_idxs = edge_index[0]
    dst_idxs = edge_index[1]
    src_scalars = jnp.take(node_scalars, src_idxs, axis=0)
    dst_scalars = jnp.take(node_scalars, dst_idxs, axis=0)
    mlp_in = jnp.concatenate([src_scalars, dst_scalars, edge_feats, d], axis=-1)
    h = jax.nn.silu(mlp_in @ W1 + b1)
    h = jax.nn.silu(h @ W2 + b2)
    out = _layer_norm(edge_feats + h, ln_gamma, ln_beta)
    return out

if __name__ == "__main__":
    import jax
    _d = setup_inputs()
    print(jax.jit(kernel)(*tuple(_d.values())))

</pallas_src>

<mosaic_0001>
#map = affine_map<(d0, d1) -> (0, 0)>
#map1 = affine_map<(d0, d1) -> (0)>
module attributes {stable_mosaic.version = 14 : i64} {
  func.func @gather_sum(%arg0: i32, %arg1: i32, %arg2: memref<50000x64xf32, #tpu.memory_space<hbm>>, %arg3: memref<50000x64xf32, #tpu.memory_space<hbm>>, %arg4: memref<160000xi32, #tpu.memory_space<hbm>>, %arg5: memref<160000xi32, #tpu.memory_space<hbm>>, %arg6: memref<80000x128xf32, #tpu.memory_space<hbm>>, %arg7: memref<128xi32, #tpu.memory_space<vmem>>, %arg8: memref<128xi32, #tpu.memory_space<vmem>>, %arg9: memref<128x64xf32, #tpu.memory_space<vmem>>, %arg10: memref<128x64xf32, #tpu.memory_space<vmem>>, %arg11: memref<!tpu.dma_semaphore, #tpu.memory_space<semaphore_mem>>, %arg12: memref<128xi32, #tpu.memory_space<vmem>>, %arg13: memref<128xi32, #tpu.memory_space<vmem>>, %arg14: memref<128x64xf32, #tpu.memory_space<vmem>>, %arg15: memref<128x64xf32, #tpu.memory_space<vmem>>, %arg16: memref<!tpu.dma_semaphore, #tpu.memory_space<semaphore_mem>>, %arg17: memref<8xi32, #tpu.memory_space<vmem>>, %arg18: memref<8xi32, #tpu.memory_space<vmem>>, %arg19: memref<8x64xf32, #tpu.memory_space<vmem>>, %arg20: memref<8x64xf32, #tpu.memory_space<vmem>>) attributes {dimension_semantics = [#tpu.dimension_semantics<core_parallel>, #tpu.dimension_semantics<subcore_parallel>], iteration_bounds = array<i64: 2, 16>, scalar_prefetch = 0 : i64, scratch_operands = 14 : i64, tpu.core_type = #tpu.core_type<sc_vector_subcore>, window_params = [{transform_indices = #map}, {transform_indices = #map}, {transform_indices = #map1}, {transform_indices = #map1}, {transform_indices = #map}]} {
    %mul3A = arith.constant 2 : i32
    %mul3A_0 = arith.muli %arg1, %mul3A : i32
    %add3A = arith.addi %mul3A_0, %arg0 : i32
    %mul3A_1 = arith.constant 5000 : i32
    %mul3A_2 = arith.muli %add3A, %mul3A_1 : i32
    %jit3A = arith.constant 80000 : i32
    %div3A = arith.divsi %mul3A_2, %jit3A : i32
    %sign3A = arith.constant 0 : i32
    %sign3A_3 = arith.cmpi sgt, %mul3A_2, %sign3A : i32
    %sign3A_4 = arith.extui %sign3A_3 : i1 to i32
    %sign3A_5 = arith.constant 0 : i32
    %sign3A_6 = arith.cmpi slt, %mul3A_2, %sign3A_5 : i32
    %sign3A_7 = arith.extui %sign3A_6 : i1 to i32
    %sign3A_8 = arith.subi %sign3A_4, %sign3A_7 : i32
    %sign3A_9 = arith.constant 0 : i32
    %sign3A_10 = arith.cmpi sgt, %jit3A, %sign3A_9 : i32
    %sign3A_11 = arith.extui %sign3A_10 : i1 to i32
    %sign3A_12 = arith.constant 0 : i32
    %sign3A_13 = arith.cmpi slt, %jit3A, %sign3A_12 : i32
    %sign3A_14 = arith.extui %sign3A_13 : i1 to i32
    %sign3A_15 = arith.subi %sign3A_11, %sign3A_14 : i32
    %ne3A = arith.cmpi ne, %sign3A_8, %sign3A_15 : i32
    %rem3A = arith.remsi %mul3A_2, %jit3A : i32
    %ne3A_16 = arith.constant 0 : i32
    %ne3A_17 = arith.cmpi ne, %rem3A, %ne3A_16 : i32
    %and3A = arith.andi %ne3A, %ne3A_17 : i1
    %sub3A = arith.constant 1 : i32
    %sub3A_18 = arith.subi %div3A, %sub3A : i32
    %select_n3A = arith.select %and3A, %sub3A_18, %div3A : i32
    %mul3A_19 = arith.constant 64 : i32
    %mul3A_20 = arith.muli %select_n3A, %mul3A_19 : i32
    %add3A_21 = arith.constant 0 : i32
    %add3A_22 = arith.addi %mul3A_2, %add3A_21 : i32
    "tpu.region"() ({
      %run_scoped3A = tpu.sem_alloc : memref<!tpu.dma_semaphore, #tpu.memory_space<semaphore_mem>>
      %dma_start3A_72 = tpu.memref_slice %arg4[%add3A_22] : memref<160000xi32, #tpu.memory_space<hbm>> -> memref<128xi32, #tpu.memory_space<hbm>>
      %dma_start3A_73 = tpu.memref_slice %arg4[%add3A_22] : memref<160000xi32, #tpu.memory_space<hbm>> -> memref<128xi32, #tpu.memory_space<hbm>>
      tpu.enqueue_dma source(%dma_start3A_73 : memref<128xi32, #tpu.memory_space<hbm>>) target(%arg7 : memref<128xi32, #tpu.memory_space<vmem>>) target_semaphore(%run_scoped3A : memref<!tpu.dma_semaphore, #tpu.memory_space<semaphore_mem>>)
      %dma_wait3A_74 = tpu.memref_slice %arg4[%add3A_22] : memref<160000xi32, #tpu.memory_space<hbm>> -> memref<128xi32, #tpu.memory_space<hbm>>
      %dma_wait3A_75 = tpu.memref_slice %arg4[%add3A_22] : memref<160000xi32, #tpu.memory_space<hbm>> -> memref<128xi32, #tpu.memory_space<hbm>>
      tpu.wait_dma2 semaphore(%run_scoped3A : memref<!tpu.dma_semaphore, #tpu.memory_space<semaphore_mem>>) src(%dma_wait3A_75 : memref<128xi32, #tpu.memory_space<hbm>>) dst(%arg7 : memref<128xi32, #tpu.memory_space<vmem>>)
      tpu.yield
    }) : () -> ()
    "tpu.region"() ({
      %run_scoped3A = tpu.sem_alloc : memref<!tpu.dma_semaphore, #tpu.memory_space<semaphore_mem>>
      %dma_start3A_72 = tpu.memref_slice %arg5[%add3A_22] : memref<160000xi32, #tpu.memory_space<hbm>> -> memref<128xi32, #tpu.memory_space<hbm>>
      %dma_start3A_73 = tpu.memref_slice %arg5[%add3A_22] : memref<160000xi32, #tpu.memory_space<hbm>> -> memref<128xi32, #tpu.memory_space<hbm>>
      tpu.enqueue_dma source(%dma_start3A_73 : memref<128xi32, #tpu.memory_space<hbm>>) target(%arg8 : memref<128xi32, #tpu.memory_space<vmem>>) target_semaphore(%run_scoped3A : memref<!tpu.dma_semaphore, #tpu.memory_space<semaphore_mem>>)
      %dma_wait3A_74 = tpu.memref_slice %arg5[%add3A_22] : memref<160000xi32, #tpu.memory_space<hbm>> -> memref<128xi32, #tpu.memory_space<hbm>>
      %dma_wait3A_75 = tpu.memref_slice %arg5[%add3A_22] : memref<160000xi32, #tpu.memory_space<hbm>> -> memref<128xi32, #tpu.memory_space<hbm>>
      tpu.wait_dma2 semaphore(%run_scoped3A : memref<!tpu.dma_semaphore, #tpu.memory_space<semaphore_mem>>) src(%dma_wait3A_75 : memref<128xi32, #tpu.memory_space<hbm>>) dst(%arg8 : memref<128xi32, #tpu.memory_space<vmem>>)
      tpu.yield
    }) : () -> ()
    %dma_start3A = arith.constant 0 : i32
    %dma_start3A_23 = arith.constant 0 : i32
    %dma_start3A_24 = tpu.memref_slice %arg2[%dma_start3A, %dma_start3A_23] : memref<50000x64xf32, #tpu.memory_space<hbm>> -> memref<50000x64xf32, #tpu.memory_space<hbm>>
    tpu.enqueue_indirect_dma source(%dma_start3A_24 : memref<50000x64xf32, #tpu.memory_space<hbm>>) target(%arg9 : memref<128x64xf32, #tpu.memory_space<vmem>>) offsets(%arg7 : memref<128xi32, #tpu.memory_space<vmem>>) semaphore(%arg11 : memref<!tpu.dma_semaphore, #tpu.memory_space<semaphore_mem>>)
    %dma_start3A_25 = arith.constant 0 : i32
    %dma_start3A_26 = arith.constant 0 : i32
    %dma_start3A_27 = tpu.memref_slice %arg3[%dma_start3A_25, %dma_start3A_26] : memref<50000x64xf32, #tpu.memory_space<hbm>> -> memref<50000x64xf32, #tpu.memory_space<hbm>>
    tpu.enqueue_indirect_dma source(%dma_start3A_27 : memref<50000x64xf32, #tpu.memory_space<hbm>>) target(%arg10 : memref<128x64xf32, #tpu.memory_space<vmem>>) offsets(%arg8 : memref<128xi32, #tpu.memory_space<vmem>>) semaphore(%arg11 : memref<!tpu.dma_semaphore, #tpu.memory_space<semaphore_mem>>)
    %scan3A = arith.constant 0 : i32
    %scan3A_28 = arith.constant 0 : i32
    %scan3A_29 = arith.constant 19 : i32
    %scan3A_30 = arith.addi %scan3A_28, %scan3A_29 : i32
    %scan3A_31 = arith.constant 1 : i32
    scf.for %scan3A_72 = %scan3A_28 to %scan3A_30 step %scan3A_31  : i32 {
      %mul3A_73 = arith.constant 2 : i32
      %mul3A_74 = arith.muli %mul3A_73, %scan3A_72 : i32
      %add3A_75 = arith.constant 1 : i32
      %add3A_76 = arith.addi %mul3A_74, %add3A_75 : i32
      %mul3A_77 = arith.constant 128 : i32
      %mul3A_78 = arith.muli %add3A_76, %mul3A_77 : i32
      %add3A_79 = arith.addi %mul3A_2, %mul3A_78 : i32
      "tpu.region"() ({
        %run_scoped3A = tpu.sem_alloc : memref<!tpu.dma_semaphore, #tpu.memory_space<semaphore_mem>>
        %dma_start3A_141 = tpu.memref_slice %arg4[%add3A_79] : memref<160000xi32, #tpu.memory_space<hbm>> -> memref<128xi32, #tpu.memory_space<hbm>>
        %dma_start3A_142 = tpu.memref_slice %arg4[%add3A_79] : memref<160000xi32, #tpu.memory_space<hbm>> -> memref<128xi32, #tpu.memory_space<hbm>>
        tpu.enqueue_dma source(%dma_start3A_142 : memref<128xi32, #tpu.memory_space<hbm>>) target(%arg12 : memref<128xi32, #tpu.memory_space<vmem>>) target_semaphore(%run_scoped3A : memref<!tpu.dma_semaphore, #tpu.memory_space<semaphore_mem>>)
        %dma_wait3A_143 = tpu.memref_slice %arg4[%add3A_79] : memref<160000xi32, #tpu.memory_space<hbm>> -> memref<128xi32, #tpu.memory_space<hbm>>
        %dma_wait3A_144 = tpu.memref_slice %arg4[%add3A_79] : memref<160000xi32, #tpu.memory_space<hbm>> -> memref<128xi32, #tpu.memory_space<hbm>>
        tpu.wait_dma2 semaphore(%run_scoped3A : memref<!tpu.dma_semaphore, #tpu.memory_space<semaphore_mem>>) src(%dma_wait3A_144 : memref<128xi32, #tpu.memory_space<hbm>>) dst(%arg12 : memref<128xi32, #tpu.memory_space<vmem>>)
        tpu.yield
      }) : () -> ()
      "tpu.region"() ({
        %run_scoped3A = tpu.sem_alloc : memref<!tpu.dma_semaphore, #tpu.memory_space<semaphore_mem>>
        %dma_start3A_141 = tpu.memref_slice %arg5[%add3A_79] : memref<160000xi32, #tpu.memory_space<hbm>> -> memref<128xi32, #tpu.memory_space<hbm>>
        %dma_start3A_142 = tpu.memref_slice %arg5[%add3A_79] : memref<160000xi32, #tpu.memory_space<hbm>> -> memref<128xi32, #tpu.memory_space<hbm>>
        tpu.enqueue_dma source(%dma_start3A_142 : memref<128xi32, #tpu.memory_space<hbm>>) target(%arg13 : memref<128xi32, #tpu.memory_space<vmem>>) target_semaphore(%run_scoped3A : memref<!tpu.dma_semaphore, #tpu.memory_space<semaphore_mem>>)
        %dma_wait3A_143 = tpu.memref_slice %arg5[%add3A_79] : memref<160000xi32, #tpu.memory_space<hbm>> -> memref<128xi32, #tpu.memory_space<hbm>>
        %dma_wait3A_144 = tpu.memref_slice %arg5[%add3A_79] : memref<160000xi32, #tpu.memory_space<hbm>> -> memref<128xi32, #tpu.memory_space<hbm>>
        tpu.wait_dma2 semaphore(%run_scoped3A : memref<!tpu.dma_semaphore, #tpu.memory_space<semaphore_mem>>) src(%dma_wait3A_144 : memref<128xi32, #tpu.memory_space<hbm>>) dst(%arg13 : memref<128xi32, #tpu.memory_space<vmem>>)
        tpu.yield
      }) : () -> ()
      %dma_start3A_80 = arith.constant 0 : i32
      %dma_start3A_81 = arith.constant 0 : i32
      %dma_start3A_82 = tpu.memref_slice %arg2[%dma_start3A_80, %dma_start3A_81] : memref<50000x64xf32, #tpu.memory_space<hbm>> -> memref<50000x64xf32, #tpu.memory_space<hbm>>
      tpu.enqueue_indirect_dma source(%dma_start3A_82 : memref<50000x64xf32, #tpu.memory_space<hbm>>) target(%arg14 : memref<128x64xf32, #tpu.memory_space<vmem>>) offsets(%arg12 : memref<128xi32, #tpu.memory_space<vmem>>) semaphore(%arg16 : memref<!tpu.dma_semaphore, #tpu.memory_space<semaphore_mem>>)
      %dma_start3A_83 = arith.constant 0 : i32
      %dma_start3A_84 = arith.constant 0 : i32
      %dma_start3A_85 = tpu.memref_slice %arg3[%dma_start3A_83, %dma_start3A_84] : memref<50000x64xf32, #tpu.memory_space<hbm>> -> memref<50000x64xf32, #tpu.memory_space<hbm>>
      tpu.enqueue_indirect_dma source(%dma_start3A_85 : memref<50000x64xf32, #tpu.memory_space<hbm>>) target(%arg15 : memref<128x64xf32, #tpu.memory_space<vmem>>) offsets(%arg13 : memref<128xi32, #tpu.memory_space<vmem>>) semaphore(%arg16 : memref<!tpu.dma_semaphore, #tpu.memory_space<semaphore_mem>>)
      %mul3A_86 = arith.constant 2 : i32
      %mul3A_87 = arith.muli %mul3A_86, %scan3A_72 : i32
      %dma_wait3A_88 = arith.constant 0 : i32
      %dma_wait3A_89 = arith.constant 0 : i32
      %dma_wait3A_90 = tpu.memref_slice %arg2[%dma_wait3A_88, %dma_wait3A_89] : memref<50000x64xf32, #tpu.memory_space<hbm>> -> memref<50000x64xf32, #tpu.memory_space<hbm>>
      tpu.wait_indirect_dma semaphore(%arg11 : memref<!tpu.dma_semaphore, #tpu.memory_space<semaphore_mem>>) src(%dma_wait3A_90 : memref<50000x64xf32, #tpu.memory_space<hbm>>) dst(%arg9 : memref<128x64xf32, #tpu.memory_space<vmem>>)
      %dma_wait3A_91 = arith.constant 0 : i32
      %dma_wait3A_92 = arith.constant 0 : i32
      %dma_wait3A_93 = tpu.memref_slice %arg3[%dma_wait3A_91, %dma_wait3A_92] : memref<50000x64xf32, #tpu.memory_space<hbm>> -> memref<50000x64xf32, #tpu.memory_space<hbm>>
      tpu.wait_indirect_dma semaphore(%arg11 : memref<!tpu.dma_semaphore, #tpu.memory_space<semaphore_mem>>) src(%dma_wait3A_93 : memref<50000x64xf32, #tpu.memory_space<hbm>>) dst(%arg10 : memref<128x64xf32, #tpu.memory_space<vmem>>)
      %scan3A_94 = arith.constant 0 : i32
      %scan3A_95 = arith.constant 0 : i32
      %scan3A_96 = arith.constant 128 : i32
      %scan3A_97 = arith.addi %scan3A_95, %scan3A_96 : i32
      %scan3A_98 = arith.constant 1 : i32
      scf.for %scan3A_141 = %scan3A_95 to %scan3A_97 step %scan3A_98  : i32 {
        %get3A = arith.index_cast %scan3A_141 : i32 to index
        %get3A_142 = arith.constant 0 : index
        %get3A_143 = tpu.vector_load %arg10[%get3A, %get3A_142] {strides = array<i32>} : memref<128x64xf32, #tpu.memory_space<vmem>>, vector<1x16xf32>,
        %get3A_144 = vector.shape_cast %get3A_143 : vector<1x16xf32> to vector<16xf32>
        %swap3A = arith.index_cast %scan3A_141 : i32 to index
        %swap3A_145 = arith.constant 0 : index
        %swap3A_146 = tpu.vector_load %arg9[%swap3A, %swap3A_145] {strides = array<i32>} : memref<128x64xf32, #tpu.memory_space<vmem>>, vector<1x16xf32>,
        %swap3A_147 = vector.shape_cast %swap3A_146 : vector<1x16xf32> to vector<16xf32>
        %swap3A_148 = vector.shape_cast %get3A_144 : vector<16xf32> to vector<1x16xf32>
        tpu.vector_store %arg9[%swap3A, %swap3A_145], %swap3A_148 {add = true, strides = array<i32>} : memref<128x64xf32, #tpu.memory_space<vmem>>, vector<1x16xf32>,
        %get3A_149 = arith.index_cast %scan3A_141 : i32 to index
        %get3A_150 = arith.constant 16 : index
        %get3A_151 = tpu.vector_load %arg10[%get3A_149, %get3A_150] {strides = array<i32>} : memref<128x64xf32, #tpu.memory_space<vmem>>, vector<1x16xf32>,
        %get3A_152 = vector.shape_cast %get3A_151 : vector<1x16xf32> to vector<16xf32>
        %swap3A_153 = arith.index_cast %scan3A_141 : i32 to index
        %swap3A_154 = arith.constant 16 : index
        %swap3A_155 = tpu.vector_load %arg9[%swap3A_153, %swap3A_154] {strides = array<i32>} : memref<128x64xf32, #tpu.memory_space<vmem>>, vector<1x16xf32>,
        %swap3A_156 = vector.shape_cast %swap3A_155 : vector<1x16xf32> to vector<16xf32>
        %swap3A_157 = vector.shape_cast %get3A_152 : vector<16xf32> to vector<1x16xf32>
        tpu.vector_store %arg9[%swap3A_153, %swap3A_154], %swap3A_157 {add = true, strides = array<i32>} : memref<128x64xf32, #tpu.memory_space<vmem>>, vector<1x16xf32>,
        %get3A_158 = arith.index_cast %scan3A_141 : i32 to index
        %get3A_159 = arith.constant 32 : index
        %get3A_160 = tpu.vector_load %arg10[%get3A_158, %get3A_159] {strides = array<i32>} : memref<128x64xf32, #tpu.memory_space<vmem>>, vector<1x16xf32>,
        %get3A_161 = vector.shape_cast %get3A_160 : vector<1x16xf32> to vector<16xf32>
        %swap3A_162 = arith.index_cast %scan3A_141 : i32 to index
        %swap3A_163 = arith.constant 32 : index
        %swap3A_164 = tpu.vector_load %arg9[%swap3A_162, %swap3A_163] {strides = array<i32>} : memref<128x64xf32, #tpu.memory_space<vmem>>, vector<1x16xf32>,
        %swap3A_165 = vector.shape_cast %swap3A_164 : vector<1x16xf32> to vector<16xf32>
        %swap3A_166 = vector.shape_cast %get3A_161 : vector<16xf32> to vector<1x16xf32>
        tpu.vector_store %arg9[%swap3A_162, %swap3A_163], %swap3A_166 {add = true, strides = array<i32>} : memref<128x64xf32, #tpu.memory_space<vmem>>, vector<1x16xf32>,
        %get3A_167 = arith.index_cast %scan3A_141 : i32 to index
        %get3A_168 = arith.constant 48 : index
        %get3A_169 = tpu.vector_load %arg10[%get3A_167, %get3A_168] {strides = array<i32>} : memref<128x64xf32, #tpu.memory_space<vmem>>, vector<1x16xf32>,
        %get3A_170 = vector.shape_cast %get3A_169 : vector<1x16xf32> to vector<16xf32>
        %swap3A_171 = arith.index_cast %scan3A_141 : i32 to index
        %swap3A_172 = arith.constant 48 : index
        %swap3A_173 = tpu.vector_load %arg9[%swap3A_171, %swap3A_172] {strides = array<i32>} : memref<128x64xf32, #tpu.memory_space<vmem>>, vector<1x16xf32>,
        %swap3A_174 = vector.shape_cast %swap3A_173 : vector<1x16xf32> to vector<16xf32>
        %swap3A_175 = vector.shape_cast %get3A_170 : vector<16xf32> to vector<1x16xf32>
        tpu.vector_store %arg9[%swap3A_171, %swap3A_172], %swap3A_175 {add = true, strides = array<i32>} : memref<128x64xf32, #tpu.memory_space<vmem>>, vector<1x16xf32>,
      }
      %scan3A_99 = arith.constant 128 : i32
      %mul3A_100 = arith.constant 128 : i32
      %mul3A_101 = arith.muli %mul3A_87, %mul3A_100 : i32
      %add3A_102 = arith.addi %mul3A_2, %mul3A_101 : i32
      %mul3A_103 = arith.constant 80000 : i32
      %mul3A_104 = arith.muli %select_n3A, %mul3A_103 : i32
      %sub3A_105 = arith.subi %add3A_102, %mul3A_104 : i32
      "tpu.region"() ({
        %run_scoped3A = tpu.sem_alloc : memref<!tpu.dma_semaphore, #tpu.memory_space<semaphore_mem>>
        %dma_start3A_141 = tpu.memref_slice %arg6[%sub3A_105, %mul3A_20] : memref<80000x128xf32, #tpu.memory_space<hbm>> -> memref<128x64xf32, #tpu.memory_space<hbm>>
        %dma_start3A_142 = tpu.memref_slice %arg6[%sub3A_105, %mul3A_20] : memref<80000x128xf32, #tpu.memory_space<hbm>> -> memref<128x64xf32, #tpu.memory_space<hbm>>
        tpu.enqueue_dma source(%arg9 : memref<128x64xf32, #tpu.memory_space<vmem>>) target(%dma_start3A_142 : memref<128x64xf32, #tpu.memory_space<hbm>>) target_semaphore(%run_scoped3A : memref<!tpu.dma_semaphore, #tpu.memory_space<semaphore_mem>>)
        %dma_wait3A_143 = tpu.memref_slice %arg6[%sub3A_105, %mul3A_20] : memref<80000x128xf32, #tpu.memory_space<hbm>> -> memref<128x64xf32, #tpu.memory_space<hbm>>
        %dma_wait3A_144 = tpu.memref_slice %arg6[%sub3A_105, %mul3A_20] : memref<80000x128xf32, #tpu.memory_space<hbm>> -> memref<128x64xf32, #tpu.memory_space<hbm>>
        tpu.wait_dma2 semaphore(%run_scoped3A : memref<!tpu.dma_semaphore, #tpu.memory_space<semaphore_mem>>) src(%arg9 : memref<128x64xf32, #tpu.memory_space<vmem>>) dst(%dma_wait3A_144 : memref<128x64xf32, #tpu.memory_space<hbm>>)
        tpu.yield
      }) : () -> ()
      %mul3A_106 = arith.constant 2 : i32
      %mul3A_107 = arith.muli %mul3A_106, %scan3A_72 : i32
      %add3A_108 = arith.constant 2 : i32
      %add3A_109 = arith.addi %mul3A_107, %add3A_108 : i32
      %mul3A_110 = arith.constant 128 : i32
      %mul3A_111 = arith.muli %add3A_109, %mul3A_110 : i32
      %add3A_112 = arith.addi %mul3A_2, %mul3A_111 : i32
      "tpu.region"() ({
        %run_scoped3A = tpu.sem_alloc : memref<!tpu.dma_semaphore, #tpu.memory_space<semaphore_mem>>
        %dma_start3A_141 = tpu.memref_slice %arg4[%add3A_112] : memref<160000xi32, #tpu.memory_space<hbm>> -> memref<128xi32, #tpu.memory_space<hbm>>
        %dma_start3A_142 = tpu.memref_slice %arg4[%add3A_112] : memref<160000xi32, #tpu.memory_space<hbm>> -> memref<128xi32, #tpu.memory_space<hbm>>
        tpu.enqueue_dma source(%dma_start3A_142 : memref<128xi32, #tpu.memory_space<hbm>>) target(%arg7 : memref<128xi32, #tpu.memory_space<vmem>>) target_semaphore(%run_scoped3A : memref<!tpu.dma_semaphore, #tpu.memory_space<semaphore_mem>>)
        %dma_wait3A_143 = tpu.memref_slice %arg4[%add3A_112] : memref<160000xi32, #tpu.memory_space<hbm>> -> memref<128xi32, #tpu.memory_space<hbm>>
        %dma_wait3A_144 = tpu.memref_slice %arg4[%add3A_112] : memref<160000xi32, #tpu.memory_space<hbm>> -> memref<128xi32, #tpu.memory_space<hbm>>
        tpu.wait_dma2 semaphore(%run_scoped3A : memref<!tpu.dma_semaphore, #tpu.memory_space<semaphore_mem>>) src(%dma_wait3A_144 : memref<128xi32, #tpu.memory_space<hbm>>) dst(%arg7 : memref<128xi32, #tpu.memory_space<vmem>>)
        tpu.yield
      }) : () -> ()
      "tpu.region"() ({
        %run_scoped3A = tpu.sem_alloc : memref<!tpu.dma_semaphore, #tpu.memory_space<semaphore_mem>>
        %dma_start3A_141 = tpu.memref_slice %arg5[%add3A_112] : memref<160000xi32, #tpu.memory_space<hbm>> -> memref<128xi32, #tpu.memory_space<hbm>>
        %dma_start3A_142 = tpu.memref_slice %arg5[%add3A_112] : memref<160000xi32, #tpu.memory_space<hbm>> -> memref<128xi32, #tpu.memory_space<hbm>>
        tpu.enqueue_dma source(%dma_start3A_142 : memref<128xi32, #tpu.memory_space<hbm>>) target(%arg8 : memref<128xi32, #tpu.memory_space<vmem>>) target_semaphore(%run_scoped3A : memref<!tpu.dma_semaphore, #tpu.memory_space<semaphore_mem>>)
        %dma_wait3A_143 = tpu.memref_slice %arg5[%add3A_112] : memref<160000xi32, #tpu.memory_space<hbm>> -> memref<128xi32, #tpu.memory_space<hbm>>
        %dma_wait3A_144 = tpu.memref_slice %arg5[%add3A_112] : memref<160000xi32, #tpu.memory_space<hbm>> -> memref<128xi32, #tpu.memory_space<hbm>>
        tpu.wait_dma2 semaphore(%run_scoped3A : memref<!tpu.dma_semaphore, #tpu.memory_space<semaphore_mem>>) src(%dma_wait3A_144 : memref<128xi32, #tpu.memory_space<hbm>>) dst(%arg8 : memref<128xi32, #tpu.memory_space<vmem>>)
        tpu.yield
      }) : () -> ()
      %dma_start3A_113 = arith.constant 0 : i32
      %dma_start3A_114 = arith.constant 0 : i32
      %dma_start3A_115 = tpu.memref_slice %arg2[%dma_start3A_113, %dma_start3A_114] : memref<50000x64xf32, #tpu.memory_space<hbm>> -> memref<50000x64xf32, #tpu.memory_space<hbm>>
      tpu.enqueue_indirect_dma source(%dma_start3A_115 : memref<50000x64xf32, #tpu.memory_space<hbm>>) target(%arg9 : memref<128x64xf32, #tpu.memory_space<vmem>>) offsets(%arg7 : memref<128xi32, #tpu.memory_space<vmem>>) semaphore(%arg11 : memref<!tpu.dma_semaphore, #tpu.memory_space<semaphore_mem>>)
      %dma_start3A_116 = arith.constant 0 : i32
      %dma_start3A_117 = arith.constant 0 : i32
      %dma_start3A_118 = tpu.memref_slice %arg3[%dma_start3A_116, %dma_start3A_117] : memref<50000x64xf32, #tpu.memory_space<hbm>> -> memref<50000x64xf32, #tpu.memory_space<hbm>>
      tpu.enqueue_indirect_dma source(%dma_start3A_118 : memref<50000x64xf32, #tpu.memory_space<hbm>>) target(%arg10 : memref<128x64xf32, #tpu.memory_space<vmem>>) offsets(%arg8 : memref<128xi32, #tpu.memory_space<vmem>>) semaphore(%arg11 : memref<!tpu.dma_semaphore, #tpu.memory_space<semaphore_mem>>)
      %mul3A_119 = arith.constant 2 : i32
      %mul3A_120 = arith.muli %mul3A_119, %scan3A_72 : i32
      %add3A_121 = arith.constant 1 : i32
      %add3A_122 = arith.addi %mul3A_120, %add3A_121 : i32
      %dma_wait3A_123 = arith.constant 0 : i32
      %dma_wait3A_124 = arith.constant 0 : i32
      %dma_wait3A_125 = tpu.memref_slice %arg2[%dma_wait3A_123, %dma_wait3A_124] : memref<50000x64xf32, #tpu.memory_space<hbm>> -> memref<50000x64xf32, #tpu.memory_space<hbm>>
      tpu.wait_indirect_dma semaphore(%arg16 : memref<!tpu.dma_semaphore, #tpu.memory_space<semaphore_mem>>) src(%dma_wait3A_125 : memref<50000x64xf32, #tpu.memory_space<hbm>>) dst(%arg14 : memref<128x64xf32, #tpu.memory_space<vmem>>)
      %dma_wait3A_126 = arith.constant 0 : i32
      %dma_wait3A_127 = arith.constant 0 : i32
      %dma_wait3A_128 = tpu.memref_slice %arg3[%dma_wait3A_126, %dma_wait3A_127] : memref<50000x64xf32, #tpu.memory_space<hbm>> -> memref<50000x64xf32, #tpu.memory_space<hbm>>
      tpu.wait_indirect_dma semaphore(%arg16 : memref<!tpu.dma_semaphore, #tpu.memory_space<semaphore_mem>>) src(%dma_wait3A_128 : memref<50000x64xf32, #tpu.memory_space<hbm>>) dst(%arg15 : memref<128x64xf32, #tpu.memory_space<vmem>>)
      %scan3A_129 = arith.constant 0 : i32
      %scan3A_130 = arith.constant 0 : i32
      %scan3A_131 = arith.constant 128 : i32
      %scan3A_132 = arith.addi %scan3A_130, %scan3A_131 : i32
      %scan3A_133 = arith.constant 1 : i32
      scf.for %scan3A_141 = %scan3A_130 to %scan3A_132 step %scan3A_133  : i32 {
        %get3A = arith.index_cast %scan3A_141 : i32 to index
        %get3A_142 = arith.constant 0 : index
        %get3A_143 = tpu.vector_load %arg15[%get3A, %get3A_142] {strides = array<i32>} : memref<128x64xf32, #tpu.memory_space<vmem>>, vector<1x16xf32>,
        %get3A_144 = vector.shape_cast %get3A_143 : vector<1x16xf32> to vector<16xf32>
        %swap3A = arith.index_cast %scan3A_141 : i32 to index
        %swap3A_145 = arith.constant 0 : index
        %swap3A_146 = tpu.vector_load %arg14[%swap3A, %swap3A_145] {strides = array<i32>} : memref<128x64xf32, #tpu.memory_space<vmem>>, vector<1x16xf32>,
        %swap3A_147 = vector.shape_cast %swap3A_146 : vector<1x16xf32> to vector<16xf32>
        %swap3A_148 = vector.shape_cast %get3A_144 : vector<16xf32> to vector<1x16xf32>
        tpu.vector_store %arg14[%swap3A, %swap3A_145], %swap3A_148 {add = true, strides = array<i32>} : memref<128x64xf32, #tpu.memory_space<vmem>>, vector<1x16xf32>,
        %get3A_149 = arith.index_cast %scan3A_141 : i32 to index
        %get3A_150 = arith.constant 16 : index
        %get3A_151 = tpu.vector_load %arg15[%get3A_149, %get3A_150] {strides = array<i32>} : memref<128x64xf32, #tpu.memory_space<vmem>>, vector<1x16xf32>,
        %get3A_152 = vector.shape_cast %get3A_151 : vector<1x16xf32> to vector<16xf32>
        %swap3A_153 = arith.index_cast %scan3A_141 : i32 to index
        %swap3A_154 = arith.constant 16 : index
        %swap3A_155 = tpu.vector_load %arg14[%swap3A_153, %swap3A_154] {strides = array<i32>} : memref<128x64xf32, #tpu.memory_space<vmem>>, vector<1x16xf32>,
        %swap3A_156 = vector.shape_cast %swap3A_155 : vector<1x16xf32> to vector<16xf32>
        %swap3A_157 = vector.shape_cast %get3A_152 : vector<16xf32> to vector<1x16xf32>
        tpu.vector_store %arg14[%swap3A_153, %swap3A_154], %swap3A_157 {add = true, strides = array<i32>} : memref<128x64xf32, #tpu.memory_space<vmem>>, vector<1x16xf32>,
        %get3A_158 = arith.index_cast %scan3A_141 : i32 to index
        %get3A_159 = arith.constant 32 : index
        %get3A_160 = tpu.vector_load %arg15[%get3A_158, %get3A_159] {strides = array<i32>} : memref<128x64xf32, #tpu.memory_space<vmem>>, vector<1x16xf32>,
        %get3A_161 = vector.shape_cast %get3A_160 : vector<1x16xf32> to vector<16xf32>
        %swap3A_162 = arith.index_cast %scan3A_141 : i32 to index
        %swap3A_163 = arith.constant 32 : index
        %swap3A_164 = tpu.vector_load %arg14[%swap3A_162, %swap3A_163] {strides = array<i32>} : memref<128x64xf32, #tpu.memory_space<vmem>>, vector<1x16xf32>,
        %swap3A_165 = vector.shape_cast %swap3A_164 : vector<1x16xf32> to vector<16xf32>
        %swap3A_166 = vector.shape_cast %get3A_161 : vector<16xf32> to vector<1x16xf32>
        tpu.vector_store %arg14[%swap3A_162, %swap3A_163], %swap3A_166 {add = true, strides = array<i32>} : memref<128x64xf32, #tpu.memory_space<vmem>>, vector<1x16xf32>,
        %get3A_167 = arith.index_cast %scan3A_141 : i32 to index
        %get3A_168 = arith.constant 48 : index
        %get3A_169 = tpu.vector_load %arg15[%get3A_167, %get3A_168] {strides = array<i32>} : memref<128x64xf32, #tpu.memory_space<vmem>>, vector<1x16xf32>,
        %get3A_170 = vector.shape_cast %get3A_169 : vector<1x16xf32> to vector<16xf32>
        %swap3A_171 = arith.index_cast %scan3A_141 : i32 to index
        %swap3A_172 = arith.constant 48 : index
        %swap3A_173 = tpu.vector_load %arg14[%swap3A_171, %swap3A_172] {strides = array<i32>} : memref<128x64xf32, #tpu.memory_space<vmem>>, vector<1x16xf32>,
        %swap3A_174 = vector.shape_cast %swap3A_173 : vector<1x16xf32> to vector<16xf32>
        %swap3A_175 = vector.shape_cast %get3A_170 : vector<16xf32> to vector<1x16xf32>
        tpu.vector_store %arg14[%swap3A_171, %swap3A_172], %swap3A_175 {add = true, strides = array<i32>} : memref<128x64xf32, #tpu.memory_space<vmem>>, vector<1x16xf32>,
      }
      %scan3A_134 = arith.constant 128 : i32
      %mul3A_135 = arith.constant 128 : i32
      %mul3A_136 = arith.muli %add3A_122, %mul3A_135 : i32
      %add3A_137 = arith.addi %mul3A_2, %mul3A_136 : i32
      %mul3A_138 = arith.constant 80000 : i32
      %mul3A_139 = arith.muli %select_n3A, %mul3A_138 : i32
      %sub3A_140 = arith.subi %add3A_137, %mul3A_139 : i32
      "tpu.region"() ({
        %run_scoped3A = tpu.sem_alloc : memref<!tpu.dma_semaphore, #tpu.memory_space<semaphore_mem>>
        %dma_start3A_141 = tpu.memref_slice %arg6[%sub3A_140, %mul3A_20] : memref<80000x128xf32, #tpu.memory_space<hbm>> -> memref<128x64xf32, #tpu.memory_space<hbm>>
        %dma_start3A_142 = tpu.memref_slice %arg6[%sub3A_140, %mul3A_20] : memref<80000x128xf32, #tpu.memory_space<hbm>> -> memref<128x64xf32, #tpu.memory_space<hbm>>
        tpu.enqueue_dma source(%arg14 : memref<128x64xf32, #tpu.memory_space<vmem>>) target(%dma_start3A_142 : memref<128x64xf32, #tpu.memory_space<hbm>>) target_semaphore(%run_scoped3A : memref<!tpu.dma_semaphore, #tpu.memory_space<semaphore_mem>>)
        %dma_wait3A_143 = tpu.memref_slice %arg6[%sub3A_140, %mul3A_20] : memref<80000x128xf32, #tpu.memory_space<hbm>> -> memref<128x64xf32, #tpu.memory_space<hbm>>
        %dma_wait3A_144 = tpu.memref_slice %arg6[%sub3A_140, %mul3A_20] : memref<80000x128xf32, #tpu.memory_space<hbm>> -> memref<128x64xf32, #tpu.memory_space<hbm>>
        tpu.wait_dma2 semaphore(%run_scoped3A : memref<!tpu.dma_semaphore, #tpu.memory_space<semaphore_mem>>) src(%arg14 : memref<128x64xf32, #tpu.memory_space<vmem>>) dst(%dma_wait3A_144 : memref<128x64xf32, #tpu.memory_space<hbm>>)
        tpu.yield
      }) : () -> ()
    }
    %scan3A_32 = arith.constant 19 : i32
    %dma_wait3A = arith.constant 0 : i32
    %dma_wait3A_33 = arith.constant 0 : i32
    %dma_wait3A_34 = tpu.memref_slice %arg2[%dma_wait3A, %dma_wait3A_33] : memref<50000x64xf32, #tpu.memory_space<hbm>> -> memref<50000x64xf32, #tpu.memory_space<hbm>>
    tpu.wait_indirect_dma semaphore(%arg11 : memref<!tpu.dma_semaphore, #tpu.memory_space<semaphore_mem>>) src(%dma_wait3A_34 : memref<50000x64xf32, #tpu.memory_space<hbm>>) dst(%arg9 : memref<128x64xf32, #tpu.memory_space<vmem>>)
    %dma_wait3A_35 = arith.constant 0 : i32
    %dma_wait3A_36 = arith.constant 0 : i32
    %dma_wait3A_37 = tpu.memref_slice %arg3[%dma_wait3A_35, %dma_wait3A_36] : memref<50000x64xf32, #tpu.memory_space<hbm>> -> memref<50000x64xf32, #tpu.memory_space<hbm>>
    tpu.wait_indirect_dma semaphore(%arg11 : memref<!tpu.dma_semaphore, #tpu.memory_space<semaphore_mem>>) src(%dma_wait3A_37 : memref<50000x64xf32, #tpu.memory_space<hbm>>) dst(%arg10 : memref<128x64xf32, #tpu.memory_space<vmem>>)
    %scan3A_38 = arith.constant 0 : i32
    %scan3A_39 = arith.constant 0 : i32
    %scan3A_40 = arith.constant 128 : i32
    %scan3A_41 = arith.addi %scan3A_39, %scan3A_40 : i32
    %scan3A_42 = arith.constant 1 : i32
    scf.for %scan3A_72 = %scan3A_39 to %scan3A_41 step %scan3A_42  : i32 {
      %get3A = arith.index_cast %scan3A_72 : i32 to index
      %get3A_73 = arith.constant 0 : index
      %get3A_74 = tpu.vector_load %arg10[%get3A, %get3A_73] {strides = array<i32>} : memref<128x64xf32, #tpu.memory_space<vmem>>, vector<1x16xf32>,
      %get3A_75 = vector.shape_cast %get3A_74 : vector<1x16xf32> to vector<16xf32>
      %swap3A = arith.index_cast %scan3A_72 : i32 to index
      %swap3A_76 = arith.constant 0 : index
      %swap3A_77 = tpu.vector_load %arg9[%swap3A, %swap3A_76] {strides = array<i32>} : memref<128x64xf32, #tpu.memory_space<vmem>>, vector<1x16xf32>,
      %swap3A_78 = vector.shape_cast %swap3A_77 : vector<1x16xf32> to vector<16xf32>
      %swap3A_79 = vector.shape_cast %get3A_75 : vector<16xf32> to vector<1x16xf32>
      tpu.vector_store %arg9[%swap3A, %swap3A_76], %swap3A_79 {add = true, strides = array<i32>} : memref<128x64xf32, #tpu.memory_space<vmem>>, vector<1x16xf32>,
      %get3A_80 = arith.index_cast %scan3A_72 : i32 to index
      %get3A_81 = arith.constant 16 : index
      %get3A_82 = tpu.vector_load %arg10[%get3A_80, %get3A_81] {strides = array<i32>} : memref<128x64xf32, #tpu.memory_space<vmem>>, vector<1x16xf32>,
      %get3A_83 = vector.shape_cast %get3A_82 : vector<1x16xf32> to vector<16xf32>
      %swap3A_84 = arith.index_cast %scan3A_72 : i32 to index
      %swap3A_85 = arith.constant 16 : index
      %swap3A_86 = tpu.vector_load %arg9[%swap3A_84, %swap3A_85] {strides = array<i32>} : memref<128x64xf32, #tpu.memory_space<vmem>>, vector<1x16xf32>,
      %swap3A_87 = vector.shape_cast %swap3A_86 : vector<1x16xf32> to vector<16xf32>
      %swap3A_88 = vector.shape_cast %get3A_83 : vector<16xf32> to vector<1x16xf32>
      tpu.vector_store %arg9[%swap3A_84, %swap3A_85], %swap3A_88 {add = true, strides = array<i32>} : memref<128x64xf32, #tpu.memory_space<vmem>>, vector<1x16xf32>,
      %get3A_89 = arith.index_cast %scan3A_72 : i32 to index
      %get3A_90 = arith.constant 32 : index
      %get3A_91 = tpu.vector_load %arg10[%get3A_89, %get3A_90] {strides = array<i32>} : memref<128x64xf32, #tpu.memory_space<vmem>>, vector<1x16xf32>,
      %get3A_92 = vector.shape_cast %get3A_91 : vector<1x16xf32> to vector<16xf32>
      %swap3A_93 = arith.index_cast %scan3A_72 : i32 to index
      %swap3A_94 = arith.constant 32 : index
      %swap3A_95 = tpu.vector_load %arg9[%swap3A_93, %swap3A_94] {strides = array<i32>} : memref<128x64xf32, #tpu.memory_space<vmem>>, vector<1x16xf32>,
      %swap3A_96 = vector.shape_cast %swap3A_95 : vector<1x16xf32> to vector<16xf32>
      %swap3A_97 = vector.shape_cast %get3A_92 : vector<16xf32> to vector<1x16xf32>
      tpu.vector_store %arg9[%swap3A_93, %swap3A_94], %swap3A_97 {add = true, strides = array<i32>} : memref<128x64xf32, #tpu.memory_space<vmem>>, vector<1x16xf32>,
      %get3A_98 = arith.index_cast %scan3A_72 : i32 to index
      %get3A_99 = arith.constant 48 : index
      %get3A_100 = tpu.vector_load %arg10[%get3A_98, %get3A_99] {strides = array<i32>} : memref<128x64xf32, #tpu.memory_space<vmem>>, vector<1x16xf32>,
      %get3A_101 = vector.shape_cast %get3A_100 : vector<1x16xf32> to vector<16xf32>
      %swap3A_102 = arith.index_cast %scan3A_72 : i32 to index
      %swap3A_103 = arith.constant 48 : index
      %swap3A_104 = tpu.vector_load %arg9[%swap3A_102, %swap3A_103] {strides = array<i32>} : memref<128x64xf32, #tpu.memory_space<vmem>>, vector<1x16xf32>,
      %swap3A_105 = vector.shape_cast %swap3A_104 : vector<1x16xf32> to vector<16xf32>
      %swap3A_106 = vector.shape_cast %get3A_101 : vector<16xf32> to vector<1x16xf32>
      tpu.vector_store %arg9[%swap3A_102, %swap3A_103], %swap3A_106 {add = true, strides = array<i32>} : memref<128x64xf32, #tpu.memory_space<vmem>>, vector<1x16xf32>,
    }
    %scan3A_43 = arith.constant 128 : i32
    %add3A_44 = arith.constant 4864 : i32
    %add3A_45 = arith.addi %mul3A_2, %add3A_44 : i32
    %mul3A_46 = arith.constant 80000 : i32
    %mul3A_47 = arith.muli %select_n3A, %mul3A_46 : i32
    %sub3A_48 = arith.subi %add3A_45, %mul3A_47 : i32
    "tpu.region"() ({
      %run_scoped3A = tpu.sem_alloc : memref<!tpu.dma_semaphore, #tpu.memory_space<semaphore_mem>>
      %dma_start3A_72 = tpu.memref_slice %arg6[%sub3A_48, %mul3A_20] : memref<80000x128xf32, #tpu.memory_space<hbm>> -> memref<128x64xf32, #tpu.memory_space<hbm>>
      %dma_start3A_73 = tpu.memref_slice %arg6[%sub3A_48, %mul3A_20] : memref<80000x128xf32, #tpu.memory_space<hbm>> -> memref<128x64xf32, #tpu.memory_space<hbm>>
      tpu.enqueue_dma source(%arg9 : memref<128x64xf32, #tpu.memory_space<vmem>>) target(%dma_start3A_73 : memref<128x64xf32, #tpu.memory_space<hbm>>) target_semaphore(%run_scoped3A : memref<!tpu.dma_semaphore, #tpu.memory_space<semaphore_mem>>)
      %dma_wait3A_74 = tpu.memref_slice %arg6[%sub3A_48, %mul3A_20] : memref<80000x128xf32, #tpu.memory_space<hbm>> -> memref<128x64xf32, #tpu.memory_space<hbm>>
      %dma_wait3A_75 = tpu.memref_slice %arg6[%sub3A_48, %mul3A_20] : memref<80000x128xf32, #tpu.memory_space<hbm>> -> memref<128x64xf32, #tpu.memory_space<hbm>>
      tpu.wait_dma2 semaphore(%run_scoped3A : memref<!tpu.dma_semaphore, #tpu.memory_space<semaphore_mem>>) src(%arg9 : memref<128x64xf32, #tpu.memory_space<vmem>>) dst(%dma_wait3A_75 : memref<128x64xf32, #tpu.memory_space<hbm>>)
      tpu.yield
    }) : () -> ()
    %add3A_49 = arith.constant 4992 : i32
    %add3A_50 = arith.addi %mul3A_2, %add3A_49 : i32
    "tpu.region"() ({
      %run_scoped3A = tpu.sem_alloc : memref<!tpu.dma_semaphore, #tpu.memory_space<semaphore_mem>>
      %dma_start3A_72 = tpu.memref_slice %arg4[%add3A_50] : memref<160000xi32, #tpu.memory_space<hbm>> -> memref<8xi32, #tpu.memory_space<hbm>>
      %dma_start3A_73 = tpu.memref_slice %arg4[%add3A_50] : memref<160000xi32, #tpu.memory_space<hbm>> -> memref<8xi32, #tpu.memory_space<hbm>>
      tpu.enqueue_dma source(%dma_start3A_73 : memref<8xi32, #tpu.memory_space<hbm>>) target(%arg17 : memref<8xi32, #tpu.memory_space<vmem>>) target_semaphore(%run_scoped3A : memref<!tpu.dma_semaphore, #tpu.memory_space<semaphore_mem>>)
      %dma_wait3A_74 = tpu.memref_slice %arg4[%add3A_50] : memref<160000xi32, #tpu.memory_space<hbm>> -> memref<8xi32, #tpu.memory_space<hbm>>
      %dma_wait3A_75 = tpu.memref_slice %arg4[%add3A_50] : memref<160000xi32, #tpu.memory_space<hbm>> -> memref<8xi32, #tpu.memory_space<hbm>>
      tpu.wait_dma2 semaphore(%run_scoped3A : memref<!tpu.dma_semaphore, #tpu.memory_space<semaphore_mem>>) src(%dma_wait3A_75 : memref<8xi32, #tpu.memory_space<hbm>>) dst(%arg17 : memref<8xi32, #tpu.memory_space<vmem>>)
      tpu.yield
    }) : () -> ()
    "tpu.region"() ({
      %run_scoped3A = tpu.sem_alloc : memref<!tpu.dma_semaphore, #tpu.memory_space<semaphore_mem>>
      %dma_start3A_72 = tpu.memref_slice %arg5[%add3A_50] : memref<160000xi32, #tpu.memory_space<hbm>> -> memref<8xi32, #tpu.memory_space<hbm>>
      %dma_start3A_73 = tpu.memref_slice %arg5[%add3A_50] : memref<160000xi32, #tpu.memory_space<hbm>> -> memref<8xi32, #tpu.memory_space<hbm>>
      tpu.enqueue_dma source(%dma_start3A_73 : memref<8xi32, #tpu.memory_space<hbm>>) target(%arg18 : memref<8xi32, #tpu.memory_space<vmem>>) target_semaphore(%run_scoped3A : memref<!tpu.dma_semaphore, #tpu.memory_space<semaphore_mem>>)
      %dma_wait3A_74 = tpu.memref_slice %arg5[%add3A_50] : memref<160000xi32, #tpu.memory_space<hbm>> -> memref<8xi32, #tpu.memory_space<hbm>>
      %dma_wait3A_75 = tpu.memref_slice %arg5[%add3A_50] : memref<160000xi32, #tpu.memory_space<hbm>> -> memref<8xi32, #tpu.memory_space<hbm>>
      tpu.wait_dma2 semaphore(%run_scoped3A : memref<!tpu.dma_semaphore, #tpu.memory_space<semaphore_mem>>) src(%dma_wait3A_75 : memref<8xi32, #tpu.memory_space<hbm>>) dst(%arg18 : memref<8xi32, #tpu.memory_space<vmem>>)
      tpu.yield
    }) : () -> ()
    %dma_start3A_51 = arith.constant 0 : i32
    %dma_start3A_52 = arith.constant 0 : i32
    %dma_start3A_53 = tpu.memref_slice %arg2[%dma_start3A_51, %dma_start3A_52] : memref<50000x64xf32, #tpu.memory_space<hbm>> -> memref<50000x64xf32, #tpu.memory_space<hbm>>
    tpu.enqueue_indirect_dma source(%dma_start3A_53 : memref<50000x64xf32, #tpu.memory_space<hbm>>) target(%arg19 : memref<8x64xf32, #tpu.memory_space<vmem>>) offsets(%arg17 : memref<8xi32, #tpu.memory_space<vmem>>) semaphore(%arg16 : memref<!tpu.dma_semaphore, #tpu.memory_space<semaphore_mem>>)
    %dma_start3A_54 = arith.constant 0 : i32
    %dma_start3A_55 = arith.constant 0 : i32
    %dma_start3A_56 = tpu.memref_slice %arg3[%dma_start3A_54, %dma_start3A_55] : memref<50000x64xf32, #tpu.memory_space<hbm>> -> memref<50000x64xf32, #tpu.memory_space<hbm>>
    tpu.enqueue_indirect_dma source(%dma_start3A_56 : memref<50000x64xf32, #tpu.memory_space<hbm>>) target(%arg20 : memref<8x64xf32, #tpu.memory_space<vmem>>) offsets(%arg18 : memref<8xi32, #tpu.memory_space<vmem>>) semaphore(%arg16 : memref<!tpu.dma_semaphore, #tpu.memory_space<semaphore_mem>>)
    %dma_wait3A_57 = arith.constant 0 : i32
    %dma_wait3A_58 = arith.constant 0 : i32
    %dma_wait3A_59 = tpu.memref_slice %arg2[%dma_wait3A_57, %dma_wait3A_58] : memref<50000x64xf32, #tpu.memory_space<hbm>> -> memref<50000x64xf32, #tpu.memory_space<hbm>>
    tpu.wait_indirect_dma semaphore(%arg16 : memref<!tpu.dma_semaphore, #tpu.memory_space<semaphore_mem>>) src(%dma_wait3A_59 : memref<50000x64xf32, #tpu.memory_space<hbm>>) dst(%arg19 : memref<8x64xf32, #tpu.memory_space<vmem>>)
    %dma_wait3A_60 = arith.constant 0 : i32
    %dma_wait3A_61 = arith.constant 0 : i32
    %dma_wait3A_62 = tpu.memref_slice %arg3[%dma_wait3A_60, %dma_wait3A_61] : memref<50000x64xf32, #tpu.memory_space<hbm>> -> memref<50000x64xf32, #tpu.memory_space<hbm>>
    tpu.wait_indirect_dma semaphore(%arg16 : memref<!tpu.dma_semaphore, #tpu.memory_space<semaphore_mem>>) src(%dma_wait3A_62 : memref<50000x64xf32, #tpu.memory_space<hbm>>) dst(%arg20 : memref<8x64xf32, #tpu.memory_space<vmem>>)
    %scan3A_63 = arith.constant 0 : i32
    %scan3A_64 = arith.constant 0 : i32
    %scan3A_65 = arith.constant 8 : i32
    %scan3A_66 = arith.addi %scan3A_64, %scan3A_65 : i32
    %scan3A_67 = arith.constant 1 : i32
    scf.for %scan3A_72 = %scan3A_64 to %scan3A_66 step %scan3A_67  : i32 {
      %get3A = arith.index_cast %scan3A_72 : i32 to index
      %get3A_73 = arith.constant 0 : index
      %get3A_74 = tpu.vector_load %arg20[%get3A, %get3A_73] {strides = array<i32>} : memref<8x64xf32, #tpu.memory_space<vmem>>, vector<1x16xf32>,
      %get3A_75 = vector.shape_cast %get3A_74 : vector<1x16xf32> to vector<16xf32>
      %swap3A = arith.index_cast %scan3A_72 : i32 to index
      %swap3A_76 = arith.constant 0 : index
      %swap3A_77 = tpu.vector_load %arg19[%swap3A, %swap3A_76] {strides = array<i32>} : memref<8x64xf32, #tpu.memory_space<vmem>>, vector<1x16xf32>,
      %swap3A_78 = vector.shape_cast %swap3A_77 : vector<1x16xf32> to vector<16xf32>
      %swap3A_79 = vector.shape_cast %get3A_75 : vector<16xf32> to vector<1x16xf32>
      tpu.vector_store %arg19[%swap3A, %swap3A_76], %swap3A_79 {add = true, strides = array<i32>} : memref<8x64xf32, #tpu.memory_space<vmem>>, vector<1x16xf32>,
      %get3A_80 = arith.index_cast %scan3A_72 : i32 to index
      %get3A_81 = arith.constant 16 : index
      %get3A_82 = tpu.vector_load %arg20[%get3A_80, %get3A_81] {strides = array<i32>} : memref<8x64xf32, #tpu.memory_space<vmem>>, vector<1x16xf32>,
      %get3A_83 = vector.shape_cast %get3A_82 : vector<1x16xf32> to vector<16xf32>
      %swap3A_84 = arith.index_cast %scan3A_72 : i32 to index
      %swap3A_85 = arith.constant 16 : index
      %swap3A_86 = tpu.vector_load %arg19[%swap3A_84, %swap3A_85] {strides = array<i32>} : memref<8x64xf32, #tpu.memory_space<vmem>>, vector<1x16xf32>,
      %swap3A_87 = vector.shape_cast %swap3A_86 : vector<1x16xf32> to vector<16xf32>
      %swap3A_88 = vector.shape_cast %get3A_83 : vector<16xf32> to vector<1x16xf32>
      tpu.vector_store %arg19[%swap3A_84, %swap3A_85], %swap3A_88 {add = true, strides = array<i32>} : memref<8x64xf32, #tpu.memory_space<vmem>>, vector<1x16xf32>,
      %get3A_89 = arith.index_cast %scan3A_72 : i32 to index
      %get3A_90 = arith.constant 32 : index
      %get3A_91 = tpu.vector_load %arg20[%get3A_89, %get3A_90] {strides = array<i32>} : memref<8x64xf32, #tpu.memory_space<vmem>>, vector<1x16xf32>,
      %get3A_92 = vector.shape_cast %get3A_91 : vector<1x16xf32> to vector<16xf32>
      %swap3A_93 = arith.index_cast %scan3A_72 : i32 to index
      %swap3A_94 = arith.constant 32 : index
      %swap3A_95 = tpu.vector_load %arg19[%swap3A_93, %swap3A_94] {strides = array<i32>} : memref<8x64xf32, #tpu.memory_space<vmem>>, vector<1x16xf32>,
      %swap3A_96 = vector.shape_cast %swap3A_95 : vector<1x16xf32> to vector<16xf32>
      %swap3A_97 = vector.shape_cast %get3A_92 : vector<16xf32> to vector<1x16xf32>
      tpu.vector_store %arg19[%swap3A_93, %swap3A_94], %swap3A_97 {add = true, strides = array<i32>} : memref<8x64xf32, #tpu.memory_space<vmem>>, vector<1x16xf32>,
      %get3A_98 = arith.index_cast %scan3A_72 : i32 to index
      %get3A_99 = arith.constant 48 : index
      %get3A_100 = tpu.vector_load %arg20[%get3A_98, %get3A_99] {strides = array<i32>} : memref<8x64xf32, #tpu.memory_space<vmem>>, vector<1x16xf32>,
      %get3A_101 = vector.shape_cast %get3A_100 : vector<1x16xf32> to vector<16xf32>
      %swap3A_102 = arith.index_cast %scan3A_72 : i32 to index
      %swap3A_103 = arith.constant 48 : index
      %swap3A_104 = tpu.vector_load %arg19[%swap3A_102, %swap3A_103] {strides = array<i32>} : memref<8x64xf32, #tpu.memory_space<vmem>>, vector<1x16xf32>,
      %swap3A_105 = vector.shape_cast %swap3A_104 : vector<1x16xf32> to vector<16xf32>
      %swap3A_106 = vector.shape_cast %get3A_101 : vector<16xf32> to vector<1x16xf32>
      tpu.vector_store %arg19[%swap3A_102, %swap3A_103], %swap3A_106 {add = true, strides = array<i32>} : memref<8x64xf32, #tpu.memory_space<vmem>>, vector<1x16xf32>,
    }
    %scan3A_68 = arith.constant 8 : i32
    %mul3A_69 = arith.constant 80000 : i32
    %mul3A_70 = arith.muli %select_n3A, %mul3A_69 : i32
    %sub3A_71 = arith.subi %add3A_50, %mul3A_70 : i32
    "tpu.region"() ({
      %run_scoped3A = tpu.sem_alloc : memref<!tpu.dma_semaphore, #tpu.memory_space<semaphore_mem>>
      %dma_start3A_72 = tpu.memref_slice %arg6[%sub3A_71, %mul3A_20] : memref<80000x128xf32, #tpu.memory_space<hbm>> -> memref<8x64xf32, #tpu.memory_space<hbm>>
      %dma_start3A_73 = tpu.memref_slice %arg6[%sub3A_71, %mul3A_20] : memref<80000x128xf32, #tpu.memory_space<hbm>> -> memref<8x64xf32, #tpu.memory_space<hbm>>
      tpu.enqueue_dma source(%arg19 : memref<8x64xf32, #tpu.memory_space<vmem>>) target(%dma_start3A_73 : memref<8x64xf32, #tpu.memory_space<hbm>>) target_semaphore(%run_scoped3A : memref<!tpu.dma_semaphore, #tpu.memory_space<semaphore_mem>>)
      %dma_wait3A_74 = tpu.memref_slice %arg6[%sub3A_71, %mul3A_20] : memref<80000x128xf32, #tpu.memory_space<hbm>> -> memref<8x64xf32, #tpu.memory_space<hbm>>
      %dma_wait3A_75 = tpu.memref_slice %arg6[%sub3A_71, %mul3A_20] : memref<80000x128xf32, #tpu.memory_space<hbm>> -> memref<8x64xf32, #tpu.memory_space<hbm>>
      tpu.wait_dma2 semaphore(%run_scoped3A : memref<!tpu.dma_semaphore, #tpu.memory_space<semaphore_mem>>) src(%arg19 : memref<8x64xf32, #tpu.memory_space<vmem>>) dst(%dma_wait3A_75 : memref<8x64xf32, #tpu.memory_space<hbm>>)
      tpu.yield
    }) : () -> ()
    return
  }
}

#map = affine_map<(d0, d1) -> (0, 0)>
#map1 = affine_map<(d0, d1) -> (0)>
module attributes {stable_mosaic.version = 14 : i64} {
  func.func @gather_sum(%arg0: i32, %arg1: i32, %arg2: memref<50000x64xf32, #tpu.memory_space<hbm>>, %arg3: memref<50000x64xf32, #tpu.memory_space<hbm>>, %arg4: memref<160000xi32, #tpu.memory_space<hbm>>, %arg5: memref<160000xi32, #tpu.memory_space<hbm>>, %arg6: memref<80000x128xf32, #tpu.memory_space<hbm>>, %arg7: memref<128xi32, #tpu.memory_space<vmem>>, %arg8: memref<128xi32, #tpu.memory_space<vmem>>, %arg9: memref<128x64xf32, #tpu.memory_space<vmem>>, %arg10: memref<128x64xf32, #tpu.memory_space<vmem>>, %arg11: memref<!tpu.dma_semaphore, #tpu.memory_space<semaphore_mem>>, %arg12: memref<128xi32, #tpu.memory_space<vmem>>, %arg13: memref<128xi32, #tpu.memory_space<vmem>>, %arg14: memref<128x64xf32, #tpu.memory_space<vmem>>, %arg15: memref<128x64xf32, #tpu.memory_space<vmem>>, %arg16: memref<!tpu.dma_semaphore, #tpu.memory_space<semaphore_mem>>, %arg17: memref<8xi32, #tpu.memory_space<vmem>>, %arg18: memref<8xi32, #tpu.memory_space<vmem>>, %arg19: memref<8x64xf32, #tpu.memory_space<vmem>>, %arg20: memref<8x64xf32, #tpu.memory_space<vmem>>) attributes {dimension_semantics = [#tpu.dimension_semantics<core_parallel>, #tpu.dimension_semantics<subcore_parallel>], iteration_bounds = array<i64: 2, 16>, scalar_prefetch = 0 : i64, scratch_operands = 14 : i64, tpu.core_type = #tpu.core_type<sc_vector_subcore>, window_params = [{transform_indices = #map}, {transform_indices = #map}, {transform_indices = #map1}, {transform_indices = #map1}, {transform_indices = #map}]} {
    %mul3A = arith.constant 2 : i32
    %mul3A_0 = arith.muli %arg1, %mul3A : i32
    %add3A = arith.addi %mul3A_0, %arg0 : i32
    %mul3A_1 = arith.constant 5000 : i32
    %mul3A_2 = arith.muli %add3A, %mul3A_1 : i32
    %jit3A = arith.constant 80000 : i32
    %div3A = arith.divsi %mul3A_2, %jit3A : i32
    %sign3A = arith.constant 0 : i32
    %sign3A_3 = arith.cmpi sgt, %mul3A_2, %sign3A : i32
    %sign3A_4 = arith.extui %sign3A_3 : i1 to i32
    %sign3A_5 = arith.constant 0 : i32
    %sign3A_6 = arith.cmpi slt, %mul3A_2, %sign3A_5 : i32
    %sign3A_7 = arith.extui %sign3A_6 : i1 to i32
    %sign3A_8 = arith.subi %sign3A_4, %sign3A_7 : i32
    %sign3A_9 = arith.constant 0 : i32
    %sign3A_10 = arith.cmpi sgt, %jit3A, %sign3A_9 : i32
    %sign3A_11 = arith.extui %sign3A_10 : i1 to i32
    %sign3A_12 = arith.constant 0 : i32
    %sign3A_13 = arith.cmpi slt, %jit3A, %sign3A_12 : i32
    %sign3A_14 = arith.extui %sign3A_13 : i1 to i32
    %sign3A_15 = arith.subi %sign3A_11, %sign3A_14 : i32
    %ne3A = arith.cmpi ne, %sign3A_8, %sign3A_15 : i32
    %rem3A = arith.remsi %mul3A_2, %jit3A : i32
    %ne3A_16 = arith.constant 0 : i32
    %ne3A_17 = arith.cmpi ne, %rem3A, %ne3A_16 : i32
    %and3A = arith.andi %ne3A, %ne3A_17 : i1
    %sub3A = arith.constant 1 : i32
    %sub3A_18 = arith.subi %div3A, %sub3A : i32
    %select_n3A = arith.select %and3A, %sub3A_18, %div3A : i32
    %mul3A_19 = arith.constant 64 : i32
    %mul3A_20 = arith.muli %select_n3A, %mul3A_19 : i32
    %add3A_21 = arith.constant 0 : i32
    %add3A_22 = arith.addi %mul3A_2, %add3A_21 : i32
    "tpu.region"() ({
      %run_scoped3A = tpu.sem_alloc : memref<!tpu.dma_semaphore, #tpu.memory_space<semaphore_mem>>
      %dma_start3A_72 = tpu.memref_slice %arg4[%add3A_22] : memref<160000xi32, #tpu.memory_space<hbm>> -> memref<128xi32, #tpu.memory_space<hbm>>
      %dma_start3A_73 = tpu.memref_slice %arg4[%add3A_22] : memref<160000xi32, #tpu.memory_space<hbm>> -> memref<128xi32, #tpu.memory_space<hbm>>
      tpu.enqueue_dma source(%dma_start3A_73 : memref<128xi32, #tpu.memory_space<hbm>>) target(%arg7 : memref<128xi32, #tpu.memory_space<vmem>>) target_semaphore(%run_scoped3A : memref<!tpu.dma_semaphore, #tpu.memory_space<semaphore_mem>>)
      %dma_wait3A_74 = tpu.memref_slice %arg4[%add3A_22] : memref<160000xi32, #tpu.memory_space<hbm>> -> memref<128xi32, #tpu.memory_space<hbm>>
      %dma_wait3A_75 = tpu.memref_slice %arg4[%add3A_22] : memref<160000xi32, #tpu.memory_space<hbm>> -> memref<128xi32, #tpu.memory_space<hbm>>
      tpu.wait_dma2 semaphore(%run_scoped3A : memref<!tpu.dma_semaphore, #tpu.memory_space<semaphore_mem>>) src(%dma_wait3A_75 : memref<128xi32, #tpu.memory_space<hbm>>) dst(%arg7 : memref<128xi32, #tpu.memory_space<vmem>>)
      tpu.yield
    }) : () -> ()
    "tpu.region"() ({
      %run_scoped3A = tpu.sem_alloc : memref<!tpu.dma_semaphore, #tpu.memory_space<semaphore_mem>>
      %dma_start3A_72 = tpu.memref_slice %arg5[%add3A_22] : memref<160000xi32, #tpu.memory_space<hbm>> -> memref<128xi32, #tpu.memory_space<hbm>>
      %dma_start3A_73 = tpu.memref_slice %arg5[%add3A_22] : memref<160000xi32, #tpu.memory_space<hbm>> -> memref<128xi32, #tpu.memory_space<hbm>>
      tpu.enqueue_dma source(%dma_start3A_73 : memref<128xi32, #tpu.memory_space<hbm>>) target(%arg8 : memref<128xi32, #tpu.memory_space<vmem>>) target_semaphore(%run_scoped3A : memref<!tpu.dma_semaphore, #tpu.memory_space<semaphore_mem>>)
      %dma_wait3A_74 = tpu.memref_slice %arg5[%add3A_22] : memref<160000xi32, #tpu.memory_space<hbm>> -> memref<128xi32, #tpu.memory_space<hbm>>
      %dma_wait3A_75 = tpu.memref_slice %arg5[%add3A_22] : memref<160000xi32, #tpu.memory_space<hbm>> -> memref<128xi32, #tpu.memory_space<hbm>>
      tpu.wait_dma2 semaphore(%run_scoped3A : memref<!tpu.dma_semaphore, #tpu.memory_space<semaphore_mem>>) src(%dma_wait3A_75 : memref<128xi32, #tpu.memory_space<hbm>>) dst(%arg8 : memref<128xi32, #tpu.memory_space<vmem>>)
      tpu.yield
    }) : () -> ()
    %dma_start3A = arith.constant 0 : i32
    %dma_start3A_23 = arith.constant 0 : i32
    %dma_start3A_24 = tpu.memref_slice %arg2[%dma_start3A, %dma_start3A_23] : memref<50000x64xf32, #tpu.memory_space<hbm>> -> memref<50000x64xf32, #tpu.memory_space<hbm>>
    tpu.enqueue_indirect_dma source(%dma_start3A_24 : memref<50000x64xf32, #tpu.memory_space<hbm>>) target(%arg9 : memref<128x64xf32, #tpu.memory_space<vmem>>) offsets(%arg7 : memref<128xi32, #tpu.memory_space<vmem>>) semaphore(%arg11 : memref<!tpu.dma_semaphore, #tpu.memory_space<semaphore_mem>>)
    %dma_start3A_25 = arith.constant 0 : i32
    %dma_start3A_26 = arith.constant 0 : i32
    %dma_start3A_27 = tpu.memref_slice %arg3[%dma_start3A_25, %dma_start3A_26] : memref<50000x64xf32, #tpu.memory_space<hbm>> -> memref<50000x64xf32, #tpu.memory_space<hbm>>
    tpu.enqueue_indirect_dma source(%dma_start3A_27 : memref<50000x64xf32, #tpu.memory_space<hbm>>) target(%arg10 : memref<128x64xf32, #tpu.memory_space<vmem>>) offsets(%arg8 : memref<128xi32, #tpu.memory_space<vmem>>) semaphore(%arg11 : memref<!tpu.dma_semaphore, #tpu.memory_space<semaphore_mem>>)
    %scan3A = arith.constant 0 : i32
    %scan3A_28 = arith.constant 0 : i32
    %scan3A_29 = arith.constant 19 : i32
    %scan3A_30 = arith.addi %scan3A_28, %scan3A_29 : i32
    %scan3A_31 = arith.constant 1 : i32
    scf.for %scan3A_72 = %scan3A_28 to %scan3A_30 step %scan3A_31  : i32 {
      %mul3A_73 = arith.constant 2 : i32
      %mul3A_74 = arith.muli %mul3A_73, %scan3A_72 : i32
      %add3A_75 = arith.constant 1 : i32
      %add3A_76 = arith.addi %mul3A_74, %add3A_75 : i32
      %mul3A_77 = arith.constant 128 : i32
      %mul3A_78 = arith.muli %add3A_76, %mul3A_77 : i32
      %add3A_79 = arith.addi %mul3A_2, %mul3A_78 : i32
      "tpu.region"() ({
        %run_scoped3A = tpu.sem_alloc : memref<!tpu.dma_semaphore, #tpu.memory_space<semaphore_mem>>
        %dma_start3A_141 = tpu.memref_slice %arg4[%add3A_79] : memref<160000xi32, #tpu.memory_space<hbm>> -> memref<128xi32, #tpu.memory_space<hbm>>
        %dma_start3A_142 = tpu.memref_slice %arg4[%add3A_79] : memref<160000xi32, #tpu.memory_space<hbm>> -> memref<128xi32, #tpu.memory_space<hbm>>
        tpu.enqueue_dma source(%dma_start3A_142 : memref<128xi32, #tpu.memory_space<hbm>>) target(%arg12 : memref<128xi32, #tpu.memory_space<vmem>>) target_semaphore(%run_scoped3A : memref<!tpu.dma_semaphore, #tpu.memory_space<semaphore_mem>>)
        %dma_wait3A_143 = tpu.memref_slice %arg4[%add3A_79] : memref<160000xi32, #tpu.memory_space<hbm>> -> memref<128xi32, #tpu.memory_space<hbm>>
        %dma_wait3A_144 = tpu.memref_slice %arg4[%add3A_79] : memref<160000xi32, #tpu.memory_space<hbm>> -> memref<128xi32, #tpu.memory_space<hbm>>
        tpu.wait_dma2 semaphore(%run_scoped3A : memref<!tpu.dma_semaphore, #tpu.memory_space<semaphore_mem>>) src(%dma_wait3A_144 : memref<128xi32, #tpu.memory_space<hbm>>) dst(%arg12 : memref<128xi32, #tpu.memory_space<vmem>>)
        tpu.yield
      }) : () -> ()
      "tpu.region"() ({
        %run_scoped3A = tpu.sem_alloc : memref<!tpu.dma_semaphore, #tpu.memory_space<semaphore_mem>>
        %dma_start3A_141 = tpu.memref_slice %arg5[%add3A_79] : memref<160000xi32, #tpu.memory_space<hbm>> -> memref<128xi32, #tpu.memory_space<hbm>>
        %dma_start3A_142 = tpu.memref_slice %arg5[%add3A_79] : memref<160000xi32, #tpu.memory_space<hbm>> -> memref<128xi32, #tpu.memory_space<hbm>>
        tpu.enqueue_dma source(%dma_start3A_142 : memref<128xi32, #tpu.memory_space<hbm>>) target(%arg13 : memref<128xi32, #tpu.memory_space<vmem>>) target_semaphore(%run_scoped3A : memref<!tpu.dma_semaphore, #tpu.memory_space<semaphore_mem>>)
        %dma_wait3A_143 = tpu.memref_slice %arg5[%add3A_79] : memref<160000xi32, #tpu.memory_space<hbm>> -> memref<128xi32, #tpu.memory_space<hbm>>
        %dma_wait3A_144 = tpu.memref_slice %arg5[%add3A_79] : memref<160000xi32, #tpu.memory_space<hbm>> -> memref<128xi32, #tpu.memory_space<hbm>>
        tpu.wait_dma2 semaphore(%run_scoped3A : memref<!tpu.dma_semaphore, #tpu.memory_space<semaphore_mem>>) src(%dma_wait3A_144 : memref<128xi32, #tpu.memory_space<hbm>>) dst(%arg13 : memref<128xi32, #tpu.memory_space<vmem>>)
        tpu.yield
      }) : () -> ()
      %dma_start3A_80 = arith.constant 0 : i32
      %dma_start3A_81 = arith.constant 0 : i32
      %dma_start3A_82 = tpu.memref_slice %arg2[%dma_start3A_80, %dma_start3A_81] : memref<50000x64xf32, #tpu.memory_space<hbm>> -> memref<50000x64xf32, #tpu.memory_space<hbm>>
      tpu.enqueue_indirect_dma source(%dma_start3A_82 : memref<50000x64xf32, #tpu.memory_space<hbm>>) target(%arg14 : memref<128x64xf32, #tpu.memory_space<vmem>>) offsets(%arg12 : memref<128xi32, #tpu.memory_space<vmem>>) semaphore(%arg16 : memref<!tpu.dma_semaphore, #tpu.memory_space<semaphore_mem>>)
      %dma_start3A_83 = arith.constant 0 : i32
      %dma_start3A_84 = arith.constant 0 : i32
      %dma_start3A_85 = tpu.memref_slice %arg3[%dma_start3A_83, %dma_start3A_84] : memref<50000x64xf32, #tpu.memory_space<hbm>> -> memref<50000x64xf32, #tpu.memory_space<hbm>>
      tpu.enqueue_indirect_dma source(%dma_start3A_85 : memref<50000x64xf32, #tpu.memory_space<hbm>>) target(%arg15 : memref<128x64xf32, #tpu.memory_space<vmem>>) offsets(%arg13 : memref<128xi32, #tpu.memory_space<vmem>>) semaphore(%arg16 : memref<!tpu.dma_semaphore, #tpu.memory_space<semaphore_mem>>)
      %mul3A_86 = arith.constant 2 : i32
      %mul3A_87 = arith.muli %mul3A_86, %scan3A_72 : i32
      %dma_wait3A_88 = arith.constant 0 : i32
      %dma_wait3A_89 = arith.constant 0 : i32
      %dma_wait3A_90 = tpu.memref_slice %arg2[%dma_wait3A_88, %dma_wait3A_89] : memref<50000x64xf32, #tpu.memory_space<hbm>> -> memref<50000x64xf32, #tpu.memory_space<hbm>>
      tpu.wait_indirect_dma semaphore(%arg11 : memref<!tpu.dma_semaphore, #tpu.memory_space<semaphore_mem>>) src(%dma_wait3A_90 : memref<50000x64xf32, #tpu.memory_space<hbm>>) dst(%arg9 : memref<128x64xf32, #tpu.memory_space<vmem>>)
      %dma_wait3A_91 = arith.constant 0 : i32
      %dma_wait3A_92 = arith.constant 0 : i32
      %dma_wait3A_93 = tpu.memref_slice %arg3[%dma_wait3A_91, %dma_wait3A_92] : memref<50000x64xf32, #tpu.memory_space<hbm>> -> memref<50000x64xf32, #tpu.memory_space<hbm>>
      tpu.wait_indirect_dma semaphore(%arg11 : memref<!tpu.dma_semaphore, #tpu.memory_space<semaphore_mem>>) src(%dma_wait3A_93 : memref<50000x64xf32, #tpu.memory_space<hbm>>) dst(%arg10 : memref<128x64xf32, #tpu.memory_space<vmem>>)
      %scan3A_94 = arith.constant 0 : i32
      %scan3A_95 = arith.constant 0 : i32
      %scan3A_96 = arith.constant 128 : i32
      %scan3A_97 = arith.addi %scan3A_95, %scan3A_96 : i32
      %scan3A_98 = arith.constant 1 : i32
      scf.for %scan3A_141 = %scan3A_95 to %scan3A_97 step %scan3A_98  : i32 {
        %get3A = arith.index_cast %scan3A_141 : i32 to index
        %get3A_142 = arith.constant 0 : index
        %get3A_143 = tpu.vector_load %arg10[%get3A, %get3A_142] {strides = array<i32>} : memref<128x64xf32, #tpu.memory_space<vmem>>, vector<1x16xf32>,
        %get3A_144 = vector.shape_cast %get3A_143 : vector<1x16xf32> to vector<16xf32>
        %swap3A = arith.index_cast %scan3A_141 : i32 to index
        %swap3A_145 = arith.constant 0 : index
        %swap3A_146 = tpu.vector_load %arg9[%swap3A, %swap3A_145] {strides = array<i32>} : memref<128x64xf32, #tpu.memory_space<vmem>>, vector<1x16xf32>,
        %swap3A_147 = vector.shape_cast %swap3A_146 : vector<1x16xf32> to vector<16xf32>
        %swap3A_148 = vector.shape_cast %get3A_144 : vector<16xf32> to vector<1x16xf32>
        tpu.vector_store %arg9[%swap3A, %swap3A_145], %swap3A_148 {add = true, strides = array<i32>} : memref<128x64xf32, #tpu.memory_space<vmem>>, vector<1x16xf32>,
        %get3A_149 = arith.index_cast %scan3A_141 : i32 to index
        %get3A_150 = arith.constant 16 : index
        %get3A_151 = tpu.vector_load %arg10[%get3A_149, %get3A_150] {strides = array<i32>} : memref<128x64xf32, #tpu.memory_space<vmem>>, vector<1x16xf32>,
        %get3A_152 = vector.shape_cast %get3A_151 : vector<1x16xf32> to vector<16xf32>
        %swap3A_153 = arith.index_cast %scan3A_141 : i32 to index
        %swap3A_154 = arith.constant 16 : index
        %swap3A_155 = tpu.vector_load %arg9[%swap3A_153, %swap3A_154] {strides = array<i32>} : memref<128x64xf32, #tpu.memory_space<vmem>>, vector<1x16xf32>,
        %swap3A_156 = vector.shape_cast %swap3A_155 : vector<1x16xf32> to vector<16xf32>
        %swap3A_157 = vector.shape_cast %get3A_152 : vector<16xf32> to vector<1x16xf32>
        tpu.vector_store %arg9[%swap3A_153, %swap3A_154], %swap3A_157 {add = true, strides = array<i32>} : memref<128x64xf32, #tpu.memory_space<vmem>>, vector<1x16xf32>,
        %get3A_158 = arith.index_cast %scan3A_141 : i32 to index
        %get3A_159 = arith.constant 32 : index
        %get3A_160 = tpu.vector_load %arg10[%get3A_158, %get3A_159] {strides = array<i32>} : memref<128x64xf32, #tpu.memory_space<vmem>>, vector<1x16xf32>,
        %get3A_161 = vector.shape_cast %get3A_160 : vector<1x16xf32> to vector<16xf32>
        %swap3A_162 = arith.index_cast %scan3A_141 : i32 to index
        %swap3A_163 = arith.constant 32 : index
        %swap3A_164 = tpu.vector_load %arg9[%swap3A_162, %swap3A_163] {strides = array<i32>} : memref<128x64xf32, #tpu.memory_space<vmem>>, vector<1x16xf32>,
        %swap3A_165 = vector.shape_cast %swap3A_164 : vector<1x16xf32> to vector<16xf32>
        %swap3A_166 = vector.shape_cast %get3A_161 : vector<16xf32> to vector<1x16xf32>
        tpu.vector_store %arg9[%swap3A_162, %swap3A_163], %swap3A_166 {add = true, strides = array<i32>} : memref<128x64xf32, #tpu.memory_space<vmem>>, vector<1x16xf32>,
        %get3A_167 = arith.index_cast %scan3A_141 : i32 to index
        %get3A_168 = arith.constant 48 : index
        %get3A_169 = tpu.vector_load %arg10[%get3A_167, %get3A_168] {strides = array<i32>} : memref<128x64xf32, #tpu.memory_space<vmem>>, vector<1x16xf32>,
        %get3A_170 = vector.shape_cast %get3A_169 : vector<1x16xf32> to vector<16xf32>
        %swap3A_171 = arith.index_cast %scan3A_141 : i32 to index
        %swap3A_172 = arith.constant 48 : index
        %swap3A_173 = tpu.vector_load %arg9[%swap3A_171, %swap3A_172] {strides = array<i32>} : memref<128x64xf32, #tpu.memory_space<vmem>>, vector<1x16xf32>,
        %swap3A_174 = vector.shape_cast %swap3A_173 : vector<1x16xf32> to vector<16xf32>
        %swap3A_175 = vector.shape_cast %get3A_170 : vector<16xf32> to vector<1x16xf32>
        tpu.vector_store %arg9[%swap3A_171, %swap3A_172], %swap3A_175 {add = true, strides = array<i32>} : memref<128x64xf32, #tpu.memory_space<vmem>>, vector<1x16xf32>,
      }
      %scan3A_99 = arith.constant 128 : i32
      %mul3A_100 = arith.constant 128 : i32
      %mul3A_101 = arith.muli %mul3A_87, %mul3A_100 : i32
      %add3A_102 = arith.addi %mul3A_2, %mul3A_101 : i32
      %mul3A_103 = arith.constant 80000 : i32
      %mul3A_104 = arith.muli %select_n3A, %mul3A_103 : i32
      %sub3A_105 = arith.subi %add3A_102, %mul3A_104 : i32
      "tpu.region"() ({
        %run_scoped3A = tpu.sem_alloc : memref<!tpu.dma_semaphore, #tpu.memory_space<semaphore_mem>>
        %dma_start3A_141 = tpu.memref_slice %arg6[%sub3A_105, %mul3A_20] : memref<80000x128xf32, #tpu.memory_space<hbm>> -> memref<128x64xf32, #tpu.memory_space<hbm>>
        %dma_start3A_142 = tpu.memref_slice %arg6[%sub3A_105, %mul3A_20] : memref<80000x128xf32, #tpu.memory_space<hbm>> -> memref<128x64xf32, #tpu.memory_space<hbm>>
        tpu.enqueue_dma source(%arg9 : memref<128x64xf32, #tpu.memory_space<vmem>>) target(%dma_start3A_142 : memref<128x64xf32, #tpu.memory_space<hbm>>) target_semaphore(%run_scoped3A : memref<!tpu.dma_semaphore, #tpu.memory_space<semaphore_mem>>)
        %dma_wait3A_143 = tpu.memref_slice %arg6[%sub3A_105, %mul3A_20] : memref<80000x128xf32, #tpu.memory_space<hbm>> -> memref<128x64xf32, #tpu.memory_space<hbm>>
        %dma_wait3A_144 = tpu.memref_slice %arg6[%sub3A_105, %mul3A_20] : memref<80000x128xf32, #tpu.memory_space<hbm>> -> memref<128x64xf32, #tpu.memory_space<hbm>>
        tpu.wait_dma2 semaphore(%run_scoped3A : memref<!tpu.dma_semaphore, #tpu.memory_space<semaphore_mem>>) src(%arg9 : memref<128x64xf32, #tpu.memory_space<vmem>>) dst(%dma_wait3A_144 : memref<128x64xf32, #tpu.memory_space<hbm>>)
        tpu.yield
      }) : () -> ()
      %mul3A_106 = arith.constant 2 : i32
      %mul3A_107 = arith.muli %mul3A_106, %scan3A_72 : i32
      %add3A_108 = arith.constant 2 : i32
      %add3A_109 = arith.addi %mul3A_107, %add3A_108 : i32
      %mul3A_110 = arith.constant 128 : i32
      %mul3A_111 = arith.muli %add3A_109, %mul3A_110 : i32
      %add3A_112 = arith.addi %mul3A_2, %mul3A_111 : i32
      "tpu.region"() ({
        %run_scoped3A = tpu.sem_alloc : memref<!tpu.dma_semaphore, #tpu.memory_space<semaphore_mem>>
        %dma_start3A_141 = tpu.memref_slice %arg4[%add3A_112] : memref<160000xi32, #tpu.memory_space<hbm>> -> memref<128xi32, #tpu.memory_space<hbm>>
        %dma_start3A_142 = tpu.memref_slice %arg4[%add3A_112] : memref<160000xi32, #tpu.memory_space<hbm>> -> memref<128xi32, #tpu.memory_space<hbm>>
        tpu.enqueue_dma source(%dma_start3A_142 : memref<128xi32, #tpu.memory_space<hbm>>) target(%arg7 : memref<128xi32, #tpu.memory_space<vmem>>) target_semaphore(%run_scoped3A : memref<!tpu.dma_semaphore, #tpu.memory_space<semaphore_mem>>)
        %dma_wait3A_143 = tpu.memref_slice %arg4[%add3A_112] : memref<160000xi32, #tpu.memory_space<hbm>> -> memref<128xi32, #tpu.memory_space<hbm>>
        %dma_wait3A_144 = tpu.memref_slice %arg4[%add3A_112] : memref<160000xi32, #tpu.memory_space<hbm>> -> memref<128xi32, #tpu.memory_space<hbm>>
        tpu.wait_dma2 semaphore(%run_scoped3A : memref<!tpu.dma_semaphore, #tpu.memory_space<semaphore_mem>>) src(%dma_wait3A_144 : memref<128xi32, #tpu.memory_space<hbm>>) dst(%arg7 : memref<128xi32, #tpu.memory_space<vmem>>)
        tpu.yield
      }) : () -> ()
      "tpu.region"() ({
        %run_scoped3A = tpu.sem_alloc : memref<!tpu.dma_semaphore, #tpu.memory_space<semaphore_mem>>
        %dma_start3A_141 = tpu.memref_slice %arg5[%add3A_112] : memref<160000xi32, #tpu.memory_space<hbm>> -> memref<128xi32, #tpu.memory_space<hbm>>
        %dma_start3A_142 = tpu.memref_slice %arg5[%add3A_112] : memref<160000xi32, #tpu.memory_space<hbm>> -> memref<128xi32, #tpu.memory_space<hbm>>
        tpu.enqueue_dma source(%dma_start3A_142 : memref<128xi32, #tpu.memory_space<hbm>>) target(%arg8 : memref<128xi32, #tpu.memory_space<vmem>>) target_semaphore(%run_scoped3A : memref<!tpu.dma_semaphore, #tpu.memory_space<semaphore_mem>>)
        %dma_wait3A_143 = tpu.memref_slice %arg5[%add3A_112] : memref<160000xi32, #tpu.memory_space<hbm>> -> memref<128xi32, #tpu.memory_space<hbm>>
        %dma_wait3A_144 = tpu.memref_slice %arg5[%add3A_112] : memref<160000xi32, #tpu.memory_space<hbm>> -> memref<128xi32, #tpu.memory_space<hbm>>
        tpu.wait_dma2 semaphore(%run_scoped3A : memref<!tpu.dma_semaphore, #tpu.memory_space<semaphore_mem>>) src(%dma_wait3A_144 : memref<128xi32, #tpu.memory_space<hbm>>) dst(%arg8 : memref<128xi32, #tpu.memory_space<vmem>>)
        tpu.yield
      }) : () -> ()
      %dma_start3A_113 = arith.constant 0 : i32
      %dma_start3A_114 = arith.constant 0 : i32
      %dma_start3A_115 = tpu.memref_slice %arg2[%dma_start3A_113, %dma_start3A_114] : memref<50000x64xf32, #tpu.memory_space<hbm>> -> memref<50000x64xf32, #tpu.memory_space<hbm>>
      tpu.enqueue_indirect_dma source(%dma_start3A_115 : memref<50000x64xf32, #tpu.memory_space<hbm>>) target(%arg9 : memref<128x64xf32, #tpu.memory_space<vmem>>) offsets(%arg7 : memref<128xi32, #tpu.memory_space<vmem>>) semaphore(%arg11 : memref<!tpu.dma_semaphore, #tpu.memory_space<semaphore_mem>>)
      %dma_start3A_116 = arith.constant 0 : i32
      %dma_start3A_117 = arith.constant 0 : i32
      %dma_start3A_118 = tpu.memref_slice %arg3[%dma_start3A_116, %dma_start3A_117] : memref<50000x64xf32, #tpu.memory_space<hbm>> -> memref<50000x64xf32, #tpu.memory_space<hbm>>
      tpu.enqueue_indirect_dma source(%dma_start3A_118 : memref<50000x64xf32, #tpu.memory_space<hbm>>) target(%arg10 : memref<128x64xf32, #tpu.memory_space<vmem>>) offsets(%arg8 : memref<128xi32, #tpu.memory_space<vmem>>) semaphore(%arg11 : memref<!tpu.dma_semaphore, #tpu.memory_space<semaphore_mem>>)
      %mul3A_119 = arith.constant 2 : i32
      %mul3A_120 = arith.muli %mul3A_119, %scan3A_72 : i32
      %add3A_121 = arith.constant 1 : i32
      %add3A_122 = arith.addi %mul3A_120, %add3A_121 : i32
      %dma_wait3A_123 = arith.constant 0 : i32
      %dma_wait3A_124 = arith.constant 0 : i32
      %dma_wait3A_125 = tpu.memref_slice %arg2[%dma_wait3A_123, %dma_wait3A_124] : memref<50000x64xf32, #tpu.memory_space<hbm>> -> memref<50000x64xf32, #tpu.memory_space<hbm>>
      tpu.wait_indirect_dma semaphore(%arg16 : memref<!tpu.dma_semaphore, #tpu.memory_space<semaphore_mem>>) src(%dma_wait3A_125 : memref<50000x64xf32, #tpu.memory_space<hbm>>) dst(%arg14 : memref<128x64xf32, #tpu.memory_space<vmem>>)
      %dma_wait3A_126 = arith.constant 0 : i32
      %dma_wait3A_127 = arith.constant 0 : i32
      %dma_wait3A_128 = tpu.memref_slice %arg3[%dma_wait3A_126, %dma_wait3A_127] : memref<50000x64xf32, #tpu.memory_space<hbm>> -> memref<50000x64xf32, #tpu.memory_space<hbm>>
      tpu.wait_indirect_dma semaphore(%arg16 : memref<!tpu.dma_semaphore, #tpu.memory_space<semaphore_mem>>) src(%dma_wait3A_128 : memref<50000x64xf32, #tpu.memory_space<hbm>>) dst(%arg15 : memref<128x64xf32, #tpu.memory_space<vmem>>)
      %scan3A_129 = arith.constant 0 : i32
      %scan3A_130 = arith.constant 0 : i32
      %scan3A_131 = arith.constant 128 : i32
      %scan3A_132 = arith.addi %scan3A_130, %scan3A_131 : i32
      %scan3A_133 = arith.constant 1 : i32
      scf.for %scan3A_141 = %scan3A_130 to %scan3A_132 step %scan3A_133  : i32 {
        %get3A = arith.index_cast %scan3A_141 : i32 to index
        %get3A_142 = arith.constant 0 : index
        %get3A_143 = tpu.vector_load %arg15[%get3A, %get3A_142] {strides = array<i32>} : memref<128x64xf32, #tpu.memory_space<vmem>>, vector<1x16xf32>,
        %get3A_144 = vector.shape_cast %get3A_143 : vector<1x16xf32> to vector<16xf32>
        %swap3A = arith.index_cast %scan3A_141 : i32 to index
        %swap3A_145 = arith.constant 0 : index
        %swap3A_146 = tpu.vector_load %arg14[%swap3A, %swap3A_145] {strides = array<i32>} : memref<128x64xf32, #tpu.memory_space<vmem>>, vector<1x16xf32>,
        %swap3A_147 = vector.shape_cast %swap3A_146 : vector<1x16xf32> to vector<16xf32>
        %swap3A_148 = vector.shape_cast %get3A_144 : vector<16xf32> to vector<1x16xf32>
        tpu.vector_store %arg14[%swap3A, %swap3A_145], %swap3A_148 {add = true, strides = array<i32>} : memref<128x64xf32, #tpu.memory_space<vmem>>, vector<1x16xf32>,
        %get3A_149 = arith.index_cast %scan3A_141 : i32 to index
        %get3A_150 = arith.constant 16 : index
        %get3A_151 = tpu.vector_load %arg15[%get3A_149, %get3A_150] {strides = array<i32>} : memref<128x64xf32, #tpu.memory_space<vmem>>, vector<1x16xf32>,
        %get3A_152 = vector.shape_cast %get3A_151 : vector<1x16xf32> to vector<16xf32>
        %swap3A_153 = arith.index_cast %scan3A_141 : i32 to index
        %swap3A_154 = arith.constant 16 : index
        %swap3A_155 = tpu.vector_load %arg14[%swap3A_153, %swap3A_154] {strides = array<i32>} : memref<128x64xf32, #tpu.memory_space<vmem>>, vector<1x16xf32>,
        %swap3A_156 = vector.shape_cast %swap3A_155 : vector<1x16xf32> to vector<16xf32>
        %swap3A_157 = vector.shape_cast %get3A_152 : vector<16xf32> to vector<1x16xf32>
        tpu.vector_store %arg14[%swap3A_153, %swap3A_154], %swap3A_157 {add = true, strides = array<i32>} : memref<128x64xf32, #tpu.memory_space<vmem>>, vector<1x16xf32>,
        %get3A_158 = arith.index_cast %scan3A_141 : i32 to index
        %get3A_159 = arith.constant 32 : index
        %get3A_160 = tpu.vector_load %arg15[%get3A_158, %get3A_159] {strides = array<i32>} : memref<128x64xf32, #tpu.memory_space<vmem>>, vector<1x16xf32>,
        %get3A_161 = vector.shape_cast %get3A_160 : vector<1x16xf32> to vector<16xf32>
        %swap3A_162 = arith.index_cast %scan3A_141 : i32 to index
        %swap3A_163 = arith.constant 32 : index
        %swap3A_164 = tpu.vector_load %arg14[%swap3A_162, %swap3A_163] {strides = array<i32>} : memref<128x64xf32, #tpu.memory_space<vmem>>, vector<1x16xf32>,
        %swap3A_165 = vector.shape_cast %swap3A_164 : vector<1x16xf32> to vector<16xf32>
        %swap3A_166 = vector.shape_cast %get3A_161 : vector<16xf32> to vector<1x16xf32>
        tpu.vector_store %arg14[%swap3A_162, %swap3A_163], %swap3A_166 {add = true, strides = array<i32>} : memref<128x64xf32, #tpu.memory_space<vmem>>, vector<1x16xf32>,
        %get3A_167 = arith.index_cast %scan3A_141 : i32 to index
        %get3A_168 = arith.constant 48 : index
        %get3A_169 = tpu.vector_load %arg15[%get3A_167, %get3A_168] {strides = array<i32>} : memref<128x64xf32, #tpu.memory_space<vmem>>, vector<1x16xf32>,
        %get3A_170 = vector.shape_cast %get3A_169 : vector<1x16xf32> to vector<16xf32>
        %swap3A_171 = arith.index_cast %scan3A_141 : i32 to index
        %swap3A_172 = arith.constant 48 : index
        %swap3A_173 = tpu.vector_load %arg14[%swap3A_171, %swap3A_172] {strides = array<i32>} : memref<128x64xf32, #tpu.memory_space<vmem>>, vector<1x16xf32>,
        %swap3A_174 = vector.shape_cast %swap3A_173 : vector<1x16xf32> to vector<16xf32>
        %swap3A_175 = vector.shape_cast %get3A_170 : vector<16xf32> to vector<1x16xf32>
        tpu.vector_store %arg14[%swap3A_171, %swap3A_172], %swap3A_175 {add = true, strides = array<i32>} : memref<128x64xf32, #tpu.memory_space<vmem>>, vector<1x16xf32>,
      }
      %scan3A_134 = arith.constant 128 : i32
      %mul3A_135 = arith.constant 128 : i32
      %mul3A_136 = arith.muli %add3A_122, %mul3A_135 : i32
      %add3A_137 = arith.addi %mul3A_2, %mul3A_136 : i32
      %mul3A_138 = arith.constant 80000 : i32
      %mul3A_139 = arith.muli %select_n3A, %mul3A_138 : i32
      %sub3A_140 = arith.subi %add3A_137, %mul3A_139 : i32
      "tpu.region"() ({
        %run_scoped3A = tpu.sem_alloc : memref<!tpu.dma_semaphore, #tpu.memory_space<semaphore_mem>>
        %dma_start3A_141 = tpu.memref_slice %arg6[%sub3A_140, %mul3A_20] : memref<80000x128xf32, #tpu.memory_space<hbm>> -> memref<128x64xf32, #tpu.memory_space<hbm>>
        %dma_start3A_142 = tpu.memref_slice %arg6[%sub3A_140, %mul3A_20] : memref<80000x128xf32, #tpu.memory_space<hbm>> -> memref<128x64xf32, #tpu.memory_space<hbm>>
        tpu.enqueue_dma source(%arg14 : memref<128x64xf32, #tpu.memory_space<vmem>>) target(%dma_start3A_142 : memref<128x64xf32, #tpu.memory_space<hbm>>) target_semaphore(%run_scoped3A : memref<!tpu.dma_semaphore, #tpu.memory_space<semaphore_mem>>)
        %dma_wait3A_143 = tpu.memref_slice %arg6[%sub3A_140, %mul3A_20] : memref<80000x128xf32, #tpu.memory_space<hbm>> -> memref<128x64xf32, #tpu.memory_space<hbm>>
        %dma_wait3A_144 = tpu.memref_slice %arg6[%sub3A_140, %mul3A_20] : memref<80000x128xf32, #tpu.memory_space<hbm>> -> memref<128x64xf32, #tpu.memory_space<hbm>>
        tpu.wait_dma2 semaphore(%run_scoped3A : memref<!tpu.dma_semaphore, #tpu.memory_space<semaphore_mem>>) src(%arg14 : memref<128x64xf32, #tpu.memory_space<vmem>>) dst(%dma_wait3A_144 : memref<128x64xf32, #tpu.memory_space<hbm>>)
        tpu.yield
      }) : () -> ()
    }
    %scan3A_32 = arith.constant 19 : i32
    %dma_wait3A = arith.constant 0 : i32
    %dma_wait3A_33 = arith.constant 0 : i32
    %dma_wait3A_34 = tpu.memref_slice %arg2[%dma_wait3A, %dma_wait3A_33] : memref<50000x64xf32, #tpu.memory_space<hbm>> -> memref<50000x64xf32, #tpu.memory_space<hbm>>
    tpu.wait_indirect_dma semaphore(%arg11 : memref<!tpu.dma_semaphore, #tpu.memory_space<semaphore_mem>>) src(%dma_wait3A_34 : memref<50000x64xf32, #tpu.memory_space<hbm>>) dst(%arg9 : memref<128x64xf32, #tpu.memory_space<vmem>>)
    %dma_wait3A_35 = arith.constant 0 : i32
    %dma_wait3A_36 = arith.constant 0 : i32
    %dma_wait3A_37 = tpu.memref_slice %arg3[%dma_wait3A_35, %dma_wait3A_36] : memref<50000x64xf32, #tpu.memory_space<hbm>> -> memref<50000x64xf32, #tpu.memory_space<hbm>>
    tpu.wait_indirect_dma semaphore(%arg11 : memref<!tpu.dma_semaphore, #tpu.memory_space<semaphore_mem>>) src(%dma_wait3A_37 : memref<50000x64xf32, #tpu.memory_space<hbm>>) dst(%arg10 : memref<128x64xf32, #tpu.memory_space<vmem>>)
    %scan3A_38 = arith.constant 0 : i32
    %scan3A_39 = arith.constant 0 : i32
    %scan3A_40 = arith.constant 128 : i32
    %scan3A_41 = arith.addi %scan3A_39, %scan3A_40 : i32
    %scan3A_42 = arith.constant 1 : i32
    scf.for %scan3A_72 = %scan3A_39 to %scan3A_41 step %scan3A_42  : i32 {
      %get3A = arith.index_cast %scan3A_72 : i32 to index
      %get3A_73 = arith.constant 0 : index
      %get3A_74 = tpu.vector_load %arg10[%get3A, %get3A_73] {strides = array<i32>} : memref<128x64xf32, #tpu.memory_space<vmem>>, vector<1x16xf32>,
      %get3A_75 = vector.shape_cast %get3A_74 : vector<1x16xf32> to vector<16xf32>
      %swap3A = arith.index_cast %scan3A_72 : i32 to index
      %swap3A_76 = arith.constant 0 : index
      %swap3A_77 = tpu.vector_load %arg9[%swap3A, %swap3A_76] {strides = array<i32>} : memref<128x64xf32, #tpu.memory_space<vmem>>, vector<1x16xf32>,
      %swap3A_78 = vector.shape_cast %swap3A_77 : vector<1x16xf32> to vector<16xf32>
      %swap3A_79 = vector.shape_cast %get3A_75 : vector<16xf32> to vector<1x16xf32>
      tpu.vector_store %arg9[%swap3A, %swap3A_76], %swap3A_79 {add = true, strides = array<i32>} : memref<128x64xf32, #tpu.memory_space<vmem>>, vector<1x16xf32>,
      %get3A_80 = arith.index_cast %scan3A_72 : i32 to index
      %get3A_81 = arith.constant 16 : index
      %get3A_82 = tpu.vector_load %arg10[%get3A_80, %get3A_81] {strides = array<i32>} : memref<128x64xf32, #tpu.memory_space<vmem>>, vector<1x16xf32>,
      %get3A_83 = vector.shape_cast %get3A_82 : vector<1x16xf32> to vector<16xf32>
      %swap3A_84 = arith.index_cast %scan3A_72 : i32 to index
      %swap3A_85 = arith.constant 16 : index
      %swap3A_86 = tpu.vector_load %arg9[%swap3A_84, %swap3A_85] {strides = array<i32>} : memref<128x64xf32, #tpu.memory_space<vmem>>, vector<1x16xf32>,
      %swap3A_87 = vector.shape_cast %swap3A_86 : vector<1x16xf32> to vector<16xf32>
      %swap3A_88 = vector.shape_cast %get3A_83 : vector<16xf32> to vector<1x16xf32>
      tpu.vector_store %arg9[%swap3A_84, %swap3A_85], %swap3A_88 {add = true, strides = array<i32>} : memref<128x64xf32, #tpu.memory_space<vmem>>, vector<1x16xf32>,
      %get3A_89 = arith.index_cast %scan3A_72 : i32 to index
      %get3A_90 = arith.constant 32 : index
      %get3A_91 = tpu.vector_load %arg10[%get3A_89, %get3A_90] {strides = array<i32>} : memref<128x64xf32, #tpu.memory_space<vmem>>, vector<1x16xf32>,
      %get3A_92 = vector.shape_cast %get3A_91 : vector<1x16xf32> to vector<16xf32>
      %swap3A_93 = arith.index_cast %scan3A_72 : i32 to index
      %swap3A_94 = arith.constant 32 : index
      %swap3A_95 = tpu.vector_load %arg9[%swap3A_93, %swap3A_94] {strides = array<i32>} : memref<128x64xf32, #tpu.memory_space<vmem>>, vector<1x16xf32>,
      %swap3A_96 = vector.shape_cast %swap3A_95 : vector<1x16xf32> to vector<16xf32>
      %swap3A_97 = vector.shape_cast %get3A_92 : vector<16xf32> to vector<1x16xf32>
      tpu.vector_store %arg9[%swap3A_93, %swap3A_94], %swap3A_97 {add = true, strides = array<i32>} : memref<128x64xf32, #tpu.memory_space<vmem>>, vector<1x16xf32>,
      %get3A_98 = arith.index_cast %scan3A_72 : i32 to index
      %get3A_99 = arith.constant 48 : index
      %get3A_100 = tpu.vector_load %arg10[%get3A_98, %get3A_99] {strides = array<i32>} : memref<128x64xf32, #tpu.memory_space<vmem>>, vector<1x16xf32>,
      %get3A_101 = vector.shape_cast %get3A_100 : vector<1x16xf32> to vector<16xf32>
      %swap3A_102 = arith.index_cast %scan3A_72 : i32 to index
      %swap3A_103 = arith.constant 48 : index
      %swap3A_104 = tpu.vector_load %arg9[%swap3A_102, %swap3A_103] {strides = array<i32>} : memref<128x64xf32, #tpu.memory_space<vmem>>, vector<1x16xf32>,
      %swap3A_105 = vector.shape_cast %swap3A_104 : vector<1x16xf32> to vector<16xf32>
      %swap3A_106 = vector.shape_cast %get3A_101 : vector<16xf32> to vector<1x16xf32>
      tpu.vector_store %arg9[%swap3A_102, %swap3A_103], %swap3A_106 {add = true, strides = array<i32>} : memref<128x64xf32, #tpu.memory_space<vmem>>, vector<1x16xf32>,
    }
    %scan3A_43 = arith.constant 128 : i32
    %add3A_44 = arith.constant 4864 : i32
    %add3A_45 = arith.addi %mul3A_2, %add3A_44 : i32
    %mul3A_46 = arith.constant 80000 : i32
    %mul3A_47 = arith.muli %select_n3A, %mul3A_46 : i32
    %sub3A_48 = arith.subi %add3A_45, %mul3A_47 : i32
    "tpu.region"() ({
      %run_scoped3A = tpu.sem_alloc : memref<!tpu.dma_semaphore, #tpu.memory_space<semaphore_mem>>
      %dma_start3A_72 = tpu.memref_slice %arg6[%sub3A_48, %mul3A_20] : memref<80000x128xf32, #tpu.memory_space<hbm>> -> memref<128x64xf32, #tpu.memory_space<hbm>>
      %dma_start3A_73 = tpu.memref_slice %arg6[%sub3A_48, %mul3A_20] : memref<80000x128xf32, #tpu.memory_space<hbm>> -> memref<128x64xf32, #tpu.memory_space<hbm>>
      tpu.enqueue_dma source(%arg9 : memref<128x64xf32, #tpu.memory_space<vmem>>) target(%dma_start3A_73 : memref<128x64xf32, #tpu.memory_space<hbm>>) target_semaphore(%run_scoped3A : memref<!tpu.dma_semaphore, #tpu.memory_space<semaphore_mem>>)
      %dma_wait3A_74 = tpu.memref_slice %arg6[%sub3A_48, %mul3A_20] : memref<80000x128xf32, #tpu.memory_space<hbm>> -> memref<128x64xf32, #tpu.memory_space<hbm>>
      %dma_wait3A_75 = tpu.memref_slice %arg6[%sub3A_48, %mul3A_20] : memref<80000x128xf32, #tpu.memory_space<hbm>> -> memref<128x64xf32, #tpu.memory_space<hbm>>
      tpu.wait_dma2 semaphore(%run_scoped3A : memref<!tpu.dma_semaphore, #tpu.memory_space<semaphore_mem>>) src(%arg9 : memref<128x64xf32, #tpu.memory_space<vmem>>) dst(%dma_wait3A_75 : memref<128x64xf32, #tpu.memory_space<hbm>>)
      tpu.yield
    }) : () -> ()
    %add3A_49 = arith.constant 4992 : i32
    %add3A_50 = arith.addi %mul3A_2, %add3A_49 : i32
    "tpu.region"() ({
      %run_scoped3A = tpu.sem_alloc : memref<!tpu.dma_semaphore, #tpu.memory_space<semaphore_mem>>
      %dma_start3A_72 = tpu.memref_slice %arg4[%add3A_50] : memref<160000xi32, #tpu.memory_space<hbm>> -> memref<8xi32, #tpu.memory_space<hbm>>
      %dma_start3A_73 = tpu.memref_slice %arg4[%add3A_50] : memref<160000xi32, #tpu.memory_space<hbm>> -> memref<8xi32, #tpu.memory_space<hbm>>
      tpu.enqueue_dma source(%dma_start3A_73 : memref<8xi32, #tpu.memory_space<hbm>>) target(%arg17 : memref<8xi32, #tpu.memory_space<vmem>>) target_semaphore(%run_scoped3A : memref<!tpu.dma_semaphore, #tpu.memory_space<semaphore_mem>>)
      %dma_wait3A_74 = tpu.memref_slice %arg4[%add3A_50] : memref<160000xi32, #tpu.memory_space<hbm>> -> memref<8xi32, #tpu.memory_space<hbm>>
      %dma_wait3A_75 = tpu.memref_slice %arg4[%add3A_50] : memref<160000xi32, #tpu.memory_space<hbm>> -> memref<8xi32, #tpu.memory_space<hbm>>
      tpu.wait_dma2 semaphore(%run_scoped3A : memref<!tpu.dma_semaphore, #tpu.memory_space<semaphore_mem>>) src(%dma_wait3A_75 : memref<8xi32, #tpu.memory_space<hbm>>) dst(%arg17 : memref<8xi32, #tpu.memory_space<vmem>>)
      tpu.yield
    }) : () -> ()
    "tpu.region"() ({
      %run_scoped3A = tpu.sem_alloc : memref<!tpu.dma_semaphore, #tpu.memory_space<semaphore_mem>>
      %dma_start3A_72 = tpu.memref_slice %arg5[%add3A_50] : memref<160000xi32, #tpu.memory_space<hbm>> -> memref<8xi32, #tpu.memory_space<hbm>>
      %dma_start3A_73 = tpu.memref_slice %arg5[%add3A_50] : memref<160000xi32, #tpu.memory_space<hbm>> -> memref<8xi32, #tpu.memory_space<hbm>>
      tpu.enqueue_dma source(%dma_start3A_73 : memref<8xi32, #tpu.memory_space<hbm>>) target(%arg18 : memref<8xi32, #tpu.memory_space<vmem>>) target_semaphore(%run_scoped3A : memref<!tpu.dma_semaphore, #tpu.memory_space<semaphore_mem>>)
      %dma_wait3A_74 = tpu.memref_slice %arg5[%add3A_50] : memref<160000xi32, #tpu.memory_space<hbm>> -> memref<8xi32, #tpu.memory_space<hbm>>
      %dma_wait3A_75 = tpu.memref_slice %arg5[%add3A_50] : memref<160000xi32, #tpu.memory_space<hbm>> -> memref<8xi32, #tpu.memory_space<hbm>>
      tpu.wait_dma2 semaphore(%run_scoped3A : memref<!tpu.dma_semaphore, #tpu.memory_space<semaphore_mem>>) src(%dma_wait3A_75 : memref<8xi32, #tpu.memory_space<hbm>>) dst(%arg18 : memref<8xi32, #tpu.memory_space<vmem>>)
      tpu.yield
    }) : () -> ()
    %dma_start3A_51 = arith.constant 0 : i32
    %dma_start3A_52 = arith.constant 0 : i32
    %dma_start3A_53 = tpu.memref_slice %arg2[%dma_start3A_51, %dma_start3A_52] : memref<50000x64xf32, #tpu.memory_space<hbm>> -> memref<50000x64xf32, #tpu.memory_space<hbm>>
    tpu.enqueue_indirect_dma source(%dma_start3A_53 : memref<50000x64xf32, #tpu.memory_space<hbm>>) target(%arg19 : memref<8x64xf32, #tpu.memory_space<vmem>>) offsets(%arg17 : memref<8xi32, #tpu.memory_space<vmem>>) semaphore(%arg16 : memref<!tpu.dma_semaphore, #tpu.memory_space<semaphore_mem>>)
    %dma_start3A_54 = arith.constant 0 : i32
    %dma_start3A_55 = arith.constant 0 : i32
    %dma_start3A_56 = tpu.memref_slice %arg3[%dma_start3A_54, %dma_start3A_55] : memref<50000x64xf32, #tpu.memory_space<hbm>> -> memref<50000x64xf32, #tpu.memory_space<hbm>>
    tpu.enqueue_indirect_dma source(%dma_start3A_56 : memref<50000x64xf32, #tpu.memory_space<hbm>>) target(%arg20 : memref<8x64xf32, #tpu.memory_space<vmem>>) offsets(%arg18 : memref<8xi32, #tpu.memory_space<vmem>>) semaphore(%arg16 : memref<!tpu.dma_semaphore, #tpu.memory_space<semaphore_mem>>)
    %dma_wait3A_57 = arith.constant 0 : i32
    %dma_wait3A_58 = arith.constant 0 : i32
    %dma_wait3A_59 = tpu.memref_slice %arg2[%dma_wait3A_57, %dma_wait3A_58] : memref<50000x64xf32, #tpu.memory_space<hbm>> -> memref<50000x64xf32, #tpu.memory_space<hbm>>
    tpu.wait_indirect_dma semaphore(%arg16 : memref<!tpu.dma_semaphore, #tpu.memory_space<semaphore_mem>>) src(%dma_wait3A_59 : memref<50000x64xf32, #tpu.memory_space<hbm>>) dst(%arg19 : memref<8x64xf32, #tpu.memory_space<vmem>>)
    %dma_wait3A_60 = arith.constant 0 : i32
    %dma_wait3A_61 = arith.constant 0 : i32
    %dma_wait3A_62 = tpu.memref_slice %arg3[%dma_wait3A_60, %dma_wait3A_61] : memref<50000x64xf32, #tpu.memory_space<hbm>> -> memref<50000x64xf32, #tpu.memory_space<hbm>>
    tpu.wait_indirect_dma semaphore(%arg16 : memref<!tpu.dma_semaphore, #tpu.memory_space<semaphore_mem>>) src(%dma_wait3A_62 : memref<50000x64xf32, #tpu.memory_space<hbm>>) dst(%arg20 : memref<8x64xf32, #tpu.memory_space<vmem>>)
    %scan3A_63 = arith.constant 0 : i32
    %scan3A_64 = arith.constant 0 : i32
    %scan3A_65 = arith.constant 8 : i32
    %scan3A_66 = arith.addi %scan3A_64, %scan3A_65 : i32
    %scan3A_67 = arith.constant 1 : i32
    scf.for %scan3A_72 = %scan3A_64 to %scan3A_66 step %scan3A_67  : i32 {
      %get3A = arith.index_cast %scan3A_72 : i32 to index
      %get3A_73 = arith.constant 0 : index
      %get3A_74 = tpu.vector_load %arg20[%get3A, %get3A_73] {strides = array<i32>} : memref<8x64xf32, #tpu.memory_space<vmem>>, vector<1x16xf32>,
      %get3A_75 = vector.shape_cast %get3A_74 : vector<1x16xf32> to vector<16xf32>
      %swap3A = arith.index_cast %scan3A_72 : i32 to index
      %swap3A_76 = arith.constant 0 : index
      %swap3A_77 = tpu.vector_load %arg19[%swap3A, %swap3A_76] {strides = array<i32>} : memref<8x64xf32, #tpu.memory_space<vmem>>, vector<1x16xf32>,
      %swap3A_78 = vector.shape_cast %swap3A_77 : vector<1x16xf32> to vector<16xf32>
      %swap3A_79 = vector.shape_cast %get3A_75 : vector<16xf32> to vector<1x16xf32>
      tpu.vector_store %arg19[%swap3A, %swap3A_76], %swap3A_79 {add = true, strides = array<i32>} : memref<8x64xf32, #tpu.memory_space<vmem>>, vector<1x16xf32>,
      %get3A_80 = arith.index_cast %scan3A_72 : i32 to index
      %get3A_81 = arith.constant 16 : index
      %get3A_82 = tpu.vector_load %arg20[%get3A_80, %get3A_81] {strides = array<i32>} : memref<8x64xf32, #tpu.memory_space<vmem>>, vector<1x16xf32>,
      %get3A_83 = vector.shape_cast %get3A_82 : vector<1x16xf32> to vector<16xf32>
      %swap3A_84 = arith.index_cast %scan3A_72 : i32 to index
      %swap3A_85 = arith.constant 16 : index
      %swap3A_86 = tpu.vector_load %arg19[%swap3A_84, %swap3A_85] {strides = array<i32>} : memref<8x64xf32, #tpu.memory_space<vmem>>, vector<1x16xf32>,
      %swap3A_87 = vector.shape_cast %swap3A_86 : vector<1x16xf32> to vector<16xf32>
      %swap3A_88 = vector.shape_cast %get3A_83 : vector<16xf32> to vector<1x16xf32>
      tpu.vector_store %arg19[%swap3A_84, %swap3A_85], %swap3A_88 {add = true, strides = array<i32>} : memref<8x64xf32, #tpu.memory_space<vmem>>, vector<1x16xf32>,
      %get3A_89 = arith.index_cast %scan3A_72 : i32 to index
      %get3A_90 = arith.constant 32 : index
      %get3A_91 = tpu.vector_load %arg20[%get3A_89, %get3A_90] {strides = array<i32>} : memref<8x64xf32, #tpu.memory_space<vmem>>, vector<1x16xf32>,
      %get3A_92 = vector.shape_cast %get3A_91 : vector<1x16xf32> to vector<16xf32>
      %swap3A_93 = arith.index_cast %scan3A_72 : i32 to index
      %swap3A_94 = arith.constant 32 : index
      %swap3A_95 = tpu.vector_load %arg19[%swap3A_93, %swap3A_94] {strides = array<i32>} : memref<8x64xf32, #tpu.memory_space<vmem>>, vector<1x16xf32>,
      %swap3A_96 = vector.shape_cast %swap3A_95 : vector<1x16xf32> to vector<16xf32>
      %swap3A_97 = vector.shape_cast %get3A_92 : vector<16xf32> to vector<1x16xf32>
      tpu.vector_store %arg19[%swap3A_93, %swap3A_94], %swap3A_97 {add = true, strides = array<i32>} : memref<8x64xf32, #tpu.memory_space<vmem>>, vector<1x16xf32>,
      %get3A_98 = arith.index_cast %scan3A_72 : i32 to index
      %get3A_99 = arith.constant 48 : index
      %get3A_100 = tpu.vector_load %arg20[%get3A_98, %get3A_99] {strides = array<i32>} : memref<8x64xf32, #tpu.memory_space<vmem>>, vector<1x16xf32>,
      %get3A_101 = vector.shape_cast %get3A_100 : vector<1x16xf32> to vector<16xf32>
      %swap3A_102 = arith.index_cast %scan3A_72 : i32 to index
      %swap3A_103 = arith.constant 48 : index
      %swap3A_104 = tpu.vector_load %arg19[%swap3A_102, %swap3A_103] {strides = array<i32>} : memref<8x64xf32, #tpu.memory_space<vmem>>, vector<1x16xf32>,
      %swap3A_105 = vector.shape_cast %swap3A_104 : vector<1x16xf32> to vector<16xf32>
      %swap3A_106 = vector.shape_cast %get3A_101 : vector<16xf32> to vector<1x16xf32>
      tpu.vector_store %arg19[%swap3A_102, %swap3A_103], %swap3A_106 {add = true, strides = array<i32>} : memref<8x64xf32, #tpu.memory_space<vmem>>, vector<1x16xf32>,
    }
    %scan3A_68 = arith.constant 8 : i32
    %mul3A_69 = arith.constant 80000 : i32
    %mul3A_70 = arith.muli %select_n3A, %mul3A_69 : i32
    %sub3A_71 = arith.subi %add3A_50, %mul3A_70 : i32
    "tpu.region"() ({
      %run_scoped3A = tpu.sem_alloc : memref<!tpu.dma_semaphore, #tpu.memory_space<semaphore_mem>>
      %dma_start3A_72 = tpu.memref_slice %arg6[%sub3A_71, %mul3A_20] : memref<80000x128xf32, #tpu.memory_space<hbm>> -> memref<8x64xf32, #tpu.memory_space<hbm>>
      %dma_start3A_73 = tpu.memref_slice %arg6[%sub3A_71, %mul3A_20] : memref<80000x128xf32, #tpu.memory_space<hbm>> -> memref<8x64xf32, #tpu.memory_space<hbm>>
      tpu.enqueue_dma source(%arg19 : memref<8x64xf32, #tpu.memory_space<vmem>>) target(%dma_start3A_73 : memref<8x64xf32, #tpu.memory_space<hbm>>) target_semaphore(%run_scoped3A : memref<!tpu.dma_semaphore, #tpu.memory_space<semaphore_mem>>)
      %dma_wait3A_74 = tpu.memref_slice %arg6[%sub3A_71, %mul3A_20] : memref<80000x128xf32, #tpu.memory_space<hbm>> -> memref<8x64xf32, #tpu.memory_space<hbm>>
      %dma_wait3A_75 = tpu.memref_slice %arg6[%sub3A_71, %mul3A_20] : memref<80000x128xf32, #tpu.memory_space<hbm>> -> memref<8x64xf32, #tpu.memory_space<hbm>>
      tpu.wait_dma2 semaphore(%run_scoped3A : memref<!tpu.dma_semaphore, #tpu.memory_space<semaphore_mem>>) src(%arg19 : memref<8x64xf32, #tpu.memory_space<vmem>>) dst(%dma_wait3A_75 : memref<8x64xf32, #tpu.memory_space<hbm>>)
      tpu.yield
    }) : () -> ()
    return
  }
}

#map = affine_map<(d0, d1) -> (0, 0)>
#map1 = affine_map<(d0, d1) -> (0)>
module attributes {stable_mosaic.version = 14 : i64} {
  func.func @gather_sum(%arg0: i32, %arg1: i32, %arg2: memref<50000x64xf32, #tpu.memory_space<hbm>>, %arg3: memref<50000x64xf32, #tpu.memory_space<hbm>>, %arg4: memref<160000xi32, #tpu.memory_space<hbm>>, %arg5: memref<160000xi32, #tpu.memory_space<hbm>>, %arg6: memref<80000x128xf32, #tpu.memory_space<hbm>>, %arg7: memref<128xi32, #tpu.memory_space<vmem>>, %arg8: memref<128xi32, #tpu.memory_space<vmem>>, %arg9: memref<128x64xf32, #tpu.memory_space<vmem>>, %arg10: memref<128x64xf32, #tpu.memory_space<vmem>>, %arg11: memref<!tpu.dma_semaphore, #tpu.memory_space<semaphore_mem>>, %arg12: memref<128xi32, #tpu.memory_space<vmem>>, %arg13: memref<128xi32, #tpu.memory_space<vmem>>, %arg14: memref<128x64xf32, #tpu.memory_space<vmem>>, %arg15: memref<128x64xf32, #tpu.memory_space<vmem>>, %arg16: memref<!tpu.dma_semaphore, #tpu.memory_space<semaphore_mem>>, %arg17: memref<8xi32, #tpu.memory_space<vmem>>, %arg18: memref<8xi32, #tpu.memory_space<vmem>>, %arg19: memref<8x64xf32, #tpu.memory_space<vmem>>, %arg20: memref<8x64xf32, #tpu.memory_space<vmem>>) attributes {dimension_semantics = [#tpu.dimension_semantics<core_parallel>, #tpu.dimension_semantics<subcore_parallel>], iteration_bounds = array<i64: 2, 16>, scalar_prefetch = 0 : i64, scratch_operands = 14 : i64, tpu.core_type = #tpu.core_type<sc_vector_subcore>, window_params = [{transform_indices = #map}, {transform_indices = #map}, {transform_indices = #map1}, {transform_indices = #map1}, {transform_indices = #map}]} {
    %mul3A = arith.constant 2 : i32
    %mul3A_0 = arith.muli %arg1, %mul3A : i32
    %add3A = arith.addi %mul3A_0, %arg0 : i32
    %mul3A_1 = arith.constant 5000 : i32
    %mul3A_2 = arith.muli %add3A, %mul3A_1 : i32
    %jit3A = arith.constant 80000 : i32
    %div3A = arith.divsi %mul3A_2, %jit3A : i32
    %sign3A = arith.constant 0 : i32
    %sign3A_3 = arith.cmpi sgt, %mul3A_2, %sign3A : i32
    %sign3A_4 = arith.extui %sign3A_3 : i1 to i32
    %sign3A_5 = arith.constant 0 : i32
    %sign3A_6 = arith.cmpi slt, %mul3A_2, %sign3A_5 : i32
    %sign3A_7 = arith.extui %sign3A_6 : i1 to i32
    %sign3A_8 = arith.subi %sign3A_4, %sign3A_7 : i32
    %sign3A_9 = arith.constant 0 : i32
    %sign3A_10 = arith.cmpi sgt, %jit3A, %sign3A_9 : i32
    %sign3A_11 = arith.extui %sign3A_10 : i1 to i32
    %sign3A_12 = arith.constant 0 : i32
    %sign3A_13 = arith.cmpi slt, %jit3A, %sign3A_12 : i32
    %sign3A_14 = arith.extui %sign3A_13 : i1 to i32
    %sign3A_15 = arith.subi %sign3A_11, %sign3A_14 : i32
    %ne3A = arith.cmpi ne, %sign3A_8, %sign3A_15 : i32
    %rem3A = arith.remsi %mul3A_2, %jit3A : i32
    %ne3A_16 = arith.constant 0 : i32
    %ne3A_17 = arith.cmpi ne, %rem3A, %ne3A_16 : i32
    %and3A = arith.andi %ne3A, %ne3A_17 : i1
    %sub3A = arith.constant 1 : i32
    %sub3A_18 = arith.subi %div3A, %sub3A : i32
    %select_n3A = arith.select %and3A, %sub3A_18, %div3A : i32
    %mul3A_19 = arith.constant 64 : i32
    %mul3A_20 = arith.muli %select_n3A, %mul3A_19 : i32
    %add3A_21 = arith.constant 0 : i32
    %add3A_22 = arith.addi %mul3A_2, %add3A_21 : i32
    "tpu.region"() ({
      %run_scoped3A = tpu.sem_alloc : memref<!tpu.dma_semaphore, #tpu.memory_space<semaphore_mem>>
      %dma_start3A_72 = tpu.memref_slice %arg4[%add3A_22] : memref<160000xi32, #tpu.memory_space<hbm>> -> memref<128xi32, #tpu.memory_space<hbm>>
      %dma_start3A_73 = tpu.memref_slice %arg4[%add3A_22] : memref<160000xi32, #tpu.memory_space<hbm>> -> memref<128xi32, #tpu.memory_space<hbm>>
      tpu.enqueue_dma source(%dma_start3A_73 : memref<128xi32, #tpu.memory_space<hbm>>) target(%arg7 : memref<128xi32, #tpu.memory_space<vmem>>) target_semaphore(%run_scoped3A : memref<!tpu.dma_semaphore, #tpu.memory_space<semaphore_mem>>)
      %dma_wait3A_74 = tpu.memref_slice %arg4[%add3A_22] : memref<160000xi32, #tpu.memory_space<hbm>> -> memref<128xi32, #tpu.memory_space<hbm>>
      %dma_wait3A_75 = tpu.memref_slice %arg4[%add3A_22] : memref<160000xi32, #tpu.memory_space<hbm>> -> memref<128xi32, #tpu.memory_space<hbm>>
      tpu.wait_dma2 semaphore(%run_scoped3A : memref<!tpu.dma_semaphore, #tpu.memory_space<semaphore_mem>>) src(%dma_wait3A_75 : memref<128xi32, #tpu.memory_space<hbm>>) dst(%arg7 : memref<128xi32, #tpu.memory_space<vmem>>)
      tpu.yield
    }) : () -> ()
    "tpu.region"() ({
      %run_scoped3A = tpu.sem_alloc : memref<!tpu.dma_semaphore, #tpu.memory_space<semaphore_mem>>
      %dma_start3A_72 = tpu.memref_slice %arg5[%add3A_22] : memref<160000xi32, #tpu.memory_space<hbm>> -> memref<128xi32, #tpu.memory_space<hbm>>
      %dma_start3A_73 = tpu.memref_slice %arg5[%add3A_22] : memref<160000xi32, #tpu.memory_space<hbm>> -> memref<128xi32, #tpu.memory_space<hbm>>
      tpu.enqueue_dma source(%dma_start3A_73 : memref<128xi32, #tpu.memory_space<hbm>>) target(%arg8 : memref<128xi32, #tpu.memory_space<vmem>>) target_semaphore(%run_scoped3A : memref<!tpu.dma_semaphore, #tpu.memory_space<semaphore_mem>>)
      %dma_wait3A_74 = tpu.memref_slice %arg5[%add3A_22] : memref<160000xi32, #tpu.memory_space<hbm>> -> memref<128xi32, #tpu.memory_space<hbm>>
      %dma_wait3A_75 = tpu.memref_slice %arg5[%add3A_22] : memref<160000xi32, #tpu.memory_space<hbm>> -> memref<128xi32, #tpu.memory_space<hbm>>
      tpu.wait_dma2 semaphore(%run_scoped3A : memref<!tpu.dma_semaphore, #tpu.memory_space<semaphore_mem>>) src(%dma_wait3A_75 : memref<128xi32, #tpu.memory_space<hbm>>) dst(%arg8 : memref<128xi32, #tpu.memory_space<vmem>>)
      tpu.yield
    }) : () -> ()
    %dma_start3A = arith.constant 0 : i32
    %dma_start3A_23 = arith.constant 0 : i32
    %dma_start3A_24 = tpu.memref_slice %arg2[%dma_start3A, %dma_start3A_23] : memref<50000x64xf32, #tpu.memory_space<hbm>> -> memref<50000x64xf32, #tpu.memory_space<hbm>>
    tpu.enqueue_indirect_dma source(%dma_start3A_24 : memref<50000x64xf32, #tpu.memory_space<hbm>>) target(%arg9 : memref<128x64xf32, #tpu.memory_space<vmem>>) offsets(%arg7 : memref<128xi32, #tpu.memory_space<vmem>>) semaphore(%arg11 : memref<!tpu.dma_semaphore, #tpu.memory_space<semaphore_mem>>)
    %dma_start3A_25 = arith.constant 0 : i32
    %dma_start3A_26 = arith.constant 0 : i32
    %dma_start3A_27 = tpu.memref_slice %arg3[%dma_start3A_25, %dma_start3A_26] : memref<50000x64xf32, #tpu.memory_space<hbm>> -> memref<50000x64xf32, #tpu.memory_space<hbm>>
    tpu.enqueue_indirect_dma source(%dma_start3A_27 : memref<50000x64xf32, #tpu.memory_space<hbm>>) target(%arg10 : memref<128x64xf32, #tpu.memory_space<vmem>>) offsets(%arg8 : memref<128xi32, #tpu.memory_space<vmem>>) semaphore(%arg11 : memref<!tpu.dma_semaphore, #tpu.memory_space<semaphore_mem>>)
    %scan3A = arith.constant 0 : i32
    %scan3A_28 = arith.constant 0 : i32
    %scan3A_29 = arith.constant 19 : i32
    %scan3A_30 = arith.addi %scan3A_28, %scan3A_29 : i32
    %scan3A_31 = arith.constant 1 : i32
    scf.for %scan3A_72 = %scan3A_28 to %scan3A_30 step %scan3A_31  : i32 {
      %mul3A_73 = arith.constant 2 : i32
      %mul3A_74 = arith.muli %mul3A_73, %scan3A_72 : i32
      %add3A_75 = arith.constant 1 : i32
      %add3A_76 = arith.addi %mul3A_74, %add3A_75 : i32
      %mul3A_77 = arith.constant 128 : i32
      %mul3A_78 = arith.muli %add3A_76, %mul3A_77 : i32
      %add3A_79 = arith.addi %mul3A_2, %mul3A_78 : i32
      "tpu.region"() ({
        %run_scoped3A = tpu.sem_alloc : memref<!tpu.dma_semaphore, #tpu.memory_space<semaphore_mem>>
        %dma_start3A_141 = tpu.memref_slice %arg4[%add3A_79] : memref<160000xi32, #tpu.memory_space<hbm>> -> memref<128xi32, #tpu.memory_space<hbm>>
        %dma_start3A_142 = tpu.memref_slice %arg4[%add3A_79] : memref<160000xi32, #tpu.memory_space<hbm>> -> memref<128xi32, #tpu.memory_space<hbm>>
        tpu.enqueue_dma source(%dma_start3A_142 : memref<128xi32, #tpu.memory_space<hbm>>) target(%arg12 : memref<128xi32, #tpu.memory_space<vmem>>) target_semaphore(%run_scoped3A : memref<!tpu.dma_semaphore, #tpu.memory_space<semaphore_mem>>)
        %dma_wait3A_143 = tpu.memref_slice %arg4[%add3A_79] : memref<160000xi32, #tpu.memory_space<hbm>> -> memref<128xi32, #tpu.memory_space<hbm>>
        %dma_wait3A_144 = tpu.memref_slice %arg4[%add3A_79] : memref<160000xi32, #tpu.memory_space<hbm>> -> memref<128xi32, #tpu.memory_space<hbm>>
        tpu.wait_dma2 semaphore(%run_scoped3A : memref<!tpu.dma_semaphore, #tpu.memory_space<semaphore_mem>>) src(%dma_wait3A_144 : memref<128xi32, #tpu.memory_space<hbm>>) dst(%arg12 : memref<128xi32, #tpu.memory_space<vmem>>)
        tpu.yield
      }) : () -> ()
      "tpu.region"() ({
        %run_scoped3A = tpu.sem_alloc : memref<!tpu.dma_semaphore, #tpu.memory_space<semaphore_mem>>
        %dma_start3A_141 = tpu.memref_slice %arg5[%add3A_79] : memref<160000xi32, #tpu.memory_space<hbm>> -> memref<128xi32, #tpu.memory_space<hbm>>
        %dma_start3A_142 = tpu.memref_slice %arg5[%add3A_79] : memref<160000xi32, #tpu.memory_space<hbm>> -> memref<128xi32, #tpu.memory_space<hbm>>
        tpu.enqueue_dma source(%dma_start3A_142 : memref<128xi32, #tpu.memory_space<hbm>>) target(%arg13 : memref<128xi32, #tpu.memory_space<vmem>>) target_semaphore(%run_scoped3A : memref<!tpu.dma_semaphore, #tpu.memory_space<semaphore_mem>>)
        %dma_wait3A_143 = tpu.memref_slice %arg5[%add3A_79] : memref<160000xi32, #tpu.memory_space<hbm>> -> memref<128xi32, #tpu.memory_space<hbm>>
        %dma_wait3A_144 = tpu.memref_slice %arg5[%add3A_79] : memref<160000xi32, #tpu.memory_space<hbm>> -> memref<128xi32, #tpu.memory_space<hbm>>
        tpu.wait_dma2 semaphore(%run_scoped3A : memref<!tpu.dma_semaphore, #tpu.memory_space<semaphore_mem>>) src(%dma_wait3A_144 : memref<128xi32, #tpu.memory_space<hbm>>) dst(%arg13 : memref<128xi32, #tpu.memory_space<vmem>>)
        tpu.yield
      }) : () -> ()
      %dma_start3A_80 = arith.constant 0 : i32
      %dma_start3A_81 = arith.constant 0 : i32
      %dma_start3A_82 = tpu.memref_slice %arg2[%dma_start3A_80, %dma_start3A_81] : memref<50000x64xf32, #tpu.memory_space<hbm>> -> memref<50000x64xf32, #tpu.memory_space<hbm>>
      tpu.enqueue_indirect_dma source(%dma_start3A_82 : memref<50000x64xf32, #tpu.memory_space<hbm>>) target(%arg14 : memref<128x64xf32, #tpu.memory_space<vmem>>) offsets(%arg12 : memref<128xi32, #tpu.memory_space<vmem>>) semaphore(%arg16 : memref<!tpu.dma_semaphore, #tpu.memory_space<semaphore_mem>>)
      %dma_start3A_83 = arith.constant 0 : i32
      %dma_start3A_84 = arith.constant 0 : i32
      %dma_start3A_85 = tpu.memref_slice %arg3[%dma_start3A_83, %dma_start3A_84] : memref<50000x64xf32, #tpu.memory_space<hbm>> -> memref<50000x64xf32, #tpu.memory_space<hbm>>
      tpu.enqueue_indirect_dma source(%dma_start3A_85 : memref<50000x64xf32, #tpu.memory_space<hbm>>) target(%arg15 : memref<128x64xf32, #tpu.memory_space<vmem>>) offsets(%arg13 : memref<128xi32, #tpu.memory_space<vmem>>) semaphore(%arg16 : memref<!tpu.dma_semaphore, #tpu.memory_space<semaphore_mem>>)
      %mul3A_86 = arith.constant 2 : i32
      %mul3A_87 = arith.muli %mul3A_86, %scan3A_72 : i32
      %dma_wait3A_88 = arith.constant 0 : i32
      %dma_wait3A_89 = arith.constant 0 : i32
      %dma_wait3A_90 = tpu.memref_slice %arg2[%dma_wait3A_88, %dma_wait3A_89] : memref<50000x64xf32, #tpu.memory_space<hbm>> -> memref<50000x64xf32, #tpu.memory_space<hbm>>
      tpu.wait_indirect_dma semaphore(%arg11 : memref<!tpu.dma_semaphore, #tpu.memory_space<semaphore_mem>>) src(%dma_wait3A_90 : memref<50000x64xf32, #tpu.memory_space<hbm>>) dst(%arg9 : memref<128x64xf32, #tpu.memory_space<vmem>>)
      %dma_wait3A_91 = arith.constant 0 : i32
      %dma_wait3A_92 = arith.constant 0 : i32
      %dma_wait3A_93 = tpu.memref_slice %arg3[%dma_wait3A_91, %dma_wait3A_92] : memref<50000x64xf32, #tpu.memory_space<hbm>> -> memref<50000x64xf32, #tpu.memory_space<hbm>>
      tpu.wait_indirect_dma semaphore(%arg11 : memref<!tpu.dma_semaphore, #tpu.memory_space<semaphore_mem>>) src(%dma_wait3A_93 : memref<50000x64xf32, #tpu.memory_space<hbm>>) dst(%arg10 : memref<128x64xf32, #tpu.memory_space<vmem>>)
      %scan3A_94 = arith.constant 0 : i32
      %scan3A_95 = arith.constant 0 : i32
      %scan3A_96 = arith.constant 128 : i32
      %scan3A_97 = arith.addi %scan3A_95, %scan3A_96 : i32
      %scan3A_98 = arith.constant 1 : i32
      scf.for %scan3A_141 = %scan3A_95 to %scan3A_97 step %scan3A_98  : i32 {
        %get3A = arith.index_cast %scan3A_141 : i32 to index
        %get3A_142 = arith.constant 0 : index
        %get3A_143 = tpu.vector_load %arg10[%get3A, %get3A_142] {strides = array<i32>} : memref<128x64xf32, #tpu.memory_space<vmem>>, vector<1x16xf32>,
        %get3A_144 = vector.shape_cast %get3A_143 : vector<1x16xf32> to vector<16xf32>
        %swap3A = arith.index_cast %scan3A_141 : i32 to index
        %swap3A_145 = arith.constant 0 : index
        %swap3A_146 = tpu.vector_load %arg9[%swap3A, %swap3A_145] {strides = array<i32>} : memref<128x64xf32, #tpu.memory_space<vmem>>, vector<1x16xf32>,
        %swap3A_147 = vector.shape_cast %swap3A_146 : vector<1x16xf32> to vector<16xf32>
        %swap3A_148 = vector.shape_cast %get3A_144 : vector<16xf32> to vector<1x16xf32>
        tpu.vector_store %arg9[%swap3A, %swap3A_145], %swap3A_148 {add = true, strides = array<i32>} : memref<128x64xf32, #tpu.memory_space<vmem>>, vector<1x16xf32>,
        %get3A_149 = arith.index_cast %scan3A_141 : i32 to index
        %get3A_150 = arith.constant 16 : index
        %get3A_151 = tpu.vector_load %arg10[%get3A_149, %get3A_150] {strides = array<i32>} : memref<128x64xf32, #tpu.memory_space<vmem>>, vector<1x16xf32>,
        %get3A_152 = vector.shape_cast %get3A_151 : vector<1x16xf32> to vector<16xf32>
        %swap3A_153 = arith.index_cast %scan3A_141 : i32 to index
        %swap3A_154 = arith.constant 16 : index
        %swap3A_155 = tpu.vector_load %arg9[%swap3A_153, %swap3A_154] {strides = array<i32>} : memref<128x64xf32, #tpu.memory_space<vmem>>, vector<1x16xf32>,
        %swap3A_156 = vector.shape_cast %swap3A_155 : vector<1x16xf32> to vector<16xf32>
        %swap3A_157 = vector.shape_cast %get3A_152 : vector<16xf32> to vector<1x16xf32>
        tpu.vector_store %arg9[%swap3A_153, %swap3A_154], %swap3A_157 {add = true, strides = array<i32>} : memref<128x64xf32, #tpu.memory_space<vmem>>, vector<1x16xf32>,
        %get3A_158 = arith.index_cast %scan3A_141 : i32 to index
        %get3A_159 = arith.constant 32 : index
        %get3A_160 = tpu.vector_load %arg10[%get3A_158, %get3A_159] {strides = array<i32>} : memref<128x64xf32, #tpu.memory_space<vmem>>, vector<1x16xf32>,
        %get3A_161 = vector.shape_cast %get3A_160 : vector<1x16xf32> to vector<16xf32>
        %swap3A_162 = arith.index_cast %scan3A_141 : i32 to index
        %swap3A_163 = arith.constant 32 : index
        %swap3A_164 = tpu.vector_load %arg9[%swap3A_162, %swap3A_163] {strides = array<i32>} : memref<128x64xf32, #tpu.memory_space<vmem>>, vector<1x16xf32>,
        %swap3A_165 = vector.shape_cast %swap3A_164 : vector<1x16xf32> to vector<16xf32>
        %swap3A_166 = vector.shape_cast %get3A_161 : vector<16xf32> to vector<1x16xf32>
        tpu.vector_store %arg9[%swap3A_162, %swap3A_163], %swap3A_166 {add = true, strides = array<i32>} : memref<128x64xf32, #tpu.memory_space<vmem>>, vector<1x16xf32>,
        %get3A_167 = arith.index_cast %scan3A_141 : i32 to index
        %get3A_168 = arith.constant 48 : index
        %get3A_169 = tpu.vector_load %arg10[%get3A_167, %get3A_168] {strides = array<i32>} : memref<128x64xf32, #tpu.memory_space<vmem>>, vector<1x16xf32>,
        %get3A_170 = vector.shape_cast %get3A_169 : vector<1x16xf32> to vector<16xf32>
        %swap3A_171 = arith.index_cast %scan3A_141 : i32 to index
        %swap3A_172 = arith.constant 48 : index
        %swap3A_173 = tpu.vector_load %arg9[%swap3A_171, %swap3A_172] {strides = array<i32>} : memref<128x64xf32, #tpu.memory_space<vmem>>, vector<1x16xf32>,
        %swap3A_174 = vector.shape_cast %swap3A_173 : vector<1x16xf32> to vector<16xf32>
        %swap3A_175 = vector.shape_cast %get3A_170 : vector<16xf32> to vector<1x16xf32>
        tpu.vector_store %arg9[%swap3A_171, %swap3A_172], %swap3A_175 {add = true, strides = array<i32>} : memref<128x64xf32, #tpu.memory_space<vmem>>, vector<1x16xf32>,
      }
      %scan3A_99 = arith.constant 128 : i32
      %mul3A_100 = arith.constant 128 : i32
      %mul3A_101 = arith.muli %mul3A_87, %mul3A_100 : i32
      %add3A_102 = arith.addi %mul3A_2, %mul3A_101 : i32
      %mul3A_103 = arith.constant 80000 : i32
      %mul3A_104 = arith.muli %select_n3A, %mul3A_103 : i32
      %sub3A_105 = arith.subi %add3A_102, %mul3A_104 : i32
      "tpu.region"() ({
        %run_scoped3A = tpu.sem_alloc : memref<!tpu.dma_semaphore, #tpu.memory_space<semaphore_mem>>
        %dma_start3A_141 = tpu.memref_slice %arg6[%sub3A_105, %mul3A_20] : memref<80000x128xf32, #tpu.memory_space<hbm>> -> memref<128x64xf32, #tpu.memory_space<hbm>>
        %dma_start3A_142 = tpu.memref_slice %arg6[%sub3A_105, %mul3A_20] : memref<80000x128xf32, #tpu.memory_space<hbm>> -> memref<128x64xf32, #tpu.memory_space<hbm>>
        tpu.enqueue_dma source(%arg9 : memref<128x64xf32, #tpu.memory_space<vmem>>) target(%dma_start3A_142 : memref<128x64xf32, #tpu.memory_space<hbm>>) target_semaphore(%run_scoped3A : memref<!tpu.dma_semaphore, #tpu.memory_space<semaphore_mem>>)
        %dma_wait3A_143 = tpu.memref_slice %arg6[%sub3A_105, %mul3A_20] : memref<80000x128xf32, #tpu.memory_space<hbm>> -> memref<128x64xf32, #tpu.memory_space<hbm>>
        %dma_wait3A_144 = tpu.memref_slice %arg6[%sub3A_105, %mul3A_20] : memref<80000x128xf32, #tpu.memory_space<hbm>> -> memref<128x64xf32, #tpu.memory_space<hbm>>
        tpu.wait_dma2 semaphore(%run_scoped3A : memref<!tpu.dma_semaphore, #tpu.memory_space<semaphore_mem>>) src(%arg9 : memref<128x64xf32, #tpu.memory_space<vmem>>) dst(%dma_wait3A_144 : memref<128x64xf32, #tpu.memory_space<hbm>>)
        tpu.yield
      }) : () -> ()
      %mul3A_106 = arith.constant 2 : i32
      %mul3A_107 = arith.muli %mul3A_106, %scan3A_72 : i32
      %add3A_108 = arith.constant 2 : i32
      %add3A_109 = arith.addi %mul3A_107, %add3A_108 : i32
      %mul3A_110 = arith.constant 128 : i32
      %mul3A_111 = arith.muli %add3A_109, %mul3A_110 : i32
      %add3A_112 = arith.addi %mul3A_2, %mul3A_111 : i32
      "tpu.region"() ({
        %run_scoped3A = tpu.sem_alloc : memref<!tpu.dma_semaphore, #tpu.memory_space<semaphore_mem>>
        %dma_start3A_141 = tpu.memref_slice %arg4[%add3A_112] : memref<160000xi32, #tpu.memory_space<hbm>> -> memref<128xi32, #tpu.memory_space<hbm>>
        %dma_start3A_142 = tpu.memref_slice %arg4[%add3A_112] : memref<160000xi32, #tpu.memory_space<hbm>> -> memref<128xi32, #tpu.memory_space<hbm>>
        tpu.enqueue_dma source(%dma_start3A_142 : memref<128xi32, #tpu.memory_space<hbm>>) target(%arg7 : memref<128xi32, #tpu.memory_space<vmem>>) target_semaphore(%run_scoped3A : memref<!tpu.dma_semaphore, #tpu.memory_space<semaphore_mem>>)
        %dma_wait3A_143 = tpu.memref_slice %arg4[%add3A_112] : memref<160000xi32, #tpu.memory_space<hbm>> -> memref<128xi32, #tpu.memory_space<hbm>>
        %dma_wait3A_144 = tpu.memref_slice %arg4[%add3A_112] : memref<160000xi32, #tpu.memory_space<hbm>> -> memref<128xi32, #tpu.memory_space<hbm>>
        tpu.wait_dma2 semaphore(%run_scoped3A : memref<!tpu.dma_semaphore, #tpu.memory_space<semaphore_mem>>) src(%dma_wait3A_144 : memref<128xi32, #tpu.memory_space<hbm>>) dst(%arg7 : memref<128xi32, #tpu.memory_space<vmem>>)
        tpu.yield
      }) : () -> ()
      "tpu.region"() ({
        %run_scoped3A = tpu.sem_alloc : memref<!tpu.dma_semaphore, #tpu.memory_space<semaphore_mem>>
        %dma_start3A_141 = tpu.memref_slice %arg5[%add3A_112] : memref<160000xi32, #tpu.memory_space<hbm>> -> memref<128xi32, #tpu.memory_space<hbm>>
        %dma_start3A_142 = tpu.memref_slice %arg5[%add3A_112] : memref<160000xi32, #tpu.memory_space<hbm>> -> memref<128xi32, #tpu.memory_space<hbm>>
        tpu.enqueue_dma source(%dma_start3A_142 : memref<128xi32, #tpu.memory_space<hbm>>) target(%arg8 : memref<128xi32, #tpu.memory_space<vmem>>) target_semaphore(%run_scoped3A : memref<!tpu.dma_semaphore, #tpu.memory_space<semaphore_mem>>)
        %dma_wait3A_143 = tpu.memref_slice %arg5[%add3A_112] : memref<160000xi32, #tpu.memory_space<hbm>> -> memref<128xi32, #tpu.memory_space<hbm>>
        %dma_wait3A_144 = tpu.memref_slice %arg5[%add3A_112] : memref<160000xi32, #tpu.memory_space<hbm>> -> memref<128xi32, #tpu.memory_space<hbm>>
        tpu.wait_dma2 semaphore(%run_scoped3A : memref<!tpu.dma_semaphore, #tpu.memory_space<semaphore_mem>>) src(%dma_wait3A_144 : memref<128xi32, #tpu.memory_space<hbm>>) dst(%arg8 : memref<128xi32, #tpu.memory_space<vmem>>)
        tpu.yield
      }) : () -> ()
      %dma_start3A_113 = arith.constant 0 : i32
      %dma_start3A_114 = arith.constant 0 : i32
      %dma_start3A_115 = tpu.memref_slice %arg2[%dma_start3A_113, %dma_start3A_114] : memref<50000x64xf32, #tpu.memory_space<hbm>> -> memref<50000x64xf32, #tpu.memory_space<hbm>>
      tpu.enqueue_indirect_dma source(%dma_start3A_115 : memref<50000x64xf32, #tpu.memory_space<hbm>>) target(%arg9 : memref<128x64xf32, #tpu.memory_space<vmem>>) offsets(%arg7 : memref<128xi32, #tpu.memory_space<vmem>>) semaphore(%arg11 : memref<!tpu.dma_semaphore, #tpu.memory_space<semaphore_mem>>)
      %dma_start3A_116 = arith.constant 0 : i32
      %dma_start3A_117 = arith.constant 0 : i32
      %dma_start3A_118 = tpu.memref_slice %arg3[%dma_start3A_116, %dma_start3A_117] : memref<50000x64xf32, #tpu.memory_space<hbm>> -> memref<50000x64xf32, #tpu.memory_space<hbm>>
      tpu.enqueue_indirect_dma source(%dma_start3A_118 : memref<50000x64xf32, #tpu.memory_space<hbm>>) target(%arg10 : memref<128x64xf32, #tpu.memory_space<vmem>>) offsets(%arg8 : memref<128xi32, #tpu.memory_space<vmem>>) semaphore(%arg11 : memref<!tpu.dma_semaphore, #tpu.memory_space<semaphore_mem>>)
      %mul3A_119 = arith.constant 2 : i32
      %mul3A_120 = arith.muli %mul3A_119, %scan3A_72 : i32
      %add3A_121 = arith.constant 1 : i32
      %add3A_122 = arith.addi %mul3A_120, %add3A_121 : i32
      %dma_wait3A_123 = arith.constant 0 : i32
      %dma_wait3A_124 = arith.constant 0 : i32
      %dma_wait3A_125 = tpu.memref_slice %arg2[%dma_wait3A_123, %dma_wait3A_124] : memref<50000x64xf32, #tpu.memory_space<hbm>> -> memref<50000x64xf32, #tpu.memory_space<hbm>>
      tpu.wait_indirect_dma semaphore(%arg16 : memref<!tpu.dma_semaphore, #tpu.memory_space<semaphore_mem>>) src(%dma_wait3A_125 : memref<50000x64xf32, #tpu.memory_space<hbm>>) dst(%arg14 : memref<128x64xf32, #tpu.memory_space<vmem>>)
      %dma_wait3A_126 = arith.constant 0 : i32
      %dma_wait3A_127 = arith.constant 0 : i32
      %dma_wait3A_128 = tpu.memref_slice %arg3[%dma_wait3A_126, %dma_wait3A_127] : memref<50000x64xf32, #tpu.memory_space<hbm>> -> memref<50000x64xf32, #tpu.memory_space<hbm>>
      tpu.wait_indirect_dma semaphore(%arg16 : memref<!tpu.dma_semaphore, #tpu.memory_space<semaphore_mem>>) src(%dma_wait3A_128 : memref<50000x64xf32, #tpu.memory_space<hbm>>) dst(%arg15 : memref<128x64xf32, #tpu.memory_space<vmem>>)
      %scan3A_129 = arith.constant 0 : i32
      %scan3A_130 = arith.constant 0 : i32
      %scan3A_131 = arith.constant 128 : i32
      %scan3A_132 = arith.addi %scan3A_130, %scan3A_131 : i32
      %scan3A_133 = arith.constant 1 : i32
      scf.for %scan3A_141 = %scan3A_130 to %scan3A_132 step %scan3A_133  : i32 {
        %get3A = arith.index_cast %scan3A_141 : i32 to index
        %get3A_142 = arith.constant 0 : index
        %get3A_143 = tpu.vector_load %arg15[%get3A, %get3A_142] {strides = array<i32>} : memref<128x64xf32, #tpu.memory_space<vmem>>, vector<1x16xf32>,
        %get3A_144 = vector.shape_cast %get3A_143 : vector<1x16xf32> to vector<16xf32>
        %swap3A = arith.index_cast %scan3A_141 : i32 to index
        %swap3A_145 = arith.constant 0 : index
        %swap3A_146 = tpu.vector_load %arg14[%swap3A, %swap3A_145] {strides = array<i32>} : memref<128x64xf32, #tpu.memory_space<vmem>>, vector<1x16xf32>,
        %swap3A_147 = vector.shape_cast %swap3A_146 : vector<1x16xf32> to vector<16xf32>
        %swap3A_148 = vector.shape_cast %get3A_144 : vector<16xf32> to vector<1x16xf32>
        tpu.vector_store %arg14[%swap3A, %swap3A_145], %swap3A_148 {add = true, strides = array<i32>} : memref<128x64xf32, #tpu.memory_space<vmem>>, vector<1x16xf32>,
        %get3A_149 = arith.index_cast %scan3A_141 : i32 to index
        %get3A_150 = arith.constant 16 : index
        %get3A_151 = tpu.vector_load %arg15[%get3A_149, %get3A_150] {strides = array<i32>} : memref<128x64xf32, #tpu.memory_space<vmem>>, vector<1x16xf32>,
        %get3A_152 = vector.shape_cast %get3A_151 : vector<1x16xf32> to vector<16xf32>
        %swap3A_153 = arith.index_cast %scan3A_141 : i32 to index
        %swap3A_154 = arith.constant 16 : index
        %swap3A_155 = tpu.vector_load %arg14[%swap3A_153, %swap3A_154] {strides = array<i32>} : memref<128x64xf32, #tpu.memory_space<vmem>>, vector<1x16xf32>,
        %swap3A_156 = vector.shape_cast %swap3A_155 : vector<1x16xf32> to vector<16xf32>
        %swap3A_157 = vector.shape_cast %get3A_152 : vector<16xf32> to vector<1x16xf32>
        tpu.vector_store %arg14[%swap3A_153, %swap3A_154], %swap3A_157 {add = true, strides = array<i32>} : memref<128x64xf32, #tpu.memory_space<vmem>>, vector<1x16xf32>,
        %get3A_158 = arith.index_cast %scan3A_141 : i32 to index
        %get3A_159 = arith.constant 32 : index
        %get3A_160 = tpu.vector_load %arg15[%get3A_158, %get3A_159] {strides = array<i32>} : memref<128x64xf32, #tpu.memory_space<vmem>>, vector<1x16xf32>,
        %get3A_161 = vector.shape_cast %get3A_160 : vector<1x16xf32> to vector<16xf32>
        %swap3A_162 = arith.index_cast %scan3A_141 : i32 to index
        %swap3A_163 = arith.constant 32 : index
        %swap3A_164 = tpu.vector_load %arg14[%swap3A_162, %swap3A_163] {strides = array<i32>} : memref<128x64xf32, #tpu.memory_space<vmem>>, vector<1x16xf32>,
        %swap3A_165 = vector.shape_cast %swap3A_164 : vector<1x16xf32> to vector<16xf32>
        %swap3A_166 = vector.shape_cast %get3A_161 : vector<16xf32> to vector<1x16xf32>
        tpu.vector_store %arg14[%swap3A_162, %swap3A_163], %swap3A_166 {add = true, strides = array<i32>} : memref<128x64xf32, #tpu.memory_space<vmem>>, vector<1x16xf32>,
        %get3A_167 = arith.index_cast %scan3A_141 : i32 to index
        %get3A_168 = arith.constant 48 : index
        %get3A_169 = tpu.vector_load %arg15[%get3A_167, %get3A_168] {strides = array<i32>} : memref<128x64xf32, #tpu.memory_space<vmem>>, vector<1x16xf32>,
        %get3A_170 = vector.shape_cast %get3A_169 : vector<1x16xf32> to vector<16xf32>
        %swap3A_171 = arith.index_cast %scan3A_141 : i32 to index
        %swap3A_172 = arith.constant 48 : index
        %swap3A_173 = tpu.vector_load %arg14[%swap3A_171, %swap3A_172] {strides = array<i32>} : memref<128x64xf32, #tpu.memory_space<vmem>>, vector<1x16xf32>,
        %swap3A_174 = vector.shape_cast %swap3A_173 : vector<1x16xf32> to vector<16xf32>
        %swap3A_175 = vector.shape_cast %get3A_170 : vector<16xf32> to vector<1x16xf32>
        tpu.vector_store %arg14[%swap3A_171, %swap3A_172], %swap3A_175 {add = true, strides = array<i32>} : memref<128x64xf32, #tpu.memory_space<vmem>>, vector<1x16xf32>,
      }
      %scan3A_134 = arith.constant 128 : i32
      %mul3A_135 = arith.constant 128 : i32
      %mul3A_136 = arith.muli %add3A_122, %mul3A_135 : i32
      %add3A_137 = arith.addi %mul3A_2, %mul3A_136 : i32
      %mul3A_138 = arith.constant 80000 : i32
      %mul3A_139 = arith.muli %select_n3A, %mul3A_138 : i32
      %sub3A_140 = arith.subi %add3A_137, %mul3A_139 : i32
      "tpu.region"() ({
        %run_scoped3A = tpu.sem_alloc : memref<!tpu.dma_semaphore, #tpu.memory_space<semaphore_mem>>
        %dma_start3A_141 = tpu.memref_slice %arg6[%sub3A_140, %mul3A_20] : memref<80000x128xf32, #tpu.memory_space<hbm>> -> memref<128x64xf32, #tpu.memory_space<hbm>>
        %dma_start3A_142 = tpu.memref_slice %arg6[%sub3A_140, %mul3A_20] : memref<80000x128xf32, #tpu.memory_space<hbm>> -> memref<128x64xf32, #tpu.memory_space<hbm>>
        tpu.enqueue_dma source(%arg14 : memref<128x64xf32, #tpu.memory_space<vmem>>) target(%dma_start3A_142 : memref<128x64xf32, #tpu.memory_space<hbm>>) target_semaphore(%run_scoped3A : memref<!tpu.dma_semaphore, #tpu.memory_space<semaphore_mem>>)
        %dma_wait3A_143 = tpu.memref_slice %arg6[%sub3A_140, %mul3A_20] : memref<80000x128xf32, #tpu.memory_space<hbm>> -> memref<128x64xf32, #tpu.memory_space<hbm>>
        %dma_wait3A_144 = tpu.memref_slice %arg6[%sub3A_140, %mul3A_20] : memref<80000x128xf32, #tpu.memory_space<hbm>> -> memref<128x64xf32, #tpu.memory_space<hbm>>
        tpu.wait_dma2 semaphore(%run_scoped3A : memref<!tpu.dma_semaphore, #tpu.memory_space<semaphore_mem>>) src(%arg14 : memref<128x64xf32, #tpu.memory_space<vmem>>) dst(%dma_wait3A_144 : memref<128x64xf32, #tpu.memory_space<hbm>>)
        tpu.yield
      }) : () -> ()
    }
    %scan3A_32 = arith.constant 19 : i32
    %dma_wait3A = arith.constant 0 : i32
    %dma_wait3A_33 = arith.constant 0 : i32
    %dma_wait3A_34 = tpu.memref_slice %arg2[%dma_wait3A, %dma_wait3A_33] : memref<50000x64xf32, #tpu.memory_space<hbm>> -> memref<50000x64xf32, #tpu.memory_space<hbm>>
    tpu.wait_indirect_dma semaphore(%arg11 : memref<!tpu.dma_semaphore, #tpu.memory_space<semaphore_mem>>) src(%dma_wait3A_34 : memref<50000x64xf32, #tpu.memory_space<hbm>>) dst(%arg9 : memref<128x64xf32, #tpu.memory_space<vmem>>)
    %dma_wait3A_35 = arith.constant 0 : i32
    %dma_wait3A_36 = arith.constant 0 : i32
    %dma_wait3A_37 = tpu.memref_slice %arg3[%dma_wait3A_35, %dma_wait3A_36] : memref<50000x64xf32, #tpu.memory_space<hbm>> -> memref<50000x64xf32, #tpu.memory_space<hbm>>
    tpu.wait_indirect_dma semaphore(%arg11 : memref<!tpu.dma_semaphore, #tpu.memory_space<semaphore_mem>>) src(%dma_wait3A_37 : memref<50000x64xf32, #tpu.memory_space<hbm>>) dst(%arg10 : memref<128x64xf32, #tpu.memory_space<vmem>>)
    %scan3A_38 = arith.constant 0 : i32
    %scan3A_39 = arith.constant 0 : i32
    %scan3A_40 = arith.constant 128 : i32
    %scan3A_41 = arith.addi %scan3A_39, %scan3A_40 : i32
    %scan3A_42 = arith.constant 1 : i32
    scf.for %scan3A_72 = %scan3A_39 to %scan3A_41 step %scan3A_42  : i32 {
      %get3A = arith.index_cast %scan3A_72 : i32 to index
      %get3A_73 = arith.constant 0 : index
      %get3A_74 = tpu.vector_load %arg10[%get3A, %get3A_73] {strides = array<i32>} : memref<128x64xf32, #tpu.memory_space<vmem>>, vector<1x16xf32>,
      %get3A_75 = vector.shape_cast %get3A_74 : vector<1x16xf32> to vector<16xf32>
      %swap3A = arith.index_cast %scan3A_72 : i32 to index
      %swap3A_76 = arith.constant 0 : index
      %swap3A_77 = tpu.vector_load %arg9[%swap3A, %swap3A_76] {strides = array<i32>} : memref<128x64xf32, #tpu.memory_space<vmem>>, vector<1x16xf32>,
      %swap3A_78 = vector.shape_cast %swap3A_77 : vector<1x16xf32> to vector<16xf32>
      %swap3A_79 = vector.shape_cast %get3A_75 : vector<16xf32> to vector<1x16xf32>
      tpu.vector_store %arg9[%swap3A, %swap3A_76], %swap3A_79 {add = true, strides = array<i32>} : memref<128x64xf32, #tpu.memory_space<vmem>>, vector<1x16xf32>,
      %get3A_80 = arith.index_cast %scan3A_72 : i32 to index
      %get3A_81 = arith.constant 16 : index
      %get3A_82 = tpu.vector_load %arg10[%get3A_80, %get3A_81] {strides = array<i32>} : memref<128x64xf32, #tpu.memory_space<vmem>>, vector<1x16xf32>,
      %get3A_83 = vector.shape_cast %get3A_82 : vector<1x16xf32> to vector<16xf32>
      %swap3A_84 = arith.index_cast %scan3A_72 : i32 to index
      %swap3A_85 = arith.constant 16 : index
      %swap3A_86 = tpu.vector_load %arg9[%swap3A_84, %swap3A_85] {strides = array<i32>} : memref<128x64xf32, #tpu.memory_space<vmem>>, vector<1x16xf32>,
      %swap3A_87 = vector.shape_cast %swap3A_86 : vector<1x16xf32> to vector<16xf32>
      %swap3A_88 = vector.shape_cast %get3A_83 : vector<16xf32> to vector<1x16xf32>
      tpu.vector_store %arg9[%swap3A_84, %swap3A_85], %swap3A_88 {add = true, strides = array<i32>} : memref<128x64xf32, #tpu.memory_space<vmem>>, vector<1x16xf32>,
      %get3A_89 = arith.index_cast %scan3A_72 : i32 to index
      %get3A_90 = arith.constant 32 : index
      %get3A_91 = tpu.vector_load %arg10[%get3A_89, %get3A_90] {strides = array<i32>} : memref<128x64xf32, #tpu.memory_space<vmem>>, vector<1x16xf32>,
      %get3A_92 = vector.shape_cast %get3A_91 : vector<1x16xf32> to vector<16xf32>
      %swap3A_93 = arith.index_cast %scan3A_72 : i32 to index
      %swap3A_94 = arith.constant 32 : index
      %swap3A_95 = tpu.vector_load %arg9[%swap3A_93, %swap3A_94] {strides = array<i32>} : memref<128x64xf32, #tpu.memory_space<vmem>>, vector<1x16xf32>,
      %swap3A_96 = vector.shape_cast %swap3A_95 : vector<1x16xf32> to vector<16xf32>
      %swap3A_97 = vector.shape_cast %get3A_92 : vector<16xf32> to vector<1x16xf32>
      tpu.vector_store %arg9[%swap3A_93, %swap3A_94], %swap3A_97 {add = true, strides = array<i32>} : memref<128x64xf32, #tpu.memory_space<vmem>>, vector<1x16xf32>,
      %get3A_98 = arith.index_cast %scan3A_72 : i32 to index
      %get3A_99 = arith.constant 48 : index
      %get3A_100 = tpu.vector_load %arg10[%get3A_98, %get3A_99] {strides = array<i32>} : memref<128x64xf32, #tpu.memory_space<vmem>>, vector<1x16xf32>,
      %get3A_101 = vector.shape_cast %get3A_100 : vector<1x16xf32> to vector<16xf32>
      %swap3A_102 = arith.index_cast %scan3A_72 : i32 to index
      %swap3A_103 = arith.constant 48 : index
      %swap3A_104 = tpu.vector_load %arg9[%swap3A_102, %swap3A_103] {strides = array<i32>} : memref<128x64xf32, #tpu.memory_space<vmem>>, vector<1x16xf32>,
      %swap3A_105 = vector.shape_cast %swap3A_104 : vector<1x16xf32> to vector<16xf32>
      %swap3A_106 = vector.shape_cast %get3A_101 : vector<16xf32> to vector<1x16xf32>
      tpu.vector_store %arg9[%swap3A_102, %swap3A_103], %swap3A_106 {add = true, strides = array<i32>} : memref<128x64xf32, #tpu.memory_space<vmem>>, vector<1x16xf32>,
    }
    %scan3A_43 = arith.constant 128 : i32
    %add3A_44 = arith.constant 4864 : i32
    %add3A_45 = arith.addi %mul3A_2, %add3A_44 : i32
    %mul3A_46 = arith.constant 80000 : i32
    %mul3A_47 = arith.muli %select_n3A, %mul3A_46 : i32
    %sub3A_48 = arith.subi %add3A_45, %mul3A_47 : i32
    "tpu.region"() ({
      %run_scoped3A = tpu.sem_alloc : memref<!tpu.dma_semaphore, #tpu.memory_space<semaphore_mem>>
      %dma_start3A_72 = tpu.memref_slice %arg6[%sub3A_48, %mul3A_20] : memref<80000x128xf32, #tpu.memory_space<hbm>> -> memref<128x64xf32, #tpu.memory_space<hbm>>
      %dma_start3A_73 = tpu.memref_slice %arg6[%sub3A_48, %mul3A_20] : memref<80000x128xf32, #tpu.memory_space<hbm>> -> memref<128x64xf32, #tpu.memory_space<hbm>>
      tpu.enqueue_dma source(%arg9 : memref<128x64xf32, #tpu.memory_space<vmem>>) target(%dma_start3A_73 : memref<128x64xf32, #tpu.memory_space<hbm>>) target_semaphore(%run_scoped3A : memref<!tpu.dma_semaphore, #tpu.memory_space<semaphore_mem>>)
      %dma_wait3A_74 = tpu.memref_slice %arg6[%sub3A_48, %mul3A_20] : memref<80000x128xf32, #tpu.memory_space<hbm>> -> memref<128x64xf32, #tpu.memory_space<hbm>>
      %dma_wait3A_75 = tpu.memref_slice %arg6[%sub3A_48, %mul3A_20] : memref<80000x128xf32, #tpu.memory_space<hbm>> -> memref<128x64xf32, #tpu.memory_space<hbm>>
      tpu.wait_dma2 semaphore(%run_scoped3A : memref<!tpu.dma_semaphore, #tpu.memory_space<semaphore_mem>>) src(%arg9 : memref<128x64xf32, #tpu.memory_space<vmem>>) dst(%dma_wait3A_75 : memref<128x64xf32, #tpu.memory_space<hbm>>)
      tpu.yield
    }) : () -> ()
    %add3A_49 = arith.constant 4992 : i32
    %add3A_50 = arith.addi %mul3A_2, %add3A_49 : i32
    "tpu.region"() ({
      %run_scoped3A = tpu.sem_alloc : memref<!tpu.dma_semaphore, #tpu.memory_space<semaphore_mem>>
      %dma_start3A_72 = tpu.memref_slice %arg4[%add3A_50] : memref<160000xi32, #tpu.memory_space<hbm>> -> memref<8xi32, #tpu.memory_space<hbm>>
      %dma_start3A_73 = tpu.memref_slice %arg4[%add3A_50] : memref<160000xi32, #tpu.memory_space<hbm>> -> memref<8xi32, #tpu.memory_space<hbm>>
      tpu.enqueue_dma source(%dma_start3A_73 : memref<8xi32, #tpu.memory_space<hbm>>) target(%arg17 : memref<8xi32, #tpu.memory_space<vmem>>) target_semaphore(%run_scoped3A : memref<!tpu.dma_semaphore, #tpu.memory_space<semaphore_mem>>)
      %dma_wait3A_74 = tpu.memref_slice %arg4[%add3A_50] : memref<160000xi32, #tpu.memory_space<hbm>> -> memref<8xi32, #tpu.memory_space<hbm>>
      %dma_wait3A_75 = tpu.memref_slice %arg4[%add3A_50] : memref<160000xi32, #tpu.memory_space<hbm>> -> memref<8xi32, #tpu.memory_space<hbm>>
      tpu.wait_dma2 semaphore(%run_scoped3A : memref<!tpu.dma_semaphore, #tpu.memory_space<semaphore_mem>>) src(%dma_wait3A_75 : memref<8xi32, #tpu.memory_space<hbm>>) dst(%arg17 : memref<8xi32, #tpu.memory_space<vmem>>)
      tpu.yield
    }) : () -> ()
    "tpu.region"() ({
      %run_scoped3A = tpu.sem_alloc : memref<!tpu.dma_semaphore, #tpu.memory_space<semaphore_mem>>
      %dma_start3A_72 = tpu.memref_slice %arg5[%add3A_50] : memref<160000xi32, #tpu.memory_space<hbm>> -> memref<8xi32, #tpu.memory_space<hbm>>
      %dma_start3A_73 = tpu.memref_slice %arg5[%add3A_50] : memref<160000xi32, #tpu.memory_space<hbm>> -> memref<8xi32, #tpu.memory_space<hbm>>
      tpu.enqueue_dma source(%dma_start3A_73 : memref<8xi32, #tpu.memory_space<hbm>>) target(%arg18 : memref<8xi32, #tpu.memory_space<vmem>>) target_semaphore(%run_scoped3A : memref<!tpu.dma_semaphore, #tpu.memory_space<semaphore_mem>>)
      %dma_wait3A_74 = tpu.memref_slice %arg5[%add3A_50] : memref<160000xi32, #tpu.memory_space<hbm>> -> memref<8xi32, #tpu.memory_space<hbm>>
      %dma_wait3A_75 = tpu.memref_slice %arg5[%add3A_50] : memref<160000xi32, #tpu.memory_space<hbm>> -> memref<8xi32, #tpu.memory_space<hbm>>
      tpu.wait_dma2 semaphore(%run_scoped3A : memref<!tpu.dma_semaphore, #tpu.memory_space<semaphore_mem>>) src(%dma_wait3A_75 : memref<8xi32, #tpu.memory_space<hbm>>) dst(%arg18 : memref<8xi32, #tpu.memory_space<vmem>>)
      tpu.yield
    }) : () -> ()
    %dma_start3A_51 = arith.constant 0 : i32
    %dma_start3A_52 = arith.constant 0 : i32
    %dma_start3A_53 = tpu.memref_slice %arg2[%dma_start3A_51, %dma_start3A_52] : memref<50000x64xf32, #tpu.memory_space<hbm>> -> memref<50000x64xf32, #tpu.memory_space<hbm>>
    tpu.enqueue_indirect_dma source(%dma_start3A_53 : memref<50000x64xf32, #tpu.memory_space<hbm>>) target(%arg19 : memref<8x64xf32, #tpu.memory_space<vmem>>) offsets(%arg17 : memref<8xi32, #tpu.memory_space<vmem>>) semaphore(%arg16 : memref<!tpu.dma_semaphore, #tpu.memory_space<semaphore_mem>>)
    %dma_start3A_54 = arith.constant 0 : i32
    %dma_start3A_55 = arith.constant 0 : i32
    %dma_start3A_56 = tpu.memref_slice %arg3[%dma_start3A_54, %dma_start3A_55] : memref<50000x64xf32, #tpu.memory_space<hbm>> -> memref<50000x64xf32, #tpu.memory_space<hbm>>
    tpu.enqueue_indirect_dma source(%dma_start3A_56 : memref<50000x64xf32, #tpu.memory_space<hbm>>) target(%arg20 : memref<8x64xf32, #tpu.memory_space<vmem>>) offsets(%arg18 : memref<8xi32, #tpu.memory_space<vmem>>) semaphore(%arg16 : memref<!tpu.dma_semaphore, #tpu.memory_space<semaphore_mem>>)
    %dma_wait3A_57 = arith.constant 0 : i32
    %dma_wait3A_58 = arith.constant 0 : i32
    %dma_wait3A_59 = tpu.memref_slice %arg2[%dma_wait3A_57, %dma_wait3A_58] : memref<50000x64xf32, #tpu.memory_space<hbm>> -> memref<50000x64xf32, #tpu.memory_space<hbm>>
    tpu.wait_indirect_dma semaphore(%arg16 : memref<!tpu.dma_semaphore, #tpu.memory_space<semaphore_mem>>) src(%dma_wait3A_59 : memref<50000x64xf32, #tpu.memory_space<hbm>>) dst(%arg19 : memref<8x64xf32, #tpu.memory_space<vmem>>)
    %dma_wait3A_60 = arith.constant 0 : i32
    %dma_wait3A_61 = arith.constant 0 : i32
    %dma_wait3A_62 = tpu.memref_slice %arg3[%dma_wait3A_60, %dma_wait3A_61] : memref<50000x64xf32, #tpu.memory_space<hbm>> -> memref<50000x64xf32, #tpu.memory_space<hbm>>
    tpu.wait_indirect_dma semaphore(%arg16 : memref<!tpu.dma_semaphore, #tpu.memory_space<semaphore_mem>>) src(%dma_wait3A_62 : memref<50000x64xf32, #tpu.memory_space<hbm>>) dst(%arg20 : memref<8x64xf32, #tpu.memory_space<vmem>>)
    %scan3A_63 = arith.constant 0 : i32
    %scan3A_64 = arith.constant 0 : i32
    %scan3A_65 = arith.constant 8 : i32
    %scan3A_66 = arith.addi %scan3A_64, %scan3A_65 : i32
    %scan3A_67 = arith.constant 1 : i32
    scf.for %scan3A_72 = %scan3A_64 to %scan3A_66 step %scan3A_67  : i32 {
      %get3A = arith.index_cast %scan3A_72 : i32 to index
      %get3A_73 = arith.constant 0 : index
      %get3A_74 = tpu.vector_load %arg20[%get3A, %get3A_73] {strides = array<i32>} : memref<8x64xf32, #tpu.memory_space<vmem>>, vector<1x16xf32>,
      %get3A_75 = vector.shape_cast %get3A_74 : vector<1x16xf32> to vector<16xf32>
      %swap3A = arith.index_cast %scan3A_72 : i32 to index
      %swap3A_76 = arith.constant 0 : index
      %swap3A_77 = tpu.vector_load %arg19[%swap3A, %swap3A_76] {strides = array<i32>} : memref<8x64xf32, #tpu.memory_space<vmem>>, vector<1x16xf32>,
      %swap3A_78 = vector.shape_cast %swap3A_77 : vector<1x16xf32> to vector<16xf32>
      %swap3A_79 = vector.shape_cast %get3A_75 : vector<16xf32> to vector<1x16xf32>
      tpu.vector_store %arg19[%swap3A, %swap3A_76], %swap3A_79 {add = true, strides = array<i32>} : memref<8x64xf32, #tpu.memory_space<vmem>>, vector<1x16xf32>,
      %get3A_80 = arith.index_cast %scan3A_72 : i32 to index
      %get3A_81 = arith.constant 16 : index
      %get3A_82 = tpu.vector_load %arg20[%get3A_80, %get3A_81] {strides = array<i32>} : memref<8x64xf32, #tpu.memory_space<vmem>>, vector<1x16xf32>,
      %get3A_83 = vector.shape_cast %get3A_82 : vector<1x16xf32> to vector<16xf32>
      %swap3A_84 = arith.index_cast %scan3A_72 : i32 to index
      %swap3A_85 = arith.constant 16 : index
      %swap3A_86 = tpu.vector_load %arg19[%swap3A_84, %swap3A_85] {strides = array<i32>} : memref<8x64xf32, #tpu.memory_space<vmem>>, vector<1x16xf32>,
      %swap3A_87 = vector.shape_cast %swap3A_86 : vector<1x16xf32> to vector<16xf32>
      %swap3A_88 = vector.shape_cast %get3A_83 : vector<16xf32> to vector<1x16xf32>
      tpu.vector_store %arg19[%swap3A_84, %swap3A_85], %swap3A_88 {add = true, strides = array<i32>} : memref<8x64xf32, #tpu.memory_space<vmem>>, vector<1x16xf32>,
      %get3A_89 = arith.index_cast %scan3A_72 : i32 to index
      %get3A_90 = arith.constant 32 : index
      %get3A_91 = tpu.vector_load %arg20[%get3A_89, %get3A_90] {strides = array<i32>} : memref<8x64xf32, #tpu.memory_space<vmem>>, vector<1x16xf32>,
      %get3A_92 = vector.shape_cast %get3A_91 : vector<1x16xf32> to vector<16xf32>
      %swap3A_93 = arith.index_cast %scan3A_72 : i32 to index
      %swap3A_94 = arith.constant 32 : index
      %swap3A_95 = tpu.vector_load %arg19[%swap3A_93, %swap3A_94] {strides = array<i32>} : memref<8x64xf32, #tpu.memory_space<vmem>>, vector<1x16xf32>,
      %swap3A_96 = vector.shape_cast %swap3A_95 : vector<1x16xf32> to vector<16xf32>
      %swap3A_97 = vector.shape_cast %get3A_92 : vector<16xf32> to vector<1x16xf32>
      tpu.vector_store %arg19[%swap3A_93, %swap3A_94], %swap3A_97 {add = true, strides = array<i32>} : memref<8x64xf32, #tpu.memory_space<vmem>>, vector<1x16xf32>,
      %get3A_98 = arith.index_cast %scan3A_72 : i32 to index
      %get3A_99 = arith.constant 48 : index
      %get3A_100 = tpu.vector_load %arg20[%get3A_98, %get3A_99] {strides = array<i32>} : memref<8x64xf32, #tpu.memory_space<vmem>>, vector<1x16xf32>,
      %get3A_101 = vector.shape_cast %get3A_100 : vector<1x16xf32> to vector<16xf32>
      %swap3A_102 = arith.index_cast %scan3A_72 : i32 to index
      %swap3A_103 = arith.constant 48 : index
      %swap3A_104 = tpu.vector_load %arg19[%swap3A_102, %swap3A_103] {strides = array<i32>} : memref<8x64xf32, #tpu.memory_space<vmem>>, vector<1x16xf32>,
      %swap3A_105 = vector.shape_cast %swap3A_104 : vector<1x16xf32> to vector<16xf32>
      %swap3A_106 = vector.shape_cast %get3A_101 : vector<16xf32> to vector<1x16xf32>
      tpu.vector_store %arg19[%swap3A_102, %swap3A_103], %swap3A_106 {add = true, strides = array<i32>} : memref<8x64xf32, #tpu.memory_space<vmem>>, vector<1x16xf32>,
    }
    %scan3A_68 = arith.constant 8 : i32
    %mul3A_69 = arith.constant 80000 : i32
    %mul3A_70 = arith.muli %select_n3A, %mul3A_69 : i32
    %sub3A_71 = arith.subi %add3A_50, %mul3A_70 : i32
    "tpu.region"() ({
      %run_scoped3A = tpu.sem_alloc : memref<!tpu.dma_semaphore, #tpu.memory_space<semaphore_mem>>
      %dma_start3A_72 = tpu.memref_slice %arg6[%sub3A_71, %mul3A_20] : memref<80000x128xf32, #tpu.memory_space<hbm>> -> memref<8x64xf32, #tpu.memory_space<hbm>>
      %dma_start3A_73 = tpu.memref_slice %arg6[%sub3A_71, %mul3A_20] : memref<80000x128xf32, #tpu.memory_space<hbm>> -> memref<8x64xf32, #tpu.memory_space<hbm>>
      tpu.enqueue_dma source(%arg19 : memref<8x64xf32, #tpu.memory_space<vmem>>) target(%dma_start3A_73 : memref<8x64xf32, #tpu.memory_space<hbm>>) target_semaphore(%run_scoped3A : memref<!tpu.dma_semaphore, #tpu.memory_space<semaphore_mem>>)
      %dma_wait3A_74 = tpu.memref_slice %arg6[%sub3A_71, %mul3A_20] : memref<80000x128xf32, #tpu.memory_space<hbm>> -> memref<8x64xf32, #tpu.memory_space<hbm>>
      %dma_wait3A_75 = tpu.memref_slice %arg6[%sub3A_71, %mul3A_20] : memref<80000x128xf32, #tpu.memory_space<hbm>> -> memref<8x64xf32, #tpu.memory_space<hbm>>
      tpu.wait_dma2 semaphore(%run_scoped3A : memref<!tpu.dma_semaphore, #tpu.memory_space<semaphore_mem>>) src(%arg19 : memref<8x64xf32, #tpu.memory_space<vmem>>) dst(%dma_wait3A_75 : memref<8x64xf32, #tpu.memory_space<hbm>>)
      tpu.yield
    }) : () -> ()
    return
  }
}

#map = affine_map<(d0, d1) -> (0, 0)>
#map1 = affine_map<(d0, d1) -> (0)>
module attributes {stable_mosaic.version = 14 : i64} {
  func.func @gather_sum(%arg0: i32, %arg1: i32, %arg2: memref<50000x64xf32, #tpu.memory_space<hbm>>, %arg3: memref<50000x64xf32, #tpu.memory_space<hbm>>, %arg4: memref<160000xi32, #tpu.memory_space<hbm>>, %arg5: memref<160000xi32, #tpu.memory_space<hbm>>, %arg6: memref<80000x128xf32, #tpu.memory_space<hbm>>, %arg7: memref<128xi32, #tpu.memory_space<vmem>>, %arg8: memref<128xi32, #tpu.memory_space<vmem>>, %arg9: memref<128x64xf32, #tpu.memory_space<vmem>>, %arg10: memref<128x64xf32, #tpu.memory_space<vmem>>, %arg11: memref<!tpu.dma_semaphore, #tpu.memory_space<semaphore_mem>>, %arg12: memref<128xi32, #tpu.memory_space<vmem>>, %arg13: memref<128xi32, #tpu.memory_space<vmem>>, %arg14: memref<128x64xf32, #tpu.memory_space<vmem>>, %arg15: memref<128x64xf32, #tpu.memory_space<vmem>>, %arg16: memref<!tpu.dma_semaphore, #tpu.memory_space<semaphore_mem>>, %arg17: memref<8xi32, #tpu.memory_space<vmem>>, %arg18: memref<8xi32, #tpu.memory_space<vmem>>, %arg19: memref<8x64xf32, #tpu.memory_space<vmem>>, %arg20: memref<8x64xf32, #tpu.memory_space<vmem>>) attributes {dimension_semantics = [#tpu.dimension_semantics<core_parallel>, #tpu.dimension_semantics<subcore_parallel>], iteration_bounds = array<i64: 2, 16>, scalar_prefetch = 0 : i64, scratch_operands = 14 : i64, tpu.core_type = #tpu.core_type<sc_vector_subcore>, window_params = [{transform_indices = #map}, {transform_indices = #map}, {transform_indices = #map1}, {transform_indices = #map1}, {transform_indices = #map}]} {
    %mul3A = arith.constant 2 : i32
    %mul3A_0 = arith.muli %arg1, %mul3A : i32
    %add3A = arith.addi %mul3A_0, %arg0 : i32
    %mul3A_1 = arith.constant 5000 : i32
    %mul3A_2 = arith.muli %add3A, %mul3A_1 : i32
    %jit3A = arith.constant 80000 : i32
    %div3A = arith.divsi %mul3A_2, %jit3A : i32
    %sign3A = arith.constant 0 : i32
    %sign3A_3 = arith.cmpi sgt, %mul3A_2, %sign3A : i32
    %sign3A_4 = arith.extui %sign3A_3 : i1 to i32
    %sign3A_5 = arith.constant 0 : i32
    %sign3A_6 = arith.cmpi slt, %mul3A_2, %sign3A_5 : i32
    %sign3A_7 = arith.extui %sign3A_6 : i1 to i32
    %sign3A_8 = arith.subi %sign3A_4, %sign3A_7 : i32
    %sign3A_9 = arith.constant 0 : i32
    %sign3A_10 = arith.cmpi sgt, %jit3A, %sign3A_9 : i32
    %sign3A_11 = arith.extui %sign3A_10 : i1 to i32
    %sign3A_12 = arith.constant 0 : i32
    %sign3A_13 = arith.cmpi slt, %jit3A, %sign3A_12 : i32
    %sign3A_14 = arith.extui %sign3A_13 : i1 to i32
    %sign3A_15 = arith.subi %sign3A_11, %sign3A_14 : i32
    %ne3A = arith.cmpi ne, %sign3A_8, %sign3A_15 : i32
    %rem3A = arith.remsi %mul3A_2, %jit3A : i32
    %ne3A_16 = arith.constant 0 : i32
    %ne3A_17 = arith.cmpi ne, %rem3A, %ne3A_16 : i32
    %and3A = arith.andi %ne3A, %ne3A_17 : i1
    %sub3A = arith.constant 1 : i32
    %sub3A_18 = arith.subi %div3A, %sub3A : i32
    %select_n3A = arith.select %and3A, %sub3A_18, %div3A : i32
    %mul3A_19 = arith.constant 64 : i32
    %mul3A_20 = arith.muli %select_n3A, %mul3A_19 : i32
    %add3A_21 = arith.constant 0 : i32
    %add3A_22 = arith.addi %mul3A_2, %add3A_21 : i32
    "tpu.region"() ({
      %run_scoped3A = tpu.sem_alloc : memref<!tpu.dma_semaphore, #tpu.memory_space<semaphore_mem>>
      %dma_start3A_72 = tpu.memref_slice %arg4[%add3A_22] : memref<160000xi32, #tpu.memory_space<hbm>> -> memref<128xi32, #tpu.memory_space<hbm>>
      %dma_start3A_73 = tpu.memref_slice %arg4[%add3A_22] : memref<160000xi32, #tpu.memory_space<hbm>> -> memref<128xi32, #tpu.memory_space<hbm>>
      tpu.enqueue_dma source(%dma_start3A_73 : memref<128xi32, #tpu.memory_space<hbm>>) target(%arg7 : memref<128xi32, #tpu.memory_space<vmem>>) target_semaphore(%run_scoped3A : memref<!tpu.dma_semaphore, #tpu.memory_space<semaphore_mem>>)
      %dma_wait3A_74 = tpu.memref_slice %arg4[%add3A_22] : memref<160000xi32, #tpu.memory_space<hbm>> -> memref<128xi32, #tpu.memory_space<hbm>>
      %dma_wait3A_75 = tpu.memref_slice %arg4[%add3A_22] : memref<160000xi32, #tpu.memory_space<hbm>> -> memref<128xi32, #tpu.memory_space<hbm>>
      tpu.wait_dma2 semaphore(%run_scoped3A : memref<!tpu.dma_semaphore, #tpu.memory_space<semaphore_mem>>) src(%dma_wait3A_75 : memref<128xi32, #tpu.memory_space<hbm>>) dst(%arg7 : memref<128xi32, #tpu.memory_space<vmem>>)
      tpu.yield
    }) : () -> ()
    "tpu.region"() ({
      %run_scoped3A = tpu.sem_alloc : memref<!tpu.dma_semaphore, #tpu.memory_space<semaphore_mem>>
      %dma_start3A_72 = tpu.memref_slice %arg5[%add3A_22] : memref<160000xi32, #tpu.memory_space<hbm>> -> memref<128xi32, #tpu.memory_space<hbm>>
      %dma_start3A_73 = tpu.memref_slice %arg5[%add3A_22] : memref<160000xi32, #tpu.memory_space<hbm>> -> memref<128xi32, #tpu.memory_space<hbm>>
      tpu.enqueue_dma source(%dma_start3A_73 : memref<128xi32, #tpu.memory_space<hbm>>) target(%arg8 : memref<128xi32, #tpu.memory_space<vmem>>) target_semaphore(%run_scoped3A : memref<!tpu.dma_semaphore, #tpu.memory_space<semaphore_mem>>)
      %dma_wait3A_74 = tpu.memref_slice %arg5[%add3A_22] : memref<160000xi32, #tpu.memory_space<hbm>> -> memref<128xi32, #tpu.memory_space<hbm>>
      %dma_wait3A_75 = tpu.memref_slice %arg5[%add3A_22] : memref<160000xi32, #tpu.memory_space<hbm>> -> memref<128xi32, #tpu.memory_space<hbm>>
      tpu.wait_dma2 semaphore(%run_scoped3A : memref<!tpu.dma_semaphore, #tpu.memory_space<semaphore_mem>>) src(%dma_wait3A_75 : memref<128xi32, #tpu.memory_space<hbm>>) dst(%arg8 : memref<128xi32, #tpu.memory_space<vmem>>)
      tpu.yield
    }) : () -> ()
    %dma_start3A = arith.constant 0 : i32
    %dma_start3A_23 = arith.constant 0 : i32
    %dma_start3A_24 = tpu.memref_slice %arg2[%dma_start3A, %dma_start3A_23] : memref<50000x64xf32, #tpu.memory_space<hbm>> -> memref<50000x64xf32, #tpu.memory_space<hbm>>
    tpu.enqueue_indirect_dma source(%dma_start3A_24 : memref<50000x64xf32, #tpu.memory_space<hbm>>) target(%arg9 : memref<128x64xf32, #tpu.memory_space<vmem>>) offsets(%arg7 : memref<128xi32, #tpu.memory_space<vmem>>) semaphore(%arg11 : memref<!tpu.dma_semaphore, #tpu.memory_space<semaphore_mem>>)
    %dma_start3A_25 = arith.constant 0 : i32
    %dma_start3A_26 = arith.constant 0 : i32
    %dma_start3A_27 = tpu.memref_slice %arg3[%dma_start3A_25, %dma_start3A_26] : memref<50000x64xf32, #tpu.memory_space<hbm>> -> memref<50000x64xf32, #tpu.memory_space<hbm>>
    tpu.enqueue_indirect_dma source(%dma_start3A_27 : memref<50000x64xf32, #tpu.memory_space<hbm>>) target(%arg10 : memref<128x64xf32, #tpu.memory_space<vmem>>) offsets(%arg8 : memref<128xi32, #tpu.memory_space<vmem>>) semaphore(%arg11 : memref<!tpu.dma_semaphore, #tpu.memory_space<semaphore_mem>>)
    %scan3A = arith.constant 0 : i32
    %scan3A_28 = arith.constant 0 : i32
    %scan3A_29 = arith.constant 19 : i32
    %scan3A_30 = arith.addi %scan3A_28, %scan3A_29 : i32
    %scan3A_31 = arith.constant 1 : i32
    scf.for %scan3A_72 = %scan3A_28 to %scan3A_30 step %scan3A_31  : i32 {
      %mul3A_73 = arith.constant 2 : i32
      %mul3A_74 = arith.muli %mul3A_73, %scan3A_72 : i32
      %add3A_75 = arith.constant 1 : i32
      %add3A_76 = arith.addi %mul3A_74, %add3A_75 : i32
      %mul3A_77 = arith.constant 128 : i32
      %mul3A_78 = arith.muli %add3A_76, %mul3A_77 : i32
      %add3A_79 = arith.addi %mul3A_2, %mul3A_78 : i32
      "tpu.region"() ({
        %run_scoped3A = tpu.sem_alloc : memref<!tpu.dma_semaphore, #tpu.memory_space<semaphore_mem>>
        %dma_start3A_141 = tpu.memref_slice %arg4[%add3A_79] : memref<160000xi32, #tpu.memory_space<hbm>> -> memref<128xi32, #tpu.memory_space<hbm>>
        %dma_start3A_142 = tpu.memref_slice %arg4[%add3A_79] : memref<160000xi32, #tpu.memory_space<hbm>> -> memref<128xi32, #tpu.memory_space<hbm>>
        tpu.enqueue_dma source(%dma_start3A_142 : memref<128xi32, #tpu.memory_space<hbm>>) target(%arg12 : memref<128xi32, #tpu.memory_space<vmem>>) target_semaphore(%run_scoped3A : memref<!tpu.dma_semaphore, #tpu.memory_space<semaphore_mem>>)
        %dma_wait3A_143 = tpu.memref_slice %arg4[%add3A_79] : memref<160000xi32, #tpu.memory_space<hbm>> -> memref<128xi32, #tpu.memory_space<hbm>>
        %dma_wait3A_144 = tpu.memref_slice %arg4[%add3A_79] : memref<160000xi32, #tpu.memory_space<hbm>> -> memref<128xi32, #tpu.memory_space<hbm>>
        tpu.wait_dma2 semaphore(%run_scoped3A : memref<!tpu.dma_semaphore, #tpu.memory_space<semaphore_mem>>) src(%dma_wait3A_144 : memref<128xi32, #tpu.memory_space<hbm>>) dst(%arg12 : memref<128xi32, #tpu.memory_space<vmem>>)
        tpu.yield
      }) : () -> ()
      "tpu.region"() ({
        %run_scoped3A = tpu.sem_alloc : memref<!tpu.dma_semaphore, #tpu.memory_space<semaphore_mem>>
        %dma_start3A_141 = tpu.memref_slice %arg5[%add3A_79] : memref<160000xi32, #tpu.memory_space<hbm>> -> memref<128xi32, #tpu.memory_space<hbm>>
        %dma_start3A_142 = tpu.memref_slice %arg5[%add3A_79] : memref<160000xi32, #tpu.memory_space<hbm>> -> memref<128xi32, #tpu.memory_space<hbm>>
        tpu.enqueue_dma source(%dma_start3A_142 : memref<128xi32, #tpu.memory_space<hbm>>) target(%arg13 : memref<128xi32, #tpu.memory_space<vmem>>) target_semaphore(%run_scoped3A : memref<!tpu.dma_semaphore, #tpu.memory_space<semaphore_mem>>)
        %dma_wait3A_143 = tpu.memref_slice %arg5[%add3A_79] : memref<160000xi32, #tpu.memory_space<hbm>> -> memref<128xi32, #tpu.memory_space<hbm>>
        %dma_wait3A_144 = tpu.memref_slice %arg5[%add3A_79] : memref<160000xi32, #tpu.memory_space<hbm>> -> memref<128xi32, #tpu.memory_space<hbm>>
        tpu.wait_dma2 semaphore(%run_scoped3A : memref<!tpu.dma_semaphore, #tpu.memory_space<semaphore_mem>>) src(%dma_wait3A_144 : memref<128xi32, #tpu.memory_space<hbm>>) dst(%arg13 : memref<128xi32, #tpu.memory_space<vmem>>)
        tpu.yield
      }) : () -> ()
      %dma_start3A_80 = arith.constant 0 : i32
      %dma_start3A_81 = arith.constant 0 : i32
      %dma_start3A_82 = tpu.memref_slice %arg2[%dma_start3A_80, %dma_start3A_81] : memref<50000x64xf32, #tpu.memory_space<hbm>> -> memref<50000x64xf32, #tpu.memory_space<hbm>>
      tpu.enqueue_indirect_dma source(%dma_start3A_82 : memref<50000x64xf32, #tpu.memory_space<hbm>>) target(%arg14 : memref<128x64xf32, #tpu.memory_space<vmem>>) offsets(%arg12 : memref<128xi32, #tpu.memory_space<vmem>>) semaphore(%arg16 : memref<!tpu.dma_semaphore, #tpu.memory_space<semaphore_mem>>)
      %dma_start3A_83 = arith.constant 0 : i32
      %dma_start3A_84 = arith.constant 0 : i32
      %dma_start3A_85 = tpu.memref_slice %arg3[%dma_start3A_83, %dma_start3A_84] : memref<50000x64xf32, #tpu.memory_space<hbm>> -> memref<50000x64xf32, #tpu.memory_space<hbm>>
      tpu.enqueue_indirect_dma source(%dma_start3A_85 : memref<50000x64xf32, #tpu.memory_space<hbm>>) target(%arg15 : memref<128x64xf32, #tpu.memory_space<vmem>>) offsets(%arg13 : memref<128xi32, #tpu.memory_space<vmem>>) semaphore(%arg16 : memref<!tpu.dma_semaphore, #tpu.memory_space<semaphore_mem>>)
      %mul3A_86 = arith.constant 2 : i32
      %mul3A_87 = arith.muli %mul3A_86, %scan3A_72 : i32
      %dma_wait3A_88 = arith.constant 0 : i32
      %dma_wait3A_89 = arith.constant 0 : i32
      %dma_wait3A_90 = tpu.memref_slice %arg2[%dma_wait3A_88, %dma_wait3A_89] : memref<50000x64xf32, #tpu.memory_space<hbm>> -> memref<50000x64xf32, #tpu.memory_space<hbm>>
      tpu.wait_indirect_dma semaphore(%arg11 : memref<!tpu.dma_semaphore, #tpu.memory_space<semaphore_mem>>) src(%dma_wait3A_90 : memref<50000x64xf32, #tpu.memory_space<hbm>>) dst(%arg9 : memref<128x64xf32, #tpu.memory_space<vmem>>)
      %dma_wait3A_91 = arith.constant 0 : i32
      %dma_wait3A_92 = arith.constant 0 : i32
      %dma_wait3A_93 = tpu.memref_slice %arg3[%dma_wait3A_91, %dma_wait3A_92] : memref<50000x64xf32, #tpu.memory_space<hbm>> -> memref<50000x64xf32, #tpu.memory_space<hbm>>
      tpu.wait_indirect_dma semaphore(%arg11 : memref<!tpu.dma_semaphore, #tpu.memory_space<semaphore_mem>>) src(%dma_wait3A_93 : memref<50000x64xf32, #tpu.memory_space<hbm>>) dst(%arg10 : memref<128x64xf32, #tpu.memory_space<vmem>>)
      %scan3A_94 = arith.constant 0 : i32
      %scan3A_95 = arith.constant 0 : i32
      %scan3A_96 = arith.constant 128 : i32
      %scan3A_97 = arith.addi %scan3A_95, %scan3A_96 : i32
      %scan3A_98 = arith.constant 1 : i32
      scf.for %scan3A_141 = %scan3A_95 to %scan3A_97 step %scan3A_98  : i32 {
        %get3A = arith.index_cast %scan3A_141 : i32 to index
        %get3A_142 = arith.constant 0 : index
        %get3A_143 = tpu.vector_load %arg10[%get3A, %get3A_142] {strides = array<i32>} : memref<128x64xf32, #tpu.memory_space<vmem>>, vector<1x16xf32>,
        %get3A_144 = vector.shape_cast %get3A_143 : vector<1x16xf32> to vector<16xf32>
        %swap3A = arith.index_cast %scan3A_141 : i32 to index
        %swap3A_145 = arith.constant 0 : index
        %swap3A_146 = tpu.vector_load %arg9[%swap3A, %swap3A_145] {strides = array<i32>} : memref<128x64xf32, #tpu.memory_space<vmem>>, vector<1x16xf32>,
        %swap3A_147 = vector.shape_cast %swap3A_146 : vector<1x16xf32> to vector<16xf32>
        %swap3A_148 = vector.shape_cast %get3A_144 : vector<16xf32> to vector<1x16xf32>
        tpu.vector_store %arg9[%swap3A, %swap3A_145], %swap3A_148 {add = true, strides = array<i32>} : memref<128x64xf32, #tpu.memory_space<vmem>>, vector<1x16xf32>,
        %get3A_149 = arith.index_cast %scan3A_141 : i32 to index
        %get3A_150 = arith.constant 16 : index
        %get3A_151 = tpu.vector_load %arg10[%get3A_149, %get3A_150] {strides = array<i32>} : memref<128x64xf32, #tpu.memory_space<vmem>>, vector<1x16xf32>,
        %get3A_152 = vector.shape_cast %get3A_151 : vector<1x16xf32> to vector<16xf32>
        %swap3A_153 = arith.index_cast %scan3A_141 : i32 to index
        %swap3A_154 = arith.constant 16 : index
        %swap3A_155 = tpu.vector_load %arg9[%swap3A_153, %swap3A_154] {strides = array<i32>} : memref<128x64xf32, #tpu.memory_space<vmem>>, vector<1x16xf32>,
        %swap3A_156 = vector.shape_cast %swap3A_155 : vector<1x16xf32> to vector<16xf32>
        %swap3A_157 = vector.shape_cast %get3A_152 : vector<16xf32> to vector<1x16xf32>
        tpu.vector_store %arg9[%swap3A_153, %swap3A_154], %swap3A_157 {add = true, strides = array<i32>} : memref<128x64xf32, #tpu.memory_space<vmem>>, vector<1x16xf32>,
        %get3A_158 = arith.index_cast %scan3A_141 : i32 to index
        %get3A_159 = arith.constant 32 : index
        %get3A_160 = tpu.vector_load %arg10[%get3A_158, %get3A_159] {strides = array<i32>} : memref<128x64xf32, #tpu.memory_space<vmem>>, vector<1x16xf32>,
        %get3A_161 = vector.shape_cast %get3A_160 : vector<1x16xf32> to vector<16xf32>
        %swap3A_162 = arith.index_cast %scan3A_141 : i32 to index
        %swap3A_163 = arith.constant 32 : index
        %swap3A_164 = tpu.vector_load %arg9[%swap3A_162, %swap3A_163] {strides = array<i32>} : memref<128x64xf32, #tpu.memory_space<vmem>>, vector<1x16xf32>,
        %swap3A_165 = vector.shape_cast %swap3A_164 : vector<1x16xf32> to vector<16xf32>
        %swap3A_166 = vector.shape_cast %get3A_161 : vector<16xf32> to vector<1x16xf32>
        tpu.vector_store %arg9[%swap3A_162, %swap3A_163], %swap3A_166 {add = true, strides = array<i32>} : memref<128x64xf32, #tpu.memory_space<vmem>>, vector<1x16xf32>,
        %get3A_167 = arith.index_cast %scan3A_141 : i32 to index
        %get3A_168 = arith.constant 48 : index
        %get3A_169 = tpu.vector_load %arg10[%get3A_167, %get3A_168] {strides = array<i32>} : memref<128x64xf32, #tpu.memory_space<vmem>>, vector<1x16xf32>,
        %get3A_170 = vector.shape_cast %get3A_169 : vector<1x16xf32> to vector<16xf32>
        %swap3A_171 = arith.index_cast %scan3A_141 : i32 to index
        %swap3A_172 = arith.constant 48 : index
        %swap3A_173 = tpu.vector_load %arg9[%swap3A_171, %swap3A_172] {strides = array<i32>} : memref<128x64xf32, #tpu.memory_space<vmem>>, vector<1x16xf32>,
        %swap3A_174 = vector.shape_cast %swap3A_173 : vector<1x16xf32> to vector<16xf32>
        %swap3A_175 = vector.shape_cast %get3A_170 : vector<16xf32> to vector<1x16xf32>
        tpu.vector_store %arg9[%swap3A_171, %swap3A_172], %swap3A_175 {add = true, strides = array<i32>} : memref<128x64xf32, #tpu.memory_space<vmem>>, vector<1x16xf32>,
      }
      %scan3A_99 = arith.constant 128 : i32
      %mul3A_100 = arith.constant 128 : i32
      %mul3A_101 = arith.muli %mul3A_87, %mul3A_100 : i32
      %add3A_102 = arith.addi %mul3A_2, %mul3A_101 : i32
      %mul3A_103 = arith.constant 80000 : i32
      %mul3A_104 = arith.muli %select_n3A, %mul3A_103 : i32
      %sub3A_105 = arith.subi %add3A_102, %mul3A_104 : i32
      "tpu.region"() ({
        %run_scoped3A = tpu.sem_alloc : memref<!tpu.dma_semaphore, #tpu.memory_space<semaphore_mem>>
        %dma_start3A_141 = tpu.memref_slice %arg6[%sub3A_105, %mul3A_20] : memref<80000x128xf32, #tpu.memory_space<hbm>> -> memref<128x64xf32, #tpu.memory_space<hbm>>
        %dma_start3A_142 = tpu.memref_slice %arg6[%sub3A_105, %mul3A_20] : memref<80000x128xf32, #tpu.memory_space<hbm>> -> memref<128x64xf32, #tpu.memory_space<hbm>>
        tpu.enqueue_dma source(%arg9 : memref<128x64xf32, #tpu.memory_space<vmem>>) target(%dma_start3A_142 : memref<128x64xf32, #tpu.memory_space<hbm>>) target_semaphore(%run_scoped3A : memref<!tpu.dma_semaphore, #tpu.memory_space<semaphore_mem>>)
        %dma_wait3A_143 = tpu.memref_slice %arg6[%sub3A_105, %mul3A_20] : memref<80000x128xf32, #tpu.memory_space<hbm>> -> memref<128x64xf32, #tpu.memory_space<hbm>>
        %dma_wait3A_144 = tpu.memref_slice %arg6[%sub3A_105, %mul3A_20] : memref<80000x128xf32, #tpu.memory_space<hbm>> -> memref<128x64xf32, #tpu.memory_space<hbm>>
        tpu.wait_dma2 semaphore(%run_scoped3A : memref<!tpu.dma_semaphore, #tpu.memory_space<semaphore_mem>>) src(%arg9 : memref<128x64xf32, #tpu.memory_space<vmem>>) dst(%dma_wait3A_144 : memref<128x64xf32, #tpu.memory_space<hbm>>)
        tpu.yield
      }) : () -> ()
      %mul3A_106 = arith.constant 2 : i32
      %mul3A_107 = arith.muli %mul3A_106, %scan3A_72 : i32
      %add3A_108 = arith.constant 2 : i32
      %add3A_109 = arith.addi %mul3A_107, %add3A_108 : i32
      %mul3A_110 = arith.constant 128 : i32
      %mul3A_111 = arith.muli %add3A_109, %mul3A_110 : i32
      %add3A_112 = arith.addi %mul3A_2, %mul3A_111 : i32
      "tpu.region"() ({
        %run_scoped3A = tpu.sem_alloc : memref<!tpu.dma_semaphore, #tpu.memory_space<semaphore_mem>>
        %dma_start3A_141 = tpu.memref_slice %arg4[%add3A_112] : memref<160000xi32, #tpu.memory_space<hbm>> -> memref<128xi32, #tpu.memory_space<hbm>>
        %dma_start3A_142 = tpu.memref_slice %arg4[%add3A_112] : memref<160000xi32, #tpu.memory_space<hbm>> -> memref<128xi32, #tpu.memory_space<hbm>>
        tpu.enqueue_dma source(%dma_start3A_142 : memref<128xi32, #tpu.memory_space<hbm>>) target(%arg7 : memref<128xi32, #tpu.memory_space<vmem>>) target_semaphore(%run_scoped3A : memref<!tpu.dma_semaphore, #tpu.memory_space<semaphore_mem>>)
        %dma_wait3A_143 = tpu.memref_slice %arg4[%add3A_112] : memref<160000xi32, #tpu.memory_space<hbm>> -> memref<128xi32, #tpu.memory_space<hbm>>
        %dma_wait3A_144 = tpu.memref_slice %arg4[%add3A_112] : memref<160000xi32, #tpu.memory_space<hbm>> -> memref<128xi32, #tpu.memory_space<hbm>>
        tpu.wait_dma2 semaphore(%run_scoped3A : memref<!tpu.dma_semaphore, #tpu.memory_space<semaphore_mem>>) src(%dma_wait3A_144 : memref<128xi32, #tpu.memory_space<hbm>>) dst(%arg7 : memref<128xi32, #tpu.memory_space<vmem>>)
        tpu.yield
      }) : () -> ()
      "tpu.region"() ({
        %run_scoped3A = tpu.sem_alloc : memref<!tpu.dma_semaphore, #tpu.memory_space<semaphore_mem>>
        %dma_start3A_141 = tpu.memref_slice %arg5[%add3A_112] : memref<160000xi32, #tpu.memory_space<hbm>> -> memref<128xi32, #tpu.memory_space<hbm>>
        %dma_start3A_142 = tpu.memref_slice %arg5[%add3A_112] : memref<160000xi32, #tpu.memory_space<hbm>> -> memref<128xi32, #tpu.memory_space<hbm>>
        tpu.enqueue_dma source(%dma_start3A_142 : memref<128xi32, #tpu.memory_space<hbm>>) target(%arg8 : memref<128xi32, #tpu.memory_space<vmem>>) target_semaphore(%run_scoped3A : memref<!tpu.dma_semaphore, #tpu.memory_space<semaphore_mem>>)
        %dma_wait3A_143 = tpu.memref_slice %arg5[%add3A_112] : memref<160000xi32, #tpu.memory_space<hbm>> -> memref<128xi32, #tpu.memory_space<hbm>>
        %dma_wait3A_144 = tpu.memref_slice %arg5[%add3A_112] : memref<160000xi32, #tpu.memory_space<hbm>> -> memref<128xi32, #tpu.memory_space<hbm>>
        tpu.wait_dma2 semaphore(%run_scoped3A : memref<!tpu.dma_semaphore, #tpu.memory_space<semaphore_mem>>) src(%dma_wait3A_144 : memref<128xi32, #tpu.memory_space<hbm>>) dst(%arg8 : memref<128xi32, #tpu.memory_space<vmem>>)
        tpu.yield
      }) : () -> ()
      %dma_start3A_113 = arith.constant 0 : i32
      %dma_start3A_114 = arith.constant 0 : i32
      %dma_start3A_115 = tpu.memref_slice %arg2[%dma_start3A_113, %dma_start3A_114] : memref<50000x64xf32, #tpu.memory_space<hbm>> -> memref<50000x64xf32, #tpu.memory_space<hbm>>
      tpu.enqueue_indirect_dma source(%dma_start3A_115 : memref<50000x64xf32, #tpu.memory_space<hbm>>) target(%arg9 : memref<128x64xf32, #tpu.memory_space<vmem>>) offsets(%arg7 : memref<128xi32, #tpu.memory_space<vmem>>) semaphore(%arg11 : memref<!tpu.dma_semaphore, #tpu.memory_space<semaphore_mem>>)
      %dma_start3A_116 = arith.constant 0 : i32
      %dma_start3A_117 = arith.constant 0 : i32
      %dma_start3A_118 = tpu.memref_slice %arg3[%dma_start3A_116, %dma_start3A_117] : memref<50000x64xf32, #tpu.memory_space<hbm>> -> memref<50000x64xf32, #tpu.memory_space<hbm>>
      tpu.enqueue_indirect_dma source(%dma_start3A_118 : memref<50000x64xf32, #tpu.memory_space<hbm>>) target(%arg10 : memref<128x64xf32, #tpu.memory_space<vmem>>) offsets(%arg8 : memref<128xi32, #tpu.memory_space<vmem>>) semaphore(%arg11 : memref<!tpu.dma_semaphore, #tpu.memory_space<semaphore_mem>>)
      %mul3A_119 = arith.constant 2 : i32
      %mul3A_120 = arith.muli %mul3A_119, %scan3A_72 : i32
      %add3A_121 = arith.constant 1 : i32
      %add3A_122 = arith.addi %mul3A_120, %add3A_121 : i32
      %dma_wait3A_123 = arith.constant 0 : i32
      %dma_wait3A_124 = arith.constant 0 : i32
      %dma_wait3A_125 = tpu.memref_slice %arg2[%dma_wait3A_123, %dma_wait3A_124] : memref<50000x64xf32, #tpu.memory_space<hbm>> -> memref<50000x64xf32, #tpu.memory_space<hbm>>
      tpu.wait_indirect_dma semaphore(%arg16 : memref<!tpu.dma_semaphore, #tpu.memory_space<semaphore_mem>>) src(%dma_wait3A_125 : memref<50000x64xf32, #tpu.memory_space<hbm>>) dst(%arg14 : memref<128x64xf32, #tpu.memory_space<vmem>>)
      %dma_wait3A_126 = arith.constant 0 : i32
      %dma_wait3A_127 = arith.constant 0 : i32
      %dma_wait3A_128 = tpu.memref_slice %arg3[%dma_wait3A_126, %dma_wait3A_127] : memref<50000x64xf32, #tpu.memory_space<hbm>> -> memref<50000x64xf32, #tpu.memory_space<hbm>>
      tpu.wait_indirect_dma semaphore(%arg16 : memref<!tpu.dma_semaphore, #tpu.memory_space<semaphore_mem>>) src(%dma_wait3A_128 : memref<50000x64xf32, #tpu.memory_space<hbm>>) dst(%arg15 : memref<128x64xf32, #tpu.memory_space<vmem>>)
      %scan3A_129 = arith.constant 0 : i32
      %scan3A_130 = arith.constant 0 : i32
      %scan3A_131 = arith.constant 128 : i32
      %scan3A_132 = arith.addi %scan3A_130, %scan3A_131 : i32
      %scan3A_133 = arith.constant 1 : i32
      scf.for %scan3A_141 = %scan3A_130 to %scan3A_132 step %scan3A_133  : i32 {
        %get3A = arith.index_cast %scan3A_141 : i32 to index
        %get3A_142 = arith.constant 0 : index
        %get3A_143 = tpu.vector_load %arg15[%get3A, %get3A_142] {strides = array<i32>} : memref<128x64xf32, #tpu.memory_space<vmem>>, vector<1x16xf32>,
        %get3A_144 = vector.shape_cast %get3A_143 : vector<1x16xf32> to vector<16xf32>
        %swap3A = arith.index_cast %scan3A_141 : i32 to index
        %swap3A_145 = arith.constant 0 : index
        %swap3A_146 = tpu.vector_load %arg14[%swap3A, %swap3A_145] {strides = array<i32>} : memref<128x64xf32, #tpu.memory_space<vmem>>, vector<1x16xf32>,
        %swap3A_147 = vector.shape_cast %swap3A_146 : vector<1x16xf32> to vector<16xf32>
        %swap3A_148 = vector.shape_cast %get3A_144 : vector<16xf32> to vector<1x16xf32>
        tpu.vector_store %arg14[%swap3A, %swap3A_145], %swap3A_148 {add = true, strides = array<i32>} : memref<128x64xf32, #tpu.memory_space<vmem>>, vector<1x16xf32>,
        %get3A_149 = arith.index_cast %scan3A_141 : i32 to index
        %get3A_150 = arith.constant 16 : index
        %get3A_151 = tpu.vector_load %arg15[%get3A_149, %get3A_150] {strides = array<i32>} : memref<128x64xf32, #tpu.memory_space<vmem>>, vector<1x16xf32>,
        %get3A_152 = vector.shape_cast %get3A_151 : vector<1x16xf32> to vector<16xf32>
        %swap3A_153 = arith.index_cast %scan3A_141 : i32 to index
        %swap3A_154 = arith.constant 16 : index
        %swap3A_155 = tpu.vector_load %arg14[%swap3A_153, %swap3A_154] {strides = array<i32>} : memref<128x64xf32, #tpu.memory_space<vmem>>, vector<1x16xf32>,
        %swap3A_156 = vector.shape_cast %swap3A_155 : vector<1x16xf32> to vector<16xf32>
        %swap3A_157 = vector.shape_cast %get3A_152 : vector<16xf32> to vector<1x16xf32>
        tpu.vector_store %arg14[%swap3A_153, %swap3A_154], %swap3A_157 {add = true, strides = array<i32>} : memref<128x64xf32, #tpu.memory_space<vmem>>, vector<1x16xf32>,
        %get3A_158 = arith.index_cast %scan3A_141 : i32 to index
        %get3A_159 = arith.constant 32 : index
        %get3A_160 = tpu.vector_load %arg15[%get3A_158, %get3A_159] {strides = array<i32>} : memref<128x64xf32, #tpu.memory_space<vmem>>, vector<1x16xf32>,
        %get3A_161 = vector.shape_cast %get3A_160 : vector<1x16xf32> to vector<16xf32>
        %swap3A_162 = arith.index_cast %scan3A_141 : i32 to index
        %swap3A_163 = arith.constant 32 : index
        %swap3A_164 = tpu.vector_load %arg14[%swap3A_162, %swap3A_163] {strides = array<i32>} : memref<128x64xf32, #tpu.memory_space<vmem>>, vector<1x16xf32>,
        %swap3A_165 = vector.shape_cast %swap3A_164 : vector<1x16xf32> to vector<16xf32>
        %swap3A_166 = vector.shape_cast %get3A_161 : vector<16xf32> to vector<1x16xf32>
        tpu.vector_store %arg14[%swap3A_162, %swap3A_163], %swap3A_166 {add = true, strides = array<i32>} : memref<128x64xf32, #tpu.memory_space<vmem>>, vector<1x16xf32>,
        %get3A_167 = arith.index_cast %scan3A_141 : i32 to index
        %get3A_168 = arith.constant 48 : index
        %get3A_169 = tpu.vector_load %arg15[%get3A_167, %get3A_168] {strides = array<i32>} : memref<128x64xf32, #tpu.memory_space<vmem>>, vector<1x16xf32>,
        %get3A_170 = vector.shape_cast %get3A_169 : vector<1x16xf32> to vector<16xf32>
        %swap3A_171 = arith.index_cast %scan3A_141 : i32 to index
        %swap3A_172 = arith.constant 48 : index
        %swap3A_173 = tpu.vector_load %arg14[%swap3A_171, %swap3A_172] {strides = array<i32>} : memref<128x64xf32, #tpu.memory_space<vmem>>, vector<1x16xf32>,
        %swap3A_174 = vector.shape_cast %swap3A_173 : vector<1x16xf32> to vector<16xf32>
        %swap3A_175 = vector.shape_cast %get3A_170 : vector<16xf32> to vector<1x16xf32>
        tpu.vector_store %arg14[%swap3A_171, %swap3A_172], %swap3A_175 {add = true, strides = array<i32>} : memref<128x64xf32, #tpu.memory_space<vmem>>, vector<1x16xf32>,
      }
      %scan3A_134 = arith.constant 128 : i32
      %mul3A_135 = arith.constant 128 : i32
      %mul3A_136 = arith.muli %add3A_122, %mul3A_135 : i32
      %add3A_137 = arith.addi %mul3A_2, %mul3A_136 : i32
      %mul3A_138 = arith.constant 80000 : i32
      %mul3A_139 = arith.muli %select_n3A, %mul3A_138 : i32
      %sub3A_140 = arith.subi %add3A_137, %mul3A_139 : i32
      "tpu.region"() ({
        %run_scoped3A = tpu.sem_alloc : memref<!tpu.dma_semaphore, #tpu.memory_space<semaphore_mem>>
        %dma_start3A_141 = tpu.memref_slice %arg6[%sub3A_140, %mul3A_20] : memref<80000x128xf32, #tpu.memory_space<hbm>> -> memref<128x64xf32, #tpu.memory_space<hbm>>
        %dma_start3A_142 = tpu.memref_slice %arg6[%sub3A_140, %mul3A_20] : memref<80000x128xf32, #tpu.memory_space<hbm>> -> memref<128x64xf32, #tpu.memory_space<hbm>>
        tpu.enqueue_dma source(%arg14 : memref<128x64xf32, #tpu.memory_space<vmem>>) target(%dma_start3A_142 : memref<128x64xf32, #tpu.memory_space<hbm>>) target_semaphore(%run_scoped3A : memref<!tpu.dma_semaphore, #tpu.memory_space<semaphore_mem>>)
        %dma_wait3A_143 = tpu.memref_slice %arg6[%sub3A_140, %mul3A_20] : memref<80000x128xf32, #tpu.memory_space<hbm>> -> memref<128x64xf32, #tpu.memory_space<hbm>>
        %dma_wait3A_144 = tpu.memref_slice %arg6[%sub3A_140, %mul3A_20] : memref<80000x128xf32, #tpu.memory_space<hbm>> -> memref<128x64xf32, #tpu.memory_space<hbm>>
        tpu.wait_dma2 semaphore(%run_scoped3A : memref<!tpu.dma_semaphore, #tpu.memory_space<semaphore_mem>>) src(%arg14 : memref<128x64xf32, #tpu.memory_space<vmem>>) dst(%dma_wait3A_144 : memref<128x64xf32, #tpu.memory_space<hbm>>)
        tpu.yield
      }) : () -> ()
    }
    %scan3A_32 = arith.constant 19 : i32
    %dma_wait3A = arith.constant 0 : i32
    %dma_wait3A_33 = arith.constant 0 : i32
    %dma_wait3A_34 = tpu.memref_slice %arg2[%dma_wait3A, %dma_wait3A_33] : memref<50000x64xf32, #tpu.memory_space<hbm>> -> memref<50000x64xf32, #tpu.memory_space<hbm>>
    tpu.wait_indirect_dma semaphore(%arg11 : memref<!tpu.dma_semaphore, #tpu.memory_space<semaphore_mem>>) src(%dma_wait3A_34 : memref<50000x64xf32, #tpu.memory_space<hbm>>) dst(%arg9 : memref<128x64xf32, #tpu.memory_space<vmem>>)
    %dma_wait3A_35 = arith.constant 0 : i32
    %dma_wait3A_36 = arith.constant 0 : i32
    %dma_wait3A_37 = tpu.memref_slice %arg3[%dma_wait3A_35, %dma_wait3A_36] : memref<50000x64xf32, #tpu.memory_space<hbm>> -> memref<50000x64xf32, #tpu.memory_space<hbm>>
    tpu.wait_indirect_dma semaphore(%arg11 : memref<!tpu.dma_semaphore, #tpu.memory_space<semaphore_mem>>) src(%dma_wait3A_37 : memref<50000x64xf32, #tpu.memory_space<hbm>>) dst(%arg10 : memref<128x64xf32, #tpu.memory_space<vmem>>)
    %scan3A_38 = arith.constant 0 : i32
    %scan3A_39 = arith.constant 0 : i32
    %scan3A_40 = arith.constant 128 : i32
    %scan3A_41 = arith.addi %scan3A_39, %scan3A_40 : i32
    %scan3A_42 = arith.constant 1 : i32
    scf.for %scan3A_72 = %scan3A_39 to %scan3A_41 step %scan3A_42  : i32 {
      %get3A = arith.index_cast %scan3A_72 : i32 to index
      %get3A_73 = arith.constant 0 : index
      %get3A_74 = tpu.vector_load %arg10[%get3A, %get3A_73] {strides = array<i32>} : memref<128x64xf32, #tpu.memory_space<vmem>>, vector<1x16xf32>,
      %get3A_75 = vector.shape_cast %get3A_74 : vector<1x16xf32> to vector<16xf32>
      %swap3A = arith.index_cast %scan3A_72 : i32 to index
      %swap3A_76 = arith.constant 0 : index
      %swap3A_77 = tpu.vector_load %arg9[%swap3A, %swap3A_76] {strides = array<i32>} : memref<128x64xf32, #tpu.memory_space<vmem>>, vector<1x16xf32>,
      %swap3A_78 = vector.shape_cast %swap3A_77 : vector<1x16xf32> to vector<16xf32>
      %swap3A_79 = vector.shape_cast %get3A_75 : vector<16xf32> to vector<1x16xf32>
      tpu.vector_store %arg9[%swap3A, %swap3A_76], %swap3A_79 {add = true, strides = array<i32>} : memref<128x64xf32, #tpu.memory_space<vmem>>, vector<1x16xf32>,
      %get3A_80 = arith.index_cast %scan3A_72 : i32 to index
      %get3A_81 = arith.constant 16 : index
      %get3A_82 = tpu.vector_load %arg10[%get3A_80, %get3A_81] {strides = array<i32>} : memref<128x64xf32, #tpu.memory_space<vmem>>, vector<1x16xf32>,
      %get3A_83 = vector.shape_cast %get3A_82 : vector<1x16xf32> to vector<16xf32>
      %swap3A_84 = arith.index_cast %scan3A_72 : i32 to index
      %swap3A_85 = arith.constant 16 : index
      %swap3A_86 = tpu.vector_load %arg9[%swap3A_84, %swap3A_85] {strides = array<i32>} : memref<128x64xf32, #tpu.memory_space<vmem>>, vector<1x16xf32>,
      %swap3A_87 = vector.shape_cast %swap3A_86 : vector<1x16xf32> to vector<16xf32>
      %swap3A_88 = vector.shape_cast %get3A_83 : vector<16xf32> to vector<1x16xf32>
      tpu.vector_store %arg9[%swap3A_84, %swap3A_85], %swap3A_88 {add = true, strides = array<i32>} : memref<128x64xf32, #tpu.memory_space<vmem>>, vector<1x16xf32>,
      %get3A_89 = arith.index_cast %scan3A_72 : i32 to index
      %get3A_90 = arith.constant 32 : index
      %get3A_91 = tpu.vector_load %arg10[%get3A_89, %get3A_90] {strides = array<i32>} : memref<128x64xf32, #tpu.memory_space<vmem>>, vector<1x16xf32>,
      %get3A_92 = vector.shape_cast %get3A_91 : vector<1x16xf32> to vector<16xf32>
      %swap3A_93 = arith.index_cast %scan3A_72 : i32 to index
      %swap3A_94 = arith.constant 32 : index
      %swap3A_95 = tpu.vector_load %arg9[%swap3A_93, %swap3A_94] {strides = array<i32>} : memref<128x64xf32, #tpu.memory_space<vmem>>, vector<1x16xf32>,
      %swap3A_96 = vector.shape_cast %swap3A_95 : vector<1x16xf32> to vector<16xf32>
      %swap3A_97 = vector.shape_cast %get3A_92 : vector<16xf32> to vector<1x16xf32>
      tpu.vector_store %arg9[%swap3A_93, %swap3A_94], %swap3A_97 {add = true, strides = array<i32>} : memref<128x64xf32, #tpu.memory_space<vmem>>, vector<1x16xf32>,
      %get3A_98 = arith.index_cast %scan3A_72 : i32 to index
      %get3A_99 = arith.constant 48 : index
      %get3A_100 = tpu.vector_load %arg10[%get3A_98, %get3A_99] {strides = array<i32>} : memref<128x64xf32, #tpu.memory_space<vmem>>, vector<1x16xf32>,
      %get3A_101 = vector.shape_cast %get3A_100 : vector<1x16xf32> to vector<16xf32>
      %swap3A_102 = arith.index_cast %scan3A_72 : i32 to index
      %swap3A_103 = arith.constant 48 : index
      %swap3A_104 = tpu.vector_load %arg9[%swap3A_102, %swap3A_103] {strides = array<i32>} : memref<128x64xf32, #tpu.memory_space<vmem>>, vector<1x16xf32>,
      %swap3A_105 = vector.shape_cast %swap3A_104 : vector<1x16xf32> to vector<16xf32>
      %swap3A_106 = vector.shape_cast %get3A_101 : vector<16xf32> to vector<1x16xf32>
      tpu.vector_store %arg9[%swap3A_102, %swap3A_103], %swap3A_106 {add = true, strides = array<i32>} : memref<128x64xf32, #tpu.memory_space<vmem>>, vector<1x16xf32>,
    }
    %scan3A_43 = arith.constant 128 : i32
    %add3A_44 = arith.constant 4864 : i32
    %add3A_45 = arith.addi %mul3A_2, %add3A_44 : i32
    %mul3A_46 = arith.constant 80000 : i32
    %mul3A_47 = arith.muli %select_n3A, %mul3A_46 : i32
    %sub3A_48 = arith.subi %add3A_45, %mul3A_47 : i32
    "tpu.region"() ({
      %run_scoped3A = tpu.sem_alloc : memref<!tpu.dma_semaphore, #tpu.memory_space<semaphore_mem>>
      %dma_start3A_72 = tpu.memref_slice %arg6[%sub3A_48, %mul3A_20] : memref<80000x128xf32, #tpu.memory_space<hbm>> -> memref<128x64xf32, #tpu.memory_space<hbm>>
      %dma_start3A_73 = tpu.memref_slice %arg6[%sub3A_48, %mul3A_20] : memref<80000x128xf32, #tpu.memory_space<hbm>> -> memref<128x64xf32, #tpu.memory_space<hbm>>
      tpu.enqueue_dma source(%arg9 : memref<128x64xf32, #tpu.memory_space<vmem>>) target(%dma_start3A_73 : memref<128x64xf32, #tpu.memory_space<hbm>>) target_semaphore(%run_scoped3A : memref<!tpu.dma_semaphore, #tpu.memory_space<semaphore_mem>>)
      %dma_wait3A_74 = tpu.memref_slice %arg6[%sub3A_48, %mul3A_20] : memref<80000x128xf32, #tpu.memory_space<hbm>> -> memref<128x64xf32, #tpu.memory_space<hbm>>
      %dma_wait3A_75 = tpu.memref_slice %arg6[%sub3A_48, %mul3A_20] : memref<80000x128xf32, #tpu.memory_space<hbm>> -> memref<128x64xf32, #tpu.memory_space<hbm>>
      tpu.wait_dma2 semaphore(%run_scoped3A : memref<!tpu.dma_semaphore, #tpu.memory_space<semaphore_mem>>) src(%arg9 : memref<128x64xf32, #tpu.memory_space<vmem>>) dst(%dma_wait3A_75 : memref<128x64xf32, #tpu.memory_space<hbm>>)
      tpu.yield
    }) : () -> ()
    %add3A_49 = arith.constant 4992 : i32
    %add3A_50 = arith.addi %mul3A_2, %add3A_49 : i32
    "tpu.region"() ({
      %run_scoped3A = tpu.sem_alloc : memref<!tpu.dma_semaphore, #tpu.memory_space<semaphore_mem>>
      %dma_start3A_72 = tpu.memref_slice %arg4[%add3A_50] : memref<160000xi32, #tpu.memory_space<hbm>> -> memref<8xi32, #tpu.memory_space<hbm>>
      %dma_start3A_73 = tpu.memref_slice %arg4[%add3A_50] : memref<160000xi32, #tpu.memory_space<hbm>> -> memref<8xi32, #tpu.memory_space<hbm>>
      tpu.enqueue_dma source(%dma_start3A_73 : memref<8xi32, #tpu.memory_space<hbm>>) target(%arg17 : memref<8xi32, #tpu.memory_space<vmem>>) target_semaphore(%run_scoped3A : memref<!tpu.dma_semaphore, #tpu.memory_space<semaphore_mem>>)
      %dma_wait3A_74 = tpu.memref_slice %arg4[%add3A_50] : memref<160000xi32, #tpu.memory_space<hbm>> -> memref<8xi32, #tpu.memory_space<hbm>>
      %dma_wait3A_75 = tpu.memref_slice %arg4[%add3A_50] : memref<160000xi32, #tpu.memory_space<hbm>> -> memref<8xi32, #tpu.memory_space<hbm>>
      tpu.wait_dma2 semaphore(%run_scoped3A : memref<!tpu.dma_semaphore, #tpu.memory_space<semaphore_mem>>) src(%dma_wait3A_75 : memref<8xi32, #tpu.memory_space<hbm>>) dst(%arg17 : memref<8xi32, #tpu.memory_space<vmem>>)
      tpu.yield
    }) : () -> ()
    "tpu.region"() ({
      %run_scoped3A = tpu.sem_alloc : memref<!tpu.dma_semaphore, #tpu.memory_space<semaphore_mem>>
      %dma_start3A_72 = tpu.memref_slice %arg5[%add3A_50] : memref<160000xi32, #tpu.memory_space<hbm>> -> memref<8xi32, #tpu.memory_space<hbm>>
      %dma_start3A_73 = tpu.memref_slice %arg5[%add3A_50] : memref<160000xi32, #tpu.memory_space<hbm>> -> memref<8xi32, #tpu.memory_space<hbm>>
      tpu.enqueue_dma source(%dma_start3A_73 : memref<8xi32, #tpu.memory_space<hbm>>) target(%arg18 : memref<8xi32, #tpu.memory_space<vmem>>) target_semaphore(%run_scoped3A : memref<!tpu.dma_semaphore, #tpu.memory_space<semaphore_mem>>)
      %dma_wait3A_74 = tpu.memref_slice %arg5[%add3A_50] : memref<160000xi32, #tpu.memory_space<hbm>> -> memref<8xi32, #tpu.memory_space<hbm>>
      %dma_wait3A_75 = tpu.memref_slice %arg5[%add3A_50] : memref<160000xi32, #tpu.memory_space<hbm>> -> memref<8xi32, #tpu.memory_space<hbm>>
      tpu.wait_dma2 semaphore(%run_scoped3A : memref<!tpu.dma_semaphore, #tpu.memory_space<semaphore_mem>>) src(%dma_wait3A_75 : memref<8xi32, #tpu.memory_space<hbm>>) dst(%arg18 : memref<8xi32, #tpu.memory_space<vmem>>)
      tpu.yield
    }) : () -> ()
    %dma_start3A_51 = arith.constant 0 : i32
    %dma_start3A_52 = arith.constant 0 : i32
    %dma_start3A_53 = tpu.memref_slice %arg2[%dma_start3A_51, %dma_start3A_52] : memref<50000x64xf32, #tpu.memory_space<hbm>> -> memref<50000x64xf32, #tpu.memory_space<hbm>>
    tpu.enqueue_indirect_dma source(%dma_start3A_53 : memref<50000x64xf32, #tpu.memory_space<hbm>>) target(%arg19 : memref<8x64xf32, #tpu.memory_space<vmem>>) offsets(%arg17 : memref<8xi32, #tpu.memory_space<vmem>>) semaphore(%arg16 : memref<!tpu.dma_semaphore, #tpu.memory_space<semaphore_mem>>)
    %dma_start3A_54 = arith.constant 0 : i32
    %dma_start3A_55 = arith.constant 0 : i32
    %dma_start3A_56 = tpu.memref_slice %arg3[%dma_start3A_54, %dma_start3A_55] : memref<50000x64xf32, #tpu.memory_space<hbm>> -> memref<50000x64xf32, #tpu.memory_space<hbm>>
    tpu.enqueue_indirect_dma source(%dma_start3A_56 : memref<50000x64xf32, #tpu.memory_space<hbm>>) target(%arg20 : memref<8x64xf32, #tpu.memory_space<vmem>>) offsets(%arg18 : memref<8xi32, #tpu.memory_space<vmem>>) semaphore(%arg16 : memref<!tpu.dma_semaphore, #tpu.memory_space<semaphore_mem>>)
    %dma_wait3A_57 = arith.constant 0 : i32
    %dma_wait3A_58 = arith.constant 0 : i32
    %dma_wait3A_59 = tpu.memref_slice %arg2[%dma_wait3A_57, %dma_wait3A_58] : memref<50000x64xf32, #tpu.memory_space<hbm>> -> memref<50000x64xf32, #tpu.memory_space<hbm>>
    tpu.wait_indirect_dma semaphore(%arg16 : memref<!tpu.dma_semaphore, #tpu.memory_space<semaphore_mem>>) src(%dma_wait3A_59 : memref<50000x64xf32, #tpu.memory_space<hbm>>) dst(%arg19 : memref<8x64xf32, #tpu.memory_space<vmem>>)
    %dma_wait3A_60 = arith.constant 0 : i32
    %dma_wait3A_61 = arith.constant 0 : i32
    %dma_wait3A_62 = tpu.memref_slice %arg3[%dma_wait3A_60, %dma_wait3A_61] : memref<50000x64xf32, #tpu.memory_space<hbm>> -> memref<50000x64xf32, #tpu.memory_space<hbm>>
    tpu.wait_indirect_dma semaphore(%arg16 : memref<!tpu.dma_semaphore, #tpu.memory_space<semaphore_mem>>) src(%dma_wait3A_62 : memref<50000x64xf32, #tpu.memory_space<hbm>>) dst(%arg20 : memref<8x64xf32, #tpu.memory_space<vmem>>)
    %scan3A_63 = arith.constant 0 : i32
    %scan3A_64 = arith.constant 0 : i32
    %scan3A_65 = arith.constant 8 : i32
    %scan3A_66 = arith.addi %scan3A_64, %scan3A_65 : i32
    %scan3A_67 = arith.constant 1 : i32
    scf.for %scan3A_72 = %scan3A_64 to %scan3A_66 step %scan3A_67  : i32 {
      %get3A = arith.index_cast %scan3A_72 : i32 to index
      %get3A_73 = arith.constant 0 : index
      %get3A_74 = tpu.vector_load %arg20[%get3A, %get3A_73] {strides = array<i32>} : memref<8x64xf32, #tpu.memory_space<vmem>>, vector<1x16xf32>,
      %get3A_75 = vector.shape_cast %get3A_74 : vector<1x16xf32> to vector<16xf32>
      %swap3A = arith.index_cast %scan3A_72 : i32 to index
      %swap3A_76 = arith.constant 0 : index
      %swap3A_77 = tpu.vector_load %arg19[%swap3A, %swap3A_76] {strides = array<i32>} : memref<8x64xf32, #tpu.memory_space<vmem>>, vector<1x16xf32>,
      %swap3A_78 = vector.shape_cast %swap3A_77 : vector<1x16xf32> to vector<16xf32>
      %swap3A_79 = vector.shape_cast %get3A_75 : vector<16xf32> to vector<1x16xf32>
      tpu.vector_store %arg19[%swap3A, %swap3A_76], %swap3A_79 {add = true, strides = array<i32>} : memref<8x64xf32, #tpu.memory_space<vmem>>, vector<1x16xf32>,
      %get3A_80 = arith.index_cast %scan3A_72 : i32 to index
      %get3A_81 = arith.constant 16 : index
      %get3A_82 = tpu.vector_load %arg20[%get3A_80, %get3A_81] {strides = array<i32>} : memref<8x64xf32, #tpu.memory_space<vmem>>, vector<1x16xf32>,
      %get3A_83 = vector.shape_cast %get3A_82 : vector<1x16xf32> to vector<16xf32>
      %swap3A_84 = arith.index_cast %scan3A_72 : i32 to index
      %swap3A_85 = arith.constant 16 : index
      %swap3A_86 = tpu.vector_load %arg19[%swap3A_84, %swap3A_85] {strides = array<i32>} : memref<8x64xf32, #tpu.memory_space<vmem>>, vector<1x16xf32>,
      %swap3A_87 = vector.shape_cast %swap3A_86 : vector<1x16xf32> to vector<16xf32>
      %swap3A_88 = vector.shape_cast %get3A_83 : vector<16xf32> to vector<1x16xf32>
      tpu.vector_store %arg19[%swap3A_84, %swap3A_85], %swap3A_88 {add = true, strides = array<i32>} : memref<8x64xf32, #tpu.memory_space<vmem>>, vector<1x16xf32>,
      %get3A_89 = arith.index_cast %scan3A_72 : i32 to index
      %get3A_90 = arith.constant 32 : index
      %get3A_91 = tpu.vector_load %arg20[%get3A_89, %get3A_90] {strides = array<i32>} : memref<8x64xf32, #tpu.memory_space<vmem>>, vector<1x16xf32>,
      %get3A_92 = vector.shape_cast %get3A_91 : vector<1x16xf32> to vector<16xf32>
      %swap3A_93 = arith.index_cast %scan3A_72 : i32 to index
      %swap3A_94 = arith.constant 32 : index
      %swap3A_95 = tpu.vector_load %arg19[%swap3A_93, %swap3A_94] {strides = array<i32>} : memref<8x64xf32, #tpu.memory_space<vmem>>, vector<1x16xf32>,
      %swap3A_96 = vector.shape_cast %swap3A_95 : vector<1x16xf32> to vector<16xf32>
      %swap3A_97 = vector.shape_cast %get3A_92 : vector<16xf32> to vector<1x16xf32>
      tpu.vector_store %arg19[%swap3A_93, %swap3A_94], %swap3A_97 {add = true, strides = array<i32>} : memref<8x64xf32, #tpu.memory_space<vmem>>, vector<1x16xf32>,
      %get3A_98 = arith.index_cast %scan3A_72 : i32 to index
      %get3A_99 = arith.constant 48 : index
      %get3A_100 = tpu.vector_load %arg20[%get3A_98, %get3A_99] {strides = array<i32>} : memref<8x64xf32, #tpu.memory_space<vmem>>, vector<1x16xf32>,
      %get3A_101 = vector.shape_cast %get3A_100 : vector<1x16xf32> to vector<16xf32>
      %swap3A_102 = arith.index_cast %scan3A_72 : i32 to index
      %swap3A_103 = arith.constant 48 : index
      %swap3A_104 = tpu.vector_load %arg19[%swap3A_102, %swap3A_103] {strides = array<i32>} : memref<8x64xf32, #tpu.memory_space<vmem>>, vector<1x16xf32>,
      %swap3A_105 = vector.shape_cast %swap3A_104 : vector<1x16xf32> to vector<16xf32>
      %swap3A_106 = vector.shape_cast %get3A_101 : vector<16xf32> to vector<1x16xf32>
      tpu.vector_store %arg19[%swap3A_102, %swap3A_103], %swap3A_106 {add = true, strides = array<i32>} : memref<8x64xf32, #tpu.memory_space<vmem>>, vector<1x16xf32>,
    }
    %scan3A_68 = arith.constant 8 : i32
    %mul3A_69 = arith.constant 80000 : i32
    %mul3A_70 = arith.muli %select_n3A, %mul3A_69 : i32
    %sub3A_71 = arith.subi %add3A_50, %mul3A_70 : i32
    "tpu.region"() ({
      %run_scoped3A = tpu.sem_alloc : memref<!tpu.dma_semaphore, #tpu.memory_space<semaphore_mem>>
      %dma_start3A_72 = tpu.memref_slice %arg6[%sub3A_71, %mul3A_20] : memref<80000x128xf32, #tpu.memory_space<hbm>> -> memref<8x64xf32, #tpu.memory_space<hbm>>
      %dma_start3A_73 = tpu.memref_slice %arg6[%sub3A_71, %mul3A_20] : memref<80000x128xf32, #tpu.memory_space<hbm>> -> memref<8x64xf32, #tpu.memory_space<hbm>>
      tpu.enqueue_dma source(%arg19 : memref<8x64xf32, #tpu.memory_space<vmem>>) target(%dma_start3A_73 : memref<8x64xf32, #tpu.memory_space<hbm>>) target_semaphore(%run_scoped3A : memref<!tpu.dma_semaphore, #tpu.memory_space<semaphore_mem>>)
      %dma_wait3A_74 = tpu.memref_slice %arg6[%sub3A_71, %mul3A_20] : memref<80000x128xf32, #tpu.memory_space<hbm>> -> memref<8x64xf32, #tpu.memory_space<hbm>>
      %dma_wait3A_75 = tpu.memref_slice %arg6[%sub3A_71, %mul3A_20] : memref<80000x128xf32, #tpu.memory_space<hbm>> -> memref<8x64xf32, #tpu.memory_space<hbm>>
      tpu.wait_dma2 semaphore(%run_scoped3A : memref<!tpu.dma_semaphore, #tpu.memory_space<semaphore_mem>>) src(%arg19 : memref<8x64xf32, #tpu.memory_space<vmem>>) dst(%dma_wait3A_75 : memref<8x64xf32, #tpu.memory_space<hbm>>)
      tpu.yield
    }) : () -> ()
    return
  }
}

#map = affine_map<(d0, d1) -> (0, 0)>
#map1 = affine_map<(d0, d1) -> (0)>
module attributes {stable_mosaic.version = 14 : i64} {
  func.func @gather_sum(%arg0: i32, %arg1: i32, %arg2: memref<50000x64xf32, #tpu.memory_space<hbm>>, %arg3: memref<50000x64xf32, #tpu.memory_space<hbm>>, %arg4: memref<160000xi32, #tpu.memory_space<hbm>>, %arg5: memref<160000xi32, #tpu.memory_space<hbm>>, %arg6: memref<80000x128xf32, #tpu.memory_space<hbm>>, %arg7: memref<128xi32, #tpu.memory_space<vmem>>, %arg8: memref<128xi32, #tpu.memory_space<vmem>>, %arg9: memref<128x64xf32, #tpu.memory_space<vmem>>, %arg10: memref<128x64xf32, #tpu.memory_space<vmem>>, %arg11: memref<!tpu.dma_semaphore, #tpu.memory_space<semaphore_mem>>, %arg12: memref<128xi32, #tpu.memory_space<vmem>>, %arg13: memref<128xi32, #tpu.memory_space<vmem>>, %arg14: memref<128x64xf32, #tpu.memory_space<vmem>>, %arg15: memref<128x64xf32, #tpu.memory_space<vmem>>, %arg16: memref<!tpu.dma_semaphore, #tpu.memory_space<semaphore_mem>>, %arg17: memref<8xi32, #tpu.memory_space<vmem>>, %arg18: memref<8xi32, #tpu.memory_space<vmem>>, %arg19: memref<8x64xf32, #tpu.memory_space<vmem>>, %arg20: memref<8x64xf32, #tpu.memory_space<vmem>>) attributes {dimension_semantics = [#tpu.dimension_semantics<core_parallel>, #tpu.dimension_semantics<subcore_parallel>], iteration_bounds = array<i64: 2, 16>, scalar_prefetch = 0 : i64, scratch_operands = 14 : i64, tpu.core_type = #tpu.core_type<sc_vector_subcore>, window_params = [{transform_indices = #map}, {transform_indices = #map}, {transform_indices = #map1}, {transform_indices = #map1}, {transform_indices = #map}]} {
    %mul3A = arith.constant 2 : i32
    %mul3A_0 = arith.muli %arg1, %mul3A : i32
    %add3A = arith.addi %mul3A_0, %arg0 : i32
    %mul3A_1 = arith.constant 5000 : i32
    %mul3A_2 = arith.muli %add3A, %mul3A_1 : i32
    %jit3A = arith.constant 80000 : i32
    %div3A = arith.divsi %mul3A_2, %jit3A : i32
    %sign3A = arith.constant 0 : i32
    %sign3A_3 = arith.cmpi sgt, %mul3A_2, %sign3A : i32
    %sign3A_4 = arith.extui %sign3A_3 : i1 to i32
    %sign3A_5 = arith.constant 0 : i32
    %sign3A_6 = arith.cmpi slt, %mul3A_2, %sign3A_5 : i32
    %sign3A_7 = arith.extui %sign3A_6 : i1 to i32
    %sign3A_8 = arith.subi %sign3A_4, %sign3A_7 : i32
    %sign3A_9 = arith.constant 0 : i32
    %sign3A_10 = arith.cmpi sgt, %jit3A, %sign3A_9 : i32
    %sign3A_11 = arith.extui %sign3A_10 : i1 to i32
    %sign3A_12 = arith.constant 0 : i32
    %sign3A_13 = arith.cmpi slt, %jit3A, %sign3A_12 : i32
    %sign3A_14 = arith.extui %sign3A_13 : i1 to i32
    %sign3A_15 = arith.subi %sign3A_11, %sign3A_14 : i32
    %ne3A = arith.cmpi ne, %sign3A_8, %sign3A_15 : i32
    %rem3A = arith.remsi %mul3A_2, %jit3A : i32
    %ne3A_16 = arith.constant 0 : i32
    %ne3A_17 = arith.cmpi ne, %rem3A, %ne3A_16 : i32
    %and3A = arith.andi %ne3A, %ne3A_17 : i1
    %sub3A = arith.constant 1 : i32
    %sub3A_18 = arith.subi %div3A, %sub3A : i32
    %select_n3A = arith.select %and3A, %sub3A_18, %div3A : i32
    %mul3A_19 = arith.constant 64 : i32
    %mul3A_20 = arith.muli %select_n3A, %mul3A_19 : i32
    %add3A_21 = arith.constant 0 : i32
    %add3A_22 = arith.addi %mul3A_2, %add3A_21 : i32
    "tpu.region"() ({
      %run_scoped3A = tpu.sem_alloc : memref<!tpu.dma_semaphore, #tpu.memory_space<semaphore_mem>>
      %dma_start3A_72 = tpu.memref_slice %arg4[%add3A_22] : memref<160000xi32, #tpu.memory_space<hbm>> -> memref<128xi32, #tpu.memory_space<hbm>>
      %dma_start3A_73 = tpu.memref_slice %arg4[%add3A_22] : memref<160000xi32, #tpu.memory_space<hbm>> -> memref<128xi32, #tpu.memory_space<hbm>>
      tpu.enqueue_dma source(%dma_start3A_73 : memref<128xi32, #tpu.memory_space<hbm>>) target(%arg7 : memref<128xi32, #tpu.memory_space<vmem>>) target_semaphore(%run_scoped3A : memref<!tpu.dma_semaphore, #tpu.memory_space<semaphore_mem>>)
      %dma_wait3A_74 = tpu.memref_slice %arg4[%add3A_22] : memref<160000xi32, #tpu.memory_space<hbm>> -> memref<128xi32, #tpu.memory_space<hbm>>
      %dma_wait3A_75 = tpu.memref_slice %arg4[%add3A_22] : memref<160000xi32, #tpu.memory_space<hbm>> -> memref<128xi32, #tpu.memory_space<hbm>>
      tpu.wait_dma2 semaphore(%run_scoped3A : memref<!tpu.dma_semaphore, #tpu.memory_space<semaphore_mem>>) src(%dma_wait3A_75 : memref<128xi32, #tpu.memory_space<hbm>>) dst(%arg7 : memref<128xi32, #tpu.memory_space<vmem>>)
      tpu.yield
    }) : () -> ()
    "tpu.region"() ({
      %run_scoped3A = tpu.sem_alloc : memref<!tpu.dma_semaphore, #tpu.memory_space<semaphore_mem>>
      %dma_start3A_72 = tpu.memref_slice %arg5[%add3A_22] : memref<160000xi32, #tpu.memory_space<hbm>> -> memref<128xi32, #tpu.memory_space<hbm>>
      %dma_start3A_73 = tpu.memref_slice %arg5[%add3A_22] : memref<160000xi32, #tpu.memory_space<hbm>> -> memref<128xi32, #tpu.memory_space<hbm>>
      tpu.enqueue_dma source(%dma_start3A_73 : memref<128xi32, #tpu.memory_space<hbm>>) target(%arg8 : memref<128xi32, #tpu.memory_space<vmem>>) target_semaphore(%run_scoped3A : memref<!tpu.dma_semaphore, #tpu.memory_space<semaphore_mem>>)
      %dma_wait3A_74 = tpu.memref_slice %arg5[%add3A_22] : memref<160000xi32, #tpu.memory_space<hbm>> -> memref<128xi32, #tpu.memory_space<hbm>>
      %dma_wait3A_75 = tpu.memref_slice %arg5[%add3A_22] : memref<160000xi32, #tpu.memory_space<hbm>> -> memref<128xi32, #tpu.memory_space<hbm>>
      tpu.wait_dma2 semaphore(%run_scoped3A : memref<!tpu.dma_semaphore, #tpu.memory_space<semaphore_mem>>) src(%dma_wait3A_75 : memref<128xi32, #tpu.memory_space<hbm>>) dst(%arg8 : memref<128xi32, #tpu.memory_space<vmem>>)
      tpu.yield
    }) : () -> ()
    %dma_start3A = arith.constant 0 : i32
    %dma_start3A_23 = arith.constant 0 : i32
    %dma_start3A_24 = tpu.memref_slice %arg2[%dma_start3A, %dma_start3A_23] : memref<50000x64xf32, #tpu.memory_space<hbm>> -> memref<50000x64xf32, #tpu.memory_space<hbm>>
    tpu.enqueue_indirect_dma source(%dma_start3A_24 : memref<50000x64xf32, #tpu.memory_space<hbm>>) target(%arg9 : memref<128x64xf32, #tpu.memory_space<vmem>>) offsets(%arg7 : memref<128xi32, #tpu.memory_space<vmem>>) semaphore(%arg11 : memref<!tpu.dma_semaphore, #tpu.memory_space<semaphore_mem>>)
    %dma_start3A_25 = arith.constant 0 : i32
    %dma_start3A_26 = arith.constant 0 : i32
    %dma_start3A_27 = tpu.memref_slice %arg3[%dma_start3A_25, %dma_start3A_26] : memref<50000x64xf32, #tpu.memory_space<hbm>> -> memref<50000x64xf32, #tpu.memory_space<hbm>>
    tpu.enqueue_indirect_dma source(%dma_start3A_27 : memref<50000x64xf32, #tpu.memory_space<hbm>>) target(%arg10 : memref<128x64xf32, #tpu.memory_space<vmem>>) offsets(%arg8 : memref<128xi32, #tpu.memory_space<vmem>>) semaphore(%arg11 : memref<!tpu.dma_semaphore, #tpu.memory_space<semaphore_mem>>)
    %scan3A = arith.constant 0 : i32
    %scan3A_28 = arith.constant 0 : i32
    %scan3A_29 = arith.constant 19 : i32
    %scan3A_30 = arith.addi %scan3A_28, %scan3A_29 : i32
    %scan3A_31 = arith.constant 1 : i32
    scf.for %scan3A_72 = %scan3A_28 to %scan3A_30 step %scan3A_31  : i32 {
      %mul3A_73 = arith.constant 2 : i32
      %mul3A_74 = arith.muli %mul3A_73, %scan3A_72 : i32
      %add3A_75 = arith.constant 1 : i32
      %add3A_76 = arith.addi %mul3A_74, %add3A_75 : i32
      %mul3A_77 = arith.constant 128 : i32
      %mul3A_78 = arith.muli %add3A_76, %mul3A_77 : i32
      %add3A_79 = arith.addi %mul3A_2, %mul3A_78 : i32
      "tpu.region"() ({
        %run_scoped3A = tpu.sem_alloc : memref<!tpu.dma_semaphore, #tpu.memory_space<semaphore_mem>>
        %dma_start3A_141 = tpu.memref_slice %arg4[%add3A_79] : memref<160000xi32, #tpu.memory_space<hbm>> -> memref<128xi32, #tpu.memory_space<hbm>>
        %dma_start3A_142 = tpu.memref_slice %arg4[%add3A_79] : memref<160000xi32, #tpu.memory_space<hbm>> -> memref<128xi32, #tpu.memory_space<hbm>>
        tpu.enqueue_dma source(%dma_start3A_142 : memref<128xi32, #tpu.memory_space<hbm>>) target(%arg12 : memref<128xi32, #tpu.memory_space<vmem>>) target_semaphore(%run_scoped3A : memref<!tpu.dma_semaphore, #tpu.memory_space<semaphore_mem>>)
        %dma_wait3A_143 = tpu.memref_slice %arg4[%add3A_79] : memref<160000xi32, #tpu.memory_space<hbm>> -> memref<128xi32, #tpu.memory_space<hbm>>
        %dma_wait3A_144 = tpu.memref_slice %arg4[%add3A_79] : memref<160000xi32, #tpu.memory_space<hbm>> -> memref<128xi32, #tpu.memory_space<hbm>>
        tpu.wait_dma2 semaphore(%run_scoped3A : memref<!tpu.dma_semaphore, #tpu.memory_space<semaphore_mem>>) src(%dma_wait3A_144 : memref<128xi32, #tpu.memory_space<hbm>>) dst(%arg12 : memref<128xi32, #tpu.memory_space<vmem>>)
        tpu.yield
      }) : () -> ()
      "tpu.region"() ({
        %run_scoped3A = tpu.sem_alloc : memref<!tpu.dma_semaphore, #tpu.memory_space<semaphore_mem>>
        %dma_start3A_141 = tpu.memref_slice %arg5[%add3A_79] : memref<160000xi32, #tpu.memory_space<hbm>> -> memref<128xi32, #tpu.memory_space<hbm>>
        %dma_start3A_142 = tpu.memref_slice %arg5[%add3A_79] : memref<160000xi32, #tpu.memory_space<hbm>> -> memref<128xi32, #tpu.memory_space<hbm>>
        tpu.enqueue_dma source(%dma_start3A_142 : memref<128xi32, #tpu.memory_space<hbm>>) target(%arg13 : memref<128xi32, #tpu.memory_space<vmem>>) target_semaphore(%run_scoped3A : memref<!tpu.dma_semaphore, #tpu.memory_space<semaphore_mem>>)
        %dma_wait3A_143 = tpu.memref_slice %arg5[%add3A_79] : memref<160000xi32, #tpu.memory_space<hbm>> -> memref<128xi32, #tpu.memory_space<hbm>>
        %dma_wait3A_144 = tpu.memref_slice %arg5[%add3A_79] : memref<160000xi32, #tpu.memory_space<hbm>> -> memref<128xi32, #tpu.memory_space<hbm>>
        tpu.wait_dma2 semaphore(%run_scoped3A : memref<!tpu.dma_semaphore, #tpu.memory_space<semaphore_mem>>) src(%dma_wait3A_144 : memref<128xi32, #tpu.memory_space<hbm>>) dst(%arg13 : memref<128xi32, #tpu.memory_space<vmem>>)
        tpu.yield
      }) : () -> ()
      %dma_start3A_80 = arith.constant 0 : i32
      %dma_start3A_81 = arith.constant 0 : i32
      %dma_start3A_82 = tpu.memref_slice %arg2[%dma_start3A_80, %dma_start3A_81] : memref<50000x64xf32, #tpu.memory_space<hbm>> -> memref<50000x64xf32, #tpu.memory_space<hbm>>
      tpu.enqueue_indirect_dma source(%dma_start3A_82 : memref<50000x64xf32, #tpu.memory_space<hbm>>) target(%arg14 : memref<128x64xf32, #tpu.memory_space<vmem>>) offsets(%arg12 : memref<128xi32, #tpu.memory_space<vmem>>) semaphore(%arg16 : memref<!tpu.dma_semaphore, #tpu.memory_space<semaphore_mem>>)
      %dma_start3A_83 = arith.constant 0 : i32
      %dma_start3A_84 = arith.constant 0 : i32
      %dma_start3A_85 = tpu.memref_slice %arg3[%dma_start3A_83, %dma_start3A_84] : memref<50000x64xf32, #tpu.memory_space<hbm>> -> memref<50000x64xf32, #tpu.memory_space<hbm>>
      tpu.enqueue_indirect_dma source(%dma_start3A_85 : memref<50000x64xf32, #tpu.memory_space<hbm>>) target(%arg15 : memref<128x64xf32, #tpu.memory_space<vmem>>) offsets(%arg13 : memref<128xi32, #tpu.memory_space<vmem>>) semaphore(%arg16 : memref<!tpu.dma_semaphore, #tpu.memory_space<semaphore_mem>>)
      %mul3A_86 = arith.constant 2 : i32
      %mul3A_87 = arith.muli %mul3A_86, %scan3A_72 : i32
      %dma_wait3A_88 = arith.constant 0 : i32
      %dma_wait3A_89 = arith.constant 0 : i32
      %dma_wait3A_90 = tpu.memref_slice %arg2[%dma_wait3A_88, %dma_wait3A_89] : memref<50000x64xf32, #tpu.memory_space<hbm>> -> memref<50000x64xf32, #tpu.memory_space<hbm>>
      tpu.wait_indirect_dma semaphore(%arg11 : memref<!tpu.dma_semaphore, #tpu.memory_space<semaphore_mem>>) src(%dma_wait3A_90 : memref<50000x64xf32, #tpu.memory_space<hbm>>) dst(%arg9 : memref<128x64xf32, #tpu.memory_space<vmem>>)
      %dma_wait3A_91 = arith.constant 0 : i32
      %dma_wait3A_92 = arith.constant 0 : i32
      %dma_wait3A_93 = tpu.memref_slice %arg3[%dma_wait3A_91, %dma_wait3A_92] : memref<50000x64xf32, #tpu.memory_space<hbm>> -> memref<50000x64xf32, #tpu.memory_space<hbm>>
      tpu.wait_indirect_dma semaphore(%arg11 : memref<!tpu.dma_semaphore, #tpu.memory_space<semaphore_mem>>) src(%dma_wait3A_93 : memref<50000x64xf32, #tpu.memory_space<hbm>>) dst(%arg10 : memref<128x64xf32, #tpu.memory_space<vmem>>)
      %scan3A_94 = arith.constant 0 : i32
      %scan3A_95 = arith.constant 0 : i32
      %scan3A_96 = arith.constant 128 : i32
      %scan3A_97 = arith.addi %scan3A_95, %scan3A_96 : i32
      %scan3A_98 = arith.constant 1 : i32
      scf.for %scan3A_141 = %scan3A_95 to %scan3A_97 step %scan3A_98  : i32 {
        %get3A = arith.index_cast %scan3A_141 : i32 to index
        %get3A_142 = arith.constant 0 : index
        %get3A_143 = tpu.vector_load %arg10[%get3A, %get3A_142] {strides = array<i32>} : memref<128x64xf32, #tpu.memory_space<vmem>>, vector<1x16xf32>,
        %get3A_144 = vector.shape_cast %get3A_143 : vector<1x16xf32> to vector<16xf32>
        %swap3A = arith.index_cast %scan3A_141 : i32 to index
        %swap3A_145 = arith.constant 0 : index
        %swap3A_146 = tpu.vector_load %arg9[%swap3A, %swap3A_145] {strides = array<i32>} : memref<128x64xf32, #tpu.memory_space<vmem>>, vector<1x16xf32>,
        %swap3A_147 = vector.shape_cast %swap3A_146 : vector<1x16xf32> to vector<16xf32>
        %swap3A_148 = vector.shape_cast %get3A_144 : vector<16xf32> to vector<1x16xf32>
        tpu.vector_store %arg9[%swap3A, %swap3A_145], %swap3A_148 {add = true, strides = array<i32>} : memref<128x64xf32, #tpu.memory_space<vmem>>, vector<1x16xf32>,
        %get3A_149 = arith.index_cast %scan3A_141 : i32 to index
        %get3A_150 = arith.constant 16 : index
        %get3A_151 = tpu.vector_load %arg10[%get3A_149, %get3A_150] {strides = array<i32>} : memref<128x64xf32, #tpu.memory_space<vmem>>, vector<1x16xf32>,
        %get3A_152 = vector.shape_cast %get3A_151 : vector<1x16xf32> to vector<16xf32>
        %swap3A_153 = arith.index_cast %scan3A_141 : i32 to index
        %swap3A_154 = arith.constant 16 : index
        %swap3A_155 = tpu.vector_load %arg9[%swap3A_153, %swap3A_154] {strides = array<i32>} : memref<128x64xf32, #tpu.memory_space<vmem>>, vector<1x16xf32>,
        %swap3A_156 = vector.shape_cast %swap3A_155 : vector<1x16xf32> to vector<16xf32>
        %swap3A_157 = vector.shape_cast %get3A_152 : vector<16xf32> to vector<1x16xf32>
        tpu.vector_store %arg9[%swap3A_153, %swap3A_154], %swap3A_157 {add = true, strides = array<i32>} : memref<128x64xf32, #tpu.memory_space<vmem>>, vector<1x16xf32>,
        %get3A_158 = arith.index_cast %scan3A_141 : i32 to index
        %get3A_159 = arith.constant 32 : index
        %get3A_160 = tpu.vector_load %arg10[%get3A_158, %get3A_159] {strides = array<i32>} : memref<128x64xf32, #tpu.memory_space<vmem>>, vector<1x16xf32>,
        %get3A_161 = vector.shape_cast %get3A_160 : vector<1x16xf32> to vector<16xf32>
        %swap3A_162 = arith.index_cast %scan3A_141 : i32 to index
        %swap3A_163 = arith.constant 32 : index
        %swap3A_164 = tpu.vector_load %arg9[%swap3A_162, %swap3A_163] {strides = array<i32>} : memref<128x64xf32, #tpu.memory_space<vmem>>, vector<1x16xf32>,
        %swap3A_165 = vector.shape_cast %swap3A_164 : vector<1x16xf32> to vector<16xf32>
        %swap3A_166 = vector.shape_cast %get3A_161 : vector<16xf32> to vector<1x16xf32>
        tpu.vector_store %arg9[%swap3A_162, %swap3A_163], %swap3A_166 {add = true, strides = array<i32>} : memref<128x64xf32, #tpu.memory_space<vmem>>, vector<1x16xf32>,
        %get3A_167 = arith.index_cast %scan3A_141 : i32 to index
        %get3A_168 = arith.constant 48 : index
        %get3A_169 = tpu.vector_load %arg10[%get3A_167, %get3A_168] {strides = array<i32>} : memref<128x64xf32, #tpu.memory_space<vmem>>, vector<1x16xf32>,
        %get3A_170 = vector.shape_cast %get3A_169 : vector<1x16xf32> to vector<16xf32>
        %swap3A_171 = arith.index_cast %scan3A_141 : i32 to index
        %swap3A_172 = arith.constant 48 : index
        %swap3A_173 = tpu.vector_load %arg9[%swap3A_171, %swap3A_172] {strides = array<i32>} : memref<128x64xf32, #tpu.memory_space<vmem>>, vector<1x16xf32>,
        %swap3A_174 = vector.shape_cast %swap3A_173 : vector<1x16xf32> to vector<16xf32>
        %swap3A_175 = vector.shape_cast %get3A_170 : vector<16xf32> to vector<1x16xf32>
        tpu.vector_store %arg9[%swap3A_171, %swap3A_172], %swap3A_175 {add = true, strides = array<i32>} : memref<128x64xf32, #tpu.memory_space<vmem>>, vector<1x16xf32>,
      }
      %scan3A_99 = arith.constant 128 : i32
      %mul3A_100 = arith.constant 128 : i32
      %mul3A_101 = arith.muli %mul3A_87, %mul3A_100 : i32
      %add3A_102 = arith.addi %mul3A_2, %mul3A_101 : i32
      %mul3A_103 = arith.constant 80000 : i32
      %mul3A_104 = arith.muli %select_n3A, %mul3A_103 : i32
      %sub3A_105 = arith.subi %add3A_102, %mul3A_104 : i32
      "tpu.region"() ({
        %run_scoped3A = tpu.sem_alloc : memref<!tpu.dma_semaphore, #tpu.memory_space<semaphore_mem>>
        %dma_start3A_141 = tpu.memref_slice %arg6[%sub3A_105, %mul3A_20] : memref<80000x128xf32, #tpu.memory_space<hbm>> -> memref<128x64xf32, #tpu.memory_space<hbm>>
        %dma_start3A_142 = tpu.memref_slice %arg6[%sub3A_105, %mul3A_20] : memref<80000x128xf32, #tpu.memory_space<hbm>> -> memref<128x64xf32, #tpu.memory_space<hbm>>
        tpu.enqueue_dma source(%arg9 : memref<128x64xf32, #tpu.memory_space<vmem>>) target(%dma_start3A_142 : memref<128x64xf32, #tpu.memory_space<hbm>>) target_semaphore(%run_scoped3A : memref<!tpu.dma_semaphore, #tpu.memory_space<semaphore_mem>>)
        %dma_wait3A_143 = tpu.memref_slice %arg6[%sub3A_105, %mul3A_20] : memref<80000x128xf32, #tpu.memory_space<hbm>> -> memref<128x64xf32, #tpu.memory_space<hbm>>
        %dma_wait3A_144 = tpu.memref_slice %arg6[%sub3A_105, %mul3A_20] : memref<80000x128xf32, #tpu.memory_space<hbm>> -> memref<128x64xf32, #tpu.memory_space<hbm>>
        tpu.wait_dma2 semaphore(%run_scoped3A : memref<!tpu.dma_semaphore, #tpu.memory_space<semaphore_mem>>) src(%arg9 : memref<128x64xf32, #tpu.memory_space<vmem>>) dst(%dma_wait3A_144 : memref<128x64xf32, #tpu.memory_space<hbm>>)
        tpu.yield
      }) : () -> ()
      %mul3A_106 = arith.constant 2 : i32
      %mul3A_107 = arith.muli %mul3A_106, %scan3A_72 : i32
      %add3A_108 = arith.constant 2 : i32
      %add3A_109 = arith.addi %mul3A_107, %add3A_108 : i32
      %mul3A_110 = arith.constant 128 : i32
      %mul3A_111 = arith.muli %add3A_109, %mul3A_110 : i32
      %add3A_112 = arith.addi %mul3A_2, %mul3A_111 : i32
      "tpu.region"() ({
        %run_scoped3A = tpu.sem_alloc : memref<!tpu.dma_semaphore, #tpu.memory_space<semaphore_mem>>
        %dma_start3A_141 = tpu.memref_slice %arg4[%add3A_112] : memref<160000xi32, #tpu.memory_space<hbm>> -> memref<128xi32, #tpu.memory_space<hbm>>
        %dma_start3A_142 = tpu.memref_slice %arg4[%add3A_112] : memref<160000xi32, #tpu.memory_space<hbm>> -> memref<128xi32, #tpu.memory_space<hbm>>
        tpu.enqueue_dma source(%dma_start3A_142 : memref<128xi32, #tpu.memory_space<hbm>>) target(%arg7 : memref<128xi32, #tpu.memory_space<vmem>>) target_semaphore(%run_scoped3A : memref<!tpu.dma_semaphore, #tpu.memory_space<semaphore_mem>>)
        %dma_wait3A_143 = tpu.memref_slice %arg4[%add3A_112] : memref<160000xi32, #tpu.memory_space<hbm>> -> memref<128xi32, #tpu.memory_space<hbm>>
        %dma_wait3A_144 = tpu.memref_slice %arg4[%add3A_112] : memref<160000xi32, #tpu.memory_space<hbm>> -> memref<128xi32, #tpu.memory_space<hbm>>
        tpu.wait_dma2 semaphore(%run_scoped3A : memref<!tpu.dma_semaphore, #tpu.memory_space<semaphore_mem>>) src(%dma_wait3A_144 : memref<128xi32, #tpu.memory_space<hbm>>) dst(%arg7 : memref<128xi32, #tpu.memory_space<vmem>>)
        tpu.yield
      }) : () -> ()
      "tpu.region"() ({
        %run_scoped3A = tpu.sem_alloc : memref<!tpu.dma_semaphore, #tpu.memory_space<semaphore_mem>>
        %dma_start3A_141 = tpu.memref_slice %arg5[%add3A_112] : memref<160000xi32, #tpu.memory_space<hbm>> -> memref<128xi32, #tpu.memory_space<hbm>>
        %dma_start3A_142 = tpu.memref_slice %arg5[%add3A_112] : memref<160000xi32, #tpu.memory_space<hbm>> -> memref<128xi32, #tpu.memory_space<hbm>>
        tpu.enqueue_dma source(%dma_start3A_142 : memref<128xi32, #tpu.memory_space<hbm>>) target(%arg8 : memref<128xi32, #tpu.memory_space<vmem>>) target_semaphore(%run_scoped3A : memref<!tpu.dma_semaphore, #tpu.memory_space<semaphore_mem>>)
        %dma_wait3A_143 = tpu.memref_slice %arg5[%add3A_112] : memref<160000xi32, #tpu.memory_space<hbm>> -> memref<128xi32, #tpu.memory_space<hbm>>
        %dma_wait3A_144 = tpu.memref_slice %arg5[%add3A_112] : memref<160000xi32, #tpu.memory_space<hbm>> -> memref<128xi32, #tpu.memory_space<hbm>>
        tpu.wait_dma2 semaphore(%run_scoped3A : memref<!tpu.dma_semaphore, #tpu.memory_space<semaphore_mem>>) src(%dma_wait3A_144 : memref<128xi32, #tpu.memory_space<hbm>>) dst(%arg8 : memref<128xi32, #tpu.memory_space<vmem>>)
        tpu.yield
      }) : () -> ()
      %dma_start3A_113 = arith.constant 0 : i32
      %dma_start3A_114 = arith.constant 0 : i32
      %dma_start3A_115 = tpu.memref_slice %arg2[%dma_start3A_113, %dma_start3A_114] : memref<50000x64xf32, #tpu.memory_space<hbm>> -> memref<50000x64xf32, #tpu.memory_space<hbm>>
      tpu.enqueue_indirect_dma source(%dma_start3A_115 : memref<50000x64xf32, #tpu.memory_space<hbm>>) target(%arg9 : memref<128x64xf32, #tpu.memory_space<vmem>>) offsets(%arg7 : memref<128xi32, #tpu.memory_space<vmem>>) semaphore(%arg11 : memref<!tpu.dma_semaphore, #tpu.memory_space<semaphore_mem>>)
      %dma_start3A_116 = arith.constant 0 : i32
      %dma_start3A_117 = arith.constant 0 : i32
      %dma_start3A_118 = tpu.memref_slice %arg3[%dma_start3A_116, %dma_start3A_117] : memref<50000x64xf32, #tpu.memory_space<hbm>> -> memref<50000x64xf32, #tpu.memory_space<hbm>>
      tpu.enqueue_indirect_dma source(%dma_start3A_118 : memref<50000x64xf32, #tpu.memory_space<hbm>>) target(%arg10 : memref<128x64xf32, #tpu.memory_space<vmem>>) offsets(%arg8 : memref<128xi32, #tpu.memory_space<vmem>>) semaphore(%arg11 : memref<!tpu.dma_semaphore, #tpu.memory_space<semaphore_mem>>)
      %mul3A_119 = arith.constant 2 : i32
      %mul3A_120 = arith.muli %mul3A_119, %scan3A_72 : i32
      %add3A_121 = arith.constant 1 : i32
      %add3A_122 = arith.addi %mul3A_120, %add3A_121 : i32
      %dma_wait3A_123 = arith.constant 0 : i32
      %dma_wait3A_124 = arith.constant 0 : i32
      %dma_wait3A_125 = tpu.memref_slice %arg2[%dma_wait3A_123, %dma_wait3A_124] : memref<50000x64xf32, #tpu.memory_space<hbm>> -> memref<50000x64xf32, #tpu.memory_space<hbm>>
      tpu.wait_indirect_dma semaphore(%arg16 : memref<!tpu.dma_semaphore, #tpu.memory_space<semaphore_mem>>) src(%dma_wait3A_125 : memref<50000x64xf32, #tpu.memory_space<hbm>>) dst(%arg14 : memref<128x64xf32, #tpu.memory_space<vmem>>)
      %dma_wait3A_126 = arith.constant 0 : i32
      %dma_wait3A_127 = arith.constant 0 : i32
      %dma_wait3A_128 = tpu.memref_slice %arg3[%dma_wait3A_126, %dma_wait3A_127] : memref<50000x64xf32, #tpu.memory_space<hbm>> -> memref<50000x64xf32, #tpu.memory_space<hbm>>
      tpu.wait_indirect_dma semaphore(%arg16 : memref<!tpu.dma_semaphore, #tpu.memory_space<semaphore_mem>>) src(%dma_wait3A_128 : memref<50000x64xf32, #tpu.memory_space<hbm>>) dst(%arg15 : memref<128x64xf32, #tpu.memory_space<vmem>>)
      %scan3A_129 = arith.constant 0 : i32
      %scan3A_130 = arith.constant 0 : i32
      %scan3A_131 = arith.constant 128 : i32
      %scan3A_132 = arith.addi %scan3A_130, %scan3A_131 : i32
      %scan3A_133 = arith.constant 1 : i32
      scf.for %scan3A_141 = %scan3A_130 to %scan3A_132 step %scan3A_133  : i32 {
        %get3A = arith.index_cast %scan3A_141 : i32 to index
        %get3A_142 = arith.constant 0 : index
        %get3A_143 = tpu.vector_load %arg15[%get3A, %get3A_142] {strides = array<i32>} : memref<128x64xf32, #tpu.memory_space<vmem>>, vector<1x16xf32>,
        %get3A_144 = vector.shape_cast %get3A_143 : vector<1x16xf32> to vector<16xf32>
        %swap3A = arith.index_cast %scan3A_141 : i32 to index
        %swap3A_145 = arith.constant 0 : index
        %swap3A_146 = tpu.vector_load %arg14[%swap3A, %swap3A_145] {strides = array<i32>} : memref<128x64xf32, #tpu.memory_space<vmem>>, vector<1x16xf32>,
        %swap3A_147 = vector.shape_cast %swap3A_146 : vector<1x16xf32> to vector<16xf32>
        %swap3A_148 = vector.shape_cast %get3A_144 : vector<16xf32> to vector<1x16xf32>
        tpu.vector_store %arg14[%swap3A, %swap3A_145], %swap3A_148 {add = true, strides = array<i32>} : memref<128x64xf32, #tpu.memory_space<vmem>>, vector<1x16xf32>,
        %get3A_149 = arith.index_cast %scan3A_141 : i32 to index
        %get3A_150 = arith.constant 16 : index
        %get3A_151 = tpu.vector_load %arg15[%get3A_149, %get3A_150] {strides = array<i32>} : memref<128x64xf32, #tpu.memory_space<vmem>>, vector<1x16xf32>,
        %get3A_152 = vector.shape_cast %get3A_151 : vector<1x16xf32> to vector<16xf32>
        %swap3A_153 = arith.index_cast %scan3A_141 : i32 to index
        %swap3A_154 = arith.constant 16 : index
        %swap3A_155 = tpu.vector_load %arg14[%swap3A_153, %swap3A_154] {strides = array<i32>} : memref<128x64xf32, #tpu.memory_space<vmem>>, vector<1x16xf32>,
        %swap3A_156 = vector.shape_cast %swap3A_155 : vector<1x16xf32> to vector<16xf32>
        %swap3A_157 = vector.shape_cast %get3A_152 : vector<16xf32> to vector<1x16xf32>
        tpu.vector_store %arg14[%swap3A_153, %swap3A_154], %swap3A_157 {add = true, strides = array<i32>} : memref<128x64xf32, #tpu.memory_space<vmem>>, vector<1x16xf32>,
        %get3A_158 = arith.index_cast %scan3A_141 : i32 to index
        %get3A_159 = arith.constant 32 : index
        %get3A_160 = tpu.vector_load %arg15[%get3A_158, %get3A_159] {strides = array<i32>} : memref<128x64xf32, #tpu.memory_space<vmem>>, vector<1x16xf32>,
        %get3A_161 = vector.shape_cast %get3A_160 : vector<1x16xf32> to vector<16xf32>
        %swap3A_162 = arith.index_cast %scan3A_141 : i32 to index
        %swap3A_163 = arith.constant 32 : index
        %swap3A_164 = tpu.vector_load %arg14[%swap3A_162, %swap3A_163] {strides = array<i32>} : memref<128x64xf32, #tpu.memory_space<vmem>>, vector<1x16xf32>,
        %swap3A_165 = vector.shape_cast %swap3A_164 : vector<1x16xf32> to vector<16xf32>
        %swap3A_166 = vector.shape_cast %get3A_161 : vector<16xf32> to vector<1x16xf32>
        tpu.vector_store %arg14[%swap3A_162, %swap3A_163], %swap3A_166 {add = true, strides = array<i32>} : memref<128x64xf32, #tpu.memory_space<vmem>>, vector<1x16xf32>,
        %get3A_167 = arith.index_cast %scan3A_141 : i32 to index
        %get3A_168 = arith.constant 48 : index
        %get3A_169 = tpu.vector_load %arg15[%get3A_167, %get3A_168] {strides = array<i32>} : memref<128x64xf32, #tpu.memory_space<vmem>>, vector<1x16xf32>,
        %get3A_170 = vector.shape_cast %get3A_169 : vector<1x16xf32> to vector<16xf32>
        %swap3A_171 = arith.index_cast %scan3A_141 : i32 to index
        %swap3A_172 = arith.constant 48 : index
        %swap3A_173 = tpu.vector_load %arg14[%swap3A_171, %swap3A_172] {strides = array<i32>} : memref<128x64xf32, #tpu.memory_space<vmem>>, vector<1x16xf32>,
        %swap3A_174 = vector.shape_cast %swap3A_173 : vector<1x16xf32> to vector<16xf32>
        %swap3A_175 = vector.shape_cast %get3A_170 : vector<16xf32> to vector<1x16xf32>
        tpu.vector_store %arg14[%swap3A_171, %swap3A_172], %swap3A_175 {add = true, strides = array<i32>} : memref<128x64xf32, #tpu.memory_space<vmem>>, vector<1x16xf32>,
      }
      %scan3A_134 = arith.constant 128 : i32
      %mul3A_135 = arith.constant 128 : i32
      %mul3A_136 = arith.muli %add3A_122, %mul3A_135 : i32
      %add3A_137 = arith.addi %mul3A_2, %mul3A_136 : i32
      %mul3A_138 = arith.constant 80000 : i32
      %mul3A_139 = arith.muli %select_n3A, %mul3A_138 : i32
      %sub3A_140 = arith.subi %add3A_137, %mul3A_139 : i32
      "tpu.region"() ({
        %run_scoped3A = tpu.sem_alloc : memref<!tpu.dma_semaphore, #tpu.memory_space<semaphore_mem>>
        %dma_start3A_141 = tpu.memref_slice %arg6[%sub3A_140, %mul3A_20] : memref<80000x128xf32, #tpu.memory_space<hbm>> -> memref<128x64xf32, #tpu.memory_space<hbm>>
        %dma_start3A_142 = tpu.memref_slice %arg6[%sub3A_140, %mul3A_20] : memref<80000x128xf32, #tpu.memory_space<hbm>> -> memref<128x64xf32, #tpu.memory_space<hbm>>
        tpu.enqueue_dma source(%arg14 : memref<128x64xf32, #tpu.memory_space<vmem>>) target(%dma_start3A_142 : memref<128x64xf32, #tpu.memory_space<hbm>>) target_semaphore(%run_scoped3A : memref<!tpu.dma_semaphore, #tpu.memory_space<semaphore_mem>>)
        %dma_wait3A_143 = tpu.memref_slice %arg6[%sub3A_140, %mul3A_20] : memref<80000x128xf32, #tpu.memory_space<hbm>> -> memref<128x64xf32, #tpu.memory_space<hbm>>
        %dma_wait3A_144 = tpu.memref_slice %arg6[%sub3A_140, %mul3A_20] : memref<80000x128xf32, #tpu.memory_space<hbm>> -> memref<128x64xf32, #tpu.memory_space<hbm>>
        tpu.wait_dma2 semaphore(%run_scoped3A : memref<!tpu.dma_semaphore, #tpu.memory_space<semaphore_mem>>) src(%arg14 : memref<128x64xf32, #tpu.memory_space<vmem>>) dst(%dma_wait3A_144 : memref<128x64xf32, #tpu.memory_space<hbm>>)
        tpu.yield
      }) : () -> ()
    }
    %scan3A_32 = arith.constant 19 : i32
    %dma_wait3A = arith.constant 0 : i32
    %dma_wait3A_33 = arith.constant 0 : i32
    %dma_wait3A_34 = tpu.memref_slice %arg2[%dma_wait3A, %dma_wait3A_33] : memref<50000x64xf32, #tpu.memory_space<hbm>> -> memref<50000x64xf32, #tpu.memory_space<hbm>>
    tpu.wait_indirect_dma semaphore(%arg11 : memref<!tpu.dma_semaphore, #tpu.memory_space<semaphore_mem>>) src(%dma_wait3A_34 : memref<50000x64xf32, #tpu.memory_space<hbm>>) dst(%arg9 : memref<128x64xf32, #tpu.memory_space<vmem>>)
    %dma_wait3A_35 = arith.constant 0 : i32
    %dma_wait3A_36 = arith.constant 0 : i32
    %dma_wait3A_37 = tpu.memref_slice %arg3[%dma_wait3A_35, %dma_wait3A_36] : memref<50000x64xf32, #tpu.memory_space<hbm>> -> memref<50000x64xf32, #tpu.memory_space<hbm>>
    tpu.wait_indirect_dma semaphore(%arg11 : memref<!tpu.dma_semaphore, #tpu.memory_space<semaphore_mem>>) src(%dma_wait3A_37 : memref<50000x64xf32, #tpu.memory_space<hbm>>) dst(%arg10 : memref<128x64xf32, #tpu.memory_space<vmem>>)
    %scan3A_38 = arith.constant 0 : i32
    %scan3A_39 = arith.constant 0 : i32
    %scan3A_40 = arith.constant 128 : i32
    %scan3A_41 = arith.addi %scan3A_39, %scan3A_40 : i32
    %scan3A_42 = arith.constant 1 : i32
    scf.for %scan3A_72 = %scan3A_39 to %scan3A_41 step %scan3A_42  : i32 {
      %get3A = arith.index_cast %scan3A_72 : i32 to index
      %get3A_73 = arith.constant 0 : index
      %get3A_74 = tpu.vector_load %arg10[%get3A, %get3A_73] {strides = array<i32>} : memref<128x64xf32, #tpu.memory_space<vmem>>, vector<1x16xf32>,
      %get3A_75 = vector.shape_cast %get3A_74 : vector<1x16xf32> to vector<16xf32>
      %swap3A = arith.index_cast %scan3A_72 : i32 to index
      %swap3A_76 = arith.constant 0 : index
      %swap3A_77 = tpu.vector_load %arg9[%swap3A, %swap3A_76] {strides = array<i32>} : memref<128x64xf32, #tpu.memory_space<vmem>>, vector<1x16xf32>,
      %swap3A_78 = vector.shape_cast %swap3A_77 : vector<1x16xf32> to vector<16xf32>
      %swap3A_79 = vector.shape_cast %get3A_75 : vector<16xf32> to vector<1x16xf32>
      tpu.vector_store %arg9[%swap3A, %swap3A_76], %swap3A_79 {add = true, strides = array<i32>} : memref<128x64xf32, #tpu.memory_space<vmem>>, vector<1x16xf32>,
      %get3A_80 = arith.index_cast %scan3A_72 : i32 to index
      %get3A_81 = arith.constant 16 : index
      %get3A_82 = tpu.vector_load %arg10[%get3A_80, %get3A_81] {strides = array<i32>} : memref<128x64xf32, #tpu.memory_space<vmem>>, vector<1x16xf32>,
      %get3A_83 = vector.shape_cast %get3A_82 : vector<1x16xf32> to vector<16xf32>
      %swap3A_84 = arith.index_cast %scan3A_72 : i32 to index
      %swap3A_85 = arith.constant 16 : index
      %swap3A_86 = tpu.vector_load %arg9[%swap3A_84, %swap3A_85] {strides = array<i32>} : memref<128x64xf32, #tpu.memory_space<vmem>>, vector<1x16xf32>,
      %swap3A_87 = vector.shape_cast %swap3A_86 : vector<1x16xf32> to vector<16xf32>
      %swap3A_88 = vector.shape_cast %get3A_83 : vector<16xf32> to vector<1x16xf32>
      tpu.vector_store %arg9[%swap3A_84, %swap3A_85], %swap3A_88 {add = true, strides = array<i32>} : memref<128x64xf32, #tpu.memory_space<vmem>>, vector<1x16xf32>,
      %get3A_89 = arith.index_cast %scan3A_72 : i32 to index
      %get3A_90 = arith.constant 32 : index
      %get3A_91 = tpu.vector_load %arg10[%get3A_89, %get3A_90] {strides = array<i32>} : memref<128x64xf32, #tpu.memory_space<vmem>>, vector<1x16xf32>,
      %get3A_92 = vector.shape_cast %get3A_91 : vector<1x16xf32> to vector<16xf32>
      %swap3A_93 = arith.index_cast %scan3A_72 : i32 to index
      %swap3A_94 = arith.constant 32 : index
      %swap3A_95 = tpu.vector_load %arg9[%swap3A_93, %swap3A_94] {strides = array<i32>} : memref<128x64xf32, #tpu.memory_space<vmem>>, vector<1x16xf32>,
      %swap3A_96 = vector.shape_cast %swap3A_95 : vector<1x16xf32> to vector<16xf32>
      %swap3A_97 = vector.shape_cast %get3A_92 : vector<16xf32> to vector<1x16xf32>
      tpu.vector_store %arg9[%swap3A_93, %swap3A_94], %swap3A_97 {add = true, strides = array<i32>} : memref<128x64xf32, #tpu.memory_space<vmem>>, vector<1x16xf32>,
      %get3A_98 = arith.index_cast %scan3A_72 : i32 to index
      %get3A_99 = arith.constant 48 : index
      %get3A_100 = tpu.vector_load %arg10[%get3A_98, %get3A_99] {strides = array<i32>} : memref<128x64xf32, #tpu.memory_space<vmem>>, vector<1x16xf32>,
      %get3A_101 = vector.shape_cast %get3A_100 : vector<1x16xf32> to vector<16xf32>
      %swap3A_102 = arith.index_cast %scan3A_72 : i32 to index
      %swap3A_103 = arith.constant 48 : index
      %swap3A_104 = tpu.vector_load %arg9[%swap3A_102, %swap3A_103] {strides = array<i32>} : memref<128x64xf32, #tpu.memory_space<vmem>>, vector<1x16xf32>,
      %swap3A_105 = vector.shape_cast %swap3A_104 : vector<1x16xf32> to vector<16xf32>
      %swap3A_106 = vector.shape_cast %get3A_101 : vector<16xf32> to vector<1x16xf32>
      tpu.vector_store %arg9[%swap3A_102, %swap3A_103], %swap3A_106 {add = true, strides = array<i32>} : memref<128x64xf32, #tpu.memory_space<vmem>>, vector<1x16xf32>,
    }
    %scan3A_43 = arith.constant 128 : i32
    %add3A_44 = arith.constant 4864 : i32
    %add3A_45 = arith.addi %mul3A_2, %add3A_44 : i32
    %mul3A_46 = arith.constant 80000 : i32
    %mul3A_47 = arith.muli %select_n3A, %mul3A_46 : i32
    %sub3A_48 = arith.subi %add3A_45, %mul3A_47 : i32
    "tpu.region"() ({
      %run_scoped3A = tpu.sem_alloc : memref<!tpu.dma_semaphore, #tpu.memory_space<semaphore_mem>>
      %dma_start3A_72 = tpu.memref_slice %arg6[%sub3A_48, %mul3A_20] : memref<80000x128xf32, #tpu.memory_space<hbm>> -> memref<128x64xf32, #tpu.memory_space<hbm>>
      %dma_start3A_73 = tpu.memref_slice %arg6[%sub3A_48, %mul3A_20] : memref<80000x128xf32, #tpu.memory_space<hbm>> -> memref<128x64xf32, #tpu.memory_space<hbm>>
      tpu.enqueue_dma source(%arg9 : memref<128x64xf32, #tpu.memory_space<vmem>>) target(%dma_start3A_73 : memref<128x64xf32, #tpu.memory_space<hbm>>) target_semaphore(%run_scoped3A : memref<!tpu.dma_semaphore, #tpu.memory_space<semaphore_mem>>)
      %dma_wait3A_74 = tpu.memref_slice %arg6[%sub3A_48, %mul3A_20] : memref<80000x128xf32, #tpu.memory_space<hbm>> -> memref<128x64xf32, #tpu.memory_space<hbm>>
      %dma_wait3A_75 = tpu.memref_slice %arg6[%sub3A_48, %mul3A_20] : memref<80000x128xf32, #tpu.memory_space<hbm>> -> memref<128x64xf32, #tpu.memory_space<hbm>>
      tpu.wait_dma2 semaphore(%run_scoped3A : memref<!tpu.dma_semaphore, #tpu.memory_space<semaphore_mem>>) src(%arg9 : memref<128x64xf32, #tpu.memory_space<vmem>>) dst(%dma_wait3A_75 : memref<128x64xf32, #tpu.memory_space<hbm>>)
      tpu.yield
    }) : () -> ()
    %add3A_49 = arith.constant 4992 : i32
    %add3A_50 = arith.addi %mul3A_2, %add3A_49 : i32
    "tpu.region"() ({
      %run_scoped3A = tpu.sem_alloc : memref<!tpu.dma_semaphore, #tpu.memory_space<semaphore_mem>>
      %dma_start3A_72 = tpu.memref_slice %arg4[%add3A_50] : memref<160000xi32, #tpu.memory_space<hbm>> -> memref<8xi32, #tpu.memory_space<hbm>>
      %dma_start3A_73 = tpu.memref_slice %arg4[%add3A_50] : memref<160000xi32, #tpu.memory_space<hbm>> -> memref<8xi32, #tpu.memory_space<hbm>>
      tpu.enqueue_dma source(%dma_start3A_73 : memref<8xi32, #tpu.memory_space<hbm>>) target(%arg17 : memref<8xi32, #tpu.memory_space<vmem>>) target_semaphore(%run_scoped3A : memref<!tpu.dma_semaphore, #tpu.memory_space<semaphore_mem>>)
      %dma_wait3A_74 = tpu.memref_slice %arg4[%add3A_50] : memref<160000xi32, #tpu.memory_space<hbm>> -> memref<8xi32, #tpu.memory_space<hbm>>
      %dma_wait3A_75 = tpu.memref_slice %arg4[%add3A_50] : memref<160000xi32, #tpu.memory_space<hbm>> -> memref<8xi32, #tpu.memory_space<hbm>>
      tpu.wait_dma2 semaphore(%run_scoped3A : memref<!tpu.dma_semaphore, #tpu.memory_space<semaphore_mem>>) src(%dma_wait3A_75 : memref<8xi32, #tpu.memory_space<hbm>>) dst(%arg17 : memref<8xi32, #tpu.memory_space<vmem>>)
      tpu.yield
    }) : () -> ()
    "tpu.region"() ({
      %run_scoped3A = tpu.sem_alloc : memref<!tpu.dma_semaphore, #tpu.memory_space<semaphore_mem>>
      %dma_start3A_72 = tpu.memref_slice %arg5[%add3A_50] : memref<160000xi32, #tpu.memory_space<hbm>> -> memref<8xi32, #tpu.memory_space<hbm>>
      %dma_start3A_73 = tpu.memref_slice %arg5[%add3A_50] : memref<160000xi32, #tpu.memory_space<hbm>> -> memref<8xi32, #tpu.memory_space<hbm>>
      tpu.enqueue_dma source(%dma_start3A_73 : memref<8xi32, #tpu.memory_space<hbm>>) target(%arg18 : memref<8xi32, #tpu.memory_space<vmem>>) target_semaphore(%run_scoped3A : memref<!tpu.dma_semaphore, #tpu.memory_space<semaphore_mem>>)
      %dma_wait3A_74 = tpu.memref_slice %arg5[%add3A_50] : memref<160000xi32, #tpu.memory_space<hbm>> -> memref<8xi32, #tpu.memory_space<hbm>>
      %dma_wait3A_75 = tpu.memref_slice %arg5[%add3A_50] : memref<160000xi32, #tpu.memory_space<hbm>> -> memref<8xi32, #tpu.memory_space<hbm>>
      tpu.wait_dma2 semaphore(%run_scoped3A : memref<!tpu.dma_semaphore, #tpu.memory_space<semaphore_mem>>) src(%dma_wait3A_75 : memref<8xi32, #tpu.memory_space<hbm>>) dst(%arg18 : memref<8xi32, #tpu.memory_space<vmem>>)
      tpu.yield
    }) : () -> ()
    %dma_start3A_51 = arith.constant 0 : i32
    %dma_start3A_52 = arith.constant 0 : i32
    %dma_start3A_53 = tpu.memref_slice %arg2[%dma_start3A_51, %dma_start3A_52] : memref<50000x64xf32, #tpu.memory_space<hbm>> -> memref<50000x64xf32, #tpu.memory_space<hbm>>
    tpu.enqueue_indirect_dma source(%dma_start3A_53 : memref<50000x64xf32, #tpu.memory_space<hbm>>) target(%arg19 : memref<8x64xf32, #tpu.memory_space<vmem>>) offsets(%arg17 : memref<8xi32, #tpu.memory_space<vmem>>) semaphore(%arg16 : memref<!tpu.dma_semaphore, #tpu.memory_space<semaphore_mem>>)
    %dma_start3A_54 = arith.constant 0 : i32
    %dma_start3A_55 = arith.constant 0 : i32
    %dma_start3A_56 = tpu.memref_slice %arg3[%dma_start3A_54, %dma_start3A_55] : memref<50000x64xf32, #tpu.memory_space<hbm>> -> memref<50000x64xf32, #tpu.memory_space<hbm>>
    tpu.enqueue_indirect_dma source(%dma_start3A_56 : memref<50000x64xf32, #tpu.memory_space<hbm>>) target(%arg20 : memref<8x64xf32, #tpu.memory_space<vmem>>) offsets(%arg18 : memref<8xi32, #tpu.memory_space<vmem>>) semaphore(%arg16 : memref<!tpu.dma_semaphore, #tpu.memory_space<semaphore_mem>>)
    %dma_wait3A_57 = arith.constant 0 : i32
    %dma_wait3A_58 = arith.constant 0 : i32
    %dma_wait3A_59 = tpu.memref_slice %arg2[%dma_wait3A_57, %dma_wait3A_58] : memref<50000x64xf32, #tpu.memory_space<hbm>> -> memref<50000x64xf32, #tpu.memory_space<hbm>>
    tpu.wait_indirect_dma semaphore(%arg16 : memref<!tpu.dma_semaphore, #tpu.memory_space<semaphore_mem>>) src(%dma_wait3A_59 : memref<50000x64xf32, #tpu.memory_space<hbm>>) dst(%arg19 : memref<8x64xf32, #tpu.memory_space<vmem>>)
    %dma_wait3A_60 = arith.constant 0 : i32
    %dma_wait3A_61 = arith.constant 0 : i32
    %dma_wait3A_62 = tpu.memref_slice %arg3[%dma_wait3A_60, %dma_wait3A_61] : memref<50000x64xf32, #tpu.memory_space<hbm>> -> memref<50000x64xf32, #tpu.memory_space<hbm>>
    tpu.wait_indirect_dma semaphore(%arg16 : memref<!tpu.dma_semaphore, #tpu.memory_space<semaphore_mem>>) src(%dma_wait3A_62 : memref<50000x64xf32, #tpu.memory_space<hbm>>) dst(%arg20 : memref<8x64xf32, #tpu.memory_space<vmem>>)
    %scan3A_63 = arith.constant 0 : i32
    %scan3A_64 = arith.constant 0 : i32
    %scan3A_65 = arith.constant 8 : i32
    %scan3A_66 = arith.addi %scan3A_64, %scan3A_65 : i32
    %scan3A_67 = arith.constant 1 : i32
    scf.for %scan3A_72 = %scan3A_64 to %scan3A_66 step %scan3A_67  : i32 {
      %get3A = arith.index_cast %scan3A_72 : i32 to index
      %get3A_73 = arith.constant 0 : index
      %get3A_74 = tpu.vector_load %arg20[%get3A, %get3A_73] {strides = array<i32>} : memref<8x64xf32, #tpu.memory_space<vmem>>, vector<1x16xf32>,
      %get3A_75 = vector.shape_cast %get3A_74 : vector<1x16xf32> to vector<16xf32>
      %swap3A = arith.index_cast %scan3A_72 : i32 to index
      %swap3A_76 = arith.constant 0 : index
      %swap3A_77 = tpu.vector_load %arg19[%swap3A, %swap3A_76] {strides = array<i32>} : memref<8x64xf32, #tpu.memory_space<vmem>>, vector<1x16xf32>,
      %swap3A_78 = vector.shape_cast %swap3A_77 : vector<1x16xf32> to vector<16xf32>
      %swap3A_79 = vector.shape_cast %get3A_75 : vector<16xf32> to vector<1x16xf32>
      tpu.vector_store %arg19[%swap3A, %swap3A_76], %swap3A_79 {add = true, strides = array<i32>} : memref<8x64xf32, #tpu.memory_space<vmem>>, vector<1x16xf32>,
      %get3A_80 = arith.index_cast %scan3A_72 : i32 to index
      %get3A_81 = arith.constant 16 : index
      %get3A_82 = tpu.vector_load %arg20[%get3A_80, %get3A_81] {strides = array<i32>} : memref<8x64xf32, #tpu.memory_space<vmem>>, vector<1x16xf32>,
      %get3A_83 = vector.shape_cast %get3A_82 : vector<1x16xf32> to vector<16xf32>
      %swap3A_84 = arith.index_cast %scan3A_72 : i32 to index
      %swap3A_85 = arith.constant 16 : index
      %swap3A_86 = tpu.vector_load %arg19[%swap3A_84, %swap3A_85] {strides = array<i32>} : memref<8x64xf32, #tpu.memory_space<vmem>>, vector<1x16xf32>,
      %swap3A_87 = vector.shape_cast %swap3A_86 : vector<1x16xf32> to vector<16xf32>
      %swap3A_88 = vector.shape_cast %get3A_83 : vector<16xf32> to vector<1x16xf32>
      tpu.vector_store %arg19[%swap3A_84, %swap3A_85], %swap3A_88 {add = true, strides = array<i32>} : memref<8x64xf32, #tpu.memory_space<vmem>>, vector<1x16xf32>,
      %get3A_89 = arith.index_cast %scan3A_72 : i32 to index
      %get3A_90 = arith.constant 32 : index
      %get3A_91 = tpu.vector_load %arg20[%get3A_89, %get3A_90] {strides = array<i32>} : memref<8x64xf32, #tpu.memory_space<vmem>>, vector<1x16xf32>,
      %get3A_92 = vector.shape_cast %get3A_91 : vector<1x16xf32> to vector<16xf32>
      %swap3A_93 = arith.index_cast %scan3A_72 : i32 to index
      %swap3A_94 = arith.constant 32 : index
      %swap3A_95 = tpu.vector_load %arg19[%swap3A_93, %swap3A_94] {strides = array<i32>} : memref<8x64xf32, #tpu.memory_space<vmem>>, vector<1x16xf32>,
      %swap3A_96 = vector.shape_cast %swap3A_95 : vector<1x16xf32> to vector<16xf32>
      %swap3A_97 = vector.shape_cast %get3A_92 : vector<16xf32> to vector<1x16xf32>
      tpu.vector_store %arg19[%swap3A_93, %swap3A_94], %swap3A_97 {add = true, strides = array<i32>} : memref<8x64xf32, #tpu.memory_space<vmem>>, vector<1x16xf32>,
      %get3A_98 = arith.index_cast %scan3A_72 : i32 to index
      %get3A_99 = arith.constant 48 : index
      %get3A_100 = tpu.vector_load %arg20[%get3A_98, %get3A_99] {strides = array<i32>} : memref<8x64xf32, #tpu.memory_space<vmem>>, vector<1x16xf32>,
      %get3A_101 = vector.shape_cast %get3A_100 : vector<1x16xf32> to vector<16xf32>
      %swap3A_102 = arith.index_cast %scan3A_72 : i32 to index
      %swap3A_103 = arith.constant 48 : index
      %swap3A_104 = tpu.vector_load %arg19[%swap3A_102, %swap3A_103] {strides = array<i32>} : memref<8x64xf32, #tpu.memory_space<vmem>>, vector<1x16xf32>,
      %swap3A_105 = vector.shape_cast %swap3A_104 : vector<1x16xf32> to vector<16xf32>
      %swap3A_106 = vector.shape_cast %get3A_101 : vector<16xf32> to vector<1x16xf32>
      tpu.vector_store %arg19[%swap3A_102, %swap3A_103], %swap3A_106 {add = true, strides = array<i32>} : memref<8x64xf32, #tpu.memory_space<vmem>>, vector<1x16xf32>,
    }
    %scan3A_68 = arith.constant 8 : i32
    %mul3A_69 = arith.constant 80000 : i32
    %mul3A_70 = arith.muli %select_n3A, %mul3A_69 : i32
    %sub3A_71 = arith.subi %add3A_50, %mul3A_70 : i32
    "tpu.region"() ({
      %run_scoped3A = tpu.sem_alloc : memref<!tpu.dma_semaphore, #tpu.memory_space<semaphore_mem>>
      %dma_start3A_72 = tpu.memref_slice %arg6[%sub3A_71, %mul3A_20] : memref<80000x128xf32, #tpu.memory_space<hbm>> -> memref<8x64xf32, #tpu.memory_space<hbm>>
      %dma_start3A_73 = tpu.memref_slice %arg6[%sub3A_71, %mul3A_20] : memref<80000x128xf32, #tpu.memory_space<hbm>> -> memref<8x64xf32, #tpu.memory_space<hbm>>
      tpu.enqueue_dma source(%arg19 : memref<8x64xf32, #tpu.memory_space<vmem>>) target(%dma_start3A_73 : memref<8x64xf32, #tpu.memory_space<hbm>>) target_semaphore(%run_scoped3A : memref<!tpu.dma_semaphore, #tpu.memory_space<semaphore_mem>>)
      %dma_wait3A_74 = tpu.memref_slice %arg6[%sub3A_71, %mul3A_20] : memref<80000x128xf32, #tpu.memory_space<hbm>> -> memref<8x64xf32, #tpu.memory_space<hbm>>
      %dma_wait3A_75 = tpu.memref_slice %arg6[%sub3A_71, %mul3A_20] : memref<80000x128xf32, #tpu.memory_space<hbm>> -> memref<8x64xf32, #tpu.memory_space<hbm>>
      tpu.wait_dma2 semaphore(%run_scoped3A : memref<!tpu.dma_semaphore, #tpu.memory_space<semaphore_mem>>) src(%arg19 : memref<8x64xf32, #tpu.memory_space<vmem>>) dst(%dma_wait3A_75 : memref<8x64xf32, #tpu.memory_space<hbm>>)
      tpu.yield
    }) : () -> ()
    return
  }
}

module attributes {stable_mosaic.version = 14 : i64} {
  func.func @_proj_body(%arg0: i32, %arg1: memref<5000x64xf32, #tpu.memory_space<vmem>>, %arg2: memref<5000x64xf32, #tpu.memory_space<vmem>>, %arg3: memref<64x64xf32, #tpu.memory_space<vmem>>, %arg4: memref<64x64xf32, #tpu.memory_space<vmem>>, %arg5: memref<5000x128xf32, #tpu.memory_space<vmem>>, %arg6: memref<5000x128xf32, #tpu.memory_space<vmem>>) attributes {dimension_semantics = [#tpu.dimension_semantics<arbitrary>], iteration_bounds = array<i64: 5>, scalar_prefetch = 0 : i64, scratch_operands = 0 : i64, tpu.core_type = #tpu.core_type<tc>, window_params = [{transform_indices = @transform_0, window_bounds = array<i64: 5000, 64>}, {transform_indices = @transform_1, window_bounds = array<i64: 5000, 64>}, {pipeline_mode = #tpu.pipeline_mode<synchronous>, transform_indices = @transform_2, window_bounds = array<i64: 64, 64>}, {pipeline_mode = #tpu.pipeline_mode<synchronous>, transform_indices = @transform_3, window_bounds = array<i64: 64, 64>}, {transform_indices = @transform_4, window_bounds = array<i64: 5000, 128>}, {transform_indices = @transform_5, window_bounds = array<i64: 5000, 128>}]} {
    %get3A = arith.constant 0 : index
    %get3A_0 = arith.constant 0 : index
    %get3A_1 = vector.load %arg1[%get3A, %get3A_0] : memref<5000x64xf32, #tpu.memory_space<vmem>>, vector<5000x64xf32>
    %get3A_2 = arith.constant 0 : index
    %get3A_3 = arith.constant 0 : index
    %get3A_4 = vector.load %arg2[%get3A_2, %get3A_3] : memref<5000x64xf32, #tpu.memory_space<vmem>>, vector<5000x64xf32>
    %get3A_5 = arith.constant 0 : index
    %get3A_6 = arith.constant 0 : index
    %get3A_7 = vector.load %arg3[%get3A_5, %get3A_6] : memref<64x64xf32, #tpu.memory_space<vmem>>, vector<64x64xf32>
    %get3A_8 = arith.constant 0 : index
    %get3A_9 = arith.constant 0 : index
    %get3A_10 = vector.load %arg4[%get3A_8, %get3A_9] : memref<64x64xf32, #tpu.memory_space<vmem>>, vector<64x64xf32>
    %dot_general3A = arith.constant dense<0.000000e+00> : vector<5000x64xf32>
    %dot_general3A_11 = tpu.matmul %get3A_1, %get3A_7, %dot_general3A {dimension_numbers = #tpu.dot_dimension_numbers<[1], [0], [0], [1], [0, 0, 1, 1], [], []>, transpose_lhs_hint = false} : vector<5000x64xf32>, vector<64x64xf32>, vector<5000x64xf32> -> vector<5000x64xf32>
    %dot_general3A_12 = arith.constant dense<0.000000e+00> : vector<5000x64xf32>
    %dot_general3A_13 = tpu.matmul %get3A_4, %get3A_7, %dot_general3A_12 {dimension_numbers = #tpu.dot_dimension_numbers<[1], [0], [0], [1], [0, 0, 1, 1], [], []>, transpose_lhs_hint = false} : vector<5000x64xf32>, vector<64x64xf32>, vector<5000x64xf32> -> vector<5000x64xf32>
    %concatenate3A = tpu.concatenate %dot_general3A_11, %dot_general3A_13 in 1 : vector<5000x64xf32>, vector<5000x64xf32> -> vector<5000x128xf32>
    %swap3A = arith.constant 0 : index
    %swap3A_14 = arith.constant 0 : index
    %swap3A_15 = vector.load %arg5[%swap3A, %swap3A_14] : memref<5000x128xf32, #tpu.memory_space<vmem>>, vector<5000x128xf32>
    tpu.vector_store %arg5[%swap3A, %swap3A_14], %concatenate3A {strides = array<i32>} : memref<5000x128xf32, #tpu.memory_space<vmem>>, vector<5000x128xf32>,
    %dot_general3A_16 = arith.constant dense<0.000000e+00> : vector<5000x64xf32>
    %dot_general3A_17 = tpu.matmul %get3A_1, %get3A_10, %dot_general3A_16 {dimension_numbers = #tpu.dot_dimension_numbers<[1], [0], [0], [1], [0, 0, 1, 1], [], []>, transpose_lhs_hint = false} : vector<5000x64xf32>, vector<64x64xf32>, vector<5000x64xf32> -> vector<5000x64xf32>
    %dot_general3A_18 = arith.constant dense<0.000000e+00> : vector<5000x64xf32>
    %dot_general3A_19 = tpu.matmul %get3A_4, %get3A_10, %dot_general3A_18 {dimension_numbers = #tpu.dot_dimension_numbers<[1], [0], [0], [1], [0, 0, 1, 1], [], []>, transpose_lhs_hint = false} : vector<5000x64xf32>, vector<64x64xf32>, vector<5000x64xf32> -> vector<5000x64xf32>
    %concatenate3A_20 = tpu.concatenate %dot_general3A_17, %dot_general3A_19 in 1 : vector<5000x64xf32>, vector<5000x64xf32> -> vector<5000x128xf32>
    %swap3A_21 = arith.constant 0 : index
    %swap3A_22 = arith.constant 0 : index
    %swap3A_23 = vector.load %arg6[%swap3A_21, %swap3A_22] : memref<5000x128xf32, #tpu.memory_space<vmem>>, vector<5000x128xf32>
    tpu.vector_store %arg6[%swap3A_21, %swap3A_22], %concatenate3A_20 {strides = array<i32>} : memref<5000x128xf32, #tpu.memory_space<vmem>>, vector<5000x128xf32>,
    return
  }
  func.func @transform_0(%arg0: i32) -> (i32, i32) {
    %c0_i32 = arith.constant 0 : i32
    %c0_i32_0 = arith.constant 0 : i32
    return %arg0, %c0_i32 : i32, i32
  }
  func.func @transform_1(%arg0: i32) -> (i32, i32) {
    %add3A = arith.constant 5 : i32
    %add3A_0 = arith.addi %arg0, %add3A : i32
    %c0_i32 = arith.constant 0 : i32
    %c0_i32_1 = arith.constant 0 : i32
    return %add3A_0, %c0_i32 : i32, i32
  }
  func.func @transform_2(%arg0: i32) -> (i32, i32) {
    %c0_i32 = arith.constant 0 : i32
    %c0_i32_0 = arith.constant 0 : i32
    %c0_i32_1 = arith.constant 0 : i32
    return %c0_i32, %c0_i32_0 : i32, i32
  }
  func.func @transform_3(%arg0: i32) -> (i32, i32) {
    %c0_i32 = arith.constant 0 : i32
    %c0_i32_0 = arith.constant 0 : i32
    %c0_i32_1 = arith.constant 0 : i32
    return %c0_i32, %c0_i32_0 : i32, i32
  }
  func.func @transform_4(%arg0: i32) -> (i32, i32) {
    %c0_i32 = arith.constant 0 : i32
    %c0_i32_0 = arith.constant 0 : i32
    return %arg0, %c0_i32 : i32, i32
  }
  func.func @transform_5(%arg0: i32) -> (i32, i32) {
    %c0_i32 = arith.constant 0 : i32
    %c0_i32_0 = arith.constant 0 : i32
    return %arg0, %c0_i32 : i32, i32
  }
}

module attributes {stable_mosaic.version = 14 : i64} {
  func.func @_edge_body(%arg0: i32, %arg1: i32, %arg2: memref<3200x128xf32, #tpu.memory_space<vmem>>, %arg3: memref<64x3200xf32, #tpu.memory_space<vmem>>, %arg4: memref<16x3200xf32, #tpu.memory_space<vmem>>, %arg5: memref<1x64x128xf32, #tpu.memory_space<vmem>>, %arg6: memref<64x64xf32, #tpu.memory_space<vmem>>, %arg7: memref<16x64xf32, #tpu.memory_space<vmem>>, %arg8: memref<64x1xf32, #tpu.memory_space<vmem>>, %arg9: memref<64x64xf32, #tpu.memory_space<vmem>>, %arg10: memref<64x1xf32, #tpu.memory_space<vmem>>, %arg11: memref<64x1xf32, #tpu.memory_space<vmem>>, %arg12: memref<64x1xf32, #tpu.memory_space<vmem>>, %arg13: memref<64x3200xf32, #tpu.memory_space<vmem>>) attributes {dimension_semantics = [#tpu.dimension_semantics<arbitrary>, #tpu.dimension_semantics<arbitrary>], iteration_bounds = array<i64: 25, 2>, scalar_prefetch = 0 : i64, scratch_operands = 0 : i64, tpu.core_type = #tpu.core_type<tc>, window_params = [{transform_indices = @transform_0, window_bounds = array<i64: 3200, 128>}, {transform_indices = @transform_1, window_bounds = array<i64: 64, 3200>}, {transform_indices = @transform_2, window_bounds = array<i64: 16, 3200>}, {transform_indices = @transform_3, window_bounds = array<i64: 1, 64, 128>}, {pipeline_mode = #tpu.pipeline_mode<synchronous>, transform_indices = @transform_4, window_bounds = array<i64: 64, 64>}, {pipeline_mode = #tpu.pipeline_mode<synchronous>, transform_indices = @transform_5, window_bounds = array<i64: 16, 64>}, {pipeline_mode = #tpu.pipeline_mode<synchronous>, transform_indices = @transform_6, window_bounds = array<i64: 64, 1>}, {pipeline_mode = #tpu.pipeline_mode<synchronous>, transform_indices = @transform_7, window_bounds = array<i64: 64, 64>}, {pipeline_mode = #tpu.pipeline_mode<synchronous>, transform_indices = @transform_8, window_bounds = array<i64: 64, 1>}, {pipeline_mode = #tpu.pipeline_mode<synchronous>, transform_indices = @transform_9, window_bounds = array<i64: 64, 1>}, {pipeline_mode = #tpu.pipeline_mode<synchronous>, transform_indices = @transform_10, window_bounds = array<i64: 64, 1>}, {transform_indices = @transform_11, window_bounds = array<i64: 64, 3200>}]} {
    %get3A = arith.constant 0 : index
    %get3A_0 = arith.constant 0 : index
    %get3A_1 = vector.load %arg3[%get3A, %get3A_0] : memref<64x3200xf32, #tpu.memory_space<vmem>>, vector<64x3200xf32>
    %get3A_2 = arith.constant 0 : index
    %get3A_3 = arith.constant 0 : index
    %get3A_4 = arith.constant 0 : index
    %get3A_5 = vector.load %arg5[%get3A_2, %get3A_3, %get3A_4] : memref<1x64x128xf32, #tpu.memory_space<vmem>>, vector<1x64x128xf32>
    %get3A_6 = vector.shape_cast %get3A_5 : vector<1x64x128xf32> to vector<64x128xf32>
    %get3A_7 = arith.constant 0 : index
    %get3A_8 = arith.constant 0 : index
    %get3A_9 = vector.load %arg2[%get3A_7, %get3A_8] : memref<3200x128xf32, #tpu.memory_space<vmem>>, vector<3200x128xf32>
    %dot_general3A = arith.constant dense<0.000000e+00> : vector<64x3200xf32>
    %dot_general3A_10 = tpu.matmul %get3A_6, %get3A_9, %dot_general3A {dimension_numbers = #tpu.dot_dimension_numbers<[1], [1], [0], [0], [0, 0, 1, 0], [], []>, transpose_lhs_hint = false} : vector<64x128xf32>, vector<3200x128xf32>, vector<64x3200xf32> -> vector<64x3200xf32>
    %get3A_11 = arith.constant 0 : index
    %get3A_12 = arith.constant 0 : index
    %get3A_13 = vector.load %arg6[%get3A_11, %get3A_12] : memref<64x64xf32, #tpu.memory_space<vmem>>, vector<64x64xf32>
    %dot_general3A_14 = arith.constant dense<0.000000e+00> : vector<64x3200xf32>
    %dot_general3A_15 = tpu.matmul %get3A_13, %get3A_1, %dot_general3A_14 {dimension_numbers = #tpu.dot_dimension_numbers<[0], [0], [1], [1], [0, 1, 1, 1], [], []>, transpose_lhs_hint = false} : vector<64x64xf32>, vector<64x3200xf32>, vector<64x3200xf32> -> vector<64x3200xf32>
    %add3A = arith.addf %dot_general3A_10, %dot_general3A_15 : vector<64x3200xf32>
    %get3A_16 = arith.constant 0 : index
    %get3A_17 = arith.constant 0 : index
    %get3A_18 = vector.load %arg7[%get3A_16, %get3A_17] : memref<16x64xf32, #tpu.memory_space<vmem>>, vector<16x64xf32>
    %get3A_19 = arith.constant 0 : index
    %get3A_20 = arith.constant 0 : index
    %get3A_21 = vector.load %arg4[%get3A_19, %get3A_20] : memref<16x3200xf32, #tpu.memory_space<vmem>>, vector<16x3200xf32>
    %dot_general3A_22 = arith.constant dense<0.000000e+00> : vector<64x3200xf32>
    %dot_general3A_23 = tpu.matmul %get3A_18, %get3A_21, %dot_general3A_22 {dimension_numbers = #tpu.dot_dimension_numbers<[0], [0], [1], [1], [0, 1, 1, 1], [], []>, transpose_lhs_hint = false} : vector<16x64xf32>, vector<16x3200xf32>, vector<64x3200xf32> -> vector<64x3200xf32>
    %add3A_24 = arith.addf %add3A, %dot_general3A_23 : vector<64x3200xf32>
    %get3A_25 = arith.constant 0 : index
    %get3A_26 = arith.constant 0 : index
    %get3A_27 = vector.load %arg8[%get3A_25, %get3A_26] : memref<64x1xf32, #tpu.memory_space<vmem>>, vector<64x1xf32>
    %add3A_28 = vector.broadcast %get3A_27 : vector<64x1xf32> to vector<64x3200xf32>
    %add3A_29 = arith.addf %add3A_24, %add3A_28 : vector<64x3200xf32>
    %logistic3A = arith.negf %add3A_29 : vector<64x3200xf32>
    %logistic3A_30 = math.exp %logistic3A : vector<64x3200xf32>
    %logistic3A_31 = arith.constant 1.000000e+00 : f32
    %logistic3A_32 = vector.broadcast %logistic3A_31 : f32 to vector<64x3200xf32>
    %logistic3A_33 = arith.addf %logistic3A_32, %logistic3A_30 : vector<64x3200xf32>
    %logistic3A_34 = arith.divf %logistic3A_32, %logistic3A_33 : vector<64x3200xf32>
    %mul3A = arith.mulf %add3A_29, %logistic3A_34 : vector<64x3200xf32>
    %get3A_35 = arith.constant 0 : index
    %get3A_36 = arith.constant 0 : index
    %get3A_37 = vector.load %arg9[%get3A_35, %get3A_36] : memref<64x64xf32, #tpu.memory_space<vmem>>, vector<64x64xf32>
    %dot_general3A_38 = arith.constant dense<0.000000e+00> : vector<64x3200xf32>
    %dot_general3A_39 = tpu.matmul %get3A_37, %mul3A, %dot_general3A_38 {dimension_numbers = #tpu.dot_dimension_numbers<[0], [0], [1], [1], [0, 1, 1, 1], [], []>, transpose_lhs_hint = false} : vector<64x64xf32>, vector<64x3200xf32>, vector<64x3200xf32> -> vector<64x3200xf32>
    %get3A_40 = arith.constant 0 : index
    %get3A_41 = arith.constant 0 : index
    %get3A_42 = vector.load %arg10[%get3A_40, %get3A_41] : memref<64x1xf32, #tpu.memory_space<vmem>>, vector<64x1xf32>
    %add3A_43 = vector.broadcast %get3A_42 : vector<64x1xf32> to vector<64x3200xf32>
    %add3A_44 = arith.addf %dot_general3A_39, %add3A_43 : vector<64x3200xf32>
    %logistic3A_45 = arith.negf %add3A_44 : vector<64x3200xf32>
    %logistic3A_46 = math.exp %logistic3A_45 : vector<64x3200xf32>
    %logistic3A_47 = arith.constant 1.000000e+00 : f32
    %logistic3A_48 = vector.broadcast %logistic3A_47 : f32 to vector<64x3200xf32>
    %logistic3A_49 = arith.addf %logistic3A_48, %logistic3A_46 : vector<64x3200xf32>
    %logistic3A_50 = arith.divf %logistic3A_48, %logistic3A_49 : vector<64x3200xf32>
    %mul3A_51 = arith.mulf %add3A_44, %logistic3A_50 : vector<64x3200xf32>
    %add3A_52 = arith.addf %get3A_1, %mul3A_51 : vector<64x3200xf32>
    %reduce_sum3A = arith.constant dense<0.000000e+00> : vector<3200xf32>
    %reduce_sum3A_53 = vector.multi_reduction <add>, %add3A_52, %reduce_sum3A [0] : vector<64x3200xf32> to vector<3200xf32>
    %broadcast_in_dim3A = vector.shape_cast %reduce_sum3A_53 : vector<3200xf32> to vector<1x3200xf32>
    %div3A = arith.constant 6.400000e+01 : f32
    %div3A_54 = vector.broadcast %div3A : f32 to vector<1x3200xf32>
    %div3A_55 = arith.divf %broadcast_in_dim3A, %div3A_54 : vector<1x3200xf32>
    %sub3A = vector.broadcast %div3A_55 : vector<1x3200xf32> to vector<64x3200xf32>
    %sub3A_56 = arith.subf %add3A_52, %sub3A : vector<64x3200xf32>
    %sub3A_57 = vector.broadcast %div3A_55 : vector<1x3200xf32> to vector<64x3200xf32>
    %sub3A_58 = arith.subf %add3A_52, %sub3A_57 : vector<64x3200xf32>
    %mul3A_59 = arith.mulf %sub3A_56, %sub3A_58 : vector<64x3200xf32>
    %reduce_sum3A_60 = arith.constant dense<0.000000e+00> : vector<3200xf32>
    %reduce_sum3A_61 = vector.multi_reduction <add>, %mul3A_59, %reduce_sum3A_60 [0] : vector<64x3200xf32> to vector<3200xf32>
    %broadcast_in_dim3A_62 = vector.shape_cast %reduce_sum3A_61 : vector<3200xf32> to vector<1x3200xf32>
    %div3A_63 = arith.constant 6.400000e+01 : f32
    %div3A_64 = vector.broadcast %div3A_63 : f32 to vector<1x3200xf32>
    %div3A_65 = arith.divf %broadcast_in_dim3A_62, %div3A_64 : vector<1x3200xf32>
    %sub3A_66 = vector.broadcast %div3A_55 : vector<1x3200xf32> to vector<64x3200xf32>
    %sub3A_67 = arith.subf %add3A_52, %sub3A_66 : vector<64x3200xf32>
    %add3A_68 = arith.constant 9.99999974E-6 : f32
    %add3A_69 = vector.broadcast %add3A_68 : f32 to vector<1x3200xf32>
    %add3A_70 = arith.addf %div3A_65, %add3A_69 : vector<1x3200xf32>
    %rsqrt3A = math.rsqrt %add3A_70 : vector<1x3200xf32>
    %mul3A_71 = vector.broadcast %rsqrt3A : vector<1x3200xf32> to vector<64x3200xf32>
    %mul3A_72 = arith.mulf %sub3A_67, %mul3A_71 : vector<64x3200xf32>
    %get3A_73 = arith.constant 0 : index
    %get3A_74 = arith.constant 0 : index
    %get3A_75 = vector.load %arg11[%get3A_73, %get3A_74] : memref<64x1xf32, #tpu.memory_space<vmem>>, vector<64x1xf32>
    %mul3A_76 = vector.broadcast %get3A_75 : vector<64x1xf32> to vector<64x3200xf32>
    %mul3A_77 = arith.mulf %mul3A_72, %mul3A_76 : vector<64x3200xf32>
    %get3A_78 = arith.constant 0 : index
    %get3A_79 = arith.constant 0 : index
    %get3A_80 = vector.load %arg12[%get3A_78, %get3A_79] : memref<64x1xf32, #tpu.memory_space<vmem>>, vector<64x1xf32>
    %add3A_81 = vector.broadcast %get3A_80 : vector<64x1xf32> to vector<64x3200xf32>
    %add3A_82 = arith.addf %mul3A_77, %add3A_81 : vector<64x3200xf32>
    %swap3A = arith.constant 0 : index
    %swap3A_83 = arith.constant 0 : index
    %swap3A_84 = vector.load %arg13[%swap3A, %swap3A_83] : memref<64x3200xf32, #tpu.memory_space<vmem>>, vector<64x3200xf32>
    tpu.vector_store %arg13[%swap3A, %swap3A_83], %add3A_82 {strides = array<i32>} : memref<64x3200xf32, #tpu.memory_space<vmem>>, vector<64x3200xf32>,
    return
  }
  func.func @transform_0(%arg0: i32, %arg1: i32) -> (i32, i32) {
    %c0_i32 = arith.constant 0 : i32
    %c0_i32_0 = arith.constant 0 : i32
    return %arg0, %c0_i32 : i32, i32
  }
  func.func @transform_1(%arg0: i32, %arg1: i32) -> (i32, i32) {
    %add3A = arith.constant 0 : i32
    %add3A_0 = arith.addi %add3A, %arg0 : i32
    %mul3A = arith.constant 25 : i32
    %mul3A_1 = arith.muli %arg1, %mul3A : i32
    %add3A_2 = arith.addi %add3A_0, %mul3A_1 : i32
    %c0_i32 = arith.constant 0 : i32
    %c0_i32_3 = arith.constant 0 : i32
    return %c0_i32, %add3A_2 : i32, i32
  }
  func.func @transform_2(%arg0: i32, %arg1: i32) -> (i32, i32) {
    %add3A = arith.constant 0 : i32
    %add3A_0 = arith.addi %add3A, %arg0 : i32
    %mul3A = arith.constant 25 : i32
    %mul3A_1 = arith.muli %arg1, %mul3A : i32
    %add3A_2 = arith.addi %add3A_0, %mul3A_1 : i32
    %c0_i32 = arith.constant 0 : i32
    %c0_i32_3 = arith.constant 0 : i32
    return %c0_i32, %add3A_2 : i32, i32
  }
  func.func @transform_3(%arg0: i32, %arg1: i32) -> (i32, i32, i32) {
    %c0_i32 = arith.constant 0 : i32
    %c0_i32_0 = arith.constant 0 : i32
    %c0_i32_1 = arith.constant 0 : i32
    return %arg1, %c0_i32, %c0_i32_0 : i32, i32, i32
  }
  func.func @transform_4(%arg0: i32, %arg1: i32) -> (i32, i32) {
    %c0_i32 = arith.constant 0 : i32
    %c0_i32_0 = arith.constant 0 : i32
    %c0_i32_1 = arith.constant 0 : i32
    return %c0_i32, %c0_i32_0 : i32, i32
  }
  func.func @transform_5(%arg0: i32, %arg1: i32) -> (i32, i32) {
    %c0_i32 = arith.constant 0 : i32
    %c0_i32_0 = arith.constant 0 : i32
    %c0_i32_1 = arith.constant 0 : i32
    return %c0_i32, %c0_i32_0 : i32, i32
  }
  func.func @transform_6(%arg0: i32, %arg1: i32) -> (i32, i32) {
    %c0_i32 = arith.constant 0 : i32
    %c0_i32_0 = arith.constant 0 : i32
    %c0_i32_1 = arith.constant 0 : i32
    return %c0_i32, %c0_i32_0 : i32, i32
  }
  func.func @transform_7(%arg0: i32, %arg1: i32) -> (i32, i32) {
    %c0_i32 = arith.constant 0 : i32
    %c0_i32_0 = arith.constant 0 : i32
    %c0_i32_1 = arith.constant 0 : i32
    return %c0_i32, %c0_i32_0 : i32, i32
  }
  func.func @transform_8(%arg0: i32, %arg1: i32) -> (i32, i32) {
    %c0_i32 = arith.constant 0 : i32
    %c0_i32_0 = arith.constant 0 : i32
    %c0_i32_1 = arith.constant 0 : i32
    return %c0_i32, %c0_i32_0 : i32, i32
  }
  func.func @transform_9(%arg0: i32, %arg1: i32) -> (i32, i32) {
    %c0_i32 = arith.constant 0 : i32
    %c0_i32_0 = arith.constant 0 : i32
    %c0_i32_1 = arith.constant 0 : i32
    return %c0_i32, %c0_i32_0 : i32, i32
  }
  func.func @transform_10(%arg0: i32, %arg1: i32) -> (i32, i32) {
    %c0_i32 = arith.constant 0 : i32
    %c0_i32_0 = arith.constant 0 : i32
    %c0_i32_1 = arith.constant 0 : i32
    return %c0_i32, %c0_i32_0 : i32, i32
  }
  func.func @transform_11(%arg0: i32, %arg1: i32) -> (i32, i32) {
    %add3A = arith.constant 0 : i32
    %add3A_0 = arith.addi %add3A, %arg0 : i32
    %mul3A = arith.constant 25 : i32
    %mul3A_1 = arith.muli %arg1, %mul3A : i32
    %add3A_2 = arith.addi %add3A_0, %mul3A_1 : i32
    %c0_i32 = arith.constant 0 : i32
    %c0_i32_3 = arith.constant 0 : i32
    return %c0_i32, %add3A_2 : i32, i32
  }
}

module attributes {stable_mosaic.version = 14 : i64} {
  func.func @_edge_body(%arg0: i32, %arg1: i32, %arg2: memref<3200x128xf32, #tpu.memory_space<vmem>>, %arg3: memref<64x3200xf32, #tpu.memory_space<vmem>>, %arg4: memref<16x3200xf32, #tpu.memory_space<vmem>>, %arg5: memref<1x64x128xf32, #tpu.memory_space<vmem>>, %arg6: memref<64x64xf32, #tpu.memory_space<vmem>>, %arg7: memref<16x64xf32, #tpu.memory_space<vmem>>, %arg8: memref<64x1xf32, #tpu.memory_space<vmem>>, %arg9: memref<64x64xf32, #tpu.memory_space<vmem>>, %arg10: memref<64x1xf32, #tpu.memory_space<vmem>>, %arg11: memref<64x1xf32, #tpu.memory_space<vmem>>, %arg12: memref<64x1xf32, #tpu.memory_space<vmem>>, %arg13: memref<64x800000xf32, #tpu.memory_space<any>>, %arg14: memref<64x3200xf32, #tpu.memory_space<vmem>>) attributes {dimension_semantics = [#tpu.dimension_semantics<arbitrary>, #tpu.dimension_semantics<arbitrary>], iteration_bounds = array<i64: 25, 2>, scalar_prefetch = 0 : i64, scratch_operands = 0 : i64, tpu.core_type = #tpu.core_type<tc>, window_params = [{transform_indices = @transform_0, window_bounds = array<i64: 3200, 128>}, {transform_indices = @transform_1, window_bounds = array<i64: 64, 3200>}, {transform_indices = @transform_2, window_bounds = array<i64: 16, 3200>}, {transform_indices = @transform_3, window_bounds = array<i64: 1, 64, 128>}, {pipeline_mode = #tpu.pipeline_mode<synchronous>, transform_indices = @transform_4, window_bounds = array<i64: 64, 64>}, {pipeline_mode = #tpu.pipeline_mode<synchronous>, transform_indices = @transform_5, window_bounds = array<i64: 16, 64>}, {pipeline_mode = #tpu.pipeline_mode<synchronous>, transform_indices = @transform_6, window_bounds = array<i64: 64, 1>}, {pipeline_mode = #tpu.pipeline_mode<synchronous>, transform_indices = @transform_7, window_bounds = array<i64: 64, 64>}, {pipeline_mode = #tpu.pipeline_mode<synchronous>, transform_indices = @transform_8, window_bounds = array<i64: 64, 1>}, {pipeline_mode = #tpu.pipeline_mode<synchronous>, transform_indices = @transform_9, window_bounds = array<i64: 64, 1>}, {pipeline_mode = #tpu.pipeline_mode<synchronous>, transform_indices = @transform_10, window_bounds = array<i64: 64, 1>}, {}, {transform_indices = @transform_12, window_bounds = array<i64: 64, 3200>}]} {
    %get3A = arith.constant 0 : index
    %get3A_0 = arith.constant 0 : index
    %get3A_1 = vector.load %arg3[%get3A, %get3A_0] : memref<64x3200xf32, #tpu.memory_space<vmem>>, vector<64x3200xf32>
    %get3A_2 = arith.constant 0 : index
    %get3A_3 = arith.constant 0 : index
    %get3A_4 = arith.constant 0 : index
    %get3A_5 = vector.load %arg5[%get3A_2, %get3A_3, %get3A_4] : memref<1x64x128xf32, #tpu.memory_space<vmem>>, vector<1x64x128xf32>
    %get3A_6 = vector.shape_cast %get3A_5 : vector<1x64x128xf32> to vector<64x128xf32>
    %get3A_7 = arith.constant 0 : index
    %get3A_8 = arith.constant 0 : index
    %get3A_9 = vector.load %arg2[%get3A_7, %get3A_8] : memref<3200x128xf32, #tpu.memory_space<vmem>>, vector<3200x128xf32>
    %dot_general3A = arith.constant dense<0.000000e+00> : vector<64x3200xf32>
    %dot_general3A_10 = tpu.matmul %get3A_6, %get3A_9, %dot_general3A {dimension_numbers = #tpu.dot_dimension_numbers<[1], [1], [0], [0], [0, 0, 1, 0], [], []>, transpose_lhs_hint = false} : vector<64x128xf32>, vector<3200x128xf32>, vector<64x3200xf32> -> vector<64x3200xf32>
    %get3A_11 = arith.constant 0 : index
    %get3A_12 = arith.constant 0 : index
    %get3A_13 = vector.load %arg6[%get3A_11, %get3A_12] : memref<64x64xf32, #tpu.memory_space<vmem>>, vector<64x64xf32>
    %dot_general3A_14 = arith.constant dense<0.000000e+00> : vector<64x3200xf32>
    %dot_general3A_15 = tpu.matmul %get3A_13, %get3A_1, %dot_general3A_14 {dimension_numbers = #tpu.dot_dimension_numbers<[0], [0], [1], [1], [0, 1, 1, 1], [], []>, transpose_lhs_hint = false} : vector<64x64xf32>, vector<64x3200xf32>, vector<64x3200xf32> -> vector<64x3200xf32>
    %add3A = arith.addf %dot_general3A_10, %dot_general3A_15 : vector<64x3200xf32>
    %get3A_16 = arith.constant 0 : index
    %get3A_17 = arith.constant 0 : index
    %get3A_18 = vector.load %arg7[%get3A_16, %get3A_17] : memref<16x64xf32, #tpu.memory_space<vmem>>, vector<16x64xf32>
    %get3A_19 = arith.constant 0 : index
    %get3A_20 = arith.constant 0 : index
    %get3A_21 = vector.load %arg4[%get3A_19, %get3A_20] : memref<16x3200xf32, #tpu.memory_space<vmem>>, vector<16x3200xf32>
    %dot_general3A_22 = arith.constant dense<0.000000e+00> : vector<64x3200xf32>
    %dot_general3A_23 = tpu.matmul %get3A_18, %get3A_21, %dot_general3A_22 {dimension_numbers = #tpu.dot_dimension_numbers<[0], [0], [1], [1], [0, 1, 1, 1], [], []>, transpose_lhs_hint = false} : vector<16x64xf32>, vector<16x3200xf32>, vector<64x3200xf32> -> vector<64x3200xf32>
    %add3A_24 = arith.addf %add3A, %dot_general3A_23 : vector<64x3200xf32>
    %get3A_25 = arith.constant 0 : index
    %get3A_26 = arith.constant 0 : index
    %get3A_27 = vector.load %arg8[%get3A_25, %get3A_26] : memref<64x1xf32, #tpu.memory_space<vmem>>, vector<64x1xf32>
    %add3A_28 = vector.broadcast %get3A_27 : vector<64x1xf32> to vector<64x3200xf32>
    %add3A_29 = arith.addf %add3A_24, %add3A_28 : vector<64x3200xf32>
    %logistic3A = arith.negf %add3A_29 : vector<64x3200xf32>
    %logistic3A_30 = math.exp %logistic3A : vector<64x3200xf32>
    %logistic3A_31 = arith.constant 1.000000e+00 : f32
    %logistic3A_32 = vector.broadcast %logistic3A_31 : f32 to vector<64x3200xf32>
    %logistic3A_33 = arith.addf %logistic3A_32, %logistic3A_30 : vector<64x3200xf32>
    %logistic3A_34 = arith.divf %logistic3A_32, %logistic3A_33 : vector<64x3200xf32>
    %mul3A = arith.mulf %add3A_29, %logistic3A_34 : vector<64x3200xf32>
    %get3A_35 = arith.constant 0 : index
    %get3A_36 = arith.constant 0 : index
    %get3A_37 = vector.load %arg9[%get3A_35, %get3A_36] : memref<64x64xf32, #tpu.memory_space<vmem>>, vector<64x64xf32>
    %dot_general3A_38 = arith.constant dense<0.000000e+00> : vector<64x3200xf32>
    %dot_general3A_39 = tpu.matmul %get3A_37, %mul3A, %dot_general3A_38 {dimension_numbers = #tpu.dot_dimension_numbers<[0], [0], [1], [1], [0, 1, 1, 1], [], []>, transpose_lhs_hint = false} : vector<64x64xf32>, vector<64x3200xf32>, vector<64x3200xf32> -> vector<64x3200xf32>
    %get3A_40 = arith.constant 0 : index
    %get3A_41 = arith.constant 0 : index
    %get3A_42 = vector.load %arg10[%get3A_40, %get3A_41] : memref<64x1xf32, #tpu.memory_space<vmem>>, vector<64x1xf32>
    %add3A_43 = vector.broadcast %get3A_42 : vector<64x1xf32> to vector<64x3200xf32>
    %add3A_44 = arith.addf %dot_general3A_39, %add3A_43 : vector<64x3200xf32>
    %logistic3A_45 = arith.negf %add3A_44 : vector<64x3200xf32>
    %logistic3A_46 = math.exp %logistic3A_45 : vector<64x3200xf32>
    %logistic3A_47 = arith.constant 1.000000e+00 : f32
    %logistic3A_48 = vector.broadcast %logistic3A_47 : f32 to vector<64x3200xf32>
    %logistic3A_49 = arith.addf %logistic3A_48, %logistic3A_46 : vector<64x3200xf32>
    %logistic3A_50 = arith.divf %logistic3A_48, %logistic3A_49 : vector<64x3200xf32>
    %mul3A_51 = arith.mulf %add3A_44, %logistic3A_50 : vector<64x3200xf32>
    %add3A_52 = arith.addf %get3A_1, %mul3A_51 : vector<64x3200xf32>
    %reduce_sum3A = arith.constant dense<0.000000e+00> : vector<3200xf32>
    %reduce_sum3A_53 = vector.multi_reduction <add>, %add3A_52, %reduce_sum3A [0] : vector<64x3200xf32> to vector<3200xf32>
    %broadcast_in_dim3A = vector.shape_cast %reduce_sum3A_53 : vector<3200xf32> to vector<1x3200xf32>
    %div3A = arith.constant 6.400000e+01 : f32
    %div3A_54 = vector.broadcast %div3A : f32 to vector<1x3200xf32>
    %div3A_55 = arith.divf %broadcast_in_dim3A, %div3A_54 : vector<1x3200xf32>
    %sub3A = vector.broadcast %div3A_55 : vector<1x3200xf32> to vector<64x3200xf32>
    %sub3A_56 = arith.subf %add3A_52, %sub3A : vector<64x3200xf32>
    %sub3A_57 = vector.broadcast %div3A_55 : vector<1x3200xf32> to vector<64x3200xf32>
    %sub3A_58 = arith.subf %add3A_52, %sub3A_57 : vector<64x3200xf32>
    %mul3A_59 = arith.mulf %sub3A_56, %sub3A_58 : vector<64x3200xf32>
    %reduce_sum3A_60 = arith.constant dense<0.000000e+00> : vector<3200xf32>
    %reduce_sum3A_61 = vector.multi_reduction <add>, %mul3A_59, %reduce_sum3A_60 [0] : vector<64x3200xf32> to vector<3200xf32>
    %broadcast_in_dim3A_62 = vector.shape_cast %reduce_sum3A_61 : vector<3200xf32> to vector<1x3200xf32>
    %div3A_63 = arith.constant 6.400000e+01 : f32
    %div3A_64 = vector.broadcast %div3A_63 : f32 to vector<1x3200xf32>
    %div3A_65 = arith.divf %broadcast_in_dim3A_62, %div3A_64 : vector<1x3200xf32>
    %sub3A_66 = vector.broadcast %div3A_55 : vector<1x3200xf32> to vector<64x3200xf32>
    %sub3A_67 = arith.subf %add3A_52, %sub3A_66 : vector<64x3200xf32>
    %add3A_68 = arith.constant 9.99999974E-6 : f32
    %add3A_69 = vector.broadcast %add3A_68 : f32 to vector<1x3200xf32>
    %add3A_70 = arith.addf %div3A_65, %add3A_69 : vector<1x3200xf32>
    %rsqrt3A = math.rsqrt %add3A_70 : vector<1x3200xf32>
    %mul3A_71 = vector.broadcast %rsqrt3A : vector<1x3200xf32> to vector<64x3200xf32>
    %mul3A_72 = arith.mulf %sub3A_67, %mul3A_71 : vector<64x3200xf32>
    %get3A_73 = arith.constant 0 : index
    %get3A_74 = arith.constant 0 : index
    %get3A_75 = vector.load %arg11[%get3A_73, %get3A_74] : memref<64x1xf32, #tpu.memory_space<vmem>>, vector<64x1xf32>
    %mul3A_76 = vector.broadcast %get3A_75 : vector<64x1xf32> to vector<64x3200xf32>
    %mul3A_77 = arith.mulf %mul3A_72, %mul3A_76 : vector<64x3200xf32>
    %get3A_78 = arith.constant 0 : index
    %get3A_79 = arith.constant 0 : index
    %get3A_80 = vector.load %arg12[%get3A_78, %get3A_79] : memref<64x1xf32, #tpu.memory_space<vmem>>, vector<64x1xf32>
    %add3A_81 = vector.broadcast %get3A_80 : vector<64x1xf32> to vector<64x3200xf32>
    %add3A_82 = arith.addf %mul3A_77, %add3A_81 : vector<64x3200xf32>
    %swap3A = arith.constant 0 : index
    %swap3A_83 = arith.constant 0 : index
    %swap3A_84 = vector.load %arg14[%swap3A, %swap3A_83] : memref<64x3200xf32, #tpu.memory_space<vmem>>, vector<64x3200xf32>
    tpu.vector_store %arg14[%swap3A, %swap3A_83], %add3A_82 {strides = array<i32>} : memref<64x3200xf32, #tpu.memory_space<vmem>>, vector<64x3200xf32>,
    return
  }
  func.func @transform_0(%arg0: i32, %arg1: i32) -> (i32, i32) {
    %c0_i32 = arith.constant 0 : i32
    %c0_i32_0 = arith.constant 0 : i32
    return %arg0, %c0_i32 : i32, i32
  }
  func.func @transform_1(%arg0: i32, %arg1: i32) -> (i32, i32) {
    %add3A = arith.constant 50 : i32
    %add3A_0 = arith.addi %add3A, %arg0 : i32
    %mul3A = arith.constant 25 : i32
    %mul3A_1 = arith.muli %arg1, %mul3A : i32
    %add3A_2 = arith.addi %add3A_0, %mul3A_1 : i32
    %c0_i32 = arith.constant 0 : i32
    %c0_i32_3 = arith.constant 0 : i32
    return %c0_i32, %add3A_2 : i32, i32
  }
  func.func @transform_2(%arg0: i32, %arg1: i32) -> (i32, i32) {
    %add3A = arith.constant 50 : i32
    %add3A_0 = arith.addi %add3A, %arg0 : i32
    %mul3A = arith.constant 25 : i32
    %mul3A_1 = arith.muli %arg1, %mul3A : i32
    %add3A_2 = arith.addi %add3A_0, %mul3A_1 : i32
    %c0_i32 = arith.constant 0 : i32
    %c0_i32_3 = arith.constant 0 : i32
    return %c0_i32, %add3A_2 : i32, i32
  }
  func.func @transform_3(%arg0: i32, %arg1: i32) -> (i32, i32, i32) {
    %c0_i32 = arith.constant 0 : i32
    %c0_i32_0 = arith.constant 0 : i32
    %c0_i32_1 = arith.constant 0 : i32
    return %arg1, %c0_i32, %c0_i32_0 : i32, i32, i32
  }
  func.func @transform_4(%arg0: i32, %arg1: i32) -> (i32, i32) {
    %c0_i32 = arith.constant 0 : i32
    %c0_i32_0 = arith.constant 0 : i32
    %c0_i32_1 = arith.constant 0 : i32
    return %c0_i32, %c0_i32_0 : i32, i32
  }
  func.func @transform_5(%arg0: i32, %arg1: i32) -> (i32, i32) {
    %c0_i32 = arith.constant 0 : i32
    %c0_i32_0 = arith.constant 0 : i32
    %c0_i32_1 = arith.constant 0 : i32
    return %c0_i32, %c0_i32_0 : i32, i32
  }
  func.func @transform_6(%arg0: i32, %arg1: i32) -> (i32, i32) {
    %c0_i32 = arith.constant 0 : i32
    %c0_i32_0 = arith.constant 0 : i32
    %c0_i32_1 = arith.constant 0 : i32
    return %c0_i32, %c0_i32_0 : i32, i32
  }
  func.func @transform_7(%arg0: i32, %arg1: i32) -> (i32, i32) {
    %c0_i32 = arith.constant 0 : i32
    %c0_i32_0 = arith.constant 0 : i32
    %c0_i32_1 = arith.constant 0 : i32
    return %c0_i32, %c0_i32_0 : i32, i32
  }
  func.func @transform_8(%arg0: i32, %arg1: i32) -> (i32, i32) {
    %c0_i32 = arith.constant 0 : i32
    %c0_i32_0 = arith.constant 0 : i32
    %c0_i32_1 = arith.constant 0 : i32
    return %c0_i32, %c0_i32_0 : i32, i32
  }
  func.func @transform_9(%arg0: i32, %arg1: i32) -> (i32, i32) {
    %c0_i32 = arith.constant 0 : i32
    %c0_i32_0 = arith.constant 0 : i32
    %c0_i32_1 = arith.constant 0 : i32
    return %c0_i32, %c0_i32_0 : i32, i32
  }
  func.func @transform_10(%arg0: i32, %arg1: i32) -> (i32, i32) {
    %c0_i32 = arith.constant 0 : i32
    %c0_i32_0 = arith.constant 0 : i32
    %c0_i32_1 = arith.constant 0 : i32
    return %c0_i32, %c0_i32_0 : i32, i32
  }
  func.func @transform_12(%arg0: i32, %arg1: i32) -> (i32, i32) {
    %add3A = arith.constant 50 : i32
    %add3A_0 = arith.addi %add3A, %arg0 : i32
    %mul3A = arith.constant 25 : i32
    %mul3A_1 = arith.muli %arg1, %mul3A : i32
    %add3A_2 = arith.addi %add3A_0, %mul3A_1 : i32
    %c0_i32 = arith.constant 0 : i32
    %c0_i32_3 = arith.constant 0 : i32
    return %c0_i32, %add3A_2 : i32, i32
  }
}

module attributes {stable_mosaic.version = 14 : i64} {
  func.func @_edge_body(%arg0: i32, %arg1: i32, %arg2: memref<3200x128xf32, #tpu.memory_space<vmem>>, %arg3: memref<64x3200xf32, #tpu.memory_space<vmem>>, %arg4: memref<16x3200xf32, #tpu.memory_space<vmem>>, %arg5: memref<1x64x128xf32, #tpu.memory_space<vmem>>, %arg6: memref<64x64xf32, #tpu.memory_space<vmem>>, %arg7: memref<16x64xf32, #tpu.memory_space<vmem>>, %arg8: memref<64x1xf32, #tpu.memory_space<vmem>>, %arg9: memref<64x64xf32, #tpu.memory_space<vmem>>, %arg10: memref<64x1xf32, #tpu.memory_space<vmem>>, %arg11: memref<64x1xf32, #tpu.memory_space<vmem>>, %arg12: memref<64x1xf32, #tpu.memory_space<vmem>>, %arg13: memref<64x800000xf32, #tpu.memory_space<any>>, %arg14: memref<64x3200xf32, #tpu.memory_space<vmem>>) attributes {dimension_semantics = [#tpu.dimension_semantics<arbitrary>, #tpu.dimension_semantics<arbitrary>], iteration_bounds = array<i64: 25, 2>, scalar_prefetch = 0 : i64, scratch_operands = 0 : i64, tpu.core_type = #tpu.core_type<tc>, window_params = [{transform_indices = @transform_0, window_bounds = array<i64: 3200, 128>}, {transform_indices = @transform_1, window_bounds = array<i64: 64, 3200>}, {transform_indices = @transform_2, window_bounds = array<i64: 16, 3200>}, {transform_indices = @transform_3, window_bounds = array<i64: 1, 64, 128>}, {pipeline_mode = #tpu.pipeline_mode<synchronous>, transform_indices = @transform_4, window_bounds = array<i64: 64, 64>}, {pipeline_mode = #tpu.pipeline_mode<synchronous>, transform_indices = @transform_5, window_bounds = array<i64: 16, 64>}, {pipeline_mode = #tpu.pipeline_mode<synchronous>, transform_indices = @transform_6, window_bounds = array<i64: 64, 1>}, {pipeline_mode = #tpu.pipeline_mode<synchronous>, transform_indices = @transform_7, window_bounds = array<i64: 64, 64>}, {pipeline_mode = #tpu.pipeline_mode<synchronous>, transform_indices = @transform_8, window_bounds = array<i64: 64, 1>}, {pipeline_mode = #tpu.pipeline_mode<synchronous>, transform_indices = @transform_9, window_bounds = array<i64: 64, 1>}, {pipeline_mode = #tpu.pipeline_mode<synchronous>, transform_indices = @transform_10, window_bounds = array<i64: 64, 1>}, {}, {transform_indices = @transform_12, window_bounds = array<i64: 64, 3200>}]} {
    %get3A = arith.constant 0 : index
    %get3A_0 = arith.constant 0 : index
    %get3A_1 = vector.load %arg3[%get3A, %get3A_0] : memref<64x3200xf32, #tpu.memory_space<vmem>>, vector<64x3200xf32>
    %get3A_2 = arith.constant 0 : index
    %get3A_3 = arith.constant 0 : index
    %get3A_4 = arith.constant 0 : index
    %get3A_5 = vector.load %arg5[%get3A_2, %get3A_3, %get3A_4] : memref<1x64x128xf32, #tpu.memory_space<vmem>>, vector<1x64x128xf32>
    %get3A_6 = vector.shape_cast %get3A_5 : vector<1x64x128xf32> to vector<64x128xf32>
    %get3A_7 = arith.constant 0 : index
    %get3A_8 = arith.constant 0 : index
    %get3A_9 = vector.load %arg2[%get3A_7, %get3A_8] : memref<3200x128xf32, #tpu.memory_space<vmem>>, vector<3200x128xf32>
    %dot_general3A = arith.constant dense<0.000000e+00> : vector<64x3200xf32>
    %dot_general3A_10 = tpu.matmul %get3A_6, %get3A_9, %dot_general3A {dimension_numbers = #tpu.dot_dimension_numbers<[1], [1], [0], [0], [0, 0, 1, 0], [], []>, transpose_lhs_hint = false} : vector<64x128xf32>, vector<3200x128xf32>, vector<64x3200xf32> -> vector<64x3200xf32>
    %get3A_11 = arith.constant 0 : index
    %get3A_12 = arith.constant 0 : index
    %get3A_13 = vector.load %arg6[%get3A_11, %get3A_12] : memref<64x64xf32, #tpu.memory_space<vmem>>, vector<64x64xf32>
    %dot_general3A_14 = arith.constant dense<0.000000e+00> : vector<64x3200xf32>
    %dot_general3A_15 = tpu.matmul %get3A_13, %get3A_1, %dot_general3A_14 {dimension_numbers = #tpu.dot_dimension_numbers<[0], [0], [1], [1], [0, 1, 1, 1], [], []>, transpose_lhs_hint = false} : vector<64x64xf32>, vector<64x3200xf32>, vector<64x3200xf32> -> vector<64x3200xf32>
    %add3A = arith.addf %dot_general3A_10, %dot_general3A_15 : vector<64x3200xf32>
    %get3A_16 = arith.constant 0 : index
    %get3A_17 = arith.constant 0 : index
    %get3A_18 = vector.load %arg7[%get3A_16, %get3A_17] : memref<16x64xf32, #tpu.memory_space<vmem>>, vector<16x64xf32>
    %get3A_19 = arith.constant 0 : index
    %get3A_20 = arith.constant 0 : index
    %get3A_21 = vector.load %arg4[%get3A_19, %get3A_20] : memref<16x3200xf32, #tpu.memory_space<vmem>>, vector<16x3200xf32>
    %dot_general3A_22 = arith.constant dense<0.000000e+00> : vector<64x3200xf32>
    %dot_general3A_23 = tpu.matmul %get3A_18, %get3A_21, %dot_general3A_22 {dimension_numbers = #tpu.dot_dimension_numbers<[0], [0], [1], [1], [0, 1, 1, 1], [], []>, transpose_lhs_hint = false} : vector<16x64xf32>, vector<16x3200xf32>, vector<64x3200xf32> -> vector<64x3200xf32>
    %add3A_24 = arith.addf %add3A, %dot_general3A_23 : vector<64x3200xf32>
    %get3A_25 = arith.constant 0 : index
    %get3A_26 = arith.constant 0 : index
    %get3A_27 = vector.load %arg8[%get3A_25, %get3A_26] : memref<64x1xf32, #tpu.memory_space<vmem>>, vector<64x1xf32>
    %add3A_28 = vector.broadcast %get3A_27 : vector<64x1xf32> to vector<64x3200xf32>
    %add3A_29 = arith.addf %add3A_24, %add3A_28 : vector<64x3200xf32>
    %logistic3A = arith.negf %add3A_29 : vector<64x3200xf32>
    %logistic3A_30 = math.exp %logistic3A : vector<64x3200xf32>
    %logistic3A_31 = arith.constant 1.000000e+00 : f32
    %logistic3A_32 = vector.broadcast %logistic3A_31 : f32 to vector<64x3200xf32>
    %logistic3A_33 = arith.addf %logistic3A_32, %logistic3A_30 : vector<64x3200xf32>
    %logistic3A_34 = arith.divf %logistic3A_32, %logistic3A_33 : vector<64x3200xf32>
    %mul3A = arith.mulf %add3A_29, %logistic3A_34 : vector<64x3200xf32>
    %get3A_35 = arith.constant 0 : index
    %get3A_36 = arith.constant 0 : index
    %get3A_37 = vector.load %arg9[%get3A_35, %get3A_36] : memref<64x64xf32, #tpu.memory_space<vmem>>, vector<64x64xf32>
    %dot_general3A_38 = arith.constant dense<0.000000e+00> : vector<64x3200xf32>
    %dot_general3A_39 = tpu.matmul %get3A_37, %mul3A, %dot_general3A_38 {dimension_numbers = #tpu.dot_dimension_numbers<[0], [0], [1], [1], [0, 1, 1, 1], [], []>, transpose_lhs_hint = false} : vector<64x64xf32>, vector<64x3200xf32>, vector<64x3200xf32> -> vector<64x3200xf32>
    %get3A_40 = arith.constant 0 : index
    %get3A_41 = arith.constant 0 : index
    %get3A_42 = vector.load %arg10[%get3A_40, %get3A_41] : memref<64x1xf32, #tpu.memory_space<vmem>>, vector<64x1xf32>
    %add3A_43 = vector.broadcast %get3A_42 : vector<64x1xf32> to vector<64x3200xf32>
    %add3A_44 = arith.addf %dot_general3A_39, %add3A_43 : vector<64x3200xf32>
    %logistic3A_45 = arith.negf %add3A_44 : vector<64x3200xf32>
    %logistic3A_46 = math.exp %logistic3A_45 : vector<64x3200xf32>
    %logistic3A_47 = arith.constant 1.000000e+00 : f32
    %logistic3A_48 = vector.broadcast %logistic3A_47 : f32 to vector<64x3200xf32>
    %logistic3A_49 = arith.addf %logistic3A_48, %logistic3A_46 : vector<64x3200xf32>
    %logistic3A_50 = arith.divf %logistic3A_48, %logistic3A_49 : vector<64x3200xf32>
    %mul3A_51 = arith.mulf %add3A_44, %logistic3A_50 : vector<64x3200xf32>
    %add3A_52 = arith.addf %get3A_1, %mul3A_51 : vector<64x3200xf32>
    %reduce_sum3A = arith.constant dense<0.000000e+00> : vector<3200xf32>
    %reduce_sum3A_53 = vector.multi_reduction <add>, %add3A_52, %reduce_sum3A [0] : vector<64x3200xf32> to vector<3200xf32>
    %broadcast_in_dim3A = vector.shape_cast %reduce_sum3A_53 : vector<3200xf32> to vector<1x3200xf32>
    %div3A = arith.constant 6.400000e+01 : f32
    %div3A_54 = vector.broadcast %div3A : f32 to vector<1x3200xf32>
    %div3A_55 = arith.divf %broadcast_in_dim3A, %div3A_54 : vector<1x3200xf32>
    %sub3A = vector.broadcast %div3A_55 : vector<1x3200xf32> to vector<64x3200xf32>
    %sub3A_56 = arith.subf %add3A_52, %sub3A : vector<64x3200xf32>
    %sub3A_57 = vector.broadcast %div3A_55 : vector<1x3200xf32> to vector<64x3200xf32>
    %sub3A_58 = arith.subf %add3A_52, %sub3A_57 : vector<64x3200xf32>
    %mul3A_59 = arith.mulf %sub3A_56, %sub3A_58 : vector<64x3200xf32>
    %reduce_sum3A_60 = arith.constant dense<0.000000e+00> : vector<3200xf32>
    %reduce_sum3A_61 = vector.multi_reduction <add>, %mul3A_59, %reduce_sum3A_60 [0] : vector<64x3200xf32> to vector<3200xf32>
    %broadcast_in_dim3A_62 = vector.shape_cast %reduce_sum3A_61 : vector<3200xf32> to vector<1x3200xf32>
    %div3A_63 = arith.constant 6.400000e+01 : f32
    %div3A_64 = vector.broadcast %div3A_63 : f32 to vector<1x3200xf32>
    %div3A_65 = arith.divf %broadcast_in_dim3A_62, %div3A_64 : vector<1x3200xf32>
    %sub3A_66 = vector.broadcast %div3A_55 : vector<1x3200xf32> to vector<64x3200xf32>
    %sub3A_67 = arith.subf %add3A_52, %sub3A_66 : vector<64x3200xf32>
    %add3A_68 = arith.constant 9.99999974E-6 : f32
    %add3A_69 = vector.broadcast %add3A_68 : f32 to vector<1x3200xf32>
    %add3A_70 = arith.addf %div3A_65, %add3A_69 : vector<1x3200xf32>
    %rsqrt3A = math.rsqrt %add3A_70 : vector<1x3200xf32>
    %mul3A_71 = vector.broadcast %rsqrt3A : vector<1x3200xf32> to vector<64x3200xf32>
    %mul3A_72 = arith.mulf %sub3A_67, %mul3A_71 : vector<64x3200xf32>
    %get3A_73 = arith.constant 0 : index
    %get3A_74 = arith.constant 0 : index
    %get3A_75 = vector.load %arg11[%get3A_73, %get3A_74] : memref<64x1xf32, #tpu.memory_space<vmem>>, vector<64x1xf32>
    %mul3A_76 = vector.broadcast %get3A_75 : vector<64x1xf32> to vector<64x3200xf32>
    %mul3A_77 = arith.mulf %mul3A_72, %mul3A_76 : vector<64x3200xf32>
    %get3A_78 = arith.constant 0 : index
    %get3A_79 = arith.constant 0 : index
    %get3A_80 = vector.load %arg12[%get3A_78, %get3A_79] : memref<64x1xf32, #tpu.memory_space<vmem>>, vector<64x1xf32>
    %add3A_81 = vector.broadcast %get3A_80 : vector<64x1xf32> to vector<64x3200xf32>
    %add3A_82 = arith.addf %mul3A_77, %add3A_81 : vector<64x3200xf32>
    %swap3A = arith.constant 0 : index
    %swap3A_83 = arith.constant 0 : index
    %swap3A_84 = vector.load %arg14[%swap3A, %swap3A_83] : memref<64x3200xf32, #tpu.memory_space<vmem>>, vector<64x3200xf32>
    tpu.vector_store %arg14[%swap3A, %swap3A_83], %add3A_82 {strides = array<i32>} : memref<64x3200xf32, #tpu.memory_space<vmem>>, vector<64x3200xf32>,
    return
  }
  func.func @transform_0(%arg0: i32, %arg1: i32) -> (i32, i32) {
    %c0_i32 = arith.constant 0 : i32
    %c0_i32_0 = arith.constant 0 : i32
    return %arg0, %c0_i32 : i32, i32
  }
  func.func @transform_1(%arg0: i32, %arg1: i32) -> (i32, i32) {
    %add3A = arith.constant 100 : i32
    %add3A_0 = arith.addi %add3A, %arg0 : i32
    %mul3A = arith.constant 25 : i32
    %mul3A_1 = arith.muli %arg1, %mul3A : i32
    %add3A_2 = arith.addi %add3A_0, %mul3A_1 : i32
    %c0_i32 = arith.constant 0 : i32
    %c0_i32_3 = arith.constant 0 : i32
    return %c0_i32, %add3A_2 : i32, i32
  }
  func.func @transform_2(%arg0: i32, %arg1: i32) -> (i32, i32) {
    %add3A = arith.constant 100 : i32
    %add3A_0 = arith.addi %add3A, %arg0 : i32
    %mul3A = arith.constant 25 : i32
    %mul3A_1 = arith.muli %arg1, %mul3A : i32
    %add3A_2 = arith.addi %add3A_0, %mul3A_1 : i32
    %c0_i32 = arith.constant 0 : i32
    %c0_i32_3 = arith.constant 0 : i32
    return %c0_i32, %add3A_2 : i32, i32
  }
  func.func @transform_3(%arg0: i32, %arg1: i32) -> (i32, i32, i32) {
    %c0_i32 = arith.constant 0 : i32
    %c0_i32_0 = arith.constant 0 : i32
    %c0_i32_1 = arith.constant 0 : i32
    return %arg1, %c0_i32, %c0_i32_0 : i32, i32, i32
  }
  func.func @transform_4(%arg0: i32, %arg1: i32) -> (i32, i32) {
    %c0_i32 = arith.constant 0 : i32
    %c0_i32_0 = arith.constant 0 : i32
    %c0_i32_1 = arith.constant 0 : i32
    return %c0_i32, %c0_i32_0 : i32, i32
  }
  func.func @transform_5(%arg0: i32, %arg1: i32) -> (i32, i32) {
    %c0_i32 = arith.constant 0 : i32
    %c0_i32_0 = arith.constant 0 : i32
    %c0_i32_1 = arith.constant 0 : i32
    return %c0_i32, %c0_i32_0 : i32, i32
  }
  func.func @transform_6(%arg0: i32, %arg1: i32) -> (i32, i32) {
    %c0_i32 = arith.constant 0 : i32
    %c0_i32_0 = arith.constant 0 : i32
    %c0_i32_1 = arith.constant 0 : i32
    return %c0_i32, %c0_i32_0 : i32, i32
  }
  func.func @transform_7(%arg0: i32, %arg1: i32) -> (i32, i32) {
    %c0_i32 = arith.constant 0 : i32
    %c0_i32_0 = arith.constant 0 : i32
    %c0_i32_1 = arith.constant 0 : i32
    return %c0_i32, %c0_i32_0 : i32, i32
  }
  func.func @transform_8(%arg0: i32, %arg1: i32) -> (i32, i32) {
    %c0_i32 = arith.constant 0 : i32
    %c0_i32_0 = arith.constant 0 : i32
    %c0_i32_1 = arith.constant 0 : i32
    return %c0_i32, %c0_i32_0 : i32, i32
  }
  func.func @transform_9(%arg0: i32, %arg1: i32) -> (i32, i32) {
    %c0_i32 = arith.constant 0 : i32
    %c0_i32_0 = arith.constant 0 : i32
    %c0_i32_1 = arith.constant 0 : i32
    return %c0_i32, %c0_i32_0 : i32, i32
  }
  func.func @transform_10(%arg0: i32, %arg1: i32) -> (i32, i32) {
    %c0_i32 = arith.constant 0 : i32
    %c0_i32_0 = arith.constant 0 : i32
    %c0_i32_1 = arith.constant 0 : i32
    return %c0_i32, %c0_i32_0 : i32, i32
  }
  func.func @transform_12(%arg0: i32, %arg1: i32) -> (i32, i32) {
    %add3A = arith.constant 100 : i32
    %add3A_0 = arith.addi %add3A, %arg0 : i32
    %mul3A = arith.constant 25 : i32
    %mul3A_1 = arith.muli %arg1, %mul3A : i32
    %add3A_2 = arith.addi %add3A_0, %mul3A_1 : i32
    %c0_i32 = arith.constant 0 : i32
    %c0_i32_3 = arith.constant 0 : i32
    return %c0_i32, %add3A_2 : i32, i32
  }
}

module attributes {stable_mosaic.version = 14 : i64} {
  func.func @_edge_body(%arg0: i32, %arg1: i32, %arg2: memref<3200x128xf32, #tpu.memory_space<vmem>>, %arg3: memref<64x3200xf32, #tpu.memory_space<vmem>>, %arg4: memref<16x3200xf32, #tpu.memory_space<vmem>>, %arg5: memref<1x64x128xf32, #tpu.memory_space<vmem>>, %arg6: memref<64x64xf32, #tpu.memory_space<vmem>>, %arg7: memref<16x64xf32, #tpu.memory_space<vmem>>, %arg8: memref<64x1xf32, #tpu.memory_space<vmem>>, %arg9: memref<64x64xf32, #tpu.memory_space<vmem>>, %arg10: memref<64x1xf32, #tpu.memory_space<vmem>>, %arg11: memref<64x1xf32, #tpu.memory_space<vmem>>, %arg12: memref<64x1xf32, #tpu.memory_space<vmem>>, %arg13: memref<64x800000xf32, #tpu.memory_space<any>>, %arg14: memref<64x3200xf32, #tpu.memory_space<vmem>>) attributes {dimension_semantics = [#tpu.dimension_semantics<arbitrary>, #tpu.dimension_semantics<arbitrary>], iteration_bounds = array<i64: 25, 2>, scalar_prefetch = 0 : i64, scratch_operands = 0 : i64, tpu.core_type = #tpu.core_type<tc>, window_params = [{transform_indices = @transform_0, window_bounds = array<i64: 3200, 128>}, {transform_indices = @transform_1, window_bounds = array<i64: 64, 3200>}, {transform_indices = @transform_2, window_bounds = array<i64: 16, 3200>}, {transform_indices = @transform_3, window_bounds = array<i64: 1, 64, 128>}, {pipeline_mode = #tpu.pipeline_mode<synchronous>, transform_indices = @transform_4, window_bounds = array<i64: 64, 64>}, {pipeline_mode = #tpu.pipeline_mode<synchronous>, transform_indices = @transform_5, window_bounds = array<i64: 16, 64>}, {pipeline_mode = #tpu.pipeline_mode<synchronous>, transform_indices = @transform_6, window_bounds = array<i64: 64, 1>}, {pipeline_mode = #tpu.pipeline_mode<synchronous>, transform_indices = @transform_7, window_bounds = array<i64: 64, 64>}, {pipeline_mode = #tpu.pipeline_mode<synchronous>, transform_indices = @transform_8, window_bounds = array<i64: 64, 1>}, {pipeline_mode = #tpu.pipeline_mode<synchronous>, transform_indices = @transform_9, window_bounds = array<i64: 64, 1>}, {pipeline_mode = #tpu.pipeline_mode<synchronous>, transform_indices = @transform_10, window_bounds = array<i64: 64, 1>}, {}, {transform_indices = @transform_12, window_bounds = array<i64: 64, 3200>}]} {
    %get3A = arith.constant 0 : index
    %get3A_0 = arith.constant 0 : index
    %get3A_1 = vector.load %arg3[%get3A, %get3A_0] : memref<64x3200xf32, #tpu.memory_space<vmem>>, vector<64x3200xf32>
    %get3A_2 = arith.constant 0 : index
    %get3A_3 = arith.constant 0 : index
    %get3A_4 = arith.constant 0 : index
    %get3A_5 = vector.load %arg5[%get3A_2, %get3A_3, %get3A_4] : memref<1x64x128xf32, #tpu.memory_space<vmem>>, vector<1x64x128xf32>
    %get3A_6 = vector.shape_cast %get3A_5 : vector<1x64x128xf32> to vector<64x128xf32>
    %get3A_7 = arith.constant 0 : index
    %get3A_8 = arith.constant 0 : index
    %get3A_9 = vector.load %arg2[%get3A_7, %get3A_8] : memref<3200x128xf32, #tpu.memory_space<vmem>>, vector<3200x128xf32>
    %dot_general3A = arith.constant dense<0.000000e+00> : vector<64x3200xf32>
    %dot_general3A_10 = tpu.matmul %get3A_6, %get3A_9, %dot_general3A {dimension_numbers = #tpu.dot_dimension_numbers<[1], [1], [0], [0], [0, 0, 1, 0], [], []>, transpose_lhs_hint = false} : vector<64x128xf32>, vector<3200x128xf32>, vector<64x3200xf32> -> vector<64x3200xf32>
    %get3A_11 = arith.constant 0 : index
    %get3A_12 = arith.constant 0 : index
    %get3A_13 = vector.load %arg6[%get3A_11, %get3A_12] : memref<64x64xf32, #tpu.memory_space<vmem>>, vector<64x64xf32>
    %dot_general3A_14 = arith.constant dense<0.000000e+00> : vector<64x3200xf32>
    %dot_general3A_15 = tpu.matmul %get3A_13, %get3A_1, %dot_general3A_14 {dimension_numbers = #tpu.dot_dimension_numbers<[0], [0], [1], [1], [0, 1, 1, 1], [], []>, transpose_lhs_hint = false} : vector<64x64xf32>, vector<64x3200xf32>, vector<64x3200xf32> -> vector<64x3200xf32>
    %add3A = arith.addf %dot_general3A_10, %dot_general3A_15 : vector<64x3200xf32>
    %get3A_16 = arith.constant 0 : index
    %get3A_17 = arith.constant 0 : index
    %get3A_18 = vector.load %arg7[%get3A_16, %get3A_17] : memref<16x64xf32, #tpu.memory_space<vmem>>, vector<16x64xf32>
    %get3A_19 = arith.constant 0 : index
    %get3A_20 = arith.constant 0 : index
    %get3A_21 = vector.load %arg4[%get3A_19, %get3A_20] : memref<16x3200xf32, #tpu.memory_space<vmem>>, vector<16x3200xf32>
    %dot_general3A_22 = arith.constant dense<0.000000e+00> : vector<64x3200xf32>
    %dot_general3A_23 = tpu.matmul %get3A_18, %get3A_21, %dot_general3A_22 {dimension_numbers = #tpu.dot_dimension_numbers<[0], [0], [1], [1], [0, 1, 1, 1], [], []>, transpose_lhs_hint = false} : vector<16x64xf32>, vector<16x3200xf32>, vector<64x3200xf32> -> vector<64x3200xf32>
    %add3A_24 = arith.addf %add3A, %dot_general3A_23 : vector<64x3200xf32>
    %get3A_25 = arith.constant 0 : index
    %get3A_26 = arith.constant 0 : index
    %get3A_27 = vector.load %arg8[%get3A_25, %get3A_26] : memref<64x1xf32, #tpu.memory_space<vmem>>, vector<64x1xf32>
    %add3A_28 = vector.broadcast %get3A_27 : vector<64x1xf32> to vector<64x3200xf32>
    %add3A_29 = arith.addf %add3A_24, %add3A_28 : vector<64x3200xf32>
    %logistic3A = arith.negf %add3A_29 : vector<64x3200xf32>
    %logistic3A_30 = math.exp %logistic3A : vector<64x3200xf32>
    %logistic3A_31 = arith.constant 1.000000e+00 : f32
    %logistic3A_32 = vector.broadcast %logistic3A_31 : f32 to vector<64x3200xf32>
    %logistic3A_33 = arith.addf %logistic3A_32, %logistic3A_30 : vector<64x3200xf32>
    %logistic3A_34 = arith.divf %logistic3A_32, %logistic3A_33 : vector<64x3200xf32>
    %mul3A = arith.mulf %add3A_29, %logistic3A_34 : vector<64x3200xf32>
    %get3A_35 = arith.constant 0 : index
    %get3A_36 = arith.constant 0 : index
    %get3A_37 = vector.load %arg9[%get3A_35, %get3A_36] : memref<64x64xf32, #tpu.memory_space<vmem>>, vector<64x64xf32>
    %dot_general3A_38 = arith.constant dense<0.000000e+00> : vector<64x3200xf32>
    %dot_general3A_39 = tpu.matmul %get3A_37, %mul3A, %dot_general3A_38 {dimension_numbers = #tpu.dot_dimension_numbers<[0], [0], [1], [1], [0, 1, 1, 1], [], []>, transpose_lhs_hint = false} : vector<64x64xf32>, vector<64x3200xf32>, vector<64x3200xf32> -> vector<64x3200xf32>
    %get3A_40 = arith.constant 0 : index
    %get3A_41 = arith.constant 0 : index
    %get3A_42 = vector.load %arg10[%get3A_40, %get3A_41] : memref<64x1xf32, #tpu.memory_space<vmem>>, vector<64x1xf32>
    %add3A_43 = vector.broadcast %get3A_42 : vector<64x1xf32> to vector<64x3200xf32>
    %add3A_44 = arith.addf %dot_general3A_39, %add3A_43 : vector<64x3200xf32>
    %logistic3A_45 = arith.negf %add3A_44 : vector<64x3200xf32>
    %logistic3A_46 = math.exp %logistic3A_45 : vector<64x3200xf32>
    %logistic3A_47 = arith.constant 1.000000e+00 : f32
    %logistic3A_48 = vector.broadcast %logistic3A_47 : f32 to vector<64x3200xf32>
    %logistic3A_49 = arith.addf %logistic3A_48, %logistic3A_46 : vector<64x3200xf32>
    %logistic3A_50 = arith.divf %logistic3A_48, %logistic3A_49 : vector<64x3200xf32>
    %mul3A_51 = arith.mulf %add3A_44, %logistic3A_50 : vector<64x3200xf32>
    %add3A_52 = arith.addf %get3A_1, %mul3A_51 : vector<64x3200xf32>
    %reduce_sum3A = arith.constant dense<0.000000e+00> : vector<3200xf32>
    %reduce_sum3A_53 = vector.multi_reduction <add>, %add3A_52, %reduce_sum3A [0] : vector<64x3200xf32> to vector<3200xf32>
    %broadcast_in_dim3A = vector.shape_cast %reduce_sum3A_53 : vector<3200xf32> to vector<1x3200xf32>
    %div3A = arith.constant 6.400000e+01 : f32
    %div3A_54 = vector.broadcast %div3A : f32 to vector<1x3200xf32>
    %div3A_55 = arith.divf %broadcast_in_dim3A, %div3A_54 : vector<1x3200xf32>
    %sub3A = vector.broadcast %div3A_55 : vector<1x3200xf32> to vector<64x3200xf32>
    %sub3A_56 = arith.subf %add3A_52, %sub3A : vector<64x3200xf32>
    %sub3A_57 = vector.broadcast %div3A_55 : vector<1x3200xf32> to vector<64x3200xf32>
    %sub3A_58 = arith.subf %add3A_52, %sub3A_57 : vector<64x3200xf32>
    %mul3A_59 = arith.mulf %sub3A_56, %sub3A_58 : vector<64x3200xf32>
    %reduce_sum3A_60 = arith.constant dense<0.000000e+00> : vector<3200xf32>
    %reduce_sum3A_61 = vector.multi_reduction <add>, %mul3A_59, %reduce_sum3A_60 [0] : vector<64x3200xf32> to vector<3200xf32>
    %broadcast_in_dim3A_62 = vector.shape_cast %reduce_sum3A_61 : vector<3200xf32> to vector<1x3200xf32>
    %div3A_63 = arith.constant 6.400000e+01 : f32
    %div3A_64 = vector.broadcast %div3A_63 : f32 to vector<1x3200xf32>
    %div3A_65 = arith.divf %broadcast_in_dim3A_62, %div3A_64 : vector<1x3200xf32>
    %sub3A_66 = vector.broadcast %div3A_55 : vector<1x3200xf32> to vector<64x3200xf32>
    %sub3A_67 = arith.subf %add3A_52, %sub3A_66 : vector<64x3200xf32>
    %add3A_68 = arith.constant 9.99999974E-6 : f32
    %add3A_69 = vector.broadcast %add3A_68 : f32 to vector<1x3200xf32>
    %add3A_70 = arith.addf %div3A_65, %add3A_69 : vector<1x3200xf32>
    %rsqrt3A = math.rsqrt %add3A_70 : vector<1x3200xf32>
    %mul3A_71 = vector.broadcast %rsqrt3A : vector<1x3200xf32> to vector<64x3200xf32>
    %mul3A_72 = arith.mulf %sub3A_67, %mul3A_71 : vector<64x3200xf32>
    %get3A_73 = arith.constant 0 : index
    %get3A_74 = arith.constant 0 : index
    %get3A_75 = vector.load %arg11[%get3A_73, %get3A_74] : memref<64x1xf32, #tpu.memory_space<vmem>>, vector<64x1xf32>
    %mul3A_76 = vector.broadcast %get3A_75 : vector<64x1xf32> to vector<64x3200xf32>
    %mul3A_77 = arith.mulf %mul3A_72, %mul3A_76 : vector<64x3200xf32>
    %get3A_78 = arith.constant 0 : index
    %get3A_79 = arith.constant 0 : index
    %get3A_80 = vector.load %arg12[%get3A_78, %get3A_79] : memref<64x1xf32, #tpu.memory_space<vmem>>, vector<64x1xf32>
    %add3A_81 = vector.broadcast %get3A_80 : vector<64x1xf32> to vector<64x3200xf32>
    %add3A_82 = arith.addf %mul3A_77, %add3A_81 : vector<64x3200xf32>
    %swap3A = arith.constant 0 : index
    %swap3A_83 = arith.constant 0 : index
    %swap3A_84 = vector.load %arg14[%swap3A, %swap3A_83] : memref<64x3200xf32, #tpu.memory_space<vmem>>, vector<64x3200xf32>
    tpu.vector_store %arg14[%swap3A, %swap3A_83], %add3A_82 {strides = array<i32>} : memref<64x3200xf32, #tpu.memory_space<vmem>>, vector<64x3200xf32>,
    return
  }
  func.func @transform_0(%arg0: i32, %arg1: i32) -> (i32, i32) {
    %c0_i32 = arith.constant 0 : i32
    %c0_i32_0 = arith.constant 0 : i32
    return %arg0, %c0_i32 : i32, i32
  }
  func.func @transform_1(%arg0: i32, %arg1: i32) -> (i32, i32) {
    %add3A = arith.constant 150 : i32
    %add3A_0 = arith.addi %add3A, %arg0 : i32
    %mul3A = arith.constant 25 : i32
    %mul3A_1 = arith.muli %arg1, %mul3A : i32
    %add3A_2 = arith.addi %add3A_0, %mul3A_1 : i32
    %c0_i32 = arith.constant 0 : i32
    %c0_i32_3 = arith.constant 0 : i32
    return %c0_i32, %add3A_2 : i32, i32
  }
  func.func @transform_2(%arg0: i32, %arg1: i32) -> (i32, i32) {
    %add3A = arith.constant 150 : i32
    %add3A_0 = arith.addi %add3A, %arg0 : i32
    %mul3A = arith.constant 25 : i32
    %mul3A_1 = arith.muli %arg1, %mul3A : i32
    %add3A_2 = arith.addi %add3A_0, %mul3A_1 : i32
    %c0_i32 = arith.constant 0 : i32
    %c0_i32_3 = arith.constant 0 : i32
    return %c0_i32, %add3A_2 : i32, i32
  }
  func.func @transform_3(%arg0: i32, %arg1: i32) -> (i32, i32, i32) {
    %c0_i32 = arith.constant 0 : i32
    %c0_i32_0 = arith.constant 0 : i32
    %c0_i32_1 = arith.constant 0 : i32
    return %arg1, %c0_i32, %c0_i32_0 : i32, i32, i32
  }
  func.func @transform_4(%arg0: i32, %arg1: i32) -> (i32, i32) {
    %c0_i32 = arith.constant 0 : i32
    %c0_i32_0 = arith.constant 0 : i32
    %c0_i32_1 = arith.constant 0 : i32
    return %c0_i32, %c0_i32_0 : i32, i32
  }
  func.func @transform_5(%arg0: i32, %arg1: i32) -> (i32, i32) {
    %c0_i32 = arith.constant 0 : i32
    %c0_i32_0 = arith.constant 0 : i32
    %c0_i32_1 = arith.constant 0 : i32
    return %c0_i32, %c0_i32_0 : i32, i32
  }
  func.func @transform_6(%arg0: i32, %arg1: i32) -> (i32, i32) {
    %c0_i32 = arith.constant 0 : i32
    %c0_i32_0 = arith.constant 0 : i32
    %c0_i32_1 = arith.constant 0 : i32
    return %c0_i32, %c0_i32_0 : i32, i32
  }
  func.func @transform_7(%arg0: i32, %arg1: i32) -> (i32, i32) {
    %c0_i32 = arith.constant 0 : i32
    %c0_i32_0 = arith.constant 0 : i32
    %c0_i32_1 = arith.constant 0 : i32
    return %c0_i32, %c0_i32_0 : i32, i32
  }
  func.func @transform_8(%arg0: i32, %arg1: i32) -> (i32, i32) {
    %c0_i32 = arith.constant 0 : i32
    %c0_i32_0 = arith.constant 0 : i32
    %c0_i32_1 = arith.constant 0 : i32
    return %c0_i32, %c0_i32_0 : i32, i32
  }
  func.func @transform_9(%arg0: i32, %arg1: i32) -> (i32, i32) {
    %c0_i32 = arith.constant 0 : i32
    %c0_i32_0 = arith.constant 0 : i32
    %c0_i32_1 = arith.constant 0 : i32
    return %c0_i32, %c0_i32_0 : i32, i32
  }
  func.func @transform_10(%arg0: i32, %arg1: i32) -> (i32, i32) {
    %c0_i32 = arith.constant 0 : i32
    %c0_i32_0 = arith.constant 0 : i32
    %c0_i32_1 = arith.constant 0 : i32
    return %c0_i32, %c0_i32_0 : i32, i32
  }
  func.func @transform_12(%arg0: i32, %arg1: i32) -> (i32, i32) {
    %add3A = arith.constant 150 : i32
    %add3A_0 = arith.addi %add3A, %arg0 : i32
    %mul3A = arith.constant 25 : i32
    %mul3A_1 = arith.muli %arg1, %mul3A : i32
    %add3A_2 = arith.addi %add3A_0, %mul3A_1 : i32
    %c0_i32 = arith.constant 0 : i32
    %c0_i32_3 = arith.constant 0 : i32
    return %c0_i32, %add3A_2 : i32, i32
  }
}

module attributes {stable_mosaic.version = 14 : i64} {
  func.func @_edge_body(%arg0: i32, %arg1: i32, %arg2: memref<3200x128xf32, #tpu.memory_space<vmem>>, %arg3: memref<64x3200xf32, #tpu.memory_space<vmem>>, %arg4: memref<16x3200xf32, #tpu.memory_space<vmem>>, %arg5: memref<1x64x128xf32, #tpu.memory_space<vmem>>, %arg6: memref<64x64xf32, #tpu.memory_space<vmem>>, %arg7: memref<16x64xf32, #tpu.memory_space<vmem>>, %arg8: memref<64x1xf32, #tpu.memory_space<vmem>>, %arg9: memref<64x64xf32, #tpu.memory_space<vmem>>, %arg10: memref<64x1xf32, #tpu.memory_space<vmem>>, %arg11: memref<64x1xf32, #tpu.memory_space<vmem>>, %arg12: memref<64x1xf32, #tpu.memory_space<vmem>>, %arg13: memref<64x800000xf32, #tpu.memory_space<any>>, %arg14: memref<64x3200xf32, #tpu.memory_space<vmem>>) attributes {dimension_semantics = [#tpu.dimension_semantics<arbitrary>, #tpu.dimension_semantics<arbitrary>], iteration_bounds = array<i64: 25, 2>, scalar_prefetch = 0 : i64, scratch_operands = 0 : i64, tpu.core_type = #tpu.core_type<tc>, window_params = [{transform_indices = @transform_0, window_bounds = array<i64: 3200, 128>}, {transform_indices = @transform_1, window_bounds = array<i64: 64, 3200>}, {transform_indices = @transform_2, window_bounds = array<i64: 16, 3200>}, {transform_indices = @transform_3, window_bounds = array<i64: 1, 64, 128>}, {pipeline_mode = #tpu.pipeline_mode<synchronous>, transform_indices = @transform_4, window_bounds = array<i64: 64, 64>}, {pipeline_mode = #tpu.pipeline_mode<synchronous>, transform_indices = @transform_5, window_bounds = array<i64: 16, 64>}, {pipeline_mode = #tpu.pipeline_mode<synchronous>, transform_indices = @transform_6, window_bounds = array<i64: 64, 1>}, {pipeline_mode = #tpu.pipeline_mode<synchronous>, transform_indices = @transform_7, window_bounds = array<i64: 64, 64>}, {pipeline_mode = #tpu.pipeline_mode<synchronous>, transform_indices = @transform_8, window_bounds = array<i64: 64, 1>}, {pipeline_mode = #tpu.pipeline_mode<synchronous>, transform_indices = @transform_9, window_bounds = array<i64: 64, 1>}, {pipeline_mode = #tpu.pipeline_mode<synchronous>, transform_indices = @transform_10, window_bounds = array<i64: 64, 1>}, {}, {transform_indices = @transform_12, window_bounds = array<i64: 64, 3200>}]} {
    %get3A = arith.constant 0 : index
    %get3A_0 = arith.constant 0 : index
    %get3A_1 = vector.load %arg3[%get3A, %get3A_0] : memref<64x3200xf32, #tpu.memory_space<vmem>>, vector<64x3200xf32>
    %get3A_2 = arith.constant 0 : index
    %get3A_3 = arith.constant 0 : index
    %get3A_4 = arith.constant 0 : index
    %get3A_5 = vector.load %arg5[%get3A_2, %get3A_3, %get3A_4] : memref<1x64x128xf32, #tpu.memory_space<vmem>>, vector<1x64x128xf32>
    %get3A_6 = vector.shape_cast %get3A_5 : vector<1x64x128xf32> to vector<64x128xf32>
    %get3A_7 = arith.constant 0 : index
    %get3A_8 = arith.constant 0 : index
    %get3A_9 = vector.load %arg2[%get3A_7, %get3A_8] : memref<3200x128xf32, #tpu.memory_space<vmem>>, vector<3200x128xf32>
    %dot_general3A = arith.constant dense<0.000000e+00> : vector<64x3200xf32>
    %dot_general3A_10 = tpu.matmul %get3A_6, %get3A_9, %dot_general3A {dimension_numbers = #tpu.dot_dimension_numbers<[1], [1], [0], [0], [0, 0, 1, 0], [], []>, transpose_lhs_hint = false} : vector<64x128xf32>, vector<3200x128xf32>, vector<64x3200xf32> -> vector<64x3200xf32>
    %get3A_11 = arith.constant 0 : index
    %get3A_12 = arith.constant 0 : index
    %get3A_13 = vector.load %arg6[%get3A_11, %get3A_12] : memref<64x64xf32, #tpu.memory_space<vmem>>, vector<64x64xf32>
    %dot_general3A_14 = arith.constant dense<0.000000e+00> : vector<64x3200xf32>
    %dot_general3A_15 = tpu.matmul %get3A_13, %get3A_1, %dot_general3A_14 {dimension_numbers = #tpu.dot_dimension_numbers<[0], [0], [1], [1], [0, 1, 1, 1], [], []>, transpose_lhs_hint = false} : vector<64x64xf32>, vector<64x3200xf32>, vector<64x3200xf32> -> vector<64x3200xf32>
    %add3A = arith.addf %dot_general3A_10, %dot_general3A_15 : vector<64x3200xf32>
    %get3A_16 = arith.constant 0 : index
    %get3A_17 = arith.constant 0 : index
    %get3A_18 = vector.load %arg7[%get3A_16, %get3A_17] : memref<16x64xf32, #tpu.memory_space<vmem>>, vector<16x64xf32>
    %get3A_19 = arith.constant 0 : index
    %get3A_20 = arith.constant 0 : index
    %get3A_21 = vector.load %arg4[%get3A_19, %get3A_20] : memref<16x3200xf32, #tpu.memory_space<vmem>>, vector<16x3200xf32>
    %dot_general3A_22 = arith.constant dense<0.000000e+00> : vector<64x3200xf32>
    %dot_general3A_23 = tpu.matmul %get3A_18, %get3A_21, %dot_general3A_22 {dimension_numbers = #tpu.dot_dimension_numbers<[0], [0], [1], [1], [0, 1, 1, 1], [], []>, transpose_lhs_hint = false} : vector<16x64xf32>, vector<16x3200xf32>, vector<64x3200xf32> -> vector<64x3200xf32>
    %add3A_24 = arith.addf %add3A, %dot_general3A_23 : vector<64x3200xf32>
    %get3A_25 = arith.constant 0 : index
    %get3A_26 = arith.constant 0 : index
    %get3A_27 = vector.load %arg8[%get3A_25, %get3A_26] : memref<64x1xf32, #tpu.memory_space<vmem>>, vector<64x1xf32>
    %add3A_28 = vector.broadcast %get3A_27 : vector<64x1xf32> to vector<64x3200xf32>
    %add3A_29 = arith.addf %add3A_24, %add3A_28 : vector<64x3200xf32>
    %logistic3A = arith.negf %add3A_29 : vector<64x3200xf32>
    %logistic3A_30 = math.exp %logistic3A : vector<64x3200xf32>
    %logistic3A_31 = arith.constant 1.000000e+00 : f32
    %logistic3A_32 = vector.broadcast %logistic3A_31 : f32 to vector<64x3200xf32>
    %logistic3A_33 = arith.addf %logistic3A_32, %logistic3A_30 : vector<64x3200xf32>
    %logistic3A_34 = arith.divf %logistic3A_32, %logistic3A_33 : vector<64x3200xf32>
    %mul3A = arith.mulf %add3A_29, %logistic3A_34 : vector<64x3200xf32>
    %get3A_35 = arith.constant 0 : index
    %get3A_36 = arith.constant 0 : index
    %get3A_37 = vector.load %arg9[%get3A_35, %get3A_36] : memref<64x64xf32, #tpu.memory_space<vmem>>, vector<64x64xf32>
    %dot_general3A_38 = arith.constant dense<0.000000e+00> : vector<64x3200xf32>
    %dot_general3A_39 = tpu.matmul %get3A_37, %mul3A, %dot_general3A_38 {dimension_numbers = #tpu.dot_dimension_numbers<[0], [0], [1], [1], [0, 1, 1, 1], [], []>, transpose_lhs_hint = false} : vector<64x64xf32>, vector<64x3200xf32>, vector<64x3200xf32> -> vector<64x3200xf32>
    %get3A_40 = arith.constant 0 : index
    %get3A_41 = arith.constant 0 : index
    %get3A_42 = vector.load %arg10[%get3A_40, %get3A_41] : memref<64x1xf32, #tpu.memory_space<vmem>>, vector<64x1xf32>
    %add3A_43 = vector.broadcast %get3A_42 : vector<64x1xf32> to vector<64x3200xf32>
    %add3A_44 = arith.addf %dot_general3A_39, %add3A_43 : vector<64x3200xf32>
    %logistic3A_45 = arith.negf %add3A_44 : vector<64x3200xf32>
    %logistic3A_46 = math.exp %logistic3A_45 : vector<64x3200xf32>
    %logistic3A_47 = arith.constant 1.000000e+00 : f32
    %logistic3A_48 = vector.broadcast %logistic3A_47 : f32 to vector<64x3200xf32>
    %logistic3A_49 = arith.addf %logistic3A_48, %logistic3A_46 : vector<64x3200xf32>
    %logistic3A_50 = arith.divf %logistic3A_48, %logistic3A_49 : vector<64x3200xf32>
    %mul3A_51 = arith.mulf %add3A_44, %logistic3A_50 : vector<64x3200xf32>
    %add3A_52 = arith.addf %get3A_1, %mul3A_51 : vector<64x3200xf32>
    %reduce_sum3A = arith.constant dense<0.000000e+00> : vector<3200xf32>
    %reduce_sum3A_53 = vector.multi_reduction <add>, %add3A_52, %reduce_sum3A [0] : vector<64x3200xf32> to vector<3200xf32>
    %broadcast_in_dim3A = vector.shape_cast %reduce_sum3A_53 : vector<3200xf32> to vector<1x3200xf32>
    %div3A = arith.constant 6.400000e+01 : f32
    %div3A_54 = vector.broadcast %div3A : f32 to vector<1x3200xf32>
    %div3A_55 = arith.divf %broadcast_in_dim3A, %div3A_54 : vector<1x3200xf32>
    %sub3A = vector.broadcast %div3A_55 : vector<1x3200xf32> to vector<64x3200xf32>
    %sub3A_56 = arith.subf %add3A_52, %sub3A : vector<64x3200xf32>
    %sub3A_57 = vector.broadcast %div3A_55 : vector<1x3200xf32> to vector<64x3200xf32>
    %sub3A_58 = arith.subf %add3A_52, %sub3A_57 : vector<64x3200xf32>
    %mul3A_59 = arith.mulf %sub3A_56, %sub3A_58 : vector<64x3200xf32>
    %reduce_sum3A_60 = arith.constant dense<0.000000e+00> : vector<3200xf32>
    %reduce_sum3A_61 = vector.multi_reduction <add>, %mul3A_59, %reduce_sum3A_60 [0] : vector<64x3200xf32> to vector<3200xf32>
    %broadcast_in_dim3A_62 = vector.shape_cast %reduce_sum3A_61 : vector<3200xf32> to vector<1x3200xf32>
    %div3A_63 = arith.constant 6.400000e+01 : f32
    %div3A_64 = vector.broadcast %div3A_63 : f32 to vector<1x3200xf32>
    %div3A_65 = arith.divf %broadcast_in_dim3A_62, %div3A_64 : vector<1x3200xf32>
    %sub3A_66 = vector.broadcast %div3A_55 : vector<1x3200xf32> to vector<64x3200xf32>
    %sub3A_67 = arith.subf %add3A_52, %sub3A_66 : vector<64x3200xf32>
    %add3A_68 = arith.constant 9.99999974E-6 : f32
    %add3A_69 = vector.broadcast %add3A_68 : f32 to vector<1x3200xf32>
    %add3A_70 = arith.addf %div3A_65, %add3A_69 : vector<1x3200xf32>
    %rsqrt3A = math.rsqrt %add3A_70 : vector<1x3200xf32>
    %mul3A_71 = vector.broadcast %rsqrt3A : vector<1x3200xf32> to vector<64x3200xf32>
    %mul3A_72 = arith.mulf %sub3A_67, %mul3A_71 : vector<64x3200xf32>
    %get3A_73 = arith.constant 0 : index
    %get3A_74 = arith.constant 0 : index
    %get3A_75 = vector.load %arg11[%get3A_73, %get3A_74] : memref<64x1xf32, #tpu.memory_space<vmem>>, vector<64x1xf32>
    %mul3A_76 = vector.broadcast %get3A_75 : vector<64x1xf32> to vector<64x3200xf32>
    %mul3A_77 = arith.mulf %mul3A_72, %mul3A_76 : vector<64x3200xf32>
    %get3A_78 = arith.constant 0 : index
    %get3A_79 = arith.constant 0 : index
    %get3A_80 = vector.load %arg12[%get3A_78, %get3A_79] : memref<64x1xf32, #tpu.memory_space<vmem>>, vector<64x1xf32>
    %add3A_81 = vector.broadcast %get3A_80 : vector<64x1xf32> to vector<64x3200xf32>
    %add3A_82 = arith.addf %mul3A_77, %add3A_81 : vector<64x3200xf32>
    %swap3A = arith.constant 0 : index
    %swap3A_83 = arith.constant 0 : index
    %swap3A_84 = vector.load %arg14[%swap3A, %swap3A_83] : memref<64x3200xf32, #tpu.memory_space<vmem>>, vector<64x3200xf32>
    tpu.vector_store %arg14[%swap3A, %swap3A_83], %add3A_82 {strides = array<i32>} : memref<64x3200xf32, #tpu.memory_space<vmem>>, vector<64x3200xf32>,
    return
  }
  func.func @transform_0(%arg0: i32, %arg1: i32) -> (i32, i32) {
    %c0_i32 = arith.constant 0 : i32
    %c0_i32_0 = arith.constant 0 : i32
    return %arg0, %c0_i32 : i32, i32
  }
  func.func @transform_1(%arg0: i32, %arg1: i32) -> (i32, i32) {
    %add3A = arith.constant 200 : i32
    %add3A_0 = arith.addi %add3A, %arg0 : i32
    %mul3A = arith.constant 25 : i32
    %mul3A_1 = arith.muli %arg1, %mul3A : i32
    %add3A_2 = arith.addi %add3A_0, %mul3A_1 : i32
    %c0_i32 = arith.constant 0 : i32
    %c0_i32_3 = arith.constant 0 : i32
    return %c0_i32, %add3A_2 : i32, i32
  }
  func.func @transform_2(%arg0: i32, %arg1: i32) -> (i32, i32) {
    %add3A = arith.constant 200 : i32
    %add3A_0 = arith.addi %add3A, %arg0 : i32
    %mul3A = arith.constant 25 : i32
    %mul3A_1 = arith.muli %arg1, %mul3A : i32
    %add3A_2 = arith.addi %add3A_0, %mul3A_1 : i32
    %c0_i32 = arith.constant 0 : i32
    %c0_i32_3 = arith.constant 0 : i32
    return %c0_i32, %add3A_2 : i32, i32
  }
  func.func @transform_3(%arg0: i32, %arg1: i32) -> (i32, i32, i32) {
    %c0_i32 = arith.constant 0 : i32
    %c0_i32_0 = arith.constant 0 : i32
    %c0_i32_1 = arith.constant 0 : i32
    return %arg1, %c0_i32, %c0_i32_0 : i32, i32, i32
  }
  func.func @transform_4(%arg0: i32, %arg1: i32) -> (i32, i32) {
    %c0_i32 = arith.constant 0 : i32
    %c0_i32_0 = arith.constant 0 : i32
    %c0_i32_1 = arith.constant 0 : i32
    return %c0_i32, %c0_i32_0 : i32, i32
  }
  func.func @transform_5(%arg0: i32, %arg1: i32) -> (i32, i32) {
    %c0_i32 = arith.constant 0 : i32
    %c0_i32_0 = arith.constant 0 : i32
    %c0_i32_1 = arith.constant 0 : i32
    return %c0_i32, %c0_i32_0 : i32, i32
  }
  func.func @transform_6(%arg0: i32, %arg1: i32) -> (i32, i32) {
    %c0_i32 = arith.constant 0 : i32
    %c0_i32_0 = arith.constant 0 : i32
    %c0_i32_1 = arith.constant 0 : i32
    return %c0_i32, %c0_i32_0 : i32, i32
  }
  func.func @transform_7(%arg0: i32, %arg1: i32) -> (i32, i32) {
    %c0_i32 = arith.constant 0 : i32
    %c0_i32_0 = arith.constant 0 : i32
    %c0_i32_1 = arith.constant 0 : i32
    return %c0_i32, %c0_i32_0 : i32, i32
  }
  func.func @transform_8(%arg0: i32, %arg1: i32) -> (i32, i32) {
    %c0_i32 = arith.constant 0 : i32
    %c0_i32_0 = arith.constant 0 : i32
    %c0_i32_1 = arith.constant 0 : i32
    return %c0_i32, %c0_i32_0 : i32, i32
  }
  func.func @transform_9(%arg0: i32, %arg1: i32) -> (i32, i32) {
    %c0_i32 = arith.constant 0 : i32
    %c0_i32_0 = arith.constant 0 : i32
    %c0_i32_1 = arith.constant 0 : i32
    return %c0_i32, %c0_i32_0 : i32, i32
  }
  func.func @transform_10(%arg0: i32, %arg1: i32) -> (i32, i32) {
    %c0_i32 = arith.constant 0 : i32
    %c0_i32_0 = arith.constant 0 : i32
    %c0_i32_1 = arith.constant 0 : i32
    return %c0_i32, %c0_i32_0 : i32, i32
  }
  func.func @transform_12(%arg0: i32, %arg1: i32) -> (i32, i32) {
    %add3A = arith.constant 200 : i32
    %add3A_0 = arith.addi %add3A, %arg0 : i32
    %mul3A = arith.constant 25 : i32
    %mul3A_1 = arith.muli %arg1, %mul3A : i32
    %add3A_2 = arith.addi %add3A_0, %mul3A_1 : i32
    %c0_i32 = arith.constant 0 : i32
    %c0_i32_3 = arith.constant 0 : i32
    return %c0_i32, %add3A_2 : i32, i32
  }
}

</mosaic_0001>

<sc_bundles>
// kernel: kernel.13.cloned.1.call-start
scs
__scs_entry_jumppad:
0x0: {  	(pc) =	sbr.rel $0x88, $3  }
0x1: {  	(tag) =	ssettag $0x0;
	lr =	simm.s32 $0x1  }
0x2: {  	[smem:$0x3F97] =	sst lr;
	_ =	strace $0xD0000000  }
0x3: {  	_ = 	snop  }
0x4: {  	_ = 	snop  }
0x5: {  	_ = 	snop  }
0x6: {  	_ = 	snop  }
0x7: {  	_ = 	snop  }
__scs_overlays_trampoline_lowered:
0x8: {  	[smem:$0x3FA6] =	sst s0  }
0x9: {  	[smem:$0x3FA7] =	sst s1  }
0xa: {  	[smem:$0x3FA8] =	sst s2  }
0xb: {  	[smem:$0x3FA9] =	sst s3  }
0xc: {  	[smem:$0x3FAA] =	sst s4  }
0xd: {  	[smem:$0x3FAB] =	sst s5  }
0xe: {  	[smem:$0x3FAC] =	sst s6  }
0xf: {  	[smem:$0x3FAD] =	sst s7  }
0x10: {  	[smem:$0x3FAE] =	sst s8  }
0x11: {  	[smem:$0x3FAF] =	sst s9;
	s0 =	simm.s32 @!p0 $0x0  }
0x12: {  	s1 =	sld [smem:$0x3F95];
	s0 =	simm.s32 @p0 $0x1  }
0x13: {  	[smem:$0x3FB0] =	sst s0;
	s0 =	simm.s32 @!p1 $0x0  }
0x14: {  	s2 =	sld [smem:$0x3F94];
	s0 =	simm.s32 @p1 $0x1  }
0x15: {  	[smem:$0x3FB1] =	sst s0;
	s0 =	simm.s32 @!p2 $0x0  }
0x16: {  	s3 =	sld [smem:$0x3FDB];
	s0 =	simm.s32 @p2 $0x1  }
0x17: {  	s4 =	simm.s32 $0x1BF5;
	[smem:$0x3FB3] =	sst s0  }
0x18: {  	s0 =	sld [smem:$0x3F96];
	_ =	swait.ge [sflag:s4], $0x0  }
0x19: {  	s7 =	sld [smem:$0x3F97]  }
0x1a: {  	s8 =	sadd.s32 $0xFFFFE003, lr  }
0x1b: {  	s9 =	sadd.s32 $0xFFFFFEF7, lr;
	s5 =	simm.s32 $0xFFFFFFFF;
	p2 =	slt.u32 s8, $0xFFFFF086  }
0x1c: {  	p1 =	slt.u32 s9, $0xF7A;
	s5 =	simm.s32 @!p2 $0x0  }
0x1d: {  	s5 =	simm.s32 @p1 $0x1;
	p0 =	seq.s32 s7, s2  }
0x1e: {  	s7 =	smul.u32 @!p0 $0xF7A, s2;
	p2 =	seq.s32 @!p0 s5, $0x0  }
0x1f: {  	s9 =	smul.u32 $0xF7A, s1;
	s8 =	simm.s32 @!p0 $0x1BF5;
	p2 =	por !p2, p0  }
0x20: {  	[sflag:s8] =	ssyncset.s32 @!p0 $0xFFFFF086;
	s6 =	sadd.s32 @!p0 s3, s7;
	s7 =	simm.s32 @!p0 $0x108  }
0x21: {  	s3 =	sadd.s32 s3, s9;
	s6 =	sadd.s32 @!p0 $0x88, s6;
	s7 =	simm.s32 @p2 $0x1082  }
0x22: {  	[simem:s7], [sflag:s8] =	dma.local @!p0 [hbm:s6], $0xF7A  }
0x23: {  	s9 =	sor.u32 $0xD0000000, s2;
	s6 =	simm.s32 $0x108;
	_ =	swait.ge @!p0 [sflag:s8], $0x0  }
0x24: {  	s3 =	sadd.s32 $0x88, s3;
	s6 =	simm.s32 @!p1 $0x1082;
	[sflag:s4] =	ssyncset.s32 $0xFFFFF086  }
0x25: {  	[simem:s6], [sflag:s4] =	dma.local [hbm:s3], $0xF7A  }
0x26: {  	[smem:$0x3F97] =	sst s1;
	(tag) =	ssettag s2;
	_ =	strace s9  }
0x27: {  	s1 =	sld [smem:$0x3FA7]  }
0x28: {  	s2 =	sld [smem:$0x3FA8]  }
0x29: {  	s4 =	sld [smem:$0x3FAA]  }
0x2a: {  	p0 =	seq.s32 s5, $0x0;
	s5 =	sld [smem:$0x3FAB]  }
0x2b: {  	s6 =	sld [smem:$0x3FAC]  }
0x2c: {  	s7 =	sld [smem:$0x3FAD]  }
0x2d: {  	s3 =	simm.s32 $0x108;
	s8 =	sld [smem:$0x3FAE]  }
0x2e: {  	s3 =	simm.s32 @!p0 $0x1082;
	s9 =	sld [smem:$0x3FAF]  }
0x2f: {  	lr =	sadd.s32 s0, s3;
	s0 =	sld [smem:$0x3FA6]  }
0x30: {  	s3 =	sld [smem:$0x3FA9]  }
0x31: {  	[smem:$0x3FB2] =	sst s10  }
0x32: {  	s10 =	sld [smem:$0x3FB0];
	_ =	sdelay $0x3  }
0x33: {  	p0 =	seq.s32 s10, $0x1;
	s10 =	sld [smem:$0x3FB2];
	_ =	sdelay $0x3  }
0x34: {  	[smem:$0x3FB2] =	sst s10  }
0x35: {  	s10 =	sld [smem:$0x3FB1];
	_ =	sdelay $0x3  }
0x36: {  	p1 =	seq.s32 s10, $0x1;
	s10 =	sld [smem:$0x3FB2];
	_ =	sdelay $0x3  }
0x37: {  	[smem:$0x3FB2] =	sst s10  }
0x38: {  	s10 =	sld [smem:$0x3FB3]  }
0x39: {  	_ = 	snop;
	(pc) =	sbr.ind lr, $3  }
0x3a: {  	_ = 	snop  }
0x3b: {  	_ = 	snop  }
0x3c: {  	p2 =	seq.s32 s10, $0x1;
	s10 =	sld [smem:$0x3FB2]  }
0x3d: {  	_ =	shalt  }
0x3e: {  	_ =	shalt  }
0x3f: {  	_ =	shalt  }
0x40: {  	_ =	shalt  }
0x41: {  	_ =	shalt  }
0x42: {  	_ =	shalt  }
0x43: {  	_ =	shalt  }
0x44: {  	_ =	shalt  }
0x45: {  	_ =	shalt  }
0x46: {  	_ =	shalt  }
0x47: {  	_ =	shalt  }
0x48: {  	_ =	shalt  }
0x49: {  	_ =	shalt  }
0x4a: {  	_ =	shalt  }
0x4b: {  	_ =	shalt  }
0x4c: {  	_ =	shalt  }
0x4d: {  	_ =	shalt  }
0x4e: {  	_ =	shalt  }
0x4f: {  	_ =	shalt  }
0x50: {  	_ =	shalt  }
0x51: {  	_ =	shalt  }
0x52: {  	_ =	shalt  }
0x53: {  	_ =	shalt  }
0x54: {  	_ =	shalt  }
0x55: {  	_ =	shalt  }
0x56: {  	_ =	shalt  }
0x57: {  	_ =	shalt  }
0x58: {  	_ =	shalt  }
0x59: {  	_ =	shalt  }
0x5a: {  	_ =	shalt  }
0x5b: {  	_ =	shalt  }
0x5c: {  	_ =	shalt  }
0x5d: {  	_ =	shalt  }
0x5e: {  	_ =	shalt  }
0x5f: {  	_ =	shalt  }
0x60: {  	_ =	shalt  }
0x61: {  	_ =	shalt  }
0x62: {  	_ =	shalt  }
0x63: {  	_ =	shalt  }
0x64: {  	_ =	shalt  }
0x65: {  	_ =	shalt  }
0x66: {  	_ =	shalt  }
0x67: {  	_ =	shalt  }
0x68: {  	_ =	shalt  }
0x69: {  	_ =	shalt  }
0x6a: {  	_ =	shalt  }
0x6b: {  	_ =	shalt  }
0x6c: {  	_ =	shalt  }
0x6d: {  	_ =	shalt  }
0x6e: {  	_ =	shalt  }
0x6f: {  	_ =	shalt  }
0x70: {  	_ =	shalt  }
0x71: {  	_ =	shalt  }
0x72: {  	_ =	shalt  }
0x73: {  	_ =	shalt  }
0x74: {  	_ =	shalt  }
0x75: {  	_ =	shalt  }
0x76: {  	_ =	shalt  }
0x77: {  	_ =	shalt  }
0x78: {  	_ =	shalt  }
0x79: {  	_ =	shalt  }
0x7a: {  	_ =	shalt  }
0x7b: {  	_ =	shalt  }
0x7c: {  	_ =	shalt  }
0x7d: {  	_ =	shalt  }
0x7e: {  	_ =	shalt  }
0x7f: {  	_ =	shalt  }
0x80: {  	_ =	shalt  }
0x81: {  	_ =	shalt  }
0x82: {  	_ =	shalt  }
0x83: {  	_ =	shalt  }
0x84: {  	_ =	shalt  }
0x85: {  	_ =	shalt  }
0x86: {  	_ =	shalt  }
0x87: {  	_ =	shalt  }
.Lfunc_end0:
.L_simem_size_0:
called_computation_lowered:
.L_overlay_start_0:
0x88: {  	s2 =	sld [smem:$0x3FD9]  }
0x89: {  	s3 =	sld [smem:$0x3FFE];
	_ =	sdelay $0x1  }
0x8a: {  	s1 =	srdreg.scid  }
0x8b: {  	s0 =	sand.u32 $0x1, s1  }
0x8c: {  	s16 =	sshll.u32 s0, $0xA;
	s2 =	sadd.s32 s3, s2  }
0x8d: {  	s2 =	sadd.s32 s2, s16  }
0x8e: {  	[smem:$0x3FBE] =	sst s2  }
0x8f: {  	_ = 	snop  }
0x90: {  	(tm) =	ssettm $0x1  }
0x91: {  	s17 =	sld [smem:$0x3FFB];
	_ =	sdelay $0x3  }
0x92: {  	_ =	strace s17  }
0x93: {  	s2 =	sld [smem:$0x3FFC];
	_ =	sdelay $0x3  }
0x94: {  	_ =	strace s2  }
0x95: {  	s2 =	sld [smem:$0x3FFD];
	_ =	sdelay $0x3  }
0x96: {  	_ =	strace s2  }
0x97: {  	_ =	strace $0x8FFFFFFF  }
0x98: {  	s18 =	sld [smem:$0x3FDB];
	_ =	sdelay $0x1  }
0x99: {  	s19 =	simm.s32 $_scs_section_size  }
0x9a: {  	s4 =	simm.s32 $_size__tile_overlayer_lowered;
	s5 =	simm.s32 $_tile_overlayer_lowered  }
0x9b: {  	s22 =	simm.s32 $0x1BFF;
	s21 =	sshll.u32 s5, $0x1;
	s2 =	sadd.s32 s19, s18  }
0x9c: {  	s6 =	simm.s32 $0x0;
	s20 =	sshll.u32 s4, $0x1;
	s4 =	sadd.s32 s21, s2  }
0x9d: {  	[timem:s6], [sflag:s22] =	dma.local [hbm:s4], s20  }
0x9e: {  	_ =	swait.ge [sflag:s22], s20  }
0x9f: {  	s3 =	ssub.s32 $0x0, s20;
	[sflag:s22] =	ssyncset.done $0x0  }
0xa0: {  	[sflag:s22] =	ssyncadd.s32 s3;
	_ =	sdelay $0x1  }
0xa1: {  	s23 =	simm.s32 $0x1B8B  }
0xa2: {  	_ =	swait.ge [sflag:s23], $0x1  }
0xa3: {  	[sflag:s23] =	ssyncset.done $0x0  }
0xa4: {  	s25 =	simm.s32 $0x1B8E;
	s24 =	sld [smem:$0x3FFE];
	[sflag:s23] =	ssyncadd.s32 $0xFFFFFFFF  }
0xa5: {  	s26 =	simm.s32 $execute0_lowered;
	[smem:$0x3FD2] =	sst s25  }
0xa6: {  	s4 =	sshll.u32 s26, $0x1;
	_ =	strace $0x80000046;
	[dreg:$0x1] =	wrdreg $0xFFFFFFFF  }
0xa7: {  	s28 =	simm.s32 $_size_execute0_lowered;
	s2 =	sadd.s32 s2, s4;
	[dreg:$0x0] =	wrdreg $0x0  }
0xa8: {  	s4 =	sshll.u32 s28, $0x1;
	[dreg:$0x2] =	wrdreg s2  }
0xa9: {  	[dreg:$0x3] =	wrdreg s4  }
0xaa: {  	[dreg:$0x4] =	wrdreg $0xC0  }
0xab: {  	_ =	task [dreg:s6], $0x5FFFF  }
0xac: {  	[dreg:$0x1] =	wrdreg $0xFFFFFFFF  }
0xad: {  	[dreg:$0x0] =	wrdreg $0x60  }
0xae: {  	[dreg:$0x2] =	wrdreg s24  }
0xaf: {  	[dreg:$0x3] =	wrdreg $0x9  }
0xb0: {  	_ =	task.clear_ibuf [dreg:s6], $0x4FFFF;
	_ =	strace $0x90000046  }
0xb1: {  	s29 =	simm.s32 $0x9;
	_ =	strace $0x80000048  }
0xb2: {  	_ =	swait.ge [sflag:s29], $0x1  }
0xb3: {  	[sflag:s29] =	ssyncadd.s32 $0xFFFFFFFF  }
0xb4: {  	_ =	strace $0x90000048  }
0xb5: {  	_ =	sfence  }
0xb6: {  	s30 =	sld [smem:$0x0];
	_ =	sdelay $0x2  }
0xb7: {  	s31 =	sshll.u32 s1, $0xD;
	s1 =	sshrl.u32 s1, $0x2  }
0xb8: {  	s3 =	sand.u32 $0x4000, s31;
	s1 =	sadd.s32 s1, s30  }
0xb9: {  	s0 =	sor.u32 s3, s0;
	s1 =	sshll.u32 s1, $0x11  }
0xba: {  	s0 =	sor.u32 s1, s0  }
0xbb: {  	s0 =	sadd.s32 $0x8F2B, s0  }
0xbc: {  	[sflag:s0] =	ssyncadd.remote.s32 $0x1  }
0xbd: {  	_ =	sfence.sel $0xFFFF  }
0xbe: {  	[dreg:$0x0] =	wrdreg $0xFFFFFFFF;
	(pc) =	sbr.abs _section_cstart, $3  }
0xbf: {  	[dreg:$0x1] =	wrdreg $0xFFFFFFFF  }
0xc0: {  	_ =	task.clear_ibuf [dreg:s6], $0x2FFFF;
	_ =	strace $0x9FFFFFFF  }
0xc1: {  	(tm) =	ssettm $0x7FFFFFFF  }
tec
execute0_lowered:
.L_overlay_start_1:
0x0: {  	(tag) =	ssettag $0x1  }
0x1: {  	s0 =	rddreg [dreg:$0x0];
	s2 =	simm.s32 $0x0  }
0x2: {  	s1 =	srdreg.scid;
	s6 =	stileid.u32;
	s28 =	simm.s32 $0x6200  }
0x3: {  	s29 =	simm.s32 $0x1;
	s30 =	simm.s32 $0x40;
	s31 =	simm.s32 $0x2  }
0x4: {  	s15 =	simm.s32 $0x0;
	[smem:$0x7FF] =	sst s2;
	s1 =	sand.u32 $0x1, s1  }
0x5: {  	s5 =	sshll.u32 s6, $0x1;
	s3 =	sadd.s32 $0x6DC00, s0;
	s4 =	sadd.s32 $0xC000, s0  }
0x6: {  	s10 =	sshrl.u32 s6, $0x3;
	s6 =	sadd.s32 $0x7000, s0;
	s8 =	sadd.s32 $0x2000, s0  }
0x7: {  	s5 =	sor.u32 s1, s5;
	s1 =	ssub.s32 $0x2, s1;
	s7 =	smul.u32 $0x13880, s10  }
0x8: {  	s9 =	sadd.s32 $0xCF800, s0;
	s5 =	smul.u32 $0x1388, s5;
	s11 =	sshrl.u32 s1, $0x1  }
0x9: {  	_ =	strace $0x80000047;
	s10 =	sshll.u32 s10, $0x6;
	s19 =	ssub.s32 s1, s11  }
0xa: {  	s20 =	sshrl.u32 s5, $0x3;
	s11 =	ssub.s32 s5, s7;
	s13 =	sadd.s32 $0x1380, s5  }
0xb: {  	s14 =	sadd.s32 $0x100, s5;
	s0 =	smax.u32 s19, $0x1;
	s12 =	sadd.s32 s6, s20  }
0xc: {  	s21 =	sshll.u32 s11, $0x7;
	s1 =	sadd.s32 s8, s20;
	[dreg:$0x8] =	wrdreg s0  }
0xd: {  	s23 =	ssub.s32 s13, s7;
	s13 =	sshrl.u32 s13, $0x3;
	[dreg:$0x2] =	wrdreg s12  }
0xe: {  	s20 =	simm.s32 $0x3;
	[dreg:$0x3] =	wrdreg s1;
	s22 =	sor.u32 s10, s21  }
0xf: {  	s12 =	sshll.u32 s23, $0x7;
	s24 =	sadd.s32 s6, s13;
	s26 =	sadd.s32 s8, s13  }
0x10: {  	s21 =	simm.s32 $0x80;
	s23 =	simm.s32 $0x2100;
	s13 =	simm.s32 $0x8210  }
0x11: {  	s1 =	sadd.s32 $0x98000, s22;
	s12 =	sor.u32 s10, s12;
	[dreg:$0x5] =	wrdreg s24  }
0x12: {  	[dreg:$0x6] =	wrdreg s26;
	s22 =	simm.s32 $0x100;
	s1 =	sshrl.u32 s1, $0x3  }
0x13: {  	s24 =	simm.s32 $0x4100;
	s25 =	sshrl.u32 s12, $0x3;
	s1 =	sadd.s32 s9, s1  }
0x14: {  	s26 =	simm.s32 $0x4200;
	[dreg:$0x4] =	wrdreg s1;
	s1 =	sadd.s32 s9, s25  }
0x15: {  	s12 =	simm.s32 $0x8;
	s25 =	simm.s32 $0x4180;
	[dreg:$0x7] =	wrdreg s1  }
.LBB2_1:
0x16: {  	s0 =	rddreg [dreg:$0x2]  }
0x17: {  	[tilespmem:s2], [sflag:$0x3] =	stream.linear.gather [hbm4b:s0+s2], $0x80, $0x38;
	[tilespmem:$0x8610] =	vst v63  }
0x18: {  	_ =	swait.ge [sflag:s20], $0x80  }
0x19: {  	[sflag:s20] =	ssyncset.done $0x0  }
0x1a: {  	s19 =	rddreg [dreg:$0x3];
	[sflag:s20] =	ssyncadd.s32 $0xFFFFFF80  }
0x1b: {  	[tilespmem:s21], [sflag:$0x3] =	stream.linear.gather [hbm4b:s19+s2], $0x80, $0x38;
	[tilespmem:$0x8610] =	vst v63  }
0x1c: {  	_ =	swait.ge [sflag:s20], $0x80  }
0x1d: {  	[sflag:s20] =	ssyncset.done $0x0  }
0x1e: {  	[sflag:s20] =	ssyncadd.s32 $0xFFFFFF80  }
0x1f: {  	[tilespmem:s22], [sflag:$0x1] =	stream.indirect.gather [hbm4b:s3+s21], $0x40, s2, s21, $0xb8;
	[tilespmem:$0x8610] =	vst v63  }
0x20: {  	s16 =	simm.s32 $0x0  }
0x21: {  	[tilespmem:s23], [sflag:$0x1] =	stream.indirect.gather [hbm4b:s4+s21], $0x40, s21, s21, $0xb8;
	[tilespmem:$0x8610] =	vst v63  }
.LBB2_2:
0x22: {  	s18 =	sshll.u32 s16, $0x8  }
0x23: {  	s0 =	sadd.s32 s18, s5  }
0x24: {  	s17 =	sadd.s32 $0x80, s0  }
0x25: {  	s0 =	sshrl.u32 s17, $0x3  }
0x26: {  	s19 =	simm.s32 $0x0;
	s1 =	sadd.s32 s6, s0  }
0x27: {  	[tilespmem:s24], [sflag:$0x3] =	stream.linear.gather [hbm4b:s1+s19], $0x80, $0x38;
	[tilespmem:$0x8610] =	vst v63  }
0x28: {  	_ =	swait.ge [sflag:s20], $0x80  }
0x29: {  	[sflag:s20] =	ssyncset.done $0x0  }
0x2a: {  	s0 =	sadd.s32 s8, s0;
	[sflag:s20] =	ssyncadd.s32 $0xFFFFFF80  }
0x2b: {  	[tilespmem:s25], [sflag:$0x3] =	stream.linear.gather [hbm4b:s0+s19], $0x80, $0x38;
	[tilespmem:$0x8610] =	vst v63  }
0x2c: {  	_ =	swait.ge [sflag:s20], $0x80  }
0x2d: {  	[sflag:s20] =	ssyncset.done $0x0  }
0x2e: {  	[sflag:s20] =	ssyncadd.s32 $0xFFFFFF80  }
0x2f: {  	[tilespmem:s26], [sflag:$0x2] =	stream.indirect.gather [hbm4b:s3+s21], $0x40, s24, s21, $0xb8;
	[tilespmem:$0x8610] =	vst v63  }
0x30: {  	_ = 	snop  }
0x31: {  	[tilespmem:s28], [sflag:$0x2] =	stream.indirect.gather [hbm4b:s4+s21], $0x40, s25, s21, $0xb8;
	[tilespmem:$0x8610] =	vst v63  }
0x32: {  	_ =	swait.ge [sflag:s29], $0x2000  }
0x33: {  	[sflag:s29] =	ssyncset.done $0x0  }
0x34: {  	[sflag:s29] =	ssyncadd.s32 $0xFFFFE000  }
0x35: {  	_ =	swait.ge [sflag:s29], $0x2000  }
0x36: {  	[sflag:s29] =	ssyncset.done $0x0  }
0x37: {  	s19 =	simm.s32 $0x0;
	[sflag:s29] =	ssyncadd.s32 $0xFFFFE000  }
0x38: {  	v1 =	vld [tilespmem:s19+$0x2130]  }
0x39: {  	v2 =	vld [tilespmem:s19+$0x2100]  }
0x3a: {  	v3 =	vld [tilespmem:s19+$0x2110]  }
0x3b: {  	v0 =	vld [tilespmem:s19+$0x2120];
	_ =	sdelay $0x1  }
0x3c: {  	[tilespmem:s19+$0x130] =	vst.add.f32.msk $0xffff, v1  }
0x3d: {  	[tilespmem:s19+$0x100] =	vst.add.f32.msk $0xffff, v2  }
0x3e: {  	s1 =	simm.s32 $0x200;
	s0 =	simm.s32 $0x40;
	[tilespmem:s19+$0x110] =	vst.add.f32.msk $0xffff, v3  }
.LBB2_3:
0x3f: {  	p0 =	sne.s32 s1, $0x7F00;
	v1 =	vld [tilespmem:s0+$0x2130];
	v2 =	vmov v0  }
0x40: {  	v3 =	vld [tilespmem:s0+$0x2100]  }
0x41: {  	v4 =	vld [tilespmem:s0+$0x2110]  }
.Ltmp0:
0x42: {  	v0 =	vld [tilespmem:s0+$0x2120];
	(pc) =	sbr.rel @p0 .LBB2_3-.Ltmp0, $4  }
0x43: {  	[tilespmem:s19+$0x120] =	vst.add.f32.msk $0xffff, v2;
	s19 =	smov.u32 s0  }
0x44: {  	[tilespmem:s19+$0x130] =	vst.add.f32.msk $0xffff, v1  }
0x45: {  	[tilespmem:s19+$0x100] =	vst.add.f32.msk $0xffff, v3  }
0x46: {  	s0 =	sshra.s32 s1, $0x2;
	s1 =	sadd.s32 $0x100, s1;
	[tilespmem:s19+$0x110] =	vst.add.f32.msk $0xffff, v4  }
0x47: {  	v1 =	vld [tilespmem:s0+$0x2130]  }
0x48: {  	v2 =	vld [tilespmem:s0+$0x2100]  }
0x49: {  	v3 =	vld [tilespmem:s0+$0x2110]  }
0x4a: {  	v4 =	vld [tilespmem:s0+$0x2120]  }
0x4b: {  	[tilespmem:s19+$0x120] =	vst.add.f32.msk $0xffff, v0;
	s1 =	sadd.s32 s18, s11  }
0x4c: {  	s1 =	sshll.u32 s1, $0x7;
	[tilespmem:s0+$0x130] =	vst.add.f32.msk $0xffff, v1  }
0x4d: {  	s1 =	sor.u32 s10, s1;
	[tilespmem:s0+$0x100] =	vst.add.f32.msk $0xffff, v2  }
0x4e: {  	s1 =	sshrl.u32 s1, $0x3;
	[tilespmem:s0+$0x110] =	vst.add.f32.msk $0xffff, v3  }
0x4f: {  	s19 =	sadd.s32 s9, s1;
	[tilespmem:s0+$0x120] =	vst.add.f32.msk $0xffff, v4  }
0x50: {  	[hbm4b:s19+s30] =	stream.strided.scatter [tilespmem:s22], [sflag:$0x3], $0x2000, s21, s30, $0x38;
	[tilespmem:$0x8610] =	vst v63  }
0x51: {  	s1 =	sadd.s32 s18, s14;
	_ =	swait.ge [sflag:s20], $0x2000  }
0x52: {  	s0 =	sshrl.u32 s1, $0x3;
	[sflag:s20] =	ssyncset.done $0x0  }
0x53: {  	s18 =	sadd.s32 s6, s0;
	s19 =	simm.s32 $0x0;
	[sflag:s20] =	ssyncadd.s32 $0xFFFFE000  }
0x54: {  	[tilespmem:s19], [sflag:$0x3] =	stream.linear.gather [hbm4b:s18+s19], $0x80, $0x38;
	[tilespmem:$0x8610] =	vst v63  }
0x55: {  	_ =	swait.ge [sflag:s20], $0x80  }
0x56: {  	[sflag:s20] =	ssyncset.done $0x0  }
0x57: {  	s0 =	sadd.s32 s8, s0;
	[sflag:s20] =	ssyncadd.s32 $0xFFFFFF80  }
0x58: {  	[tilespmem:s21], [sflag:$0x3] =	stream.linear.gather [hbm4b:s0+s19], $0x80, $0x38;
	[tilespmem:$0x8610] =	vst v63  }
0x59: {  	_ =	swait.ge [sflag:s20], $0x80  }
0x5a: {  	[sflag:s20] =	ssyncset.done $0x0  }
0x5b: {  	[sflag:s20] =	ssyncadd.s32 $0xFFFFFF80  }
0x5c: {  	[tilespmem:s22], [sflag:$0x1] =	stream.indirect.gather [hbm4b:s3+s21], $0x40, s19, s21, $0xb8;
	[tilespmem:$0x8610] =	vst v63  }
0x5d: {  	_ = 	snop  }
0x5e: {  	[tilespmem:s23], [sflag:$0x1] =	stream.indirect.gather [hbm4b:s4+s21], $0x40, s21, s21, $0xb8;
	[tilespmem:$0x8610] =	vst v63  }
0x5f: {  	_ =	swait.ge [sflag:s31], $0x2000  }
0x60: {  	[sflag:s31] =	ssyncset.done $0x0  }
0x61: {  	[sflag:s31] =	ssyncadd.s32 $0xFFFFE000  }
0x62: {  	_ =	swait.ge [sflag:s31], $0x2000  }
0x63: {  	[sflag:s31] =	ssyncset.done $0x0  }
0x64: {  	s18 =	simm.s32 $0x0;
	[sflag:s31] =	ssyncadd.s32 $0xFFFFE000  }
0x65: {  	v1 =	vld [tilespmem:s18+$0x6230]  }
0x66: {  	v2 =	vld [tilespmem:s18+$0x6200]  }
0x67: {  	v3 =	vld [tilespmem:s18+$0x6210]  }
0x68: {  	v0 =	vld [tilespmem:s18+$0x6220];
	_ =	sdelay $0x1  }
0x69: {  	[tilespmem:s18+$0x4230] =	vst.add.f32.msk $0xffff, v1  }
0x6a: {  	[tilespmem:s18+$0x4200] =	vst.add.f32.msk $0xffff, v2  }
0x6b: {  	s1 =	simm.s32 $0x200;
	s0 =	simm.s32 $0x40;
	[tilespmem:s18+$0x4210] =	vst.add.f32.msk $0xffff, v3  }
.LBB2_5:
0x6c: {  	p0 =	sne.s32 s1, $0x7F00;
	v1 =	vld [tilespmem:s0+$0x6230];
	v2 =	vmov v0  }
0x6d: {  	v3 =	vld [tilespmem:s0+$0x6200]  }
0x6e: {  	v4 =	vld [tilespmem:s0+$0x6210]  }
.Ltmp1:
0x6f: {  	v0 =	vld [tilespmem:s0+$0x6220];
	(pc) =	sbr.rel @p0 .LBB2_5-.Ltmp1, $4  }
0x70: {  	[tilespmem:s18+$0x4220] =	vst.add.f32.msk $0xffff, v2;
	s18 =	smov.u32 s0  }
0x71: {  	[tilespmem:s18+$0x4230] =	vst.add.f32.msk $0xffff, v1  }
0x72: {  	[tilespmem:s18+$0x4200] =	vst.add.f32.msk $0xffff, v3  }
0x73: {  	s0 =	sshra.s32 s1, $0x2;
	s1 =	sadd.s32 $0x100, s1;
	[tilespmem:s18+$0x4210] =	vst.add.f32.msk $0xffff, v4  }
0x74: {  	v1 =	vld [tilespmem:s0+$0x6230]  }
0x75: {  	v2 =	vld [tilespmem:s0+$0x6200]  }
0x76: {  	v3 =	vld [tilespmem:s0+$0x6210]  }
0x77: {  	v4 =	vld [tilespmem:s0+$0x6220]  }
0x78: {  	[tilespmem:s18+$0x4220] =	vst.add.f32.msk $0xffff, v0;
	s1 =	ssub.s32 s17, s7  }
0x79: {  	s1 =	sshll.u32 s1, $0x7;
	[tilespmem:s0+$0x4230] =	vst.add.f32.msk $0xffff, v1  }
0x7a: {  	s16 =	sadd.s32 $0x1, s16;
	s1 =	sor.u32 s10, s1;
	[tilespmem:s0+$0x4200] =	vst.add.f32.msk $0xffff, v2  }
0x7b: {  	p0 =	sne.s32 s16, $0x13;
	s1 =	sshrl.u32 s1, $0x3;
	[tilespmem:s0+$0x4210] =	vst.add.f32.msk $0xffff, v3  }
.Ltmp2:
0x7c: {  	s19 =	sadd.s32 s9, s1;
	[tilespmem:s0+$0x4220] =	vst.add.f32.msk $0xffff, v4;
	(pc) =	sbr.rel @p0 .LBB2_2-.Ltmp2, $4  }
0x7d: {  	[hbm4b:s19+s30] =	stream.strided.scatter [tilespmem:s26], [sflag:$0x3], $0x2000, s21, s30, $0x38;
	[tilespmem:$0x8610] =	vst v63  }
0x7e: {  	_ =	swait.ge [sflag:s20], $0x2000  }
0x7f: {  	[sflag:s20] =	ssyncset.done $0x0  }
0x80: {  	[sflag:s20] =	ssyncadd.s32 $0xFFFFE000  }
0x81: {  	_ =	swait.ge [sflag:s29], $0x2000  }
0x82: {  	[sflag:s29] =	ssyncset.done $0x0  }
0x83: {  	[sflag:s29] =	ssyncadd.s32 $0xFFFFE000  }
0x84: {  	_ =	swait.ge [sflag:s29], $0x2000  }
0x85: {  	[sflag:s29] =	ssyncset.done $0x0  }
0x86: {  	s16 =	simm.s32 $0x0;
	[sflag:s29] =	ssyncadd.s32 $0xFFFFE000  }
0x87: {  	v1 =	vld [tilespmem:s16+$0x2130]  }
0x88: {  	v2 =	vld [tilespmem:s16+$0x2100]  }
0x89: {  	v3 =	vld [tilespmem:s16+$0x2110]  }
0x8a: {  	v0 =	vld [tilespmem:s16+$0x2120];
	_ =	sdelay $0x1  }
0x8b: {  	[tilespmem:s16+$0x130] =	vst.add.f32.msk $0xffff, v1  }
0x8c: {  	[tilespmem:s16+$0x100] =	vst.add.f32.msk $0xffff, v2  }
0x8d: {  	s0 =	simm.s32 $0x40;
	s1 =	simm.s32 $0x200;
	[tilespmem:s16+$0x110] =	vst.add.f32.msk $0xffff, v3  }
.LBB2_8:
0x8e: {  	p0 =	sne.s32 s1, $0x7F00;
	v1 =	vld [tilespmem:s0+$0x2130];
	v2 =	vmov v0  }
0x8f: {  	v3 =	vld [tilespmem:s0+$0x2100]  }
0x90: {  	v4 =	vld [tilespmem:s0+$0x2110]  }
.Ltmp3:
0x91: {  	v0 =	vld [tilespmem:s0+$0x2120];
	(pc) =	sbr.rel @p0 .LBB2_8-.Ltmp3, $4  }
0x92: {  	[tilespmem:s16+$0x120] =	vst.add.f32.msk $0xffff, v2;
	s16 =	smov.u32 s0  }
0x93: {  	[tilespmem:s16+$0x130] =	vst.add.f32.msk $0xffff, v1  }
0x94: {  	[tilespmem:s16+$0x100] =	vst.add.f32.msk $0xffff, v3  }
0x95: {  	s0 =	sshra.s32 s1, $0x2;
	s1 =	sadd.s32 $0x100, s1;
	[tilespmem:s16+$0x110] =	vst.add.f32.msk $0xffff, v4  }
0x96: {  	v1 =	vld [tilespmem:s0+$0x2130]  }
0x97: {  	v2 =	vld [tilespmem:s0+$0x2100]  }
0x98: {  	v3 =	vld [tilespmem:s0+$0x2110]  }
0x99: {  	v4 =	vld [tilespmem:s0+$0x2120]  }
0x9a: {  	[tilespmem:s16+$0x120] =	vst.add.f32.msk $0xffff, v0  }
0x9b: {  	[tilespmem:s0+$0x130] =	vst.add.f32.msk $0xffff, v1  }
0x9c: {  	[tilespmem:s0+$0x100] =	vst.add.f32.msk $0xffff, v2  }
0x9d: {  	[tilespmem:s0+$0x110] =	vst.add.f32.msk $0xffff, v3  }
0x9e: {  	s16 =	rddreg [dreg:$0x4];
	[tilespmem:s0+$0x120] =	vst.add.f32.msk $0xffff, v4  }
0x9f: {  	[hbm4b:s16+s30] =	stream.strided.scatter [tilespmem:s22], [sflag:$0x3], $0x2000, s21, s30, $0x38;
	[tilespmem:$0x8610] =	vst v63  }
0xa0: {  	_ =	swait.ge [sflag:s20], $0x2000  }
0xa1: {  	[sflag:s20] =	ssyncset.done $0x0  }
0xa2: {  	s1 =	simm.s32 $0x8200;
	s17 =	rddreg [dreg:$0x5];
	[sflag:s20] =	ssyncadd.s32 $0xFFFFE000  }
0xa3: {  	[tilespmem:s1], [sflag:$0x3] =	stream.linear.gather [hbm4b:s17+s2], $0x8, $0x38;
	[tilespmem:$0x8610] =	vst v63  }
0xa4: {  	_ =	swait.ge [sflag:s20], $0x8  }
0xa5: {  	[sflag:s20] =	ssyncset.done $0x0  }
0xa6: {  	s19 =	simm.s32 $0x8208;
	s18 =	rddreg [dreg:$0x6];
	[sflag:s20] =	ssyncadd.s32 $0xFFFFFFF8  }
0xa7: {  	[tilespmem:s19], [sflag:$0x3] =	stream.linear.gather [hbm4b:s18+s2], $0x8, $0x38;
	[tilespmem:$0x8610] =	vst v63  }
0xa8: {  	_ =	swait.ge [sflag:s20], $0x8  }
0xa9: {  	[sflag:s20] =	ssyncset.done $0x0  }
0xaa: {  	[sflag:s20] =	ssyncadd.s32 $0xFFFFFFF8  }
0xab: {  	[tilespmem:s13], [sflag:$0x2] =	stream.indirect.gather [hbm4b:s3+s12], $0x40, s1, s12, $0xb8;
	[tilespmem:$0x8610] =	vst v63  }
0xac: {  	s1 =	simm.s32 $0x8410  }
0xad: {  	[tilespmem:s1], [sflag:$0x2] =	stream.indirect.gather [hbm4b:s4+s12], $0x40, s19, s12, $0xb8;
	[tilespmem:$0x8610] =	vst v63  }
0xae: {  	_ =	swait.ge [sflag:s31], $0x200  }
0xaf: {  	[sflag:s31] =	ssyncset.done $0x0  }
0xb0: {  	[sflag:s31] =	ssyncadd.s32 $0xFFFFFE00  }
0xb1: {  	_ =	swait.ge [sflag:s31], $0x200  }
0xb2: {  	[sflag:s31] =	ssyncset.done $0x0  }
0xb3: {  	[sflag:s31] =	ssyncadd.s32 $0xFFFFFE00  }
0xb4: {  	v63 =	vld [tilespmem:$0x8410];
	_ =	sdelay $0x4  }
0xb5: {  	[tilespmem:s13+$0x0] =	vst.add.f32.msk $0xffff, v63  }
0xb6: {  	v0 =	vld [tilespmem:$0x8420];
	_ =	sdelay $0x3  }
0xb7: {  	s17 =	simm.s32 $0x8220  }
0xb8: {  	[tilespmem:s17+$0x0] =	vst.add.f32.msk $0xffff, v0  }
0xb9: {  	v0 =	vld [tilespmem:$0x8430];
	_ =	sdelay $0x3  }
0xba: {  	s18 =	simm.s32 $0x8230  }
0xbb: {  	[tilespmem:s18+$0x0] =	vst.add.f32.msk $0xffff, v0  }
0xbc: {  	v0 =	vld [tilespmem:$0x8440];
	_ =	sdelay $0x3  }
0xbd: {  	s19 =	simm.s32 $0x8240  }
0xbe: {  	[tilespmem:s19+$0x0] =	vst.add.f32.msk $0xffff, v0  }
0xbf: {  	v0 =	vld [tilespmem:$0x8450];
	_ =	sdelay $0x3  }
0xc0: {  	s1 =	simm.s32 $0x8250  }
0xc1: {  	[tilespmem:s1+$0x0] =	vst.add.f32.msk $0xffff, v0  }
0xc2: {  	v0 =	vld [tilespmem:$0x8460];
	_ =	sdelay $0x3  }
0xc3: {  	s16 =	simm.s32 $0x8260  }
0xc4: {  	[tilespmem:s16+$0x0] =	vst.add.f32.msk $0xffff, v0  }
0xc5: {  	v0 =	vld [tilespmem:$0x8470];
	_ =	sdelay $0x3  }
0xc6: {  	s17 =	simm.s32 $0x8270  }
0xc7: {  	[tilespmem:s17+$0x0] =	vst.add.f32.msk $0xffff, v0  }
0xc8: {  	v0 =	vld [tilespmem:$0x8480];
	_ =	sdelay $0x3  }
0xc9: {  	s18 =	simm.s32 $0x8280  }
0xca: {  	[tilespmem:s18+$0x0] =	vst.add.f32.msk $0xffff, v0  }
0xcb: {  	v0 =	vld [tilespmem:$0x8490];
	_ =	sdelay $0x3  }
0xcc: {  	s19 =	simm.s32 $0x8290  }
0xcd: {  	[tilespmem:s19+$0x0] =	vst.add.f32.msk $0xffff, v0  }
0xce: {  	v0 =	vld [tilespmem:$0x84A0];
	_ =	sdelay $0x3  }
0xcf: {  	s1 =	simm.s32 $0x82A0  }
0xd0: {  	[tilespmem:s1+$0x0] =	vst.add.f32.msk $0xffff, v0  }
0xd1: {  	v0 =	vld [tilespmem:$0x84B0];
	_ =	sdelay $0x3  }
0xd2: {  	s16 =	simm.s32 $0x82B0  }
0xd3: {  	[tilespmem:s16+$0x0] =	vst.add.f32.msk $0xffff, v0  }
0xd4: {  	v0 =	vld [tilespmem:$0x84C0];
	_ =	sdelay $0x3  }
0xd5: {  	s17 =	simm.s32 $0x82C0  }
0xd6: {  	[tilespmem:s17+$0x0] =	vst.add.f32.msk $0xffff, v0  }
0xd7: {  	v0 =	vld [tilespmem:$0x84D0];
	_ =	sdelay $0x3  }
0xd8: {  	s18 =	simm.s32 $0x82D0  }
0xd9: {  	[tilespmem:s18+$0x0] =	vst.add.f32.msk $0xffff, v0  }
0xda: {  	v0 =	vld [tilespmem:$0x84E0];
	_ =	sdelay $0x3  }
0xdb: {  	s19 =	simm.s32 $0x82E0  }
0xdc: {  	[tilespmem:s19+$0x0] =	vst.add.f32.msk $0xffff, v0  }
0xdd: {  	v0 =	vld [tilespmem:$0x84F0];
	_ =	sdelay $0x3  }
0xde: {  	s1 =	simm.s32 $0x82F0  }
0xdf: {  	[tilespmem:s1+$0x0] =	vst.add.f32.msk $0xffff, v0  }
0xe0: {  	v0 =	vld [tilespmem:$0x8500];
	_ =	sdelay $0x3  }
0xe1: {  	s16 =	simm.s32 $0x8300  }
0xe2: {  	[tilespmem:s16+$0x0] =	vst.add.f32.msk $0xffff, v0  }
0xe3: {  	v0 =	vld [tilespmem:$0x8510];
	_ =	sdelay $0x3  }
0xe4: {  	s17 =	simm.s32 $0x8310  }
0xe5: {  	[tilespmem:s17+$0x0] =	vst.add.f32.msk $0xffff, v0  }
0xe6: {  	v0 =	vld [tilespmem:$0x8520];
	_ =	sdelay $0x3  }
0xe7: {  	s18 =	simm.s32 $0x8320  }
0xe8: {  	[tilespmem:s18+$0x0] =	vst.add.f32.msk $0xffff, v0  }
0xe9: {  	v0 =	vld [tilespmem:$0x8530];
	_ =	sdelay $0x3  }
0xea: {  	s19 =	simm.s32 $0x8330  }
0xeb: {  	[tilespmem:s19+$0x0] =	vst.add.f32.msk $0xffff, v0  }
0xec: {  	v0 =	vld [tilespmem:$0x8540];
	_ =	sdelay $0x3  }
0xed: {  	s1 =	simm.s32 $0x8340  }
0xee: {  	[tilespmem:s1+$0x0] =	vst.add.f32.msk $0xffff, v0  }
0xef: {  	v0 =	vld [tilespmem:$0x8550];
	_ =	sdelay $0x3  }
0xf0: {  	s16 =	simm.s32 $0x8350  }
0xf1: {  	[tilespmem:s16+$0x0] =	vst.add.f32.msk $0xffff, v0  }
0xf2: {  	v0 =	vld [tilespmem:$0x8560];
	_ =	sdelay $0x3  }
0xf3: {  	s17 =	simm.s32 $0x8360  }
0xf4: {  	[tilespmem:s17+$0x0] =	vst.add.f32.msk $0xffff, v0  }
0xf5: {  	v0 =	vld [tilespmem:$0x8570];
	_ =	sdelay $0x3  }
0xf6: {  	s18 =	simm.s32 $0x8370  }
0xf7: {  	[tilespmem:s18+$0x0] =	vst.add.f32.msk $0xffff, v0  }
0xf8: {  	v0 =	vld [tilespmem:$0x8580];
	_ =	sdelay $0x3  }
0xf9: {  	s19 =	simm.s32 $0x8380  }
0xfa: {  	[tilespmem:s19+$0x0] =	vst.add.f32.msk $0xffff, v0  }
0xfb: {  	v0 =	vld [tilespmem:$0x8590];
	_ =	sdelay $0x3  }
0xfc: {  	s1 =	simm.s32 $0x8390  }
0xfd: {  	[tilespmem:s1+$0x0] =	vst.add.f32.msk $0xffff, v0  }
0xfe: {  	v0 =	vld [tilespmem:$0x85A0];
	_ =	sdelay $0x3  }
0xff: {  	s16 =	simm.s32 $0x83A0  }
0x100: {  	[tilespmem:s16+$0x0] =	vst.add.f32.msk $0xffff, v0  }
0x101: {  	v0 =	vld [tilespmem:$0x85B0];
	_ =	sdelay $0x3  }
0x102: {  	s17 =	simm.s32 $0x83B0  }
0x103: {  	[tilespmem:s17+$0x0] =	vst.add.f32.msk $0xffff, v0  }
0x104: {  	v0 =	vld [tilespmem:$0x85C0];
	_ =	sdelay $0x3  }
0x105: {  	s18 =	simm.s32 $0x83C0  }
0x106: {  	[tilespmem:s18+$0x0] =	vst.add.f32.msk $0xffff, v0  }
0x107: {  	v0 =	vld [tilespmem:$0x85D0];
	_ =	sdelay $0x3  }
0x108: {  	s19 =	simm.s32 $0x83D0  }
0x109: {  	[tilespmem:s19+$0x0] =	vst.add.f32.msk $0xffff, v0  }
0x10a: {  	v0 =	vld [tilespmem:$0x85E0];
	_ =	sdelay $0x3  }
0x10b: {  	s1 =	simm.s32 $0x83E0  }
0x10c: {  	[tilespmem:s1+$0x0] =	vst.add.f32.msk $0xffff, v0  }
0x10d: {  	v0 =	vld [tilespmem:$0x85F0];
	_ =	sdelay $0x3  }
0x10e: {  	s16 =	simm.s32 $0x83F0  }
0x10f: {  	[tilespmem:s16+$0x0] =	vst.add.f32.msk $0xffff, v0  }
0x110: {  	v0 =	vld [tilespmem:$0x8600];
	_ =	sdelay $0x3  }
0x111: {  	s17 =	simm.s32 $0x8400  }
0x112: {  	s18 =	rddreg [dreg:$0x7];
	[tilespmem:s17+$0x0] =	vst.add.f32.msk $0xffff, v0  }
0x113: {  	[hbm4b:s18+s30] =	stream.strided.scatter [tilespmem:s13], [sflag:$0x3], $0x200, s21, s30, $0x38;
	[tilespmem:$0x8610] =	vst v63  }
0x114: {  	_ =	swait.ge [sflag:s20], $0x200  }
0x115: {  	s15 =	sadd.s32 $0x1, s15;
	s19 =	rddreg [dreg:$0x8]  }
0x116: {  	p0 =	sne.s32 s15, s19  }
.Ltmp4:
0x117: {  	_ = 	snop;
	(pc) =	sbr.rel @p0 .LBB2_1-.Ltmp4, $3  }
0x118: {  	_ =	sdelay $0x1  }
0x119: {  	[sflag:s20] =	ssyncset.done $0x0  }
0x11a: {  	[sflag:s20] =	ssyncadd.s32 $0xFFFFFE00  }
0x11b: {  	_ =	sfence.sel $0x180000  }
0x11c: {  	[bflag:$0x0] =	sbarrier.arrive $0xFFFF  }
0x11d: {  	_ =	strace $0x90000047  }
0x11e: {  	s0 =	stileid.u32;
	[bflag:$0x2] =	sbarrier.arrive $0xFFFF  }
0x11f: {  	p0 =	sne.s32 s0, $0x0;
	s0 =	rddreg [dreg:$0x1]  }
0x120: {  	s0 =	sadd.s32 @!p0 $0x100000, s0  }
0x121: {  	[sflag:s0] =	ssyncadd.tile.s32 @!p0 $0x1;
	_ =	shalt  }
.Lfunc_end2:
_tile_overlayer_lowered:
.L_overlay_start_2:
0x122: {  	(tag) =	ssettag $0x2  }
0x123: {  	s0 =	rddreg [dreg:$0x0];
	s2 =	stileid.u32  }
0x124: {  	s1 =	rddreg [dreg:$0x1];
	p0 =	sne.s32 s2, $0x0  }
0x125: {  	s3 =	rddreg [dreg:$0x2];
	[bflag:$0x3] =	sbarrier.arrive $0xFFFF;
	s2 =	simm.s32 @!p0 $0x1C03  }
0x126: {  	[timem:s3], [sflag:s2] =	dma.local @!p0 [hbm:s0], s1  }
0x127: {  	s0 =	simm.s32 @!p0 $0x3  }
0x128: {  	_ =	swait.ge @!p0 [sflag:s0], s1  }
0x129: {  	s1 =	ssub.s32 @!p0 $0x0, s1;
	[sflag:s0] =	ssyncset.done @!p0 $0x0  }
0x12a: {  	[sflag:s0] =	ssyncadd.s32 @!p0 s1  }
0x12b: {  	[bflag:$0x3] =	sbarrier.arrive $0xFFFF  }
0x12c: {  	_ =	shalt  }

// kernel: kernel.16.cloned.1.call-start
scs
__scs_entry_jumppad:
0x0: {  	(pc) =	sbr.rel $0x88, $3  }
0x1: {  	(tag) =	ssettag $0x0;
	lr =	simm.s32 $0x1  }
0x2: {  	[smem:$0x3F97] =	sst lr;
	_ =	strace $0xD0000000  }
0x3: {  	_ = 	snop  }
0x4: {  	_ = 	snop  }
0x5: {  	_ = 	snop  }
0x6: {  	_ = 	snop  }
0x7: {  	_ = 	snop  }
__scs_overlays_trampoline_lowered:
0x8: {  	[smem:$0x3FA6] =	sst s0  }
0x9: {  	[smem:$0x3FA7] =	sst s1  }
0xa: {  	[smem:$0x3FA8] =	sst s2  }
0xb: {  	[smem:$0x3FA9] =	sst s3  }
0xc: {  	[smem:$0x3FAA] =	sst s4  }
0xd: {  	[smem:$0x3FAB] =	sst s5  }
0xe: {  	[smem:$0x3FAC] =	sst s6  }
0xf: {  	[smem:$0x3FAD] =	sst s7  }
0x10: {  	[smem:$0x3FAE] =	sst s8  }
0x11: {  	[smem:$0x3FAF] =	sst s9;
	s0 =	simm.s32 @!p0 $0x0  }
0x12: {  	s1 =	sld [smem:$0x3F95];
	s0 =	simm.s32 @p0 $0x1  }
0x13: {  	[smem:$0x3FB0] =	sst s0;
	s0 =	simm.s32 @!p1 $0x0  }
0x14: {  	s2 =	sld [smem:$0x3F94];
	s0 =	simm.s32 @p1 $0x1  }
0x15: {  	[smem:$0x3FB1] =	sst s0;
	s0 =	simm.s32 @!p2 $0x0  }
0x16: {  	s3 =	sld [smem:$0x3FDB];
	s0 =	simm.s32 @p2 $0x1  }
0x17: {  	s4 =	simm.s32 $0x1BF5;
	[smem:$0x3FB3] =	sst s0  }
0x18: {  	s0 =	sld [smem:$0x3F96];
	_ =	swait.ge [sflag:s4], $0x0  }
0x19: {  	s7 =	sld [smem:$0x3F97]  }
0x1a: {  	s8 =	sadd.s32 $0xFFFFE003, lr  }
0x1b: {  	s9 =	sadd.s32 $0xFFFFFEF7, lr;
	s5 =	simm.s32 $0xFFFFFFFF;
	p2 =	slt.u32 s8, $0xFFFFF086  }
0x1c: {  	p1 =	slt.u32 s9, $0xF7A;
	s5 =	simm.s32 @!p2 $0x0  }
0x1d: {  	s5 =	simm.s32 @p1 $0x1;
	p0 =	seq.s32 s7, s2  }
0x1e: {  	s7 =	smul.u32 @!p0 $0xF7A, s2;
	p2 =	seq.s32 @!p0 s5, $0x0  }
0x1f: {  	s9 =	smul.u32 $0xF7A, s1;
	s8 =	simm.s32 @!p0 $0x1BF5;
	p2 =	por !p2, p0  }
0x20: {  	[sflag:s8] =	ssyncset.s32 @!p0 $0xFFFFF086;
	s6 =	sadd.s32 @!p0 s3, s7;
	s7 =	simm.s32 @!p0 $0x108  }
0x21: {  	s3 =	sadd.s32 s3, s9;
	s6 =	sadd.s32 @!p0 $0x88, s6;
	s7 =	simm.s32 @p2 $0x1082  }
0x22: {  	[simem:s7], [sflag:s8] =	dma.local @!p0 [hbm:s6], $0xF7A  }
0x23: {  	s9 =	sor.u32 $0xD0000000, s2;
	s6 =	simm.s32 $0x108;
	_ =	swait.ge @!p0 [sflag:s8], $0x0  }
0x24: {  	s3 =	sadd.s32 $0x88, s3;
	s6 =	simm.s32 @!p1 $0x1082;
	[sflag:s4] =	ssyncset.s32 $0xFFFFF086  }
0x25: {  	[simem:s6], [sflag:s4] =	dma.local [hbm:s3], $0xF7A  }
0x26: {  	[smem:$0x3F97] =	sst s1;
	(tag) =	ssettag s2;
	_ =	strace s9  }
0x27: {  	s1 =	sld [smem:$0x3FA7]  }
0x28: {  	s2 =	sld [smem:$0x3FA8]  }
0x29: {  	s4 =	sld [smem:$0x3FAA]  }
0x2a: {  	p0 =	seq.s32 s5, $0x0;
	s5 =	sld [smem:$0x3FAB]  }
0x2b: {  	s6 =	sld [smem:$0x3FAC]  }
0x2c: {  	s7 =	sld [smem:$0x3FAD]  }
0x2d: {  	s3 =	simm.s32 $0x108;
	s8 =	sld [smem:$0x3FAE]  }
0x2e: {  	s3 =	simm.s32 @!p0 $0x1082;
	s9 =	sld [smem:$0x3FAF]  }
0x2f: {  	lr =	sadd.s32 s0, s3;
	s0 =	sld [smem:$0x3FA6]  }
0x30: {  	s3 =	sld [smem:$0x3FA9]  }
0x31: {  	[smem:$0x3FB2] =	sst s10  }
0x32: {  	s10 =	sld [smem:$0x3FB0];
	_ =	sdelay $0x3  }
0x33: {  	p0 =	seq.s32 s10, $0x1;
	s10 =	sld [smem:$0x3FB2];
	_ =	sdelay $0x3  }
0x34: {  	[smem:$0x3FB2] =	sst s10  }
0x35: {  	s10 =	sld [smem:$0x3FB1];
	_ =	sdelay $0x3  }
0x36: {  	p1 =	seq.s32 s10, $0x1;
	s10 =	sld [smem:$0x3FB2];
	_ =	sdelay $0x3  }
0x37: {  	[smem:$0x3FB2] =	sst s10  }
0x38: {  	s10 =	sld [smem:$0x3FB3]  }
0x39: {  	_ = 	snop;
	(pc) =	sbr.ind lr, $3  }
0x3a: {  	_ = 	snop  }
0x3b: {  	_ = 	snop  }
0x3c: {  	p2 =	seq.s32 s10, $0x1;
	s10 =	sld [smem:$0x3FB2]  }
0x3d: {  	_ =	shalt  }
0x3e: {  	_ =	shalt  }
0x3f: {  	_ =	shalt  }
0x40: {  	_ =	shalt  }
0x41: {  	_ =	shalt  }
0x42: {  	_ =	shalt  }
0x43: {  	_ =	shalt  }
0x44: {  	_ =	shalt  }
0x45: {  	_ =	shalt  }
0x46: {  	_ =	shalt  }
0x47: {  	_ =	shalt  }
0x48: {  	_ =	shalt  }
0x49: {  	_ =	shalt  }
0x4a: {  	_ =	shalt  }
0x4b: {  	_ =	shalt  }
0x4c: {  	_ =	shalt  }
0x4d: {  	_ =	shalt  }
0x4e: {  	_ =	shalt  }
0x4f: {  	_ =	shalt  }
0x50: {  	_ =	shalt  }
0x51: {  	_ =	shalt  }
0x52: {  	_ =	shalt  }
0x53: {  	_ =	shalt  }
0x54: {  	_ =	shalt  }
0x55: {  	_ =	shalt  }
0x56: {  	_ =	shalt  }
0x57: {  	_ =	shalt  }
0x58: {  	_ =	shalt  }
0x59: {  	_ =	shalt  }
0x5a: {  	_ =	shalt  }
0x5b: {  	_ =	shalt  }
0x5c: {  	_ =	shalt  }
0x5d: {  	_ =	shalt  }
0x5e: {  	_ =	shalt  }
0x5f: {  	_ =	shalt  }
0x60: {  	_ =	shalt  }
0x61: {  	_ =	shalt  }
0x62: {  	_ =	shalt  }
0x63: {  	_ =	shalt  }
0x64: {  	_ =	shalt  }
0x65: {  	_ =	shalt  }
0x66: {  	_ =	shalt  }
0x67: {  	_ =	shalt  }
0x68: {  	_ =	shalt  }
0x69: {  	_ =	shalt  }
0x6a: {  	_ =	shalt  }
0x6b: {  	_ =	shalt  }
0x6c: {  	_ =	shalt  }
0x6d: {  	_ =	shalt  }
0x6e: {  	_ =	shalt  }
0x6f: {  	_ =	shalt  }
0x70: {  	_ =	shalt  }
0x71: {  	_ =	shalt  }
0x72: {  	_ =	shalt  }
0x73: {  	_ =	shalt  }
0x74: {  	_ =	shalt  }
0x75: {  	_ =	shalt  }
0x76: {  	_ =	shalt  }
0x77: {  	_ =	shalt  }
0x78: {  	_ =	shalt  }
0x79: {  	_ =	shalt  }
0x7a: {  	_ =	shalt  }
0x7b: {  	_ =	shalt  }
0x7c: {  	_ =	shalt  }
0x7d: {  	_ =	shalt  }
0x7e: {  	_ =	shalt  }
0x7f: {  	_ =	shalt  }
0x80: {  	_ =	shalt  }
0x81: {  	_ =	shalt  }
0x82: {  	_ =	shalt  }
0x83: {  	_ =	shalt  }
0x84: {  	_ =	shalt  }
0x85: {  	_ =	shalt  }
0x86: {  	_ =	shalt  }
0x87: {  	_ =	shalt  }
.Lfunc_end0:
.L_simem_size_0:
called_computation.1_lowered:
.L_overlay_start_0:
0x88: {  	s2 =	sld [smem:$0x3FD9]  }
0x89: {  	s3 =	sld [smem:$0x3FFE];
	_ =	sdelay $0x1  }
0x8a: {  	s1 =	srdreg.scid  }
0x8b: {  	s0 =	sand.u32 $0x1, s1  }
0x8c: {  	s17 =	sshll.u32 s0, $0xA;
	s2 =	sadd.s32 s3, s2  }
0x8d: {  	s2 =	sadd.s32 s2, s17  }
0x8e: {  	[smem:$0x3FBE] =	sst s2  }
0x8f: {  	_ = 	snop  }
0x90: {  	(tm) =	ssettm $0x1  }
0x91: {  	s18 =	sld [smem:$0x3FFB];
	_ =	sdelay $0x3  }
0x92: {  	_ =	strace s18  }
0x93: {  	s2 =	sld [smem:$0x3FFC];
	_ =	sdelay $0x3  }
0x94: {  	_ =	strace s2  }
0x95: {  	s2 =	sld [smem:$0x3FFD];
	_ =	sdelay $0x3  }
0x96: {  	_ =	strace s2  }
0x97: {  	_ =	strace $0x8FFFFFFF  }
0x98: {  	s19 =	sld [smem:$0x3FDB];
	_ =	sdelay $0x1  }
0x99: {  	s20 =	simm.s32 $_scs_section_size  }
0x9a: {  	s4 =	simm.s32 $_size__tile_overlayer_lowered;
	s5 =	simm.s32 $_tile_overlayer_lowered  }
0x9b: {  	s6 =	simm.s32 $0x1BFF;
	s21 =	sshll.u32 s5, $0x1;
	s3 =	sadd.s32 s20, s19  }
0x9c: {  	s22 =	simm.s32 $0x0;
	s4 =	sshll.u32 s4, $0x1;
	s5 =	sadd.s32 s21, s3  }
0x9d: {  	[timem:s22], [sflag:s6] =	dma.local [hbm:s5], s4  }
0x9e: {  	_ =	swait.ge [sflag:s6], s4  }
0x9f: {  	s4 =	ssub.s32 $0x0, s4;
	[sflag:s6] =	ssyncset.done $0x0  }
0xa0: {  	[sflag:s6] =	ssyncadd.s32 s4;
	_ =	sdelay $0x1  }
0xa1: {  	s23 =	simm.s32 $0x1B8B  }
0xa2: {  	_ =	swait.ge [sflag:s23], $0x1  }
0xa3: {  	[sflag:s23] =	ssyncset.done $0x0  }
0xa4: {  	[sflag:s23] =	ssyncadd.s32 $0xFFFFFFFF  }
0xa5: {  	s4 =	sld [smem:$0x0]  }
0xa6: {  	s5 =	sand.u32 $0xFFFFFFFE, s1  }
0xa7: {  	p0 =	sne.s32 s1, s5  }
0xa8: {  	s5 =	sshll.u32 @p0 s5, $0xE  }
0xa9: {  	s5 =	sadd.s32 @p0 $0x11B8D, s5;
	s6 =	sshll.u32 @p0 s4, $0x11  }
0xaa: {  	s5 =	sor.u32 @p0 s6, s5  }
0xab: {  	[sflag:s5] =	ssyncadd.remote.s32 @p0 $0x1;
	_ =	sdelay $0x1  }
0xac: {  	s5 =	simm.s32 @p0 $0x1B8D  }
0xad: {  	_ =	swait.eq @p0 [sflag:s5], $0x1  }
0xae: {  	[sflag:s5] =	ssyncadd.s32 @p0 $0xFFFFFFFF  }
0xaf: {  	s6 =	sshll.u32 @!p0 s1, $0xE  }
0xb0: {  	s6 =	sor.u32 @!p0 $0x4000, s6;
	s5 =	simm.s32 @!p0 $0x1B8D  }
0xb1: {  	s4 =	sshll.u32 @!p0 s4, $0x11;
	s6 =	sadd.s32 @!p0 $0x11B8D, s6;
	_ =	swait.eq @!p0 [sflag:s5], $0x1  }
0xb2: {  	s4 =	sor.u32 @!p0 s4, s6;
	[sflag:s5] =	ssyncadd.s32 @!p0 $0xFFFFFFFF  }
0xb3: {  	s25 =	simm.s32 $0x1B8E;
	s24 =	sld [smem:$0x3FFE];
	[sflag:s4] =	ssyncadd.remote.s32 @!p0 $0x1  }
0xb4: {  	s26 =	simm.s32 $execute0_lowered;
	[smem:$0x3FD2] =	sst s25  }
0xb5: {  	s5 =	sshll.u32 s26, $0x1;
	_ =	strace $0x80000049;
	[dreg:$0x1] =	wrdreg $0xFFFFFFFF  }
0xb6: {  	s28 =	simm.s32 $_size_execute0_lowered;
	s3 =	sadd.s32 s3, s5;
	[dreg:$0x0] =	wrdreg $0x0  }
0xb7: {  	s5 =	sshll.u32 s28, $0x1;
	[dreg:$0x2] =	wrdreg s3  }
0xb8: {  	[dreg:$0x3] =	wrdreg s5  }
0xb9: {  	[dreg:$0x4] =	wrdreg $0xC0  }
0xba: {  	_ =	task [dreg:s22], $0x5FFFF  }
0xbb: {  	[dreg:$0x1] =	wrdreg $0xFFFFFFFF  }
0xbc: {  	[dreg:$0x0] =	wrdreg $0x60  }
0xbd: {  	[dreg:$0x2] =	wrdreg s24  }
0xbe: {  	[dreg:$0x3] =	wrdreg $0xA  }
0xbf: {  	_ =	task.clear_ibuf [dreg:s22], $0x4FFFF;
	_ =	strace $0x90000049  }
0xc0: {  	s29 =	simm.s32 $0xA;
	_ =	strace $0x8000004B  }
0xc1: {  	_ =	swait.ge [sflag:s29], $0x1  }
0xc2: {  	[sflag:s29] =	ssyncadd.s32 $0xFFFFFFFF  }
0xc3: {  	_ =	strace $0x9000004B  }
0xc4: {  	_ =	sfence  }
0xc5: {  	s30 =	sld [smem:$0x0];
	_ =	sdelay $0x2  }
0xc6: {  	s31 =	sshll.u32 s1, $0xD;
	s1 =	sshrl.u32 s1, $0x2  }
0xc7: {  	s4 =	sand.u32 $0x4000, s31;
	s1 =	sadd.s32 s1, s30  }
0xc8: {  	s0 =	sor.u32 s4, s0;
	s1 =	sshll.u32 s1, $0x11  }
0xc9: {  	s0 =	sor.u32 s1, s0  }
0xca: {  	s0 =	sadd.s32 $0x8F2B, s0  }
0xcb: {  	[sflag:s0] =	ssyncadd.remote.s32 $0x1  }
0xcc: {  	_ =	sfence.sel $0xFFFF  }
0xcd: {  	[dreg:$0x0] =	wrdreg $0xFFFFFFFF;
	(pc) =	sbr.abs _section_cstart, $3  }
0xce: {  	[dreg:$0x1] =	wrdreg $0xFFFFFFFF  }
0xcf: {  	_ =	task.clear_ibuf [dreg:s22], $0x2FFFF;
	_ =	strace $0x9FFFFFFF  }
0xd0: {  	(tm) =	ssettm $0x7FFFFFFF  }
0xd1: {  	_ =	shalt  }
tec
execute0_lowered:
.L_overlay_start_1:
0x0: {  	(tag) =	ssettag $0x1  }
0x1: {  	s0 =	rddreg [dreg:$0x0];
	s2 =	simm.s32 $0x0  }
0x2: {  	s1 =	srdreg.scid;
	s6 =	stileid.u32;
	s28 =	simm.s32 $0x6200  }
0x3: {  	s29 =	simm.s32 $0x1;
	s30 =	simm.s32 $0x40;
	s31 =	simm.s32 $0x2  }
0x4: {  	s15 =	simm.s32 $0x0;
	[smem:$0x7FF] =	sst s2;
	s1 =	sand.u32 $0x1, s1  }
0x5: {  	s5 =	sshll.u32 s6, $0x1;
	s3 =	sadd.s32 $0x6DC00, s0;
	s4 =	sadd.s32 $0xC000, s0  }
0x6: {  	s10 =	sshrl.u32 s6, $0x3;
	s6 =	sadd.s32 $0x20D000, s0;
	s8 =	sadd.s32 $0x208000, s0  }
0x7: {  	s5 =	sor.u32 s1, s5;
	s1 =	ssub.s32 $0x2, s1;
	s7 =	smul.u32 $0x13880, s10  }
0x8: {  	s9 =	sadd.s32 $0x230000, s0;
	s5 =	smul.u32 $0x1388, s5;
	s11 =	sshrl.u32 s1, $0x1  }
0x9: {  	_ =	strace $0x8000004A;
	s10 =	sshll.u32 s10, $0x6;
	s19 =	ssub.s32 s1, s11  }
0xa: {  	s20 =	sshrl.u32 s5, $0x3;
	s11 =	ssub.s32 s5, s7;
	s13 =	sadd.s32 $0x1380, s5  }
0xb: {  	s14 =	sadd.s32 $0x100, s5;
	s0 =	smax.u32 s19, $0x1;
	s12 =	sadd.s32 s6, s20  }
0xc: {  	s21 =	sshll.u32 s11, $0x7;
	s1 =	sadd.s32 s8, s20;
	[dreg:$0x8] =	wrdreg s0  }
0xd: {  	s23 =	ssub.s32 s13, s7;
	s13 =	sshrl.u32 s13, $0x3;
	[dreg:$0x2] =	wrdreg s12  }
0xe: {  	s20 =	simm.s32 $0x3;
	[dreg:$0x3] =	wrdreg s1;
	s22 =	sor.u32 s10, s21  }
0xf: {  	s12 =	sshll.u32 s23, $0x7;
	s24 =	sadd.s32 s6, s13;
	s26 =	sadd.s32 s8, s13  }
0x10: {  	s21 =	simm.s32 $0x80;
	s23 =	simm.s32 $0x2100;
	s13 =	simm.s32 $0x8210  }
0x11: {  	s1 =	sadd.s32 $0x98000, s22;
	s12 =	sor.u32 s10, s12;
	[dreg:$0x5] =	wrdreg s24  }
0x12: {  	[dreg:$0x6] =	wrdreg s26;
	s22 =	simm.s32 $0x100;
	s1 =	sshrl.u32 s1, $0x3  }
0x13: {  	s24 =	simm.s32 $0x4100;
	s25 =	sshrl.u32 s12, $0x3;
	s1 =	sadd.s32 s9, s1  }
0x14: {  	s26 =	simm.s32 $0x4200;
	[dreg:$0x4] =	wrdreg s1;
	s1 =	sadd.s32 s9, s25  }
0x15: {  	s12 =	simm.s32 $0x8;
	s25 =	simm.s32 $0x4180;
	[dreg:$0x7] =	wrdreg s1  }
.LBB2_1:
0x16: {  	s0 =	rddreg [dreg:$0x2]  }
0x17: {  	[tilespmem:s2], [sflag:$0x3] =	stream.linear.gather [hbm4b:s0+s2], $0x80, $0x38;
	[tilespmem:$0x8610] =	vst v63  }
0x18: {  	_ =	swait.ge [sflag:s20], $0x80  }
0x19: {  	[sflag:s20] =	ssyncset.done $0x0  }
0x1a: {  	s19 =	rddreg [dreg:$0x3];
	[sflag:s20] =	ssyncadd.s32 $0xFFFFFF80  }
0x1b: {  	[tilespmem:s21], [sflag:$0x3] =	stream.linear.gather [hbm4b:s19+s2], $0x80, $0x38;
	[tilespmem:$0x8610] =	vst v63  }
0x1c: {  	_ =	swait.ge [sflag:s20], $0x80  }
0x1d: {  	[sflag:s20] =	ssyncset.done $0x0  }
0x1e: {  	[sflag:s20] =	ssyncadd.s32 $0xFFFFFF80  }
0x1f: {  	[tilespmem:s22], [sflag:$0x1] =	stream.indirect.gather [hbm4b:s3+s21], $0x40, s2, s21, $0xb8;
	[tilespmem:$0x8610] =	vst v63  }
0x20: {  	s16 =	simm.s32 $0x0  }
0x21: {  	[tilespmem:s23], [sflag:$0x1] =	stream.indirect.gather [hbm4b:s4+s21], $0x40, s21, s21, $0xb8;
	[tilespmem:$0x8610] =	vst v63  }
.LBB2_2:
0x22: {  	s18 =	sshll.u32 s16, $0x8  }
0x23: {  	s0 =	sadd.s32 s18, s5  }
0x24: {  	s17 =	sadd.s32 $0x80, s0  }
0x25: {  	s0 =	sshrl.u32 s17, $0x3  }
0x26: {  	s19 =	simm.s32 $0x0;
	s1 =	sadd.s32 s6, s0  }
0x27: {  	[tilespmem:s24], [sflag:$0x3] =	stream.linear.gather [hbm4b:s1+s19], $0x80, $0x38;
	[tilespmem:$0x8610] =	vst v63  }
0x28: {  	_ =	swait.ge [sflag:s20], $0x80  }
0x29: {  	[sflag:s20] =	ssyncset.done $0x0  }
0x2a: {  	s0 =	sadd.s32 s8, s0;
	[sflag:s20] =	ssyncadd.s32 $0xFFFFFF80  }
0x2b: {  	[tilespmem:s25], [sflag:$0x3] =	stream.linear.gather [hbm4b:s0+s19], $0x80, $0x38;
	[tilespmem:$0x8610] =	vst v63  }
0x2c: {  	_ =	swait.ge [sflag:s20], $0x80  }
0x2d: {  	[sflag:s20] =	ssyncset.done $0x0  }
0x2e: {  	[sflag:s20] =	ssyncadd.s32 $0xFFFFFF80  }
0x2f: {  	[tilespmem:s26], [sflag:$0x2] =	stream.indirect.gather [hbm4b:s3+s21], $0x40, s24, s21, $0xb8;
	[tilespmem:$0x8610] =	vst v63  }
0x30: {  	_ = 	snop  }
0x31: {  	[tilespmem:s28], [sflag:$0x2] =	stream.indirect.gather [hbm4b:s4+s21], $0x40, s25, s21, $0xb8;
	[tilespmem:$0x8610] =	vst v63  }
0x32: {  	_ =	swait.ge [sflag:s29], $0x2000  }
0x33: {  	[sflag:s29] =	ssyncset.done $0x0  }
0x34: {  	[sflag:s29] =	ssyncadd.s32 $0xFFFFE000  }
0x35: {  	_ =	swait.ge [sflag:s29], $0x2000  }
0x36: {  	[sflag:s29] =	ssyncset.done $0x0  }
0x37: {  	s19 =	simm.s32 $0x0;
	[sflag:s29] =	ssyncadd.s32 $0xFFFFE000  }
0x38: {  	v1 =	vld [tilespmem:s19+$0x2130]  }
0x39: {  	v2 =	vld [tilespmem:s19+$0x2100]  }
0x3a: {  	v3 =	vld [tilespmem:s19+$0x2110]  }
0x3b: {  	v0 =	vld [tilespmem:s19+$0x2120];
	_ =	sdelay $0x1  }
0x3c: {  	[tilespmem:s19+$0x130] =	vst.add.f32.msk $0xffff, v1  }
0x3d: {  	[tilespmem:s19+$0x100] =	vst.add.f32.msk $0xffff, v2  }
0x3e: {  	s1 =	simm.s32 $0x200;
	s0 =	simm.s32 $0x40;
	[tilespmem:s19+$0x110] =	vst.add.f32.msk $0xffff, v3  }
.LBB2_3:
0x3f: {  	p0 =	sne.s32 s1, $0x7F00;
	v1 =	vld [tilespmem:s0+$0x2130];
	v2 =	vmov v0  }
0x40: {  	v3 =	vld [tilespmem:s0+$0x2100]  }
0x41: {  	v4 =	vld [tilespmem:s0+$0x2110]  }
.Ltmp0:
0x42: {  	v0 =	vld [tilespmem:s0+$0x2120];
	(pc) =	sbr.rel @p0 .LBB2_3-.Ltmp0, $4  }
0x43: {  	[tilespmem:s19+$0x120] =	vst.add.f32.msk $0xffff, v2;
	s19 =	smov.u32 s0  }
0x44: {  	[tilespmem:s19+$0x130] =	vst.add.f32.msk $0xffff, v1  }
0x45: {  	[tilespmem:s19+$0x100] =	vst.add.f32.msk $0xffff, v3  }
0x46: {  	s0 =	sshra.s32 s1, $0x2;
	s1 =	sadd.s32 $0x100, s1;
	[tilespmem:s19+$0x110] =	vst.add.f32.msk $0xffff, v4  }
0x47: {  	v1 =	vld [tilespmem:s0+$0x2130]  }
0x48: {  	v2 =	vld [tilespmem:s0+$0x2100]  }
0x49: {  	v3 =	vld [tilespmem:s0+$0x2110]  }
0x4a: {  	v4 =	vld [tilespmem:s0+$0x2120]  }
0x4b: {  	[tilespmem:s19+$0x120] =	vst.add.f32.msk $0xffff, v0;
	s1 =	sadd.s32 s18, s11  }
0x4c: {  	s1 =	sshll.u32 s1, $0x7;
	[tilespmem:s0+$0x130] =	vst.add.f32.msk $0xffff, v1  }
0x4d: {  	s1 =	sor.u32 s10, s1;
	[tilespmem:s0+$0x100] =	vst.add.f32.msk $0xffff, v2  }
0x4e: {  	s1 =	sshrl.u32 s1, $0x3;
	[tilespmem:s0+$0x110] =	vst.add.f32.msk $0xffff, v3  }
0x4f: {  	s19 =	sadd.s32 s9, s1;
	[tilespmem:s0+$0x120] =	vst.add.f32.msk $0xffff, v4  }
0x50: {  	[hbm4b:s19+s30] =	stream.strided.scatter [tilespmem:s22], [sflag:$0x3], $0x2000, s21, s30, $0x38;
	[tilespmem:$0x8610] =	vst v63  }
0x51: {  	s1 =	sadd.s32 s18, s14;
	_ =	swait.ge [sflag:s20], $0x2000  }
0x52: {  	s0 =	sshrl.u32 s1, $0x3;
	[sflag:s20] =	ssyncset.done $0x0  }
0x53: {  	s18 =	sadd.s32 s6, s0;
	s19 =	simm.s32 $0x0;
	[sflag:s20] =	ssyncadd.s32 $0xFFFFE000  }
0x54: {  	[tilespmem:s19], [sflag:$0x3] =	stream.linear.gather [hbm4b:s18+s19], $0x80, $0x38;
	[tilespmem:$0x8610] =	vst v63  }
0x55: {  	_ =	swait.ge [sflag:s20], $0x80  }
0x56: {  	[sflag:s20] =	ssyncset.done $0x0  }
0x57: {  	s0 =	sadd.s32 s8, s0;
	[sflag:s20] =	ssyncadd.s32 $0xFFFFFF80  }
0x58: {  	[tilespmem:s21], [sflag:$0x3] =	stream.linear.gather [hbm4b:s0+s19], $0x80, $0x38;
	[tilespmem:$0x8610] =	vst v63  }
0x59: {  	_ =	swait.ge [sflag:s20], $0x80  }
0x5a: {  	[sflag:s20] =	ssyncset.done $0x0  }
0x5b: {  	[sflag:s20] =	ssyncadd.s32 $0xFFFFFF80  }
0x5c: {  	[tilespmem:s22], [sflag:$0x1] =	stream.indirect.gather [hbm4b:s3+s21], $0x40, s19, s21, $0xb8;
	[tilespmem:$0x8610] =	vst v63  }
0x5d: {  	_ = 	snop  }
0x5e: {  	[tilespmem:s23], [sflag:$0x1] =	stream.indirect.gather [hbm4b:s4+s21], $0x40, s21, s21, $0xb8;
	[tilespmem:$0x8610] =	vst v63  }
0x5f: {  	_ =	swait.ge [sflag:s31], $0x2000  }
0x60: {  	[sflag:s31] =	ssyncset.done $0x0  }
0x61: {  	[sflag:s31] =	ssyncadd.s32 $0xFFFFE000  }
0x62: {  	_ =	swait.ge [sflag:s31], $0x2000  }
0x63: {  	[sflag:s31] =	ssyncset.done $0x0  }
0x64: {  	s18 =	simm.s32 $0x0;
	[sflag:s31] =	ssyncadd.s32 $0xFFFFE000  }
0x65: {  	v1 =	vld [tilespmem:s18+$0x6230]  }
0x66: {  	v2 =	vld [tilespmem:s18+$0x6200]  }
0x67: {  	v3 =	vld [tilespmem:s18+$0x6210]  }
0x68: {  	v0 =	vld [tilespmem:s18+$0x6220];
	_ =	sdelay $0x1  }
0x69: {  	[tilespmem:s18+$0x4230] =	vst.add.f32.msk $0xffff, v1  }
0x6a: {  	[tilespmem:s18+$0x4200] =	vst.add.f32.msk $0xffff, v2  }
0x6b: {  	s1 =	simm.s32 $0x200;
	s0 =	simm.s32 $0x40;
	[tilespmem:s18+$0x4210] =	vst.add.f32.msk $0xffff, v3  }
.LBB2_5:
0x6c: {  	p0 =	sne.s32 s1, $0x7F00;
	v1 =	vld [tilespmem:s0+$0x6230];
	v2 =	vmov v0  }
0x6d: {  	v3 =	vld [tilespmem:s0+$0x6200]  }
0x6e: {  	v4 =	vld [tilespmem:s0+$0x6210]  }
.Ltmp1:
0x6f: {  	v0 =	vld [tilespmem:s0+$0x6220];
	(pc) =	sbr.rel @p0 .LBB2_5-.Ltmp1, $4  }
0x70: {  	[tilespmem:s18+$0x4220] =	vst.add.f32.msk $0xffff, v2;
	s18 =	smov.u32 s0  }
0x71: {  	[tilespmem:s18+$0x4230] =	vst.add.f32.msk $0xffff, v1  }
0x72: {  	[tilespmem:s18+$0x4200] =	vst.add.f32.msk $0xffff, v3  }
0x73: {  	s0 =	sshra.s32 s1, $0x2;
	s1 =	sadd.s32 $0x100, s1;
	[tilespmem:s18+$0x4210] =	vst.add.f32.msk $0xffff, v4  }
0x74: {  	v1 =	vld [tilespmem:s0+$0x6230]  }
0x75: {  	v2 =	vld [tilespmem:s0+$0x6200]  }
0x76: {  	v3 =	vld [tilespmem:s0+$0x6210]  }
0x77: {  	v4 =	vld [tilespmem:s0+$0x6220]  }
0x78: {  	[tilespmem:s18+$0x4220] =	vst.add.f32.msk $0xffff, v0;
	s1 =	ssub.s32 s17, s7  }
0x79: {  	s1 =	sshll.u32 s1, $0x7;
	[tilespmem:s0+$0x4230] =	vst.add.f32.msk $0xffff, v1  }
0x7a: {  	s16 =	sadd.s32 $0x1, s16;
	s1 =	sor.u32 s10, s1;
	[tilespmem:s0+$0x4200] =	vst.add.f32.msk $0xffff, v2  }
0x7b: {  	p0 =	sne.s32 s16, $0x13;
	s1 =	sshrl.u32 s1, $0x3;
	[tilespmem:s0+$0x4210] =	vst.add.f32.msk $0xffff, v3  }
.Ltmp2:
0x7c: {  	s19 =	sadd.s32 s9, s1;
	[tilespmem:s0+$0x4220] =	vst.add.f32.msk $0xffff, v4;
	(pc) =	sbr.rel @p0 .LBB2_2-.Ltmp2, $4  }
0x7d: {  	[hbm4b:s19+s30] =	stream.strided.scatter [tilespmem:s26], [sflag:$0x3], $0x2000, s21, s30, $0x38;
	[tilespmem:$0x8610] =	vst v63  }
0x7e: {  	_ =	swait.ge [sflag:s20], $0x2000  }
0x7f: {  	[sflag:s20] =	ssyncset.done $0x0  }
0x80: {  	[sflag:s20] =	ssyncadd.s32 $0xFFFFE000  }
0x81: {  	_ =	swait.ge [sflag:s29], $0x2000  }
0x82: {  	[sflag:s29] =	ssyncset.done $0x0  }
0x83: {  	[sflag:s29] =	ssyncadd.s32 $0xFFFFE000  }
0x84: {  	_ =	swait.ge [sflag:s29], $0x2000  }
0x85: {  	[sflag:s29] =	ssyncset.done $0x0  }
0x86: {  	s16 =	simm.s32 $0x0;
	[sflag:s29] =	ssyncadd.s32 $0xFFFFE000  }
0x87: {  	v1 =	vld [tilespmem:s16+$0x2130]  }
0x88: {  	v2 =	vld [tilespmem:s16+$0x2100]  }
0x89: {  	v3 =	vld [tilespmem:s16+$0x2110]  }
0x8a: {  	v0 =	vld [tilespmem:s16+$0x2120];
	_ =	sdelay $0x1  }
0x8b: {  	[tilespmem:s16+$0x130] =	vst.add.f32.msk $0xffff, v1  }
0x8c: {  	[tilespmem:s16+$0x100] =	vst.add.f32.msk $0xffff, v2  }
0x8d: {  	s0 =	simm.s32 $0x40;
	s1 =	simm.s32 $0x200;
	[tilespmem:s16+$0x110] =	vst.add.f32.msk $0xffff, v3  }
.LBB2_8:
0x8e: {  	p0 =	sne.s32 s1, $0x7F00;
	v1 =	vld [tilespmem:s0+$0x2130];
	v2 =	vmov v0  }
0x8f: {  	v3 =	vld [tilespmem:s0+$0x2100]  }
0x90: {  	v4 =	vld [tilespmem:s0+$0x2110]  }
.Ltmp3:
0x91: {  	v0 =	vld [tilespmem:s0+$0x2120];
	(pc) =	sbr.rel @p0 .LBB2_8-.Ltmp3, $4  }
0x92: {  	[tilespmem:s16+$0x120] =	vst.add.f32.msk $0xffff, v2;
	s16 =	smov.u32 s0  }
0x93: {  	[tilespmem:s16+$0x130] =	vst.add.f32.msk $0xffff, v1  }
0x94: {  	[tilespmem:s16+$0x100] =	vst.add.f32.msk $0xffff, v3  }
0x95: {  	s0 =	sshra.s32 s1, $0x2;
	s1 =	sadd.s32 $0x100, s1;
	[tilespmem:s16+$0x110] =	vst.add.f32.msk $0xffff, v4  }
0x96: {  	v1 =	vld [tilespmem:s0+$0x2130]  }
0x97: {  	v2 =	vld [tilespmem:s0+$0x2100]  }
0x98: {  	v3 =	vld [tilespmem:s0+$0x2110]  }
0x99: {  	v4 =	vld [tilespmem:s0+$0x2120]  }
0x9a: {  	[tilespmem:s16+$0x120] =	vst.add.f32.msk $0xffff, v0  }
0x9b: {  	[tilespmem:s0+$0x130] =	vst.add.f32.msk $0xffff, v1  }
0x9c: {  	[tilespmem:s0+$0x100] =	vst.add.f32.msk $0xffff, v2  }
0x9d: {  	[tilespmem:s0+$0x110] =	vst.add.f32.msk $0xffff, v3  }
0x9e: {  	s16 =	rddreg [dreg:$0x4];
	[tilespmem:s0+$0x120] =	vst.add.f32.msk $0xffff, v4  }
0x9f: {  	[hbm4b:s16+s30] =	stream.strided.scatter [tilespmem:s22], [sflag:$0x3], $0x2000, s21, s30, $0x38;
	[tilespmem:$0x8610] =	vst v63  }
0xa0: {  	_ =	swait.ge [sflag:s20], $0x2000  }
0xa1: {  	[sflag:s20] =	ssyncset.done $0x0  }
0xa2: {  	s1 =	simm.s32 $0x8200;
	s17 =	rddreg [dreg:$0x5];
	[sflag:s20] =	ssyncadd.s32 $0xFFFFE000  }
0xa3: {  	[tilespmem:s1], [sflag:$0x3] =	stream.linear.gather [hbm4b:s17+s2], $0x8, $0x38;
	[tilespmem:$0x8610] =	vst v63  }
0xa4: {  	_ =	swait.ge [sflag:s20], $0x8  }
0xa5: {  	[sflag:s20] =	ssyncset.done $0x0  }
0xa6: {  	s19 =	simm.s32 $0x8208;
	s18 =	rddreg [dreg:$0x6];
	[sflag:s20] =	ssyncadd.s32 $0xFFFFFFF8  }
0xa7: {  	[tilespmem:s19], [sflag:$0x3] =	stream.linear.gather [hbm4b:s18+s2], $0x8, $0x38;
	[tilespmem:$0x8610] =	vst v63  }
0xa8: {  	_ =	swait.ge [sflag:s20], $0x8  }
0xa9: {  	[sflag:s20] =	ssyncset.done $0x0  }
0xaa: {  	[sflag:s20] =	ssyncadd.s32 $0xFFFFFFF8  }
0xab: {  	[tilespmem:s13], [sflag:$0x2] =	stream.indirect.gather [hbm4b:s3+s12], $0x40, s1, s12, $0xb8;
	[tilespmem:$0x8610] =	vst v63  }
0xac: {  	s1 =	simm.s32 $0x8410  }
0xad: {  	[tilespmem:s1], [sflag:$0x2] =	stream.indirect.gather [hbm4b:s4+s12], $0x40, s19, s12, $0xb8;
	[tilespmem:$0x8610] =	vst v63  }
0xae: {  	_ =	swait.ge [sflag:s31], $0x200  }
0xaf: {  	[sflag:s31] =	ssyncset.done $0x0  }
0xb0: {  	[sflag:s31] =	ssyncadd.s32 $0xFFFFFE00  }
0xb1: {  	_ =	swait.ge [sflag:s31], $0x200  }
0xb2: {  	[sflag:s31] =	ssyncset.done $0x0  }
0xb3: {  	[sflag:s31] =	ssyncadd.s32 $0xFFFFFE00  }
0xb4: {  	v63 =	vld [tilespmem:$0x8410];
	_ =	sdelay $0x4  }
0xb5: {  	[tilespmem:s13+$0x0] =	vst.add.f32.msk $0xffff, v63  }
0xb6: {  	v0 =	vld [tilespmem:$0x8420];
	_ =	sdelay $0x3  }
0xb7: {  	s17 =	simm.s32 $0x8220  }
0xb8: {  	[tilespmem:s17+$0x0] =	vst.add.f32.msk $0xffff, v0  }
0xb9: {  	v0 =	vld [tilespmem:$0x8430];
	_ =	sdelay $0x3  }
0xba: {  	s18 =	simm.s32 $0x8230  }
0xbb: {  	[tilespmem:s18+$0x0] =	vst.add.f32.msk $0xffff, v0  }
0xbc: {  	v0 =	vld [tilespmem:$0x8440];
	_ =	sdelay $0x3  }
0xbd: {  	s19 =	simm.s32 $0x8240  }
0xbe: {  	[tilespmem:s19+$0x0] =	vst.add.f32.msk $0xffff, v0  }
0xbf: {  	v0 =	vld [tilespmem:$0x8450];
	_ =	sdelay $0x3  }
0xc0: {  	s1 =	simm.s32 $0x8250  }
0xc1: {  	[tilespmem:s1+$0x0] =	vst.add.f32.msk $0xffff, v0  }
0xc2: {  	v0 =	vld [tilespmem:$0x8460];
	_ =	sdelay $0x3  }
0xc3: {  	s16 =	simm.s32 $0x8260  }
0xc4: {  	[tilespmem:s16+$0x0] =	vst.add.f32.msk $0xffff, v0  }
0xc5: {  	v0 =	vld [tilespmem:$0x8470];
	_ =	sdelay $0x3  }
0xc6: {  	s17 =	simm.s32 $0x8270  }
0xc7: {  	[tilespmem:s17+$0x0] =	vst.add.f32.msk $0xffff, v0  }
0xc8: {  	v0 =	vld [tilespmem:$0x8480];
	_ =	sdelay $0x3  }
0xc9: {  	s18 =	simm.s32 $0x8280  }
0xca: {  	[tilespmem:s18+$0x0] =	vst.add.f32.msk $0xffff, v0  }
0xcb: {  	v0 =	vld [tilespmem:$0x8490];
	_ =	sdelay $0x3  }
0xcc: {  	s19 =	simm.s32 $0x8290  }
0xcd: {  	[tilespmem:s19+$0x0] =	vst.add.f32.msk $0xffff, v0  }
0xce: {  	v0 =	vld [tilespmem:$0x84A0];
	_ =	sdelay $0x3  }
0xcf: {  	s1 =	simm.s32 $0x82A0  }
0xd0: {  	[tilespmem:s1+$0x0] =	vst.add.f32.msk $0xffff, v0  }
0xd1: {  	v0 =	vld [tilespmem:$0x84B0];
	_ =	sdelay $0x3  }
0xd2: {  	s16 =	simm.s32 $0x82B0  }
0xd3: {  	[tilespmem:s16+$0x0] =	vst.add.f32.msk $0xffff, v0  }
0xd4: {  	v0 =	vld [tilespmem:$0x84C0];
	_ =	sdelay $0x3  }
0xd5: {  	s17 =	simm.s32 $0x82C0  }
0xd6: {  	[tilespmem:s17+$0x0] =	vst.add.f32.msk $0xffff, v0  }
0xd7: {  	v0 =	vld [tilespmem:$0x84D0];
	_ =	sdelay $0x3  }
0xd8: {  	s18 =	simm.s32 $0x82D0  }
0xd9: {  	[tilespmem:s18+$0x0] =	vst.add.f32.msk $0xffff, v0  }
0xda: {  	v0 =	vld [tilespmem:$0x84E0];
	_ =	sdelay $0x3  }
0xdb: {  	s19 =	simm.s32 $0x82E0  }
0xdc: {  	[tilespmem:s19+$0x0] =	vst.add.f32.msk $0xffff, v0  }
0xdd: {  	v0 =	vld [tilespmem:$0x84F0];
	_ =	sdelay $0x3  }
0xde: {  	s1 =	simm.s32 $0x82F0  }
0xdf: {  	[tilespmem:s1+$0x0] =	vst.add.f32.msk $0xffff, v0  }
0xe0: {  	v0 =	vld [tilespmem:$0x8500];
	_ =	sdelay $0x3  }
0xe1: {  	s16 =	simm.s32 $0x8300  }
0xe2: {  	[tilespmem:s16+$0x0] =	vst.add.f32.msk $0xffff, v0  }
0xe3: {  	v0 =	vld [tilespmem:$0x8510];
	_ =	sdelay $0x3  }
0xe4: {  	s17 =	simm.s32 $0x8310  }
0xe5: {  	[tilespmem:s17+$0x0] =	vst.add.f32.msk $0xffff, v0  }
0xe6: {  	v0 =	vld [tilespmem:$0x8520];
	_ =	sdelay $0x3  }
0xe7: {  	s18 =	simm.s32 $0x8320  }
0xe8: {  	[tilespmem:s18+$0x0] =	vst.add.f32.msk $0xffff, v0  }
0xe9: {  	v0 =	vld [tilespmem:$0x8530];
	_ =	sdelay $0x3  }
0xea: {  	s19 =	simm.s32 $0x8330  }
0xeb: {  	[tilespmem:s19+$0x0] =	vst.add.f32.msk $0xffff, v0  }
0xec: {  	v0 =	vld [tilespmem:$0x8540];
	_ =	sdelay $0x3  }
0xed: {  	s1 =	simm.s32 $0x8340  }
0xee: {  	[tilespmem:s1+$0x0] =	vst.add.f32.msk $0xffff, v0  }
0xef: {  	v0 =	vld [tilespmem:$0x8550];
	_ =	sdelay $0x3  }
0xf0: {  	s16 =	simm.s32 $0x8350  }
0xf1: {  	[tilespmem:s16+$0x0] =	vst.add.f32.msk $0xffff, v0  }
0xf2: {  	v0 =	vld [tilespmem:$0x8560];
	_ =	sdelay $0x3  }
0xf3: {  	s17 =	simm.s32 $0x8360  }
0xf4: {  	[tilespmem:s17+$0x0] =	vst.add.f32.msk $0xffff, v0  }
0xf5: {  	v0 =	vld [tilespmem:$0x8570];
	_ =	sdelay $0x3  }
0xf6: {  	s18 =	simm.s32 $0x8370  }
0xf7: {  	[tilespmem:s18+$0x0] =	vst.add.f32.msk $0xffff, v0  }
0xf8: {  	v0 =	vld [tilespmem:$0x8580];
	_ =	sdelay $0x3  }
0xf9: {  	s19 =	simm.s32 $0x8380  }
0xfa: {  	[tilespmem:s19+$0x0] =	vst.add.f32.msk $0xffff, v0  }
0xfb: {  	v0 =	vld [tilespmem:$0x8590];
	_ =	sdelay $0x3  }
0xfc: {  	s1 =	simm.s32 $0x8390  }
0xfd: {  	[tilespmem:s1+$0x0] =	vst.add.f32.msk $0xffff, v0  }
0xfe: {  	v0 =	vld [tilespmem:$0x85A0];
	_ =	sdelay $0x3  }
0xff: {  	s16 =	simm.s32 $0x83A0  }
0x100: {  	[tilespmem:s16+$0x0] =	vst.add.f32.msk $0xffff, v0  }
0x101: {  	v0 =	vld [tilespmem:$0x85B0];
	_ =	sdelay $0x3  }
0x102: {  	s17 =	simm.s32 $0x83B0  }
0x103: {  	[tilespmem:s17+$0x0] =	vst.add.f32.msk $0xffff, v0  }
0x104: {  	v0 =	vld [tilespmem:$0x85C0];
	_ =	sdelay $0x3  }
0x105: {  	s18 =	simm.s32 $0x83C0  }
0x106: {  	[tilespmem:s18+$0x0] =	vst.add.f32.msk $0xffff, v0  }
0x107: {  	v0 =	vld [tilespmem:$0x85D0];
	_ =	sdelay $0x3  }
0x108: {  	s19 =	simm.s32 $0x83D0  }
0x109: {  	[tilespmem:s19+$0x0] =	vst.add.f32.msk $0xffff, v0  }
0x10a: {  	v0 =	vld [tilespmem:$0x85E0];
	_ =	sdelay $0x3  }
0x10b: {  	s1 =	simm.s32 $0x83E0  }
0x10c: {  	[tilespmem:s1+$0x0] =	vst.add.f32.msk $0xffff, v0  }
0x10d: {  	v0 =	vld [tilespmem:$0x85F0];
	_ =	sdelay $0x3  }
0x10e: {  	s16 =	simm.s32 $0x83F0  }
0x10f: {  	[tilespmem:s16+$0x0] =	vst.add.f32.msk $0xffff, v0  }
0x110: {  	v0 =	vld [tilespmem:$0x8600];
	_ =	sdelay $0x3  }
0x111: {  	s17 =	simm.s32 $0x8400  }
0x112: {  	s18 =	rddreg [dreg:$0x7];
	[tilespmem:s17+$0x0] =	vst.add.f32.msk $0xffff, v0  }
0x113: {  	[hbm4b:s18+s30] =	stream.strided.scatter [tilespmem:s13], [sflag:$0x3], $0x200, s21, s30, $0x38;
	[tilespmem:$0x8610] =	vst v63  }
0x114: {  	_ =	swait.ge [sflag:s20], $0x200  }
0x115: {  	s15 =	sadd.s32 $0x1, s15;
	s19 =	rddreg [dreg:$0x8]  }
0x116: {  	p0 =	sne.s32 s15, s19  }
.Ltmp4:
0x117: {  	_ = 	snop;
	(pc) =	sbr.rel @p0 .LBB2_1-.Ltmp4, $3  }
0x118: {  	_ =	sdelay $0x1  }
0x119: {  	[sflag:s20] =	ssyncset.done $0x0  }
0x11a: {  	[sflag:s20] =	ssyncadd.s32 $0xFFFFFE00  }
0x11b: {  	_ =	sfence.sel $0x180000  }
0x11c: {  	[bflag:$0x0] =	sbarrier.arrive $0xFFFF  }
0x11d: {  	_ =	strace $0x9000004A  }
0x11e: {  	s0 =	stileid.u32;
	[bflag:$0x2] =	sbarrier.arrive $0xFFFF  }
0x11f: {  	p0 =	sne.s32 s0, $0x0;
	s0 =	rddreg [dreg:$0x1]  }
0x120: {  	s0 =	sadd.s32 @!p0 $0x100000, s0  }
0x121: {  	[sflag:s0] =	ssyncadd.tile.s32 @!p0 $0x1;
	_ =	shalt  }
.Lfunc_end2:
_tile_overlayer_lowered:
.L_overlay_start_2:
0x122: {  	(tag) =	ssettag $0x2  }
0x123: {  	s0 =	rddreg [dreg:$0x0];
	s2 =	stileid.u32  }
0x124: {  	s1 =	rddreg [dreg:$0x1];
	p0 =	sne.s32 s2, $0x0  }
0x125: {  	s3 =	rddreg [dreg:$0x2];
	[bflag:$0x3] =	sbarrier.arrive $0xFFFF;
	s2 =	simm.s32 @!p0 $0x1C03  }
0x126: {  	[timem:s3], [sflag:s2] =	dma.local @!p0 [hbm:s0], s1  }
0x127: {  	s0 =	simm.s32 @!p0 $0x3  }
0x128: {  	_ =	swait.ge @!p0 [sflag:s0], s1  }
0x129: {  	s1 =	ssub.s32 @!p0 $0x0, s1;
	[sflag:s0] =	ssyncset.done @!p0 $0x0  }
0x12a: {  	[sflag:s0] =	ssyncadd.s32 @!p0 s1  }
0x12b: {  	[bflag:$0x3] =	sbarrier.arrive $0xFFFF  }
0x12c: {  	_ =	shalt  }

// kernel: kernel.19.cloned.1.call-start
scs
__scs_entry_jumppad:
0x0: {  	(pc) =	sbr.rel $0x88, $3  }
0x1: {  	(tag) =	ssettag $0x0;
	lr =	simm.s32 $0x1  }
0x2: {  	[smem:$0x3F97] =	sst lr;
	_ =	strace $0xD0000000  }
0x3: {  	_ = 	snop  }
0x4: {  	_ = 	snop  }
0x5: {  	_ = 	snop  }
0x6: {  	_ = 	snop  }
0x7: {  	_ = 	snop  }
__scs_overlays_trampoline_lowered:
0x8: {  	[smem:$0x3FA6] =	sst s0  }
0x9: {  	[smem:$0x3FA7] =	sst s1  }
0xa: {  	[smem:$0x3FA8] =	sst s2  }
0xb: {  	[smem:$0x3FA9] =	sst s3  }
0xc: {  	[smem:$0x3FAA] =	sst s4  }
0xd: {  	[smem:$0x3FAB] =	sst s5  }
0xe: {  	[smem:$0x3FAC] =	sst s6  }
0xf: {  	[smem:$0x3FAD] =	sst s7  }
0x10: {  	[smem:$0x3FAE] =	sst s8  }
0x11: {  	[smem:$0x3FAF] =	sst s9;
	s0 =	simm.s32 @!p0 $0x0  }
0x12: {  	s1 =	sld [smem:$0x3F95];
	s0 =	simm.s32 @p0 $0x1  }
0x13: {  	[smem:$0x3FB0] =	sst s0;
	s0 =	simm.s32 @!p1 $0x0  }
0x14: {  	s2 =	sld [smem:$0x3F94];
	s0 =	simm.s32 @p1 $0x1  }
0x15: {  	[smem:$0x3FB1] =	sst s0;
	s0 =	simm.s32 @!p2 $0x0  }
0x16: {  	s3 =	sld [smem:$0x3FDB];
	s0 =	simm.s32 @p2 $0x1  }
0x17: {  	s4 =	simm.s32 $0x1BF5;
	[smem:$0x3FB3] =	sst s0  }
0x18: {  	s0 =	sld [smem:$0x3F96];
	_ =	swait.ge [sflag:s4], $0x0  }
0x19: {  	s7 =	sld [smem:$0x3F97]  }
0x1a: {  	s8 =	sadd.s32 $0xFFFFE003, lr  }
0x1b: {  	s9 =	sadd.s32 $0xFFFFFEF7, lr;
	s5 =	simm.s32 $0xFFFFFFFF;
	p2 =	slt.u32 s8, $0xFFFFF086  }
0x1c: {  	p1 =	slt.u32 s9, $0xF7A;
	s5 =	simm.s32 @!p2 $0x0  }
0x1d: {  	s5 =	simm.s32 @p1 $0x1;
	p0 =	seq.s32 s7, s2  }
0x1e: {  	s7 =	smul.u32 @!p0 $0xF7A, s2;
	p2 =	seq.s32 @!p0 s5, $0x0  }
0x1f: {  	s9 =	smul.u32 $0xF7A, s1;
	s8 =	simm.s32 @!p0 $0x1BF5;
	p2 =	por !p2, p0  }
0x20: {  	[sflag:s8] =	ssyncset.s32 @!p0 $0xFFFFF086;
	s6 =	sadd.s32 @!p0 s3, s7;
	s7 =	simm.s32 @!p0 $0x108  }
0x21: {  	s3 =	sadd.s32 s3, s9;
	s6 =	sadd.s32 @!p0 $0x88, s6;
	s7 =	simm.s32 @p2 $0x1082  }
0x22: {  	[simem:s7], [sflag:s8] =	dma.local @!p0 [hbm:s6], $0xF7A  }
0x23: {  	s9 =	sor.u32 $0xD0000000, s2;
	s6 =	simm.s32 $0x108;
	_ =	swait.ge @!p0 [sflag:s8], $0x0  }
0x24: {  	s3 =	sadd.s32 $0x88, s3;
	s6 =	simm.s32 @!p1 $0x1082;
	[sflag:s4] =	ssyncset.s32 $0xFFFFF086  }
0x25: {  	[simem:s6], [sflag:s4] =	dma.local [hbm:s3], $0xF7A  }
0x26: {  	[smem:$0x3F97] =	sst s1;
	(tag) =	ssettag s2;
	_ =	strace s9  }
0x27: {  	s1 =	sld [smem:$0x3FA7]  }
0x28: {  	s2 =	sld [smem:$0x3FA8]  }
0x29: {  	s4 =	sld [smem:$0x3FAA]  }
0x2a: {  	p0 =	seq.s32 s5, $0x0;
	s5 =	sld [smem:$0x3FAB]  }
0x2b: {  	s6 =	sld [smem:$0x3FAC]  }
0x2c: {  	s7 =	sld [smem:$0x3FAD]  }
0x2d: {  	s3 =	simm.s32 $0x108;
	s8 =	sld [smem:$0x3FAE]  }
0x2e: {  	s3 =	simm.s32 @!p0 $0x1082;
	s9 =	sld [smem:$0x3FAF]  }
0x2f: {  	lr =	sadd.s32 s0, s3;
	s0 =	sld [smem:$0x3FA6]  }
0x30: {  	s3 =	sld [smem:$0x3FA9]  }
0x31: {  	[smem:$0x3FB2] =	sst s10  }
0x32: {  	s10 =	sld [smem:$0x3FB0];
	_ =	sdelay $0x3  }
0x33: {  	p0 =	seq.s32 s10, $0x1;
	s10 =	sld [smem:$0x3FB2];
	_ =	sdelay $0x3  }
0x34: {  	[smem:$0x3FB2] =	sst s10  }
0x35: {  	s10 =	sld [smem:$0x3FB1];
	_ =	sdelay $0x3  }
0x36: {  	p1 =	seq.s32 s10, $0x1;
	s10 =	sld [smem:$0x3FB2];
	_ =	sdelay $0x3  }
0x37: {  	[smem:$0x3FB2] =	sst s10  }
0x38: {  	s10 =	sld [smem:$0x3FB3]  }
0x39: {  	_ = 	snop;
	(pc) =	sbr.ind lr, $3  }
0x3a: {  	_ = 	snop  }
0x3b: {  	_ = 	snop  }
0x3c: {  	p2 =	seq.s32 s10, $0x1;
	s10 =	sld [smem:$0x3FB2]  }
0x3d: {  	_ =	shalt  }
0x3e: {  	_ =	shalt  }
0x3f: {  	_ =	shalt  }
0x40: {  	_ =	shalt  }
0x41: {  	_ =	shalt  }
0x42: {  	_ =	shalt  }
0x43: {  	_ =	shalt  }
0x44: {  	_ =	shalt  }
0x45: {  	_ =	shalt  }
0x46: {  	_ =	shalt  }
0x47: {  	_ =	shalt  }
0x48: {  	_ =	shalt  }
0x49: {  	_ =	shalt  }
0x4a: {  	_ =	shalt  }
0x4b: {  	_ =	shalt  }
0x4c: {  	_ =	shalt  }
0x4d: {  	_ =	shalt  }
0x4e: {  	_ =	shalt  }
0x4f: {  	_ =	shalt  }
0x50: {  	_ =	shalt  }
0x51: {  	_ =	shalt  }
0x52: {  	_ =	shalt  }
0x53: {  	_ =	shalt  }
0x54: {  	_ =	shalt  }
0x55: {  	_ =	shalt  }
0x56: {  	_ =	shalt  }
0x57: {  	_ =	shalt  }
0x58: {  	_ =	shalt  }
0x59: {  	_ =	shalt  }
0x5a: {  	_ =	shalt  }
0x5b: {  	_ =	shalt  }
0x5c: {  	_ =	shalt  }
0x5d: {  	_ =	shalt  }
0x5e: {  	_ =	shalt  }
0x5f: {  	_ =	shalt  }
0x60: {  	_ =	shalt  }
0x61: {  	_ =	shalt  }
0x62: {  	_ =	shalt  }
0x63: {  	_ =	shalt  }
0x64: {  	_ =	shalt  }
0x65: {  	_ =	shalt  }
0x66: {  	_ =	shalt  }
0x67: {  	_ =	shalt  }
0x68: {  	_ =	shalt  }
0x69: {  	_ =	shalt  }
0x6a: {  	_ =	shalt  }
0x6b: {  	_ =	shalt  }
0x6c: {  	_ =	shalt  }
0x6d: {  	_ =	shalt  }
0x6e: {  	_ =	shalt  }
0x6f: {  	_ =	shalt  }
0x70: {  	_ =	shalt  }
0x71: {  	_ =	shalt  }
0x72: {  	_ =	shalt  }
0x73: {  	_ =	shalt  }
0x74: {  	_ =	shalt  }
0x75: {  	_ =	shalt  }
0x76: {  	_ =	shalt  }
0x77: {  	_ =	shalt  }
0x78: {  	_ =	shalt  }
0x79: {  	_ =	shalt  }
0x7a: {  	_ =	shalt  }
0x7b: {  	_ =	shalt  }
0x7c: {  	_ =	shalt  }
0x7d: {  	_ =	shalt  }
0x7e: {  	_ =	shalt  }
0x7f: {  	_ =	shalt  }
0x80: {  	_ =	shalt  }
0x81: {  	_ =	shalt  }
0x82: {  	_ =	shalt  }
0x83: {  	_ =	shalt  }
0x84: {  	_ =	shalt  }
0x85: {  	_ =	shalt  }
0x86: {  	_ =	shalt  }
0x87: {  	_ =	shalt  }
.Lfunc_end0:
.L_simem_size_0:
called_computation.2_lowered:
.L_overlay_start_0:
0x88: {  	s2 =	sld [smem:$0x3FD9]  }
0x89: {  	s3 =	sld [smem:$0x3FFE];
	_ =	sdelay $0x1  }
0x8a: {  	s1 =	srdreg.scid  }
0x8b: {  	s0 =	sand.u32 $0x1, s1  }
0x8c: {  	s17 =	sshll.u32 s0, $0xA;
	s2 =	sadd.s32 s3, s2  }
0x8d: {  	s2 =	sadd.s32 s2, s17  }
0x8e: {  	[smem:$0x3FBE] =	sst s2  }
0x8f: {  	_ = 	snop  }
0x90: {  	(tm) =	ssettm $0x1  }
0x91: {  	s18 =	sld [smem:$0x3FFB];
	_ =	sdelay $0x3  }
0x92: {  	_ =	strace s18  }
0x93: {  	s2 =	sld [smem:$0x3FFC];
	_ =	sdelay $0x3  }
0x94: {  	_ =	strace s2  }
0x95: {  	s2 =	sld [smem:$0x3FFD];
	_ =	sdelay $0x3  }
0x96: {  	_ =	strace s2  }
0x97: {  	_ =	strace $0x8FFFFFFF  }
0x98: {  	s19 =	sld [smem:$0x3FDB];
	_ =	sdelay $0x1  }
0x99: {  	s20 =	simm.s32 $_scs_section_size  }
0x9a: {  	s4 =	simm.s32 $_size__tile_overlayer_lowered;
	s5 =	simm.s32 $_tile_overlayer_lowered  }
0x9b: {  	s6 =	simm.s32 $0x1BFF;
	s21 =	sshll.u32 s5, $0x1;
	s3 =	sadd.s32 s20, s19  }
0x9c: {  	s22 =	simm.s32 $0x0;
	s4 =	sshll.u32 s4, $0x1;
	s5 =	sadd.s32 s21, s3  }
0x9d: {  	[timem:s22], [sflag:s6] =	dma.local [hbm:s5], s4  }
0x9e: {  	_ =	swait.ge [sflag:s6], s4  }
0x9f: {  	s4 =	ssub.s32 $0x0, s4;
	[sflag:s6] =	ssyncset.done $0x0  }
0xa0: {  	[sflag:s6] =	ssyncadd.s32 s4;
	_ =	sdelay $0x1  }
0xa1: {  	s23 =	simm.s32 $0x1B8B  }
0xa2: {  	_ =	swait.ge [sflag:s23], $0x1  }
0xa3: {  	[sflag:s23] =	ssyncset.done $0x0  }
0xa4: {  	[sflag:s23] =	ssyncadd.s32 $0xFFFFFFFF  }
0xa5: {  	s4 =	sld [smem:$0x0]  }
0xa6: {  	s5 =	sand.u32 $0xFFFFFFFE, s1  }
0xa7: {  	p0 =	sne.s32 s1, s5  }
0xa8: {  	s5 =	sshll.u32 @p0 s5, $0xE  }
0xa9: {  	s5 =	sadd.s32 @p0 $0x11B8D, s5;
	s6 =	sshll.u32 @p0 s4, $0x11  }
0xaa: {  	s5 =	sor.u32 @p0 s6, s5  }
0xab: {  	[sflag:s5] =	ssyncadd.remote.s32 @p0 $0x1;
	_ =	sdelay $0x1  }
0xac: {  	s5 =	simm.s32 @p0 $0x1B8D  }
0xad: {  	_ =	swait.eq @p0 [sflag:s5], $0x1  }
0xae: {  	[sflag:s5] =	ssyncadd.s32 @p0 $0xFFFFFFFF  }
0xaf: {  	s6 =	sshll.u32 @!p0 s1, $0xE  }
0xb0: {  	s6 =	sor.u32 @!p0 $0x4000, s6;
	s5 =	simm.s32 @!p0 $0x1B8D  }
0xb1: {  	s4 =	sshll.u32 @!p0 s4, $0x11;
	s6 =	sadd.s32 @!p0 $0x11B8D, s6;
	_ =	swait.eq @!p0 [sflag:s5], $0x1  }
0xb2: {  	s4 =	sor.u32 @!p0 s4, s6;
	[sflag:s5] =	ssyncadd.s32 @!p0 $0xFFFFFFFF  }
0xb3: {  	s25 =	simm.s32 $0x1B8E;
	s24 =	sld [smem:$0x3FFE];
	[sflag:s4] =	ssyncadd.remote.s32 @!p0 $0x1  }
0xb4: {  	s26 =	simm.s32 $execute0_lowered;
	[smem:$0x3FD2] =	sst s25  }
0xb5: {  	s5 =	sshll.u32 s26, $0x1;
	_ =	strace $0x8000004C;
	[dreg:$0x1] =	wrdreg $0xFFFFFFFF  }
0xb6: {  	s28 =	simm.s32 $_size_execute0_lowered;
	s3 =	sadd.s32 s3, s5;
	[dreg:$0x0] =	wrdreg $0x0  }
0xb7: {  	s5 =	sshll.u32 s28, $0x1;
	[dreg:$0x2] =	wrdreg s3  }
0xb8: {  	[dreg:$0x3] =	wrdreg s5  }
0xb9: {  	[dreg:$0x4] =	wrdreg $0xC0  }
0xba: {  	_ =	task [dreg:s22], $0x5FFFF  }
0xbb: {  	[dreg:$0x1] =	wrdreg $0xFFFFFFFF  }
0xbc: {  	[dreg:$0x0] =	wrdreg $0x60  }
0xbd: {  	[dreg:$0x2] =	wrdreg s24  }
0xbe: {  	[dreg:$0x3] =	wrdreg $0xB  }
0xbf: {  	_ =	task.clear_ibuf [dreg:s22], $0x4FFFF;
	_ =	strace $0x9000004C  }
0xc0: {  	s29 =	simm.s32 $0xB;
	_ =	strace $0x8000004E  }
0xc1: {  	_ =	swait.ge [sflag:s29], $0x1  }
0xc2: {  	[sflag:s29] =	ssyncadd.s32 $0xFFFFFFFF  }
0xc3: {  	_ =	strace $0x9000004E  }
0xc4: {  	_ =	sfence  }
0xc5: {  	s30 =	sld [smem:$0x0];
	_ =	sdelay $0x2  }
0xc6: {  	s31 =	sshll.u32 s1, $0xD;
	s1 =	sshrl.u32 s1, $0x2  }
0xc7: {  	s4 =	sand.u32 $0x4000, s31;
	s1 =	sadd.s32 s1, s30  }
0xc8: {  	s0 =	sor.u32 s4, s0;
	s1 =	sshll.u32 s1, $0x11  }
0xc9: {  	s0 =	sor.u32 s1, s0  }
0xca: {  	s0 =	sadd.s32 $0x8F2B, s0  }
0xcb: {  	[sflag:s0] =	ssyncadd.remote.s32 $0x1  }
0xcc: {  	_ =	sfence.sel $0xFFFF  }
0xcd: {  	[dreg:$0x0] =	wrdreg $0xFFFFFFFF;
	(pc) =	sbr.abs _section_cstart, $3  }
0xce: {  	[dreg:$0x1] =	wrdreg $0xFFFFFFFF  }
0xcf: {  	_ =	task.clear_ibuf [dreg:s22], $0x2FFFF;
	_ =	strace $0x9FFFFFFF  }
0xd0: {  	(tm) =	ssettm $0x7FFFFFFF  }
0xd1: {  	_ =	shalt  }
tec
execute0_lowered:
.L_overlay_start_1:
0x0: {  	(tag) =	ssettag $0x1  }
0x1: {  	s0 =	rddreg [dreg:$0x0];
	s2 =	simm.s32 $0x0  }
0x2: {  	s1 =	srdreg.scid;
	s6 =	stileid.u32;
	s28 =	simm.s32 $0x6200  }
0x3: {  	s29 =	simm.s32 $0x1;
	s30 =	simm.s32 $0x40;
	s31 =	simm.s32 $0x2  }
0x4: {  	s15 =	simm.s32 $0x0;
	[smem:$0x7FF] =	sst s2;
	s1 =	sand.u32 $0x1, s1  }
0x5: {  	s5 =	sshll.u32 s6, $0x1;
	s3 =	sadd.s32 $0x6DC00, s0;
	s4 =	sadd.s32 $0xC000, s0  }
0x6: {  	s10 =	sshrl.u32 s6, $0x3;
	s6 =	sadd.s32 $0x217000, s0;
	s8 =	sadd.s32 $0x212000, s0  }
0x7: {  	s5 =	sor.u32 s1, s5;
	s1 =	ssub.s32 $0x2, s1;
	s7 =	smul.u32 $0x13880, s10  }
0x8: {  	s9 =	sadd.s32 $0x368800, s0;
	s5 =	smul.u32 $0x1388, s5;
	s11 =	sshrl.u32 s1, $0x1  }
0x9: {  	_ =	strace $0x8000004D;
	s10 =	sshll.u32 s10, $0x6;
	s19 =	ssub.s32 s1, s11  }
0xa: {  	s20 =	sshrl.u32 s5, $0x3;
	s11 =	ssub.s32 s5, s7;
	s13 =	sadd.s32 $0x1380, s5  }
0xb: {  	s14 =	sadd.s32 $0x100, s5;
	s0 =	smax.u32 s19, $0x1;
	s12 =	sadd.s32 s6, s20  }
0xc: {  	s21 =	sshll.u32 s11, $0x7;
	s1 =	sadd.s32 s8, s20;
	[dreg:$0x8] =	wrdreg s0  }
0xd: {  	s23 =	ssub.s32 s13, s7;
	s13 =	sshrl.u32 s13, $0x3;
	[dreg:$0x2] =	wrdreg s12  }
0xe: {  	s20 =	simm.s32 $0x3;
	[dreg:$0x3] =	wrdreg s1;
	s22 =	sor.u32 s10, s21  }
0xf: {  	s12 =	sshll.u32 s23, $0x7;
	s24 =	sadd.s32 s6, s13;
	s26 =	sadd.s32 s8, s13  }
0x10: {  	s21 =	simm.s32 $0x80;
	s23 =	simm.s32 $0x2100;
	s13 =	simm.s32 $0x8210  }
0x11: {  	s1 =	sadd.s32 $0x98000, s22;
	s12 =	sor.u32 s10, s12;
	[dreg:$0x5] =	wrdreg s24  }
0x12: {  	[dreg:$0x6] =	wrdreg s26;
	s22 =	simm.s32 $0x100;
	s1 =	sshrl.u32 s1, $0x3  }
0x13: {  	s24 =	simm.s32 $0x4100;
	s25 =	sshrl.u32 s12, $0x3;
	s1 =	sadd.s32 s9, s1  }
0x14: {  	s26 =	simm.s32 $0x4200;
	[dreg:$0x4] =	wrdreg s1;
	s1 =	sadd.s32 s9, s25  }
0x15: {  	s12 =	simm.s32 $0x8;
	s25 =	simm.s32 $0x4180;
	[dreg:$0x7] =	wrdreg s1  }
.LBB2_1:
0x16: {  	s0 =	rddreg [dreg:$0x2]  }
0x17: {  	[tilespmem:s2], [sflag:$0x3] =	stream.linear.gather [hbm4b:s0+s2], $0x80, $0x38;
	[tilespmem:$0x8610] =	vst v63  }
0x18: {  	_ =	swait.ge [sflag:s20], $0x80  }
0x19: {  	[sflag:s20] =	ssyncset.done $0x0  }
0x1a: {  	s19 =	rddreg [dreg:$0x3];
	[sflag:s20] =	ssyncadd.s32 $0xFFFFFF80  }
0x1b: {  	[tilespmem:s21], [sflag:$0x3] =	stream.linear.gather [hbm4b:s19+s2], $0x80, $0x38;
	[tilespmem:$0x8610] =	vst v63  }
0x1c: {  	_ =	swait.ge [sflag:s20], $0x80  }
0x1d: {  	[sflag:s20] =	ssyncset.done $0x0  }
0x1e: {  	[sflag:s20] =	ssyncadd.s32 $0xFFFFFF80  }
0x1f: {  	[tilespmem:s22], [sflag:$0x1] =	stream.indirect.gather [hbm4b:s3+s21], $0x40, s2, s21, $0xb8;
	[tilespmem:$0x8610] =	vst v63  }
0x20: {  	s16 =	simm.s32 $0x0  }
0x21: {  	[tilespmem:s23], [sflag:$0x1] =	stream.indirect.gather [hbm4b:s4+s21], $0x40, s21, s21, $0xb8;
	[tilespmem:$0x8610] =	vst v63  }
.LBB2_2:
0x22: {  	s18 =	sshll.u32 s16, $0x8  }
0x23: {  	s0 =	sadd.s32 s18, s5  }
0x24: {  	s17 =	sadd.s32 $0x80, s0  }
0x25: {  	s0 =	sshrl.u32 s17, $0x3  }
0x26: {  	s19 =	simm.s32 $0x0;
	s1 =	sadd.s32 s6, s0  }
0x27: {  	[tilespmem:s24], [sflag:$0x3] =	stream.linear.gather [hbm4b:s1+s19], $0x80, $0x38;
	[tilespmem:$0x8610] =	vst v63  }
0x28: {  	_ =	swait.ge [sflag:s20], $0x80  }
0x29: {  	[sflag:s20] =	ssyncset.done $0x0  }
0x2a: {  	s0 =	sadd.s32 s8, s0;
	[sflag:s20] =	ssyncadd.s32 $0xFFFFFF80  }
0x2b: {  	[tilespmem:s25], [sflag:$0x3] =	stream.linear.gather [hbm4b:s0+s19], $0x80, $0x38;
	[tilespmem:$0x8610] =	vst v63  }
0x2c: {  	_ =	swait.ge [sflag:s20], $0x80  }
0x2d: {  	[sflag:s20] =	ssyncset.done $0x0  }
0x2e: {  	[sflag:s20] =	ssyncadd.s32 $0xFFFFFF80  }
0x2f: {  	[tilespmem:s26], [sflag:$0x2] =	stream.indirect.gather [hbm4b:s3+s21], $0x40, s24, s21, $0xb8;
	[tilespmem:$0x8610] =	vst v63  }
0x30: {  	_ = 	snop  }
0x31: {  	[tilespmem:s28], [sflag:$0x2] =	stream.indirect.gather [hbm4b:s4+s21], $0x40, s25, s21, $0xb8;
	[tilespmem:$0x8610] =	vst v63  }
0x32: {  	_ =	swait.ge [sflag:s29], $0x2000  }
0x33: {  	[sflag:s29] =	ssyncset.done $0x0  }
0x34: {  	[sflag:s29] =	ssyncadd.s32 $0xFFFFE000  }
0x35: {  	_ =	swait.ge [sflag:s29], $0x2000  }
0x36: {  	[sflag:s29] =	ssyncset.done $0x0  }
0x37: {  	s19 =	simm.s32 $0x0;
	[sflag:s29] =	ssyncadd.s32 $0xFFFFE000  }
0x38: {  	v1 =	vld [tilespmem:s19+$0x2130]  }
0x39: {  	v2 =	vld [tilespmem:s19+$0x2100]  }
0x3a: {  	v3 =	vld [tilespmem:s19+$0x2110]  }
0x3b: {  	v0 =	vld [tilespmem:s19+$0x2120];
	_ =	sdelay $0x1  }
0x3c: {  	[tilespmem:s19+$0x130] =	vst.add.f32.msk $0xffff, v1  }
0x3d: {  	[tilespmem:s19+$0x100] =	vst.add.f32.msk $0xffff, v2  }
0x3e: {  	s1 =	simm.s32 $0x200;
	s0 =	simm.s32 $0x40;
	[tilespmem:s19+$0x110] =	vst.add.f32.msk $0xffff, v3  }
.LBB2_3:
0x3f: {  	p0 =	sne.s32 s1, $0x7F00;
	v1 =	vld [tilespmem:s0+$0x2130];
	v2 =	vmov v0  }
0x40: {  	v3 =	vld [tilespmem:s0+$0x2100]  }
0x41: {  	v4 =	vld [tilespmem:s0+$0x2110]  }
.Ltmp0:
0x42: {  	v0 =	vld [tilespmem:s0+$0x2120];
	(pc) =	sbr.rel @p0 .LBB2_3-.Ltmp0, $4  }
0x43: {  	[tilespmem:s19+$0x120] =	vst.add.f32.msk $0xffff, v2;
	s19 =	smov.u32 s0  }
0x44: {  	[tilespmem:s19+$0x130] =	vst.add.f32.msk $0xffff, v1  }
0x45: {  	[tilespmem:s19+$0x100] =	vst.add.f32.msk $0xffff, v3  }
0x46: {  	s0 =	sshra.s32 s1, $0x2;
	s1 =	sadd.s32 $0x100, s1;
	[tilespmem:s19+$0x110] =	vst.add.f32.msk $0xffff, v4  }
0x47: {  	v1 =	vld [tilespmem:s0+$0x2130]  }
0x48: {  	v2 =	vld [tilespmem:s0+$0x2100]  }
0x49: {  	v3 =	vld [tilespmem:s0+$0x2110]  }
0x4a: {  	v4 =	vld [tilespmem:s0+$0x2120]  }
0x4b: {  	[tilespmem:s19+$0x120] =	vst.add.f32.msk $0xffff, v0;
	s1 =	sadd.s32 s18, s11  }
0x4c: {  	s1 =	sshll.u32 s1, $0x7;
	[tilespmem:s0+$0x130] =	vst.add.f32.msk $0xffff, v1  }
0x4d: {  	s1 =	sor.u32 s10, s1;
	[tilespmem:s0+$0x100] =	vst.add.f32.msk $0xffff, v2  }
0x4e: {  	s1 =	sshrl.u32 s1, $0x3;
	[tilespmem:s0+$0x110] =	vst.add.f32.msk $0xffff, v3  }
0x4f: {  	s19 =	sadd.s32 s9, s1;
	[tilespmem:s0+$0x120] =	vst.add.f32.msk $0xffff, v4  }
0x50: {  	[hbm4b:s19+s30] =	stream.strided.scatter [tilespmem:s22], [sflag:$0x3], $0x2000, s21, s30, $0x38;
	[tilespmem:$0x8610] =	vst v63  }
0x51: {  	s1 =	sadd.s32 s18, s14;
	_ =	swait.ge [sflag:s20], $0x2000  }
0x52: {  	s0 =	sshrl.u32 s1, $0x3;
	[sflag:s20] =	ssyncset.done $0x0  }
0x53: {  	s18 =	sadd.s32 s6, s0;
	s19 =	simm.s32 $0x0;
	[sflag:s20] =	ssyncadd.s32 $0xFFFFE000  }
0x54: {  	[tilespmem:s19], [sflag:$0x3] =	stream.linear.gather [hbm4b:s18+s19], $0x80, $0x38;
	[tilespmem:$0x8610] =	vst v63  }
0x55: {  	_ =	swait.ge [sflag:s20], $0x80  }
0x56: {  	[sflag:s20] =	ssyncset.done $0x0  }
0x57: {  	s0 =	sadd.s32 s8, s0;
	[sflag:s20] =	ssyncadd.s32 $0xFFFFFF80  }
0x58: {  	[tilespmem:s21], [sflag:$0x3] =	stream.linear.gather [hbm4b:s0+s19], $0x80, $0x38;
	[tilespmem:$0x8610] =	vst v63  }
0x59: {  	_ =	swait.ge [sflag:s20], $0x80  }
0x5a: {  	[sflag:s20] =	ssyncset.done $0x0  }
0x5b: {  	[sflag:s20] =	ssyncadd.s32 $0xFFFFFF80  }
0x5c: {  	[tilespmem:s22], [sflag:$0x1] =	stream.indirect.gather [hbm4b:s3+s21], $0x40, s19, s21, $0xb8;
	[tilespmem:$0x8610] =	vst v63  }
0x5d: {  	_ = 	snop  }
0x5e: {  	[tilespmem:s23], [sflag:$0x1] =	stream.indirect.gather [hbm4b:s4+s21], $0x40, s21, s21, $0xb8;
	[tilespmem:$0x8610] =	vst v63  }
0x5f: {  	_ =	swait.ge [sflag:s31], $0x2000  }
0x60: {  	[sflag:s31] =	ssyncset.done $0x0  }
0x61: {  	[sflag:s31] =	ssyncadd.s32 $0xFFFFE000  }
0x62: {  	_ =	swait.ge [sflag:s31], $0x2000  }
0x63: {  	[sflag:s31] =	ssyncset.done $0x0  }
0x64: {  	s18 =	simm.s32 $0x0;
	[sflag:s31] =	ssyncadd.s32 $0xFFFFE000  }
0x65: {  	v1 =	vld [tilespmem:s18+$0x6230]  }
0x66: {  	v2 =	vld [tilespmem:s18+$0x6200]  }
0x67: {  	v3 =	vld [tilespmem:s18+$0x6210]  }
0x68: {  	v0 =	vld [tilespmem:s18+$0x6220];
	_ =	sdelay $0x1  }
0x69: {  	[tilespmem:s18+$0x4230] =	vst.add.f32.msk $0xffff, v1  }
0x6a: {  	[tilespmem:s18+$0x4200] =	vst.add.f32.msk $0xffff, v2  }
0x6b: {  	s1 =	simm.s32 $0x200;
	s0 =	simm.s32 $0x40;
	[tilespmem:s18+$0x4210] =	vst.add.f32.msk $0xffff, v3  }
.LBB2_5:
0x6c: {  	p0 =	sne.s32 s1, $0x7F00;
	v1 =	vld [tilespmem:s0+$0x6230];
	v2 =	vmov v0  }
0x6d: {  	v3 =	vld [tilespmem:s0+$0x6200]  }
0x6e: {  	v4 =	vld [tilespmem:s0+$0x6210]  }
.Ltmp1:
0x6f: {  	v0 =	vld [tilespmem:s0+$0x6220];
	(pc) =	sbr.rel @p0 .LBB2_5-.Ltmp1, $4  }
0x70: {  	[tilespmem:s18+$0x4220] =	vst.add.f32.msk $0xffff, v2;
	s18 =	smov.u32 s0  }
0x71: {  	[tilespmem:s18+$0x4230] =	vst.add.f32.msk $0xffff, v1  }
0x72: {  	[tilespmem:s18+$0x4200] =	vst.add.f32.msk $0xffff, v3  }
0x73: {  	s0 =	sshra.s32 s1, $0x2;
	s1 =	sadd.s32 $0x100, s1;
	[tilespmem:s18+$0x4210] =	vst.add.f32.msk $0xffff, v4  }
0x74: {  	v1 =	vld [tilespmem:s0+$0x6230]  }
0x75: {  	v2 =	vld [tilespmem:s0+$0x6200]  }
0x76: {  	v3 =	vld [tilespmem:s0+$0x6210]  }
0x77: {  	v4 =	vld [tilespmem:s0+$0x6220]  }
0x78: {  	[tilespmem:s18+$0x4220] =	vst.add.f32.msk $0xffff, v0;
	s1 =	ssub.s32 s17, s7  }
0x79: {  	s1 =	sshll.u32 s1, $0x7;
	[tilespmem:s0+$0x4230] =	vst.add.f32.msk $0xffff, v1  }
0x7a: {  	s16 =	sadd.s32 $0x1, s16;
	s1 =	sor.u32 s10, s1;
	[tilespmem:s0+$0x4200] =	vst.add.f32.msk $0xffff, v2  }
0x7b: {  	p0 =	sne.s32 s16, $0x13;
	s1 =	sshrl.u32 s1, $0x3;
	[tilespmem:s0+$0x4210] =	vst.add.f32.msk $0xffff, v3  }
.Ltmp2:
0x7c: {  	s19 =	sadd.s32 s9, s1;
	[tilespmem:s0+$0x4220] =	vst.add.f32.msk $0xffff, v4;
	(pc) =	sbr.rel @p0 .LBB2_2-.Ltmp2, $4  }
0x7d: {  	[hbm4b:s19+s30] =	stream.strided.scatter [tilespmem:s26], [sflag:$0x3], $0x2000, s21, s30, $0x38;
	[tilespmem:$0x8610] =	vst v63  }
0x7e: {  	_ =	swait.ge [sflag:s20], $0x2000  }
0x7f: {  	[sflag:s20] =	ssyncset.done $0x0  }
0x80: {  	[sflag:s20] =	ssyncadd.s32 $0xFFFFE000  }
0x81: {  	_ =	swait.ge [sflag:s29], $0x2000  }
0x82: {  	[sflag:s29] =	ssyncset.done $0x0  }
0x83: {  	[sflag:s29] =	ssyncadd.s32 $0xFFFFE000  }
0x84: {  	_ =	swait.ge [sflag:s29], $0x2000  }
0x85: {  	[sflag:s29] =	ssyncset.done $0x0  }
0x86: {  	s16 =	simm.s32 $0x0;
	[sflag:s29] =	ssyncadd.s32 $0xFFFFE000  }
0x87: {  	v1 =	vld [tilespmem:s16+$0x2130]  }
0x88: {  	v2 =	vld [tilespmem:s16+$0x2100]  }
0x89: {  	v3 =	vld [tilespmem:s16+$0x2110]  }
0x8a: {  	v0 =	vld [tilespmem:s16+$0x2120];
	_ =	sdelay $0x1  }
0x8b: {  	[tilespmem:s16+$0x130] =	vst.add.f32.msk $0xffff, v1  }
0x8c: {  	[tilespmem:s16+$0x100] =	vst.add.f32.msk $0xffff, v2  }
0x8d: {  	s0 =	simm.s32 $0x40;
	s1 =	simm.s32 $0x200;
	[tilespmem:s16+$0x110] =	vst.add.f32.msk $0xffff, v3  }
.LBB2_8:
0x8e: {  	p0 =	sne.s32 s1, $0x7F00;
	v1 =	vld [tilespmem:s0+$0x2130];
	v2 =	vmov v0  }
0x8f: {  	v3 =	vld [tilespmem:s0+$0x2100]  }
0x90: {  	v4 =	vld [tilespmem:s0+$0x2110]  }
.Ltmp3:
0x91: {  	v0 =	vld [tilespmem:s0+$0x2120];
	(pc) =	sbr.rel @p0 .LBB2_8-.Ltmp3, $4  }
0x92: {  	[tilespmem:s16+$0x120] =	vst.add.f32.msk $0xffff, v2;
	s16 =	smov.u32 s0  }
0x93: {  	[tilespmem:s16+$0x130] =	vst.add.f32.msk $0xffff, v1  }
0x94: {  	[tilespmem:s16+$0x100] =	vst.add.f32.msk $0xffff, v3  }
0x95: {  	s0 =	sshra.s32 s1, $0x2;
	s1 =	sadd.s32 $0x100, s1;
	[tilespmem:s16+$0x110] =	vst.add.f32.msk $0xffff, v4  }
0x96: {  	v1 =	vld [tilespmem:s0+$0x2130]  }
0x97: {  	v2 =	vld [tilespmem:s0+$0x2100]  }
0x98: {  	v3 =	vld [tilespmem:s0+$0x2110]  }
0x99: {  	v4 =	vld [tilespmem:s0+$0x2120]  }
0x9a: {  	[tilespmem:s16+$0x120] =	vst.add.f32.msk $0xffff, v0  }
0x9b: {  	[tilespmem:s0+$0x130] =	vst.add.f32.msk $0xffff, v1  }
0x9c: {  	[tilespmem:s0+$0x100] =	vst.add.f32.msk $0xffff, v2  }
0x9d: {  	[tilespmem:s0+$0x110] =	vst.add.f32.msk $0xffff, v3  }
0x9e: {  	s16 =	rddreg [dreg:$0x4];
	[tilespmem:s0+$0x120] =	vst.add.f32.msk $0xffff, v4  }
0x9f: {  	[hbm4b:s16+s30] =	stream.strided.scatter [tilespmem:s22], [sflag:$0x3], $0x2000, s21, s30, $0x38;
	[tilespmem:$0x8610] =	vst v63  }
0xa0: {  	_ =	swait.ge [sflag:s20], $0x2000  }
0xa1: {  	[sflag:s20] =	ssyncset.done $0x0  }
0xa2: {  	s1 =	simm.s32 $0x8200;
	s17 =	rddreg [dreg:$0x5];
	[sflag:s20] =	ssyncadd.s32 $0xFFFFE000  }
0xa3: {  	[tilespmem:s1], [sflag:$0x3] =	stream.linear.gather [hbm4b:s17+s2], $0x8, $0x38;
	[tilespmem:$0x8610] =	vst v63  }
0xa4: {  	_ =	swait.ge [sflag:s20], $0x8  }
0xa5: {  	[sflag:s20] =	ssyncset.done $0x0  }
0xa6: {  	s19 =	simm.s32 $0x8208;
	s18 =	rddreg [dreg:$0x6];
	[sflag:s20] =	ssyncadd.s32 $0xFFFFFFF8  }
0xa7: {  	[tilespmem:s19], [sflag:$0x3] =	stream.linear.gather [hbm4b:s18+s2], $0x8, $0x38;
	[tilespmem:$0x8610] =	vst v63  }
0xa8: {  	_ =	swait.ge [sflag:s20], $0x8  }
0xa9: {  	[sflag:s20] =	ssyncset.done $0x0  }
0xaa: {  	[sflag:s20] =	ssyncadd.s32 $0xFFFFFFF8  }
0xab: {  	[tilespmem:s13], [sflag:$0x2] =	stream.indirect.gather [hbm4b:s3+s12], $0x40, s1, s12, $0xb8;
	[tilespmem:$0x8610] =	vst v63  }
0xac: {  	s1 =	simm.s32 $0x8410  }
0xad: {  	[tilespmem:s1], [sflag:$0x2] =	stream.indirect.gather [hbm4b:s4+s12], $0x40, s19, s12, $0xb8;
	[tilespmem:$0x8610] =	vst v63  }
0xae: {  	_ =	swait.ge [sflag:s31], $0x200  }
0xaf: {  	[sflag:s31] =	ssyncset.done $0x0  }
0xb0: {  	[sflag:s31] =	ssyncadd.s32 $0xFFFFFE00  }
0xb1: {  	_ =	swait.ge [sflag:s31], $0x200  }
0xb2: {  	[sflag:s31] =	ssyncset.done $0x0  }
0xb3: {  	[sflag:s31] =	ssyncadd.s32 $0xFFFFFE00  }
0xb4: {  	v63 =	vld [tilespmem:$0x8410];
	_ =	sdelay $0x4  }
0xb5: {  	[tilespmem:s13+$0x0] =	vst.add.f32.msk $0xffff, v63  }
0xb6: {  	v0 =	vld [tilespmem:$0x8420];
	_ =	sdelay $0x3  }
0xb7: {  	s17 =	simm.s32 $0x8220  }
0xb8: {  	[tilespmem:s17+$0x0] =	vst.add.f32.msk $0xffff, v0  }
0xb9: {  	v0 =	vld [tilespmem:$0x8430];
	_ =	sdelay $0x3  }
0xba: {  	s18 =	simm.s32 $0x8230  }
0xbb: {  	[tilespmem:s18+$0x0] =	vst.add.f32.msk $0xffff, v0  }
0xbc: {  	v0 =	vld [tilespmem:$0x8440];
	_ =	sdelay $0x3  }
0xbd: {  	s19 =	simm.s32 $0x8240  }
0xbe: {  	[tilespmem:s19+$0x0] =	vst.add.f32.msk $0xffff, v0  }
0xbf: {  	v0 =	vld [tilespmem:$0x8450];
	_ =	sdelay $0x3  }
0xc0: {  	s1 =	simm.s32 $0x8250  }
0xc1: {  	[tilespmem:s1+$0x0] =	vst.add.f32.msk $0xffff, v0  }
0xc2: {  	v0 =	vld [tilespmem:$0x8460];
	_ =	sdelay $0x3  }
0xc3: {  	s16 =	simm.s32 $0x8260  }
0xc4: {  	[tilespmem:s16+$0x0] =	vst.add.f32.msk $0xffff, v0  }
0xc5: {  	v0 =	vld [tilespmem:$0x8470];
	_ =	sdelay $0x3  }
0xc6: {  	s17 =	simm.s32 $0x8270  }
0xc7: {  	[tilespmem:s17+$0x0] =	vst.add.f32.msk $0xffff, v0  }
0xc8: {  	v0 =	vld [tilespmem:$0x8480];
	_ =	sdelay $0x3  }
0xc9: {  	s18 =	simm.s32 $0x8280  }
0xca: {  	[tilespmem:s18+$0x0] =	vst.add.f32.msk $0xffff, v0  }
0xcb: {  	v0 =	vld [tilespmem:$0x8490];
	_ =	sdelay $0x3  }
0xcc: {  	s19 =	simm.s32 $0x8290  }
0xcd: {  	[tilespmem:s19+$0x0] =	vst.add.f32.msk $0xffff, v0  }
0xce: {  	v0 =	vld [tilespmem:$0x84A0];
	_ =	sdelay $0x3  }
0xcf: {  	s1 =	simm.s32 $0x82A0  }
0xd0: {  	[tilespmem:s1+$0x0] =	vst.add.f32.msk $0xffff, v0  }
0xd1: {  	v0 =	vld [tilespmem:$0x84B0];
	_ =	sdelay $0x3  }
0xd2: {  	s16 =	simm.s32 $0x82B0  }
0xd3: {  	[tilespmem:s16+$0x0] =	vst.add.f32.msk $0xffff, v0  }
0xd4: {  	v0 =	vld [tilespmem:$0x84C0];
	_ =	sdelay $0x3  }
0xd5: {  	s17 =	simm.s32 $0x82C0  }
0xd6: {  	[tilespmem:s17+$0x0] =	vst.add.f32.msk $0xffff, v0  }
0xd7: {  	v0 =	vld [tilespmem:$0x84D0];
	_ =	sdelay $0x3  }
0xd8: {  	s18 =	simm.s32 $0x82D0  }
0xd9: {  	[tilespmem:s18+$0x0] =	vst.add.f32.msk $0xffff, v0  }
0xda: {  	v0 =	vld [tilespmem:$0x84E0];
	_ =	sdelay $0x3  }
0xdb: {  	s19 =	simm.s32 $0x82E0  }
0xdc: {  	[tilespmem:s19+$0x0] =	vst.add.f32.msk $0xffff, v0  }
0xdd: {  	v0 =	vld [tilespmem:$0x84F0];
	_ =	sdelay $0x3  }
0xde: {  	s1 =	simm.s32 $0x82F0  }
0xdf: {  	[tilespmem:s1+$0x0] =	vst.add.f32.msk $0xffff, v0  }
0xe0: {  	v0 =	vld [tilespmem:$0x8500];
	_ =	sdelay $0x3  }
0xe1: {  	s16 =	simm.s32 $0x8300  }
0xe2: {  	[tilespmem:s16+$0x0] =	vst.add.f32.msk $0xffff, v0  }
0xe3: {  	v0 =	vld [tilespmem:$0x8510];
	_ =	sdelay $0x3  }
0xe4: {  	s17 =	simm.s32 $0x8310  }
0xe5: {  	[tilespmem:s17+$0x0] =	vst.add.f32.msk $0xffff, v0  }
0xe6: {  	v0 =	vld [tilespmem:$0x8520];
	_ =	sdelay $0x3  }
0xe7: {  	s18 =	simm.s32 $0x8320  }
0xe8: {  	[tilespmem:s18+$0x0] =	vst.add.f32.msk $0xffff, v0  }
0xe9: {  	v0 =	vld [tilespmem:$0x8530];
	_ =	sdelay $0x3  }
0xea: {  	s19 =	simm.s32 $0x8330  }
0xeb: {  	[tilespmem:s19+$0x0] =	vst.add.f32.msk $0xffff, v0  }
0xec: {  	v0 =	vld [tilespmem:$0x8540];
	_ =	sdelay $0x3  }
0xed: {  	s1 =	simm.s32 $0x8340  }
0xee: {  	[tilespmem:s1+$0x0] =	vst.add.f32.msk $0xffff, v0  }
0xef: {  	v0 =	vld [tilespmem:$0x8550];
	_ =	sdelay $0x3  }
0xf0: {  	s16 =	simm.s32 $0x8350  }
0xf1: {  	[tilespmem:s16+$0x0] =	vst.add.f32.msk $0xffff, v0  }
0xf2: {  	v0 =	vld [tilespmem:$0x8560];
	_ =	sdelay $0x3  }
0xf3: {  	s17 =	simm.s32 $0x8360  }
0xf4: {  	[tilespmem:s17+$0x0] =	vst.add.f32.msk $0xffff, v0  }
0xf5: {  	v0 =	vld [tilespmem:$0x8570];
	_ =	sdelay $0x3  }
0xf6: {  	s18 =	simm.s32 $0x8370  }
0xf7: {  	[tilespmem:s18+$0x0] =	vst.add.f32.msk $0xffff, v0  }
0xf8: {  	v0 =	vld [tilespmem:$0x8580];
	_ =	sdelay $0x3  }
0xf9: {  	s19 =	simm.s32 $0x8380  }
0xfa: {  	[tilespmem:s19+$0x0] =	vst.add.f32.msk $0xffff, v0  }
0xfb: {  	v0 =	vld [tilespmem:$0x8590];
	_ =	sdelay $0x3  }
0xfc: {  	s1 =	simm.s32 $0x8390  }
0xfd: {  	[tilespmem:s1+$0x0] =	vst.add.f32.msk $0xffff, v0  }
0xfe: {  	v0 =	vld [tilespmem:$0x85A0];
	_ =	sdelay $0x3  }
0xff: {  	s16 =	simm.s32 $0x83A0  }
0x100: {  	[tilespmem:s16+$0x0] =	vst.add.f32.msk $0xffff, v0  }
0x101: {  	v0 =	vld [tilespmem:$0x85B0];
	_ =	sdelay $0x3  }
0x102: {  	s17 =	simm.s32 $0x83B0  }
0x103: {  	[tilespmem:s17+$0x0] =	vst.add.f32.msk $0xffff, v0  }
0x104: {  	v0 =	vld [tilespmem:$0x85C0];
	_ =	sdelay $0x3  }
0x105: {  	s18 =	simm.s32 $0x83C0  }
0x106: {  	[tilespmem:s18+$0x0] =	vst.add.f32.msk $0xffff, v0  }
0x107: {  	v0 =	vld [tilespmem:$0x85D0];
	_ =	sdelay $0x3  }
0x108: {  	s19 =	simm.s32 $0x83D0  }
0x109: {  	[tilespmem:s19+$0x0] =	vst.add.f32.msk $0xffff, v0  }
0x10a: {  	v0 =	vld [tilespmem:$0x85E0];
	_ =	sdelay $0x3  }
0x10b: {  	s1 =	simm.s32 $0x83E0  }
0x10c: {  	[tilespmem:s1+$0x0] =	vst.add.f32.msk $0xffff, v0  }
0x10d: {  	v0 =	vld [tilespmem:$0x85F0];
	_ =	sdelay $0x3  }
0x10e: {  	s16 =	simm.s32 $0x83F0  }
0x10f: {  	[tilespmem:s16+$0x0] =	vst.add.f32.msk $0xffff, v0  }
0x110: {  	v0 =	vld [tilespmem:$0x8600];
	_ =	sdelay $0x3  }
0x111: {  	s17 =	simm.s32 $0x8400  }
0x112: {  	s18 =	rddreg [dreg:$0x7];
	[tilespmem:s17+$0x0] =	vst.add.f32.msk $0xffff, v0  }
0x113: {  	[hbm4b:s18+s30] =	stream.strided.scatter [tilespmem:s13], [sflag:$0x3], $0x200, s21, s30, $0x38;
	[tilespmem:$0x8610] =	vst v63  }
0x114: {  	_ =	swait.ge [sflag:s20], $0x200  }
0x115: {  	s15 =	sadd.s32 $0x1, s15;
	s19 =	rddreg [dreg:$0x8]  }
0x116: {  	p0 =	sne.s32 s15, s19  }
.Ltmp4:
0x117: {  	_ = 	snop;
	(pc) =	sbr.rel @p0 .LBB2_1-.Ltmp4, $3  }
0x118: {  	_ =	sdelay $0x1  }
0x119: {  	[sflag:s20] =	ssyncset.done $0x0  }
0x11a: {  	[sflag:s20] =	ssyncadd.s32 $0xFFFFFE00  }
0x11b: {  	_ =	sfence.sel $0x180000  }
0x11c: {  	[bflag:$0x0] =	sbarrier.arrive $0xFFFF  }
0x11d: {  	_ =	strace $0x9000004D  }
0x11e: {  	s0 =	stileid.u32;
	[bflag:$0x2] =	sbarrier.arrive $0xFFFF  }
0x11f: {  	p0 =	sne.s32 s0, $0x0;
	s0 =	rddreg [dreg:$0x1]  }
0x120: {  	s0 =	sadd.s32 @!p0 $0x100000, s0  }
0x121: {  	[sflag:s0] =	ssyncadd.tile.s32 @!p0 $0x1;
	_ =	shalt  }
.Lfunc_end2:
_tile_overlayer_lowered:
.L_overlay_start_2:
0x122: {  	(tag) =	ssettag $0x2  }
0x123: {  	s0 =	rddreg [dreg:$0x0];
	s2 =	stileid.u32  }
0x124: {  	s1 =	rddreg [dreg:$0x1];
	p0 =	sne.s32 s2, $0x0  }
0x125: {  	s3 =	rddreg [dreg:$0x2];
	[bflag:$0x3] =	sbarrier.arrive $0xFFFF;
	s2 =	simm.s32 @!p0 $0x1C03  }
0x126: {  	[timem:s3], [sflag:s2] =	dma.local @!p0 [hbm:s0], s1  }
0x127: {  	s0 =	simm.s32 @!p0 $0x3  }
0x128: {  	_ =	swait.ge @!p0 [sflag:s0], s1  }
0x129: {  	s1 =	ssub.s32 @!p0 $0x0, s1;
	[sflag:s0] =	ssyncset.done @!p0 $0x0  }
0x12a: {  	[sflag:s0] =	ssyncadd.s32 @!p0 s1  }
0x12b: {  	[bflag:$0x3] =	sbarrier.arrive $0xFFFF  }
0x12c: {  	_ =	shalt  }

// kernel: kernel.22.cloned.1.call-start
scs
__scs_entry_jumppad:
0x0: {  	(pc) =	sbr.rel $0x88, $3  }
0x1: {  	(tag) =	ssettag $0x0;
	lr =	simm.s32 $0x1  }
0x2: {  	[smem:$0x3F97] =	sst lr;
	_ =	strace $0xD0000000  }
0x3: {  	_ = 	snop  }
0x4: {  	_ = 	snop  }
0x5: {  	_ = 	snop  }
0x6: {  	_ = 	snop  }
0x7: {  	_ = 	snop  }
__scs_overlays_trampoline_lowered:
0x8: {  	[smem:$0x3FA6] =	sst s0  }
0x9: {  	[smem:$0x3FA7] =	sst s1  }
0xa: {  	[smem:$0x3FA8] =	sst s2  }
0xb: {  	[smem:$0x3FA9] =	sst s3  }
0xc: {  	[smem:$0x3FAA] =	sst s4  }
0xd: {  	[smem:$0x3FAB] =	sst s5  }
0xe: {  	[smem:$0x3FAC] =	sst s6  }
0xf: {  	[smem:$0x3FAD] =	sst s7  }
0x10: {  	[smem:$0x3FAE] =	sst s8  }
0x11: {  	[smem:$0x3FAF] =	sst s9;
	s0 =	simm.s32 @!p0 $0x0  }
0x12: {  	s1 =	sld [smem:$0x3F95];
	s0 =	simm.s32 @p0 $0x1  }
0x13: {  	[smem:$0x3FB0] =	sst s0;
	s0 =	simm.s32 @!p1 $0x0  }
0x14: {  	s2 =	sld [smem:$0x3F94];
	s0 =	simm.s32 @p1 $0x1  }
0x15: {  	[smem:$0x3FB1] =	sst s0;
	s0 =	simm.s32 @!p2 $0x0  }
0x16: {  	s3 =	sld [smem:$0x3FDB];
	s0 =	simm.s32 @p2 $0x1  }
0x17: {  	s4 =	simm.s32 $0x1BF5;
	[smem:$0x3FB3] =	sst s0  }
0x18: {  	s0 =	sld [smem:$0x3F96];
	_ =	swait.ge [sflag:s4], $0x0  }
0x19: {  	s7 =	sld [smem:$0x3F97]  }
0x1a: {  	s8 =	sadd.s32 $0xFFFFE003, lr  }
0x1b: {  	s9 =	sadd.s32 $0xFFFFFEF7, lr;
	s5 =	simm.s32 $0xFFFFFFFF;
	p2 =	slt.u32 s8, $0xFFFFF086  }
0x1c: {  	p1 =	slt.u32 s9, $0xF7A;
	s5 =	simm.s32 @!p2 $0x0  }
0x1d: {  	s5 =	simm.s32 @p1 $0x1;
	p0 =	seq.s32 s7, s2  }
0x1e: {  	s7 =	smul.u32 @!p0 $0xF7A, s2;
	p2 =	seq.s32 @!p0 s5, $0x0  }
0x1f: {  	s9 =	smul.u32 $0xF7A, s1;
	s8 =	simm.s32 @!p0 $0x1BF5;
	p2 =	por !p2, p0  }
0x20: {  	[sflag:s8] =	ssyncset.s32 @!p0 $0xFFFFF086;
	s6 =	sadd.s32 @!p0 s3, s7;
	s7 =	simm.s32 @!p0 $0x108  }
0x21: {  	s3 =	sadd.s32 s3, s9;
	s6 =	sadd.s32 @!p0 $0x88, s6;
	s7 =	simm.s32 @p2 $0x1082  }
0x22: {  	[simem:s7], [sflag:s8] =	dma.local @!p0 [hbm:s6], $0xF7A  }
0x23: {  	s9 =	sor.u32 $0xD0000000, s2;
	s6 =	simm.s32 $0x108;
	_ =	swait.ge @!p0 [sflag:s8], $0x0  }
0x24: {  	s3 =	sadd.s32 $0x88, s3;
	s6 =	simm.s32 @!p1 $0x1082;
	[sflag:s4] =	ssyncset.s32 $0xFFFFF086  }
0x25: {  	[simem:s6], [sflag:s4] =	dma.local [hbm:s3], $0xF7A  }
0x26: {  	[smem:$0x3F97] =	sst s1;
	(tag) =	ssettag s2;
	_ =	strace s9  }
0x27: {  	s1 =	sld [smem:$0x3FA7]  }
0x28: {  	s2 =	sld [smem:$0x3FA8]  }
0x29: {  	s4 =	sld [smem:$0x3FAA]  }
0x2a: {  	p0 =	seq.s32 s5, $0x0;
	s5 =	sld [smem:$0x3FAB]  }
0x2b: {  	s6 =	sld [smem:$0x3FAC]  }
0x2c: {  	s7 =	sld [smem:$0x3FAD]  }
0x2d: {  	s3 =	simm.s32 $0x108;
	s8 =	sld [smem:$0x3FAE]  }
0x2e: {  	s3 =	simm.s32 @!p0 $0x1082;
	s9 =	sld [smem:$0x3FAF]  }
0x2f: {  	lr =	sadd.s32 s0, s3;
	s0 =	sld [smem:$0x3FA6]  }
0x30: {  	s3 =	sld [smem:$0x3FA9]  }
0x31: {  	[smem:$0x3FB2] =	sst s10  }
0x32: {  	s10 =	sld [smem:$0x3FB0];
	_ =	sdelay $0x3  }
0x33: {  	p0 =	seq.s32 s10, $0x1;
	s10 =	sld [smem:$0x3FB2];
	_ =	sdelay $0x3  }
0x34: {  	[smem:$0x3FB2] =	sst s10  }
0x35: {  	s10 =	sld [smem:$0x3FB1];
	_ =	sdelay $0x3  }
0x36: {  	p1 =	seq.s32 s10, $0x1;
	s10 =	sld [smem:$0x3FB2];
	_ =	sdelay $0x3  }
0x37: {  	[smem:$0x3FB2] =	sst s10  }
0x38: {  	s10 =	sld [smem:$0x3FB3]  }
0x39: {  	_ = 	snop;
	(pc) =	sbr.ind lr, $3  }
0x3a: {  	_ = 	snop  }
0x3b: {  	_ = 	snop  }
0x3c: {  	p2 =	seq.s32 s10, $0x1;
	s10 =	sld [smem:$0x3FB2]  }
0x3d: {  	_ =	shalt  }
0x3e: {  	_ =	shalt  }
0x3f: {  	_ =	shalt  }
0x40: {  	_ =	shalt  }
0x41: {  	_ =	shalt  }
0x42: {  	_ =	shalt  }
0x43: {  	_ =	shalt  }
0x44: {  	_ =	shalt  }
0x45: {  	_ =	shalt  }
0x46: {  	_ =	shalt  }
0x47: {  	_ =	shalt  }
0x48: {  	_ =	shalt  }
0x49: {  	_ =	shalt  }
0x4a: {  	_ =	shalt  }
0x4b: {  	_ =	shalt  }
0x4c: {  	_ =	shalt  }
0x4d: {  	_ =	shalt  }
0x4e: {  	_ =	shalt  }
0x4f: {  	_ =	shalt  }
0x50: {  	_ =	shalt  }
0x51: {  	_ =	shalt  }
0x52: {  	_ =	shalt  }
0x53: {  	_ =	shalt  }
0x54: {  	_ =	shalt  }
0x55: {  	_ =	shalt  }
0x56: {  	_ =	shalt  }
0x57: {  	_ =	shalt  }
0x58: {  	_ =	shalt  }
0x59: {  	_ =	shalt  }
0x5a: {  	_ =	shalt  }
0x5b: {  	_ =	shalt  }
0x5c: {  	_ =	shalt  }
0x5d: {  	_ =	shalt  }
0x5e: {  	_ =	shalt  }
0x5f: {  	_ =	shalt  }
0x60: {  	_ =	shalt  }
0x61: {  	_ =	shalt  }
0x62: {  	_ =	shalt  }
0x63: {  	_ =	shalt  }
0x64: {  	_ =	shalt  }
0x65: {  	_ =	shalt  }
0x66: {  	_ =	shalt  }
0x67: {  	_ =	shalt  }
0x68: {  	_ =	shalt  }
0x69: {  	_ =	shalt  }
0x6a: {  	_ =	shalt  }
0x6b: {  	_ =	shalt  }
0x6c: {  	_ =	shalt  }
0x6d: {  	_ =	shalt  }
0x6e: {  	_ =	shalt  }
0x6f: {  	_ =	shalt  }
0x70: {  	_ =	shalt  }
0x71: {  	_ =	shalt  }
0x72: {  	_ =	shalt  }
0x73: {  	_ =	shalt  }
0x74: {  	_ =	shalt  }
0x75: {  	_ =	shalt  }
0x76: {  	_ =	shalt  }
0x77: {  	_ =	shalt  }
0x78: {  	_ =	shalt  }
0x79: {  	_ =	shalt  }
0x7a: {  	_ =	shalt  }
0x7b: {  	_ =	shalt  }
0x7c: {  	_ =	shalt  }
0x7d: {  	_ =	shalt  }
0x7e: {  	_ =	shalt  }
0x7f: {  	_ =	shalt  }
0x80: {  	_ =	shalt  }
0x81: {  	_ =	shalt  }
0x82: {  	_ =	shalt  }
0x83: {  	_ =	shalt  }
0x84: {  	_ =	shalt  }
0x85: {  	_ =	shalt  }
0x86: {  	_ =	shalt  }
0x87: {  	_ =	shalt  }
.Lfunc_end0:
.L_simem_size_0:
called_computation.3_lowered:
.L_overlay_start_0:
0x88: {  	s2 =	sld [smem:$0x3FD9]  }
0x89: {  	s3 =	sld [smem:$0x3FFE];
	_ =	sdelay $0x1  }
0x8a: {  	s1 =	srdreg.scid  }
0x8b: {  	s0 =	sand.u32 $0x1, s1  }
0x8c: {  	s17 =	sshll.u32 s0, $0xA;
	s2 =	sadd.s32 s3, s2  }
0x8d: {  	s2 =	sadd.s32 s2, s17  }
0x8e: {  	[smem:$0x3FBE] =	sst s2  }
0x8f: {  	_ = 	snop  }
0x90: {  	(tm) =	ssettm $0x1  }
0x91: {  	s18 =	sld [smem:$0x3FFB];
	_ =	sdelay $0x3  }
0x92: {  	_ =	strace s18  }
0x93: {  	s2 =	sld [smem:$0x3FFC];
	_ =	sdelay $0x3  }
0x94: {  	_ =	strace s2  }
0x95: {  	s2 =	sld [smem:$0x3FFD];
	_ =	sdelay $0x3  }
0x96: {  	_ =	strace s2  }
0x97: {  	_ =	strace $0x8FFFFFFF  }
0x98: {  	s19 =	sld [smem:$0x3FDB];
	_ =	sdelay $0x1  }
0x99: {  	s20 =	simm.s32 $_scs_section_size  }
0x9a: {  	s4 =	simm.s32 $_size__tile_overlayer_lowered;
	s5 =	simm.s32 $_tile_overlayer_lowered  }
0x9b: {  	s6 =	simm.s32 $0x1BFF;
	s21 =	sshll.u32 s5, $0x1;
	s3 =	sadd.s32 s20, s19  }
0x9c: {  	s22 =	simm.s32 $0x0;
	s4 =	sshll.u32 s4, $0x1;
	s5 =	sadd.s32 s21, s3  }
0x9d: {  	[timem:s22], [sflag:s6] =	dma.local [hbm:s5], s4  }
0x9e: {  	_ =	swait.ge [sflag:s6], s4  }
0x9f: {  	s4 =	ssub.s32 $0x0, s4;
	[sflag:s6] =	ssyncset.done $0x0  }
0xa0: {  	[sflag:s6] =	ssyncadd.s32 s4;
	_ =	sdelay $0x1  }
0xa1: {  	s23 =	simm.s32 $0x1B8B  }
0xa2: {  	_ =	swait.ge [sflag:s23], $0x1  }
0xa3: {  	[sflag:s23] =	ssyncset.done $0x0  }
0xa4: {  	[sflag:s23] =	ssyncadd.s32 $0xFFFFFFFF  }
0xa5: {  	s4 =	sld [smem:$0x0]  }
0xa6: {  	s5 =	sand.u32 $0xFFFFFFFE, s1  }
0xa7: {  	p0 =	sne.s32 s1, s5  }
0xa8: {  	s5 =	sshll.u32 @p0 s5, $0xE  }
0xa9: {  	s5 =	sadd.s32 @p0 $0x11B8D, s5;
	s6 =	sshll.u32 @p0 s4, $0x11  }
0xaa: {  	s5 =	sor.u32 @p0 s6, s5  }
0xab: {  	[sflag:s5] =	ssyncadd.remote.s32 @p0 $0x1;
	_ =	sdelay $0x1  }
0xac: {  	s5 =	simm.s32 @p0 $0x1B8D  }
0xad: {  	_ =	swait.eq @p0 [sflag:s5], $0x1  }
0xae: {  	[sflag:s5] =	ssyncadd.s32 @p0 $0xFFFFFFFF  }
0xaf: {  	s6 =	sshll.u32 @!p0 s1, $0xE  }
0xb0: {  	s6 =	sor.u32 @!p0 $0x4000, s6;
	s5 =	simm.s32 @!p0 $0x1B8D  }
0xb1: {  	s4 =	sshll.u32 @!p0 s4, $0x11;
	s6 =	sadd.s32 @!p0 $0x11B8D, s6;
	_ =	swait.eq @!p0 [sflag:s5], $0x1  }
0xb2: {  	s4 =	sor.u32 @!p0 s4, s6;
	[sflag:s5] =	ssyncadd.s32 @!p0 $0xFFFFFFFF  }
0xb3: {  	s25 =	simm.s32 $0x1B8E;
	s24 =	sld [smem:$0x3FFE];
	[sflag:s4] =	ssyncadd.remote.s32 @!p0 $0x1  }
0xb4: {  	s26 =	simm.s32 $execute0_lowered;
	[smem:$0x3FD2] =	sst s25  }
0xb5: {  	s5 =	sshll.u32 s26, $0x1;
	_ =	strace $0x8000004F;
	[dreg:$0x1] =	wrdreg $0xFFFFFFFF  }
0xb6: {  	s28 =	simm.s32 $_size_execute0_lowered;
	s3 =	sadd.s32 s3, s5;
	[dreg:$0x0] =	wrdreg $0x0  }
0xb7: {  	s5 =	sshll.u32 s28, $0x1;
	[dreg:$0x2] =	wrdreg s3  }
0xb8: {  	[dreg:$0x3] =	wrdreg s5  }
0xb9: {  	[dreg:$0x4] =	wrdreg $0xC0  }
0xba: {  	_ =	task [dreg:s22], $0x5FFFF  }
0xbb: {  	[dreg:$0x1] =	wrdreg $0xFFFFFFFF  }
0xbc: {  	[dreg:$0x0] =	wrdreg $0x60  }
0xbd: {  	[dreg:$0x2] =	wrdreg s24  }
0xbe: {  	[dreg:$0x3] =	wrdreg $0xC  }
0xbf: {  	_ =	task.clear_ibuf [dreg:s22], $0x4FFFF;
	_ =	strace $0x9000004F  }
0xc0: {  	s29 =	simm.s32 $0xC;
	_ =	strace $0x80000051  }
0xc1: {  	_ =	swait.ge [sflag:s29], $0x1  }
0xc2: {  	[sflag:s29] =	ssyncadd.s32 $0xFFFFFFFF  }
0xc3: {  	_ =	strace $0x90000051  }
0xc4: {  	_ =	sfence  }
0xc5: {  	s30 =	sld [smem:$0x0];
	_ =	sdelay $0x2  }
0xc6: {  	s31 =	sshll.u32 s1, $0xD;
	s1 =	sshrl.u32 s1, $0x2  }
0xc7: {  	s4 =	sand.u32 $0x4000, s31;
	s1 =	sadd.s32 s1, s30  }
0xc8: {  	s0 =	sor.u32 s4, s0;
	s1 =	sshll.u32 s1, $0x11  }
0xc9: {  	s0 =	sor.u32 s1, s0  }
0xca: {  	s0 =	sadd.s32 $0x8F2B, s0  }
0xcb: {  	[sflag:s0] =	ssyncadd.remote.s32 $0x1  }
0xcc: {  	_ =	sfence.sel $0xFFFF  }
0xcd: {  	[dreg:$0x0] =	wrdreg $0xFFFFFFFF;
	(pc) =	sbr.abs _section_cstart, $3  }
0xce: {  	[dreg:$0x1] =	wrdreg $0xFFFFFFFF  }
0xcf: {  	_ =	task.clear_ibuf [dreg:s22], $0x2FFFF;
	_ =	strace $0x9FFFFFFF  }
0xd0: {  	(tm) =	ssettm $0x7FFFFFFF  }
0xd1: {  	_ =	shalt  }
tec
execute0_lowered:
.L_overlay_start_1:
0x0: {  	(tag) =	ssettag $0x1  }
0x1: {  	s0 =	rddreg [dreg:$0x0];
	s2 =	simm.s32 $0x0  }
0x2: {  	s1 =	srdreg.scid;
	s6 =	stileid.u32;
	s28 =	simm.s32 $0x6200  }
0x3: {  	s29 =	simm.s32 $0x1;
	s30 =	simm.s32 $0x40;
	s31 =	simm.s32 $0x2  }
0x4: {  	s15 =	simm.s32 $0x0;
	[smem:$0x7FF] =	sst s2;
	s1 =	sand.u32 $0x1, s1  }
0x5: {  	s5 =	sshll.u32 s6, $0x1;
	s3 =	sadd.s32 $0x6DC00, s0;
	s4 =	sadd.s32 $0xC000, s0  }
0x6: {  	s10 =	sshrl.u32 s6, $0x3;
	s6 =	sadd.s32 $0x221000, s0;
	s8 =	sadd.s32 $0x21C000, s0  }
0x7: {  	s5 =	sor.u32 s1, s5;
	s1 =	ssub.s32 $0x2, s1;
	s7 =	smul.u32 $0x13880, s10  }
0x8: {  	s9 =	sadd.s32 $0x4A1000, s0;
	s5 =	smul.u32 $0x1388, s5;
	s11 =	sshrl.u32 s1, $0x1  }
0x9: {  	_ =	strace $0x80000050;
	s10 =	sshll.u32 s10, $0x6;
	s19 =	ssub.s32 s1, s11  }
0xa: {  	s20 =	sshrl.u32 s5, $0x3;
	s11 =	ssub.s32 s5, s7;
	s13 =	sadd.s32 $0x1380, s5  }
0xb: {  	s14 =	sadd.s32 $0x100, s5;
	s0 =	smax.u32 s19, $0x1;
	s12 =	sadd.s32 s6, s20  }
0xc: {  	s21 =	sshll.u32 s11, $0x7;
	s1 =	sadd.s32 s8, s20;
	[dreg:$0x8] =	wrdreg s0  }
0xd: {  	s23 =	ssub.s32 s13, s7;
	s13 =	sshrl.u32 s13, $0x3;
	[dreg:$0x2] =	wrdreg s12  }
0xe: {  	s20 =	simm.s32 $0x3;
	[dreg:$0x3] =	wrdreg s1;
	s22 =	sor.u32 s10, s21  }
0xf: {  	s12 =	sshll.u32 s23, $0x7;
	s24 =	sadd.s32 s6, s13;
	s26 =	sadd.s32 s8, s13  }
0x10: {  	s21 =	simm.s32 $0x80;
	s23 =	simm.s32 $0x2100;
	s13 =	simm.s32 $0x8210  }
0x11: {  	s1 =	sadd.s32 $0x98000, s22;
	s12 =	sor.u32 s10, s12;
	[dreg:$0x5] =	wrdreg s24  }
0x12: {  	[dreg:$0x6] =	wrdreg s26;
	s22 =	simm.s32 $0x100;
	s1 =	sshrl.u32 s1, $0x3  }
0x13: {  	s24 =	simm.s32 $0x4100;
	s25 =	sshrl.u32 s12, $0x3;
	s1 =	sadd.s32 s9, s1  }
0x14: {  	s26 =	simm.s32 $0x4200;
	[dreg:$0x4] =	wrdreg s1;
	s1 =	sadd.s32 s9, s25  }
0x15: {  	s12 =	simm.s32 $0x8;
	s25 =	simm.s32 $0x4180;
	[dreg:$0x7] =	wrdreg s1  }
.LBB2_1:
0x16: {  	s0 =	rddreg [dreg:$0x2]  }
0x17: {  	[tilespmem:s2], [sflag:$0x3] =	stream.linear.gather [hbm4b:s0+s2], $0x80, $0x38;
	[tilespmem:$0x8610] =	vst v63  }
0x18: {  	_ =	swait.ge [sflag:s20], $0x80  }
0x19: {  	[sflag:s20] =	ssyncset.done $0x0  }
0x1a: {  	s19 =	rddreg [dreg:$0x3];
	[sflag:s20] =	ssyncadd.s32 $0xFFFFFF80  }
0x1b: {  	[tilespmem:s21], [sflag:$0x3] =	stream.linear.gather [hbm4b:s19+s2], $0x80, $0x38;
	[tilespmem:$0x8610] =	vst v63  }
0x1c: {  	_ =	swait.ge [sflag:s20], $0x80  }
0x1d: {  	[sflag:s20] =	ssyncset.done $0x0  }
0x1e: {  	[sflag:s20] =	ssyncadd.s32 $0xFFFFFF80  }
0x1f: {  	[tilespmem:s22], [sflag:$0x1] =	stream.indirect.gather [hbm4b:s3+s21], $0x40, s2, s21, $0xb8;
	[tilespmem:$0x8610] =	vst v63  }
0x20: {  	s16 =	simm.s32 $0x0  }
0x21: {  	[tilespmem:s23], [sflag:$0x1] =	stream.indirect.gather [hbm4b:s4+s21], $0x40, s21, s21, $0xb8;
	[tilespmem:$0x8610] =	vst v63  }
.LBB2_2:
0x22: {  	s18 =	sshll.u32 s16, $0x8  }
0x23: {  	s0 =	sadd.s32 s18, s5  }
0x24: {  	s17 =	sadd.s32 $0x80, s0  }
0x25: {  	s0 =	sshrl.u32 s17, $0x3  }
0x26: {  	s19 =	simm.s32 $0x0;
	s1 =	sadd.s32 s6, s0  }
0x27: {  	[tilespmem:s24], [sflag:$0x3] =	stream.linear.gather [hbm4b:s1+s19], $0x80, $0x38;
	[tilespmem:$0x8610] =	vst v63  }
0x28: {  	_ =	swait.ge [sflag:s20], $0x80  }
0x29: {  	[sflag:s20] =	ssyncset.done $0x0  }
0x2a: {  	s0 =	sadd.s32 s8, s0;
	[sflag:s20] =	ssyncadd.s32 $0xFFFFFF80  }
0x2b: {  	[tilespmem:s25], [sflag:$0x3] =	stream.linear.gather [hbm4b:s0+s19], $0x80, $0x38;
	[tilespmem:$0x8610] =	vst v63  }
0x2c: {  	_ =	swait.ge [sflag:s20], $0x80  }
0x2d: {  	[sflag:s20] =	ssyncset.done $0x0  }
0x2e: {  	[sflag:s20] =	ssyncadd.s32 $0xFFFFFF80  }
0x2f: {  	[tilespmem:s26], [sflag:$0x2] =	stream.indirect.gather [hbm4b:s3+s21], $0x40, s24, s21, $0xb8;
	[tilespmem:$0x8610] =	vst v63  }
0x30: {  	_ = 	snop  }
0x31: {  	[tilespmem:s28], [sflag:$0x2] =	stream.indirect.gather [hbm4b:s4+s21], $0x40, s25, s21, $0xb8;
	[tilespmem:$0x8610] =	vst v63  }
0x32: {  	_ =	swait.ge [sflag:s29], $0x2000  }
0x33: {  	[sflag:s29] =	ssyncset.done $0x0  }
0x34: {  	[sflag:s29] =	ssyncadd.s32 $0xFFFFE000  }
0x35: {  	_ =	swait.ge [sflag:s29], $0x2000  }
0x36: {  	[sflag:s29] =	ssyncset.done $0x0  }
0x37: {  	s19 =	simm.s32 $0x0;
	[sflag:s29] =	ssyncadd.s32 $0xFFFFE000  }
0x38: {  	v1 =	vld [tilespmem:s19+$0x2130]  }
0x39: {  	v2 =	vld [tilespmem:s19+$0x2100]  }
0x3a: {  	v3 =	vld [tilespmem:s19+$0x2110]  }
0x3b: {  	v0 =	vld [tilespmem:s19+$0x2120];
	_ =	sdelay $0x1  }
0x3c: {  	[tilespmem:s19+$0x130] =	vst.add.f32.msk $0xffff, v1  }
0x3d: {  	[tilespmem:s19+$0x100] =	vst.add.f32.msk $0xffff, v2  }
0x3e: {  	s1 =	simm.s32 $0x200;
	s0 =	simm.s32 $0x40;
	[tilespmem:s19+$0x110] =	vst.add.f32.msk $0xffff, v3  }
.LBB2_3:
0x3f: {  	p0 =	sne.s32 s1, $0x7F00;
	v1 =	vld [tilespmem:s0+$0x2130];
	v2 =	vmov v0  }
0x40: {  	v3 =	vld [tilespmem:s0+$0x2100]  }
0x41: {  	v4 =	vld [tilespmem:s0+$0x2110]  }
.Ltmp0:
0x42: {  	v0 =	vld [tilespmem:s0+$0x2120];
	(pc) =	sbr.rel @p0 .LBB2_3-.Ltmp0, $4  }
0x43: {  	[tilespmem:s19+$0x120] =	vst.add.f32.msk $0xffff, v2;
	s19 =	smov.u32 s0  }
0x44: {  	[tilespmem:s19+$0x130] =	vst.add.f32.msk $0xffff, v1  }
0x45: {  	[tilespmem:s19+$0x100] =	vst.add.f32.msk $0xffff, v3  }
0x46: {  	s0 =	sshra.s32 s1, $0x2;
	s1 =	sadd.s32 $0x100, s1;
	[tilespmem:s19+$0x110] =	vst.add.f32.msk $0xffff, v4  }
0x47: {  	v1 =	vld [tilespmem:s0+$0x2130]  }
0x48: {  	v2 =	vld [tilespmem:s0+$0x2100]  }
0x49: {  	v3 =	vld [tilespmem:s0+$0x2110]  }
0x4a: {  	v4 =	vld [tilespmem:s0+$0x2120]  }
0x4b: {  	[tilespmem:s19+$0x120] =	vst.add.f32.msk $0xffff, v0;
	s1 =	sadd.s32 s18, s11  }
0x4c: {  	s1 =	sshll.u32 s1, $0x7;
	[tilespmem:s0+$0x130] =	vst.add.f32.msk $0xffff, v1  }
0x4d: {  	s1 =	sor.u32 s10, s1;
	[tilespmem:s0+$0x100] =	vst.add.f32.msk $0xffff, v2  }
0x4e: {  	s1 =	sshrl.u32 s1, $0x3;
	[tilespmem:s0+$0x110] =	vst.add.f32.msk $0xffff, v3  }
0x4f: {  	s19 =	sadd.s32 s9, s1;
	[tilespmem:s0+$0x120] =	vst.add.f32.msk $0xffff, v4  }
0x50: {  	[hbm4b:s19+s30] =	stream.strided.scatter [tilespmem:s22], [sflag:$0x3], $0x2000, s21, s30, $0x38;
	[tilespmem:$0x8610] =	vst v63  }
0x51: {  	s1 =	sadd.s32 s18, s14;
	_ =	swait.ge [sflag:s20], $0x2000  }
0x52: {  	s0 =	sshrl.u32 s1, $0x3;
	[sflag:s20] =	ssyncset.done $0x0  }
0x53: {  	s18 =	sadd.s32 s6, s0;
	s19 =	simm.s32 $0x0;
	[sflag:s20] =	ssyncadd.s32 $0xFFFFE000  }
0x54: {  	[tilespmem:s19], [sflag:$0x3] =	stream.linear.gather [hbm4b:s18+s19], $0x80, $0x38;
	[tilespmem:$0x8610] =	vst v63  }
0x55: {  	_ =	swait.ge [sflag:s20], $0x80  }
0x56: {  	[sflag:s20] =	ssyncset.done $0x0  }
0x57: {  	s0 =	sadd.s32 s8, s0;
	[sflag:s20] =	ssyncadd.s32 $0xFFFFFF80  }
0x58: {  	[tilespmem:s21], [sflag:$0x3] =	stream.linear.gather [hbm4b:s0+s19], $0x80, $0x38;
	[tilespmem:$0x8610] =	vst v63  }
0x59: {  	_ =	swait.ge [sflag:s20], $0x80  }
0x5a: {  	[sflag:s20] =	ssyncset.done $0x0  }
0x5b: {  	[sflag:s20] =	ssyncadd.s32 $0xFFFFFF80  }
0x5c: {  	[tilespmem:s22], [sflag:$0x1] =	stream.indirect.gather [hbm4b:s3+s21], $0x40, s19, s21, $0xb8;
	[tilespmem:$0x8610] =	vst v63  }
0x5d: {  	_ = 	snop  }
0x5e: {  	[tilespmem:s23], [sflag:$0x1] =	stream.indirect.gather [hbm4b:s4+s21], $0x40, s21, s21, $0xb8;
	[tilespmem:$0x8610] =	vst v63  }
0x5f: {  	_ =	swait.ge [sflag:s31], $0x2000  }
0x60: {  	[sflag:s31] =	ssyncset.done $0x0  }
0x61: {  	[sflag:s31] =	ssyncadd.s32 $0xFFFFE000  }
0x62: {  	_ =	swait.ge [sflag:s31], $0x2000  }
0x63: {  	[sflag:s31] =	ssyncset.done $0x0  }
0x64: {  	s18 =	simm.s32 $0x0;
	[sflag:s31] =	ssyncadd.s32 $0xFFFFE000  }
0x65: {  	v1 =	vld [tilespmem:s18+$0x6230]  }
0x66: {  	v2 =	vld [tilespmem:s18+$0x6200]  }
0x67: {  	v3 =	vld [tilespmem:s18+$0x6210]  }
0x68: {  	v0 =	vld [tilespmem:s18+$0x6220];
	_ =	sdelay $0x1  }
0x69: {  	[tilespmem:s18+$0x4230] =	vst.add.f32.msk $0xffff, v1  }
0x6a: {  	[tilespmem:s18+$0x4200] =	vst.add.f32.msk $0xffff, v2  }
0x6b: {  	s1 =	simm.s32 $0x200;
	s0 =	simm.s32 $0x40;
	[tilespmem:s18+$0x4210] =	vst.add.f32.msk $0xffff, v3  }
.LBB2_5:
0x6c: {  	p0 =	sne.s32 s1, $0x7F00;
	v1 =	vld [tilespmem:s0+$0x6230];
	v2 =	vmov v0  }
0x6d: {  	v3 =	vld [tilespmem:s0+$0x6200]  }
0x6e: {  	v4 =	vld [tilespmem:s0+$0x6210]  }
.Ltmp1:
0x6f: {  	v0 =	vld [tilespmem:s0+$0x6220];
	(pc) =	sbr.rel @p0 .LBB2_5-.Ltmp1, $4  }
0x70: {  	[tilespmem:s18+$0x4220] =	vst.add.f32.msk $0xffff, v2;
	s18 =	smov.u32 s0  }
0x71: {  	[tilespmem:s18+$0x4230] =	vst.add.f32.msk $0xffff, v1  }
0x72: {  	[tilespmem:s18+$0x4200] =	vst.add.f32.msk $0xffff, v3  }
0x73: {  	s0 =	sshra.s32 s1, $0x2;
	s1 =	sadd.s32 $0x100, s1;
	[tilespmem:s18+$0x4210] =	vst.add.f32.msk $0xffff, v4  }
0x74: {  	v1 =	vld [tilespmem:s0+$0x6230]  }
0x75: {  	v2 =	vld [tilespmem:s0+$0x6200]  }
0x76: {  	v3 =	vld [tilespmem:s0+$0x6210]  }
0x77: {  	v4 =	vld [tilespmem:s0+$0x6220]  }
0x78: {  	[tilespmem:s18+$0x4220] =	vst.add.f32.msk $0xffff, v0;
	s1 =	ssub.s32 s17, s7  }
0x79: {  	s1 =	sshll.u32 s1, $0x7;
	[tilespmem:s0+$0x4230] =	vst.add.f32.msk $0xffff, v1  }
0x7a: {  	s16 =	sadd.s32 $0x1, s16;
	s1 =	sor.u32 s10, s1;
	[tilespmem:s0+$0x4200] =	vst.add.f32.msk $0xffff, v2  }
0x7b: {  	p0 =	sne.s32 s16, $0x13;
	s1 =	sshrl.u32 s1, $0x3;
	[tilespmem:s0+$0x4210] =	vst.add.f32.msk $0xffff, v3  }
.Ltmp2:
0x7c: {  	s19 =	sadd.s32 s9, s1;
	[tilespmem:s0+$0x4220] =	vst.add.f32.msk $0xffff, v4;
	(pc) =	sbr.rel @p0 .LBB2_2-.Ltmp2, $4  }
0x7d: {  	[hbm4b:s19+s30] =	stream.strided.scatter [tilespmem:s26], [sflag:$0x3], $0x2000, s21, s30, $0x38;
	[tilespmem:$0x8610] =	vst v63  }
0x7e: {  	_ =	swait.ge [sflag:s20], $0x2000  }
0x7f: {  	[sflag:s20] =	ssyncset.done $0x0  }
0x80: {  	[sflag:s20] =	ssyncadd.s32 $0xFFFFE000  }
0x81: {  	_ =	swait.ge [sflag:s29], $0x2000  }
0x82: {  	[sflag:s29] =	ssyncset.done $0x0  }
0x83: {  	[sflag:s29] =	ssyncadd.s32 $0xFFFFE000  }
0x84: {  	_ =	swait.ge [sflag:s29], $0x2000  }
0x85: {  	[sflag:s29] =	ssyncset.done $0x0  }
0x86: {  	s16 =	simm.s32 $0x0;
	[sflag:s29] =	ssyncadd.s32 $0xFFFFE000  }
0x87: {  	v1 =	vld [tilespmem:s16+$0x2130]  }
0x88: {  	v2 =	vld [tilespmem:s16+$0x2100]  }
0x89: {  	v3 =	vld [tilespmem:s16+$0x2110]  }
0x8a: {  	v0 =	vld [tilespmem:s16+$0x2120];
	_ =	sdelay $0x1  }
0x8b: {  	[tilespmem:s16+$0x130] =	vst.add.f32.msk $0xffff, v1  }
0x8c: {  	[tilespmem:s16+$0x100] =	vst.add.f32.msk $0xffff, v2  }
0x8d: {  	s0 =	simm.s32 $0x40;
	s1 =	simm.s32 $0x200;
	[tilespmem:s16+$0x110] =	vst.add.f32.msk $0xffff, v3  }
.LBB2_8:
0x8e: {  	p0 =	sne.s32 s1, $0x7F00;
	v1 =	vld [tilespmem:s0+$0x2130];
	v2 =	vmov v0  }
0x8f: {  	v3 =	vld [tilespmem:s0+$0x2100]  }
0x90: {  	v4 =	vld [tilespmem:s0+$0x2110]  }
.Ltmp3:
0x91: {  	v0 =	vld [tilespmem:s0+$0x2120];
	(pc) =	sbr.rel @p0 .LBB2_8-.Ltmp3, $4  }
0x92: {  	[tilespmem:s16+$0x120] =	vst.add.f32.msk $0xffff, v2;
	s16 =	smov.u32 s0  }
0x93: {  	[tilespmem:s16+$0x130] =	vst.add.f32.msk $0xffff, v1  }
0x94: {  	[tilespmem:s16+$0x100] =	vst.add.f32.msk $0xffff, v3  }
0x95: {  	s0 =	sshra.s32 s1, $0x2;
	s1 =	sadd.s32 $0x100, s1;
	[tilespmem:s16+$0x110] =	vst.add.f32.msk $0xffff, v4  }
0x96: {  	v1 =	vld [tilespmem:s0+$0x2130]  }
0x97: {  	v2 =	vld [tilespmem:s0+$0x2100]  }
0x98: {  	v3 =	vld [tilespmem:s0+$0x2110]  }
0x99: {  	v4 =	vld [tilespmem:s0+$0x2120]  }
0x9a: {  	[tilespmem:s16+$0x120] =	vst.add.f32.msk $0xffff, v0  }
0x9b: {  	[tilespmem:s0+$0x130] =	vst.add.f32.msk $0xffff, v1  }
0x9c: {  	[tilespmem:s0+$0x100] =	vst.add.f32.msk $0xffff, v2  }
0x9d: {  	[tilespmem:s0+$0x110] =	vst.add.f32.msk $0xffff, v3  }
0x9e: {  	s16 =	rddreg [dreg:$0x4];
	[tilespmem:s0+$0x120] =	vst.add.f32.msk $0xffff, v4  }
0x9f: {  	[hbm4b:s16+s30] =	stream.strided.scatter [tilespmem:s22], [sflag:$0x3], $0x2000, s21, s30, $0x38;
	[tilespmem:$0x8610] =	vst v63  }
0xa0: {  	_ =	swait.ge [sflag:s20], $0x2000  }
0xa1: {  	[sflag:s20] =	ssyncset.done $0x0  }
0xa2: {  	s1 =	simm.s32 $0x8200;
	s17 =	rddreg [dreg:$0x5];
	[sflag:s20] =	ssyncadd.s32 $0xFFFFE000  }
0xa3: {  	[tilespmem:s1], [sflag:$0x3] =	stream.linear.gather [hbm4b:s17+s2], $0x8, $0x38;
	[tilespmem:$0x8610] =	vst v63  }
0xa4: {  	_ =	swait.ge [sflag:s20], $0x8  }
0xa5: {  	[sflag:s20] =	ssyncset.done $0x0  }
0xa6: {  	s19 =	simm.s32 $0x8208;
	s18 =	rddreg [dreg:$0x6];
	[sflag:s20] =	ssyncadd.s32 $0xFFFFFFF8  }
0xa7: {  	[tilespmem:s19], [sflag:$0x3] =	stream.linear.gather [hbm4b:s18+s2], $0x8, $0x38;
	[tilespmem:$0x8610] =	vst v63  }
0xa8: {  	_ =	swait.ge [sflag:s20], $0x8  }
0xa9: {  	[sflag:s20] =	ssyncset.done $0x0  }
0xaa: {  	[sflag:s20] =	ssyncadd.s32 $0xFFFFFFF8  }
0xab: {  	[tilespmem:s13], [sflag:$0x2] =	stream.indirect.gather [hbm4b:s3+s12], $0x40, s1, s12, $0xb8;
	[tilespmem:$0x8610] =	vst v63  }
0xac: {  	s1 =	simm.s32 $0x8410  }
0xad: {  	[tilespmem:s1], [sflag:$0x2] =	stream.indirect.gather [hbm4b:s4+s12], $0x40, s19, s12, $0xb8;
	[tilespmem:$0x8610] =	vst v63  }
0xae: {  	_ =	swait.ge [sflag:s31], $0x200  }
0xaf: {  	[sflag:s31] =	ssyncset.done $0x0  }
0xb0: {  	[sflag:s31] =	ssyncadd.s32 $0xFFFFFE00  }
0xb1: {  	_ =	swait.ge [sflag:s31], $0x200  }
0xb2: {  	[sflag:s31] =	ssyncset.done $0x0  }
0xb3: {  	[sflag:s31] =	ssyncadd.s32 $0xFFFFFE00  }
0xb4: {  	v63 =	vld [tilespmem:$0x8410];
	_ =	sdelay $0x4  }
0xb5: {  	[tilespmem:s13+$0x0] =	vst.add.f32.msk $0xffff, v63  }
0xb6: {  	v0 =	vld [tilespmem:$0x8420];
	_ =	sdelay $0x3  }
0xb7: {  	s17 =	simm.s32 $0x8220  }
0xb8: {  	[tilespmem:s17+$0x0] =	vst.add.f32.msk $0xffff, v0  }
0xb9: {  	v0 =	vld [tilespmem:$0x8430];
	_ =	sdelay $0x3  }
0xba: {  	s18 =	simm.s32 $0x8230  }
0xbb: {  	[tilespmem:s18+$0x0] =	vst.add.f32.msk $0xffff, v0  }
0xbc: {  	v0 =	vld [tilespmem:$0x8440];
	_ =	sdelay $0x3  }
0xbd: {  	s19 =	simm.s32 $0x8240  }
0xbe: {  	[tilespmem:s19+$0x0] =	vst.add.f32.msk $0xffff, v0  }
0xbf: {  	v0 =	vld [tilespmem:$0x8450];
	_ =	sdelay $0x3  }
0xc0: {  	s1 =	simm.s32 $0x8250  }
0xc1: {  	[tilespmem:s1+$0x0] =	vst.add.f32.msk $0xffff, v0  }
0xc2: {  	v0 =	vld [tilespmem:$0x8460];
	_ =	sdelay $0x3  }
0xc3: {  	s16 =	simm.s32 $0x8260  }
0xc4: {  	[tilespmem:s16+$0x0] =	vst.add.f32.msk $0xffff, v0  }
0xc5: {  	v0 =	vld [tilespmem:$0x8470];
	_ =	sdelay $0x3  }
0xc6: {  	s17 =	simm.s32 $0x8270  }
0xc7: {  	[tilespmem:s17+$0x0] =	vst.add.f32.msk $0xffff, v0  }
0xc8: {  	v0 =	vld [tilespmem:$0x8480];
	_ =	sdelay $0x3  }
0xc9: {  	s18 =	simm.s32 $0x8280  }
0xca: {  	[tilespmem:s18+$0x0] =	vst.add.f32.msk $0xffff, v0  }
0xcb: {  	v0 =	vld [tilespmem:$0x8490];
	_ =	sdelay $0x3  }
0xcc: {  	s19 =	simm.s32 $0x8290  }
0xcd: {  	[tilespmem:s19+$0x0] =	vst.add.f32.msk $0xffff, v0  }
0xce: {  	v0 =	vld [tilespmem:$0x84A0];
	_ =	sdelay $0x3  }
0xcf: {  	s1 =	simm.s32 $0x82A0  }
0xd0: {  	[tilespmem:s1+$0x0] =	vst.add.f32.msk $0xffff, v0  }
0xd1: {  	v0 =	vld [tilespmem:$0x84B0];
	_ =	sdelay $0x3  }
0xd2: {  	s16 =	simm.s32 $0x82B0  }
0xd3: {  	[tilespmem:s16+$0x0] =	vst.add.f32.msk $0xffff, v0  }
0xd4: {  	v0 =	vld [tilespmem:$0x84C0];
	_ =	sdelay $0x3  }
0xd5: {  	s17 =	simm.s32 $0x82C0  }
0xd6: {  	[tilespmem:s17+$0x0] =	vst.add.f32.msk $0xffff, v0  }
0xd7: {  	v0 =	vld [tilespmem:$0x84D0];
	_ =	sdelay $0x3  }
0xd8: {  	s18 =	simm.s32 $0x82D0  }
0xd9: {  	[tilespmem:s18+$0x0] =	vst.add.f32.msk $0xffff, v0  }
0xda: {  	v0 =	vld [tilespmem:$0x84E0];
	_ =	sdelay $0x3  }
0xdb: {  	s19 =	simm.s32 $0x82E0  }
0xdc: {  	[tilespmem:s19+$0x0] =	vst.add.f32.msk $0xffff, v0  }
0xdd: {  	v0 =	vld [tilespmem:$0x84F0];
	_ =	sdelay $0x3  }
0xde: {  	s1 =	simm.s32 $0x82F0  }
0xdf: {  	[tilespmem:s1+$0x0] =	vst.add.f32.msk $0xffff, v0  }
0xe0: {  	v0 =	vld [tilespmem:$0x8500];
	_ =	sdelay $0x3  }
0xe1: {  	s16 =	simm.s32 $0x8300  }
0xe2: {  	[tilespmem:s16+$0x0] =	vst.add.f32.msk $0xffff, v0  }
0xe3: {  	v0 =	vld [tilespmem:$0x8510];
	_ =	sdelay $0x3  }
0xe4: {  	s17 =	simm.s32 $0x8310  }
0xe5: {  	[tilespmem:s17+$0x0] =	vst.add.f32.msk $0xffff, v0  }
0xe6: {  	v0 =	vld [tilespmem:$0x8520];
	_ =	sdelay $0x3  }
0xe7: {  	s18 =	simm.s32 $0x8320  }
0xe8: {  	[tilespmem:s18+$0x0] =	vst.add.f32.msk $0xffff, v0  }
0xe9: {  	v0 =	vld [tilespmem:$0x8530];
	_ =	sdelay $0x3  }
0xea: {  	s19 =	simm.s32 $0x8330  }
0xeb: {  	[tilespmem:s19+$0x0] =	vst.add.f32.msk $0xffff, v0  }
0xec: {  	v0 =	vld [tilespmem:$0x8540];
	_ =	sdelay $0x3  }
0xed: {  	s1 =	simm.s32 $0x8340  }
0xee: {  	[tilespmem:s1+$0x0] =	vst.add.f32.msk $0xffff, v0  }
0xef: {  	v0 =	vld [tilespmem:$0x8550];
	_ =	sdelay $0x3  }
0xf0: {  	s16 =	simm.s32 $0x8350  }
0xf1: {  	[tilespmem:s16+$0x0] =	vst.add.f32.msk $0xffff, v0  }
0xf2: {  	v0 =	vld [tilespmem:$0x8560];
	_ =	sdelay $0x3  }
0xf3: {  	s17 =	simm.s32 $0x8360  }
0xf4: {  	[tilespmem:s17+$0x0] =	vst.add.f32.msk $0xffff, v0  }
0xf5: {  	v0 =	vld [tilespmem:$0x8570];
	_ =	sdelay $0x3  }
0xf6: {  	s18 =	simm.s32 $0x8370  }
0xf7: {  	[tilespmem:s18+$0x0] =	vst.add.f32.msk $0xffff, v0  }
0xf8: {  	v0 =	vld [tilespmem:$0x8580];
	_ =	sdelay $0x3  }
0xf9: {  	s19 =	simm.s32 $0x8380  }
0xfa: {  	[tilespmem:s19+$0x0] =	vst.add.f32.msk $0xffff, v0  }
0xfb: {  	v0 =	vld [tilespmem:$0x8590];
	_ =	sdelay $0x3  }
0xfc: {  	s1 =	simm.s32 $0x8390  }
0xfd: {  	[tilespmem:s1+$0x0] =	vst.add.f32.msk $0xffff, v0  }
0xfe: {  	v0 =	vld [tilespmem:$0x85A0];
	_ =	sdelay $0x3  }
0xff: {  	s16 =	simm.s32 $0x83A0  }
0x100: {  	[tilespmem:s16+$0x0] =	vst.add.f32.msk $0xffff, v0  }
0x101: {  	v0 =	vld [tilespmem:$0x85B0];
	_ =	sdelay $0x3  }
0x102: {  	s17 =	simm.s32 $0x83B0  }
0x103: {  	[tilespmem:s17+$0x0] =	vst.add.f32.msk $0xffff, v0  }
0x104: {  	v0 =	vld [tilespmem:$0x85C0];
	_ =	sdelay $0x3  }
0x105: {  	s18 =	simm.s32 $0x83C0  }
0x106: {  	[tilespmem:s18+$0x0] =	vst.add.f32.msk $0xffff, v0  }
0x107: {  	v0 =	vld [tilespmem:$0x85D0];
	_ =	sdelay $0x3  }
0x108: {  	s19 =	simm.s32 $0x83D0  }
0x109: {  	[tilespmem:s19+$0x0] =	vst.add.f32.msk $0xffff, v0  }
0x10a: {  	v0 =	vld [tilespmem:$0x85E0];
	_ =	sdelay $0x3  }
0x10b: {  	s1 =	simm.s32 $0x83E0  }
0x10c: {  	[tilespmem:s1+$0x0] =	vst.add.f32.msk $0xffff, v0  }
0x10d: {  	v0 =	vld [tilespmem:$0x85F0];
	_ =	sdelay $0x3  }
0x10e: {  	s16 =	simm.s32 $0x83F0  }
0x10f: {  	[tilespmem:s16+$0x0] =	vst.add.f32.msk $0xffff, v0  }
0x110: {  	v0 =	vld [tilespmem:$0x8600];
	_ =	sdelay $0x3  }
0x111: {  	s17 =	simm.s32 $0x8400  }
0x112: {  	s18 =	rddreg [dreg:$0x7];
	[tilespmem:s17+$0x0] =	vst.add.f32.msk $0xffff, v0  }
0x113: {  	[hbm4b:s18+s30] =	stream.strided.scatter [tilespmem:s13], [sflag:$0x3], $0x200, s21, s30, $0x38;
	[tilespmem:$0x8610] =	vst v63  }
0x114: {  	_ =	swait.ge [sflag:s20], $0x200  }
0x115: {  	s15 =	sadd.s32 $0x1, s15;
	s19 =	rddreg [dreg:$0x8]  }
0x116: {  	p0 =	sne.s32 s15, s19  }
.Ltmp4:
0x117: {  	_ = 	snop;
	(pc) =	sbr.rel @p0 .LBB2_1-.Ltmp4, $3  }
0x118: {  	_ =	sdelay $0x1  }
0x119: {  	[sflag:s20] =	ssyncset.done $0x0  }
0x11a: {  	[sflag:s20] =	ssyncadd.s32 $0xFFFFFE00  }
0x11b: {  	_ =	sfence.sel $0x180000  }
0x11c: {  	[bflag:$0x0] =	sbarrier.arrive $0xFFFF  }
0x11d: {  	_ =	strace $0x90000050  }
0x11e: {  	s0 =	stileid.u32;
	[bflag:$0x2] =	sbarrier.arrive $0xFFFF  }
0x11f: {  	p0 =	sne.s32 s0, $0x0;
	s0 =	rddreg [dreg:$0x1]  }
0x120: {  	s0 =	sadd.s32 @!p0 $0x100000, s0  }
0x121: {  	[sflag:s0] =	ssyncadd.tile.s32 @!p0 $0x1;
	_ =	shalt  }
.Lfunc_end2:
_tile_overlayer_lowered:
.L_overlay_start_2:
0x122: {  	(tag) =	ssettag $0x2  }
0x123: {  	s0 =	rddreg [dreg:$0x0];
	s2 =	stileid.u32  }
0x124: {  	s1 =	rddreg [dreg:$0x1];
	p0 =	sne.s32 s2, $0x0  }
0x125: {  	s3 =	rddreg [dreg:$0x2];
	[bflag:$0x3] =	sbarrier.arrive $0xFFFF;
	s2 =	simm.s32 @!p0 $0x1C03  }
0x126: {  	[timem:s3], [sflag:s2] =	dma.local @!p0 [hbm:s0], s1  }
0x127: {  	s0 =	simm.s32 @!p0 $0x3  }
0x128: {  	_ =	swait.ge @!p0 [sflag:s0], s1  }
0x129: {  	s1 =	ssub.s32 @!p0 $0x0, s1;
	[sflag:s0] =	ssyncset.done @!p0 $0x0  }
0x12a: {  	[sflag:s0] =	ssyncadd.s32 @!p0 s1  }
0x12b: {  	[bflag:$0x3] =	sbarrier.arrive $0xFFFF  }
0x12c: {  	_ =	shalt  }

// kernel: kernel.25.cloned.1.call-start
scs
__scs_entry_jumppad:
0x0: {  	(pc) =	sbr.rel $0x88, $3  }
0x1: {  	(tag) =	ssettag $0x0;
	lr =	simm.s32 $0x1  }
0x2: {  	[smem:$0x3F97] =	sst lr;
	_ =	strace $0xD0000000  }
0x3: {  	_ = 	snop  }
0x4: {  	_ = 	snop  }
0x5: {  	_ = 	snop  }
0x6: {  	_ = 	snop  }
0x7: {  	_ = 	snop  }
__scs_overlays_trampoline_lowered:
0x8: {  	[smem:$0x3FA6] =	sst s0  }
0x9: {  	[smem:$0x3FA7] =	sst s1  }
0xa: {  	[smem:$0x3FA8] =	sst s2  }
0xb: {  	[smem:$0x3FA9] =	sst s3  }
0xc: {  	[smem:$0x3FAA] =	sst s4  }
0xd: {  	[smem:$0x3FAB] =	sst s5  }
0xe: {  	[smem:$0x3FAC] =	sst s6  }
0xf: {  	[smem:$0x3FAD] =	sst s7  }
0x10: {  	[smem:$0x3FAE] =	sst s8  }
0x11: {  	[smem:$0x3FAF] =	sst s9;
	s0 =	simm.s32 @!p0 $0x0  }
0x12: {  	s1 =	sld [smem:$0x3F95];
	s0 =	simm.s32 @p0 $0x1  }
0x13: {  	[smem:$0x3FB0] =	sst s0;
	s0 =	simm.s32 @!p1 $0x0  }
0x14: {  	s2 =	sld [smem:$0x3F94];
	s0 =	simm.s32 @p1 $0x1  }
0x15: {  	[smem:$0x3FB1] =	sst s0;
	s0 =	simm.s32 @!p2 $0x0  }
0x16: {  	s3 =	sld [smem:$0x3FDB];
	s0 =	simm.s32 @p2 $0x1  }
0x17: {  	s4 =	simm.s32 $0x1BF5;
	[smem:$0x3FB3] =	sst s0  }
0x18: {  	s0 =	sld [smem:$0x3F96];
	_ =	swait.ge [sflag:s4], $0x0  }
0x19: {  	s7 =	sld [smem:$0x3F97]  }
0x1a: {  	s8 =	sadd.s32 $0xFFFFE003, lr  }
0x1b: {  	s9 =	sadd.s32 $0xFFFFFEF7, lr;
	s5 =	simm.s32 $0xFFFFFFFF;
	p2 =	slt.u32 s8, $0xFFFFF086  }
0x1c: {  	p1 =	slt.u32 s9, $0xF7A;
	s5 =	simm.s32 @!p2 $0x0  }
0x1d: {  	s5 =	simm.s32 @p1 $0x1;
	p0 =	seq.s32 s7, s2  }
0x1e: {  	s7 =	smul.u32 @!p0 $0xF7A, s2;
	p2 =	seq.s32 @!p0 s5, $0x0  }
0x1f: {  	s9 =	smul.u32 $0xF7A, s1;
	s8 =	simm.s32 @!p0 $0x1BF5;
	p2 =	por !p2, p0  }
0x20: {  	[sflag:s8] =	ssyncset.s32 @!p0 $0xFFFFF086;
	s6 =	sadd.s32 @!p0 s3, s7;
	s7 =	simm.s32 @!p0 $0x108  }
0x21: {  	s3 =	sadd.s32 s3, s9;
	s6 =	sadd.s32 @!p0 $0x88, s6;
	s7 =	simm.s32 @p2 $0x1082  }
0x22: {  	[simem:s7], [sflag:s8] =	dma.local @!p0 [hbm:s6], $0xF7A  }
0x23: {  	s9 =	sor.u32 $0xD0000000, s2;
	s6 =	simm.s32 $0x108;
	_ =	swait.ge @!p0 [sflag:s8], $0x0  }
0x24: {  	s3 =	sadd.s32 $0x88, s3;
	s6 =	simm.s32 @!p1 $0x1082;
	[sflag:s4] =	ssyncset.s32 $0xFFFFF086  }
0x25: {  	[simem:s6], [sflag:s4] =	dma.local [hbm:s3], $0xF7A  }
0x26: {  	[smem:$0x3F97] =	sst s1;
	(tag) =	ssettag s2;
	_ =	strace s9  }
0x27: {  	s1 =	sld [smem:$0x3FA7]  }
0x28: {  	s2 =	sld [smem:$0x3FA8]  }
0x29: {  	s4 =	sld [smem:$0x3FAA]  }
0x2a: {  	p0 =	seq.s32 s5, $0x0;
	s5 =	sld [smem:$0x3FAB]  }
0x2b: {  	s6 =	sld [smem:$0x3FAC]  }
0x2c: {  	s7 =	sld [smem:$0x3FAD]  }
0x2d: {  	s3 =	simm.s32 $0x108;
	s8 =	sld [smem:$0x3FAE]  }
0x2e: {  	s3 =	simm.s32 @!p0 $0x1082;
	s9 =	sld [smem:$0x3FAF]  }
0x2f: {  	lr =	sadd.s32 s0, s3;
	s0 =	sld [smem:$0x3FA6]  }
0x30: {  	s3 =	sld [smem:$0x3FA9]  }
0x31: {  	[smem:$0x3FB2] =	sst s10  }
0x32: {  	s10 =	sld [smem:$0x3FB0];
	_ =	sdelay $0x3  }
0x33: {  	p0 =	seq.s32 s10, $0x1;
	s10 =	sld [smem:$0x3FB2];
	_ =	sdelay $0x3  }
0x34: {  	[smem:$0x3FB2] =	sst s10  }
0x35: {  	s10 =	sld [smem:$0x3FB1];
	_ =	sdelay $0x3  }
0x36: {  	p1 =	seq.s32 s10, $0x1;
	s10 =	sld [smem:$0x3FB2];
	_ =	sdelay $0x3  }
0x37: {  	[smem:$0x3FB2] =	sst s10  }
0x38: {  	s10 =	sld [smem:$0x3FB3]  }
0x39: {  	_ = 	snop;
	(pc) =	sbr.ind lr, $3  }
0x3a: {  	_ = 	snop  }
0x3b: {  	_ = 	snop  }
0x3c: {  	p2 =	seq.s32 s10, $0x1;
	s10 =	sld [smem:$0x3FB2]  }
0x3d: {  	_ =	shalt  }
0x3e: {  	_ =	shalt  }
0x3f: {  	_ =	shalt  }
0x40: {  	_ =	shalt  }
0x41: {  	_ =	shalt  }
0x42: {  	_ =	shalt  }
0x43: {  	_ =	shalt  }
0x44: {  	_ =	shalt  }
0x45: {  	_ =	shalt  }
0x46: {  	_ =	shalt  }
0x47: {  	_ =	shalt  }
0x48: {  	_ =	shalt  }
0x49: {  	_ =	shalt  }
0x4a: {  	_ =	shalt  }
0x4b: {  	_ =	shalt  }
0x4c: {  	_ =	shalt  }
0x4d: {  	_ =	shalt  }
0x4e: {  	_ =	shalt  }
0x4f: {  	_ =	shalt  }
0x50: {  	_ =	shalt  }
0x51: {  	_ =	shalt  }
0x52: {  	_ =	shalt  }
0x53: {  	_ =	shalt  }
0x54: {  	_ =	shalt  }
0x55: {  	_ =	shalt  }
0x56: {  	_ =	shalt  }
0x57: {  	_ =	shalt  }
0x58: {  	_ =	shalt  }
0x59: {  	_ =	shalt  }
0x5a: {  	_ =	shalt  }
0x5b: {  	_ =	shalt  }
0x5c: {  	_ =	shalt  }
0x5d: {  	_ =	shalt  }
0x5e: {  	_ =	shalt  }
0x5f: {  	_ =	shalt  }
0x60: {  	_ =	shalt  }
0x61: {  	_ =	shalt  }
0x62: {  	_ =	shalt  }
0x63: {  	_ =	shalt  }
0x64: {  	_ =	shalt  }
0x65: {  	_ =	shalt  }
0x66: {  	_ =	shalt  }
0x67: {  	_ =	shalt  }
0x68: {  	_ =	shalt  }
0x69: {  	_ =	shalt  }
0x6a: {  	_ =	shalt  }
0x6b: {  	_ =	shalt  }
0x6c: {  	_ =	shalt  }
0x6d: {  	_ =	shalt  }
0x6e: {  	_ =	shalt  }
0x6f: {  	_ =	shalt  }
0x70: {  	_ =	shalt  }
0x71: {  	_ =	shalt  }
0x72: {  	_ =	shalt  }
0x73: {  	_ =	shalt  }
0x74: {  	_ =	shalt  }
0x75: {  	_ =	shalt  }
0x76: {  	_ =	shalt  }
0x77: {  	_ =	shalt  }
0x78: {  	_ =	shalt  }
0x79: {  	_ =	shalt  }
0x7a: {  	_ =	shalt  }
0x7b: {  	_ =	shalt  }
0x7c: {  	_ =	shalt  }
0x7d: {  	_ =	shalt  }
0x7e: {  	_ =	shalt  }
0x7f: {  	_ =	shalt  }
0x80: {  	_ =	shalt  }
0x81: {  	_ =	shalt  }
0x82: {  	_ =	shalt  }
0x83: {  	_ =	shalt  }
0x84: {  	_ =	shalt  }
0x85: {  	_ =	shalt  }
0x86: {  	_ =	shalt  }
0x87: {  	_ =	shalt  }
.Lfunc_end0:
.L_simem_size_0:
called_computation.4_lowered:
.L_overlay_start_0:
0x88: {  	s2 =	sld [smem:$0x3FD9]  }
0x89: {  	s3 =	sld [smem:$0x3FFE];
	_ =	sdelay $0x1  }
0x8a: {  	s1 =	srdreg.scid  }
0x8b: {  	s0 =	sand.u32 $0x1, s1  }
0x8c: {  	s17 =	sshll.u32 s0, $0xA;
	s2 =	sadd.s32 s3, s2  }
0x8d: {  	s2 =	sadd.s32 s2, s17  }
0x8e: {  	[smem:$0x3FBE] =	sst s2  }
0x8f: {  	_ = 	snop  }
0x90: {  	(tm) =	ssettm $0x1  }
0x91: {  	s18 =	sld [smem:$0x3FFB];
	_ =	sdelay $0x3  }
0x92: {  	_ =	strace s18  }
0x93: {  	s2 =	sld [smem:$0x3FFC];
	_ =	sdelay $0x3  }
0x94: {  	_ =	strace s2  }
0x95: {  	s2 =	sld [smem:$0x3FFD];
	_ =	sdelay $0x3  }
0x96: {  	_ =	strace s2  }
0x97: {  	_ =	strace $0x8FFFFFFF  }
0x98: {  	s19 =	sld [smem:$0x3FDB];
	_ =	sdelay $0x1  }
0x99: {  	s20 =	simm.s32 $_scs_section_size  }
0x9a: {  	s4 =	simm.s32 $_size__tile_overlayer_lowered;
	s5 =	simm.s32 $_tile_overlayer_lowered  }
0x9b: {  	s6 =	simm.s32 $0x1BFF;
	s21 =	sshll.u32 s5, $0x1;
	s3 =	sadd.s32 s20, s19  }
0x9c: {  	s22 =	simm.s32 $0x0;
	s4 =	sshll.u32 s4, $0x1;
	s5 =	sadd.s32 s21, s3  }
0x9d: {  	[timem:s22], [sflag:s6] =	dma.local [hbm:s5], s4  }
0x9e: {  	_ =	swait.ge [sflag:s6], s4  }
0x9f: {  	s4 =	ssub.s32 $0x0, s4;
	[sflag:s6] =	ssyncset.done $0x0  }
0xa0: {  	[sflag:s6] =	ssyncadd.s32 s4;
	_ =	sdelay $0x1  }
0xa1: {  	s23 =	simm.s32 $0x1B8B  }
0xa2: {  	_ =	swait.ge [sflag:s23], $0x1  }
0xa3: {  	[sflag:s23] =	ssyncset.done $0x0  }
0xa4: {  	[sflag:s23] =	ssyncadd.s32 $0xFFFFFFFF  }
0xa5: {  	s4 =	sld [smem:$0x0]  }
0xa6: {  	s5 =	sand.u32 $0xFFFFFFFE, s1  }
0xa7: {  	p0 =	sne.s32 s1, s5  }
0xa8: {  	s5 =	sshll.u32 @p0 s5, $0xE  }
0xa9: {  	s5 =	sadd.s32 @p0 $0x11B8D, s5;
	s6 =	sshll.u32 @p0 s4, $0x11  }
0xaa: {  	s5 =	sor.u32 @p0 s6, s5  }
0xab: {  	[sflag:s5] =	ssyncadd.remote.s32 @p0 $0x1;
	_ =	sdelay $0x1  }
0xac: {  	s5 =	simm.s32 @p0 $0x1B8D  }
0xad: {  	_ =	swait.eq @p0 [sflag:s5], $0x1  }
0xae: {  	[sflag:s5] =	ssyncadd.s32 @p0 $0xFFFFFFFF  }
0xaf: {  	s6 =	sshll.u32 @!p0 s1, $0xE  }
0xb0: {  	s6 =	sor.u32 @!p0 $0x4000, s6;
	s5 =	simm.s32 @!p0 $0x1B8D  }
0xb1: {  	s4 =	sshll.u32 @!p0 s4, $0x11;
	s6 =	sadd.s32 @!p0 $0x11B8D, s6;
	_ =	swait.eq @!p0 [sflag:s5], $0x1  }
0xb2: {  	s4 =	sor.u32 @!p0 s4, s6;
	[sflag:s5] =	ssyncadd.s32 @!p0 $0xFFFFFFFF  }
0xb3: {  	s25 =	simm.s32 $0x1B8E;
	s24 =	sld [smem:$0x3FFE];
	[sflag:s4] =	ssyncadd.remote.s32 @!p0 $0x1  }
0xb4: {  	s26 =	simm.s32 $execute0_lowered;
	[smem:$0x3FD2] =	sst s25  }
0xb5: {  	s5 =	sshll.u32 s26, $0x1;
	_ =	strace $0x80000052;
	[dreg:$0x1] =	wrdreg $0xFFFFFFFF  }
0xb6: {  	s28 =	simm.s32 $_size_execute0_lowered;
	s3 =	sadd.s32 s3, s5;
	[dreg:$0x0] =	wrdreg $0x0  }
0xb7: {  	s5 =	sshll.u32 s28, $0x1;
	[dreg:$0x2] =	wrdreg s3  }
0xb8: {  	[dreg:$0x3] =	wrdreg s5  }
0xb9: {  	[dreg:$0x4] =	wrdreg $0xC0  }
0xba: {  	_ =	task [dreg:s22], $0x5FFFF  }
0xbb: {  	[dreg:$0x1] =	wrdreg $0xFFFFFFFF  }
0xbc: {  	[dreg:$0x0] =	wrdreg $0x60  }
0xbd: {  	[dreg:$0x2] =	wrdreg s24  }
0xbe: {  	[dreg:$0x3] =	wrdreg $0xD  }
0xbf: {  	_ =	task.clear_ibuf [dreg:s22], $0x4FFFF;
	_ =	strace $0x90000052  }
0xc0: {  	s29 =	simm.s32 $0xD;
	_ =	strace $0x80000054  }
0xc1: {  	_ =	swait.ge [sflag:s29], $0x1  }
0xc2: {  	[sflag:s29] =	ssyncadd.s32 $0xFFFFFFFF  }
0xc3: {  	_ =	strace $0x90000054  }
0xc4: {  	_ =	sfence  }
0xc5: {  	s30 =	sld [smem:$0x0];
	_ =	sdelay $0x2  }
0xc6: {  	s31 =	sshll.u32 s1, $0xD;
	s1 =	sshrl.u32 s1, $0x2  }
0xc7: {  	s4 =	sand.u32 $0x4000, s31;
	s1 =	sadd.s32 s1, s30  }
0xc8: {  	s0 =	sor.u32 s4, s0;
	s1 =	sshll.u32 s1, $0x11  }
0xc9: {  	s0 =	sor.u32 s1, s0  }
0xca: {  	s0 =	sadd.s32 $0x8F2B, s0  }
0xcb: {  	[sflag:s0] =	ssyncadd.remote.s32 $0x1  }
0xcc: {  	_ =	sfence.sel $0xFFFF  }
0xcd: {  	[dreg:$0x0] =	wrdreg $0xFFFFFFFF;
	(pc) =	sbr.abs _section_cstart, $3  }
0xce: {  	[dreg:$0x1] =	wrdreg $0xFFFFFFFF  }
0xcf: {  	_ =	task.clear_ibuf [dreg:s22], $0x2FFFF;
	_ =	strace $0x9FFFFFFF  }
0xd0: {  	(tm) =	ssettm $0x7FFFFFFF  }
0xd1: {  	_ =	shalt  }
tec
execute0_lowered:
.L_overlay_start_1:
0x0: {  	(tag) =	ssettag $0x1  }
0x1: {  	s0 =	rddreg [dreg:$0x0];
	s2 =	simm.s32 $0x0  }
0x2: {  	s1 =	srdreg.scid;
	s6 =	stileid.u32;
	s28 =	simm.s32 $0x6200  }
0x3: {  	s29 =	simm.s32 $0x1;
	s30 =	simm.s32 $0x40;
	s31 =	simm.s32 $0x2  }
0x4: {  	s15 =	simm.s32 $0x0;
	[smem:$0x7FF] =	sst s2;
	s1 =	sand.u32 $0x1, s1  }
0x5: {  	s5 =	sshll.u32 s6, $0x1;
	s3 =	sadd.s32 $0x6DC00, s0;
	s4 =	sadd.s32 $0xC000, s0  }
0x6: {  	s10 =	sshrl.u32 s6, $0x3;
	s6 =	sadd.s32 $0x22B000, s0;
	s8 =	sadd.s32 $0x226000, s0  }
0x7: {  	s5 =	sor.u32 s1, s5;
	s1 =	ssub.s32 $0x2, s1;
	s7 =	smul.u32 $0x13880, s10  }
0x8: {  	s9 =	sadd.s32 $0x5D9800, s0;
	s5 =	smul.u32 $0x1388, s5;
	s11 =	sshrl.u32 s1, $0x1  }
0x9: {  	_ =	strace $0x80000053;
	s10 =	sshll.u32 s10, $0x6;
	s19 =	ssub.s32 s1, s11  }
0xa: {  	s20 =	sshrl.u32 s5, $0x3;
	s11 =	ssub.s32 s5, s7;
	s13 =	sadd.s32 $0x1380, s5  }
0xb: {  	s14 =	sadd.s32 $0x100, s5;
	s0 =	smax.u32 s19, $0x1;
	s12 =	sadd.s32 s6, s20  }
0xc: {  	s21 =	sshll.u32 s11, $0x7;
	s1 =	sadd.s32 s8, s20;
	[dreg:$0x8] =	wrdreg s0  }
0xd: {  	s23 =	ssub.s32 s13, s7;
	s13 =	sshrl.u32 s13, $0x3;
	[dreg:$0x2] =	wrdreg s12  }
0xe: {  	s20 =	simm.s32 $0x3;
	[dreg:$0x3] =	wrdreg s1;
	s22 =	sor.u32 s10, s21  }
0xf: {  	s12 =	sshll.u32 s23, $0x7;
	s24 =	sadd.s32 s6, s13;
	s26 =	sadd.s32 s8, s13  }
0x10: {  	s21 =	simm.s32 $0x80;
	s23 =	simm.s32 $0x2100;
	s13 =	simm.s32 $0x8210  }
0x11: {  	s1 =	sadd.s32 $0x98000, s22;
	s12 =	sor.u32 s10, s12;
	[dreg:$0x5] =	wrdreg s24  }
0x12: {  	[dreg:$0x6] =	wrdreg s26;
	s22 =	simm.s32 $0x100;
	s1 =	sshrl.u32 s1, $0x3  }
0x13: {  	s24 =	simm.s32 $0x4100;
	s25 =	sshrl.u32 s12, $0x3;
	s1 =	sadd.s32 s9, s1  }
0x14: {  	s26 =	simm.s32 $0x4200;
	[dreg:$0x4] =	wrdreg s1;
	s1 =	sadd.s32 s9, s25  }
0x15: {  	s12 =	simm.s32 $0x8;
	s25 =	simm.s32 $0x4180;
	[dreg:$0x7] =	wrdreg s1  }
.LBB2_1:
0x16: {  	s0 =	rddreg [dreg:$0x2]  }
0x17: {  	[tilespmem:s2], [sflag:$0x3] =	stream.linear.gather [hbm4b:s0+s2], $0x80, $0x38;
	[tilespmem:$0x8610] =	vst v63  }
0x18: {  	_ =	swait.ge [sflag:s20], $0x80  }
0x19: {  	[sflag:s20] =	ssyncset.done $0x0  }
0x1a: {  	s19 =	rddreg [dreg:$0x3];
	[sflag:s20] =	ssyncadd.s32 $0xFFFFFF80  }
0x1b: {  	[tilespmem:s21], [sflag:$0x3] =	stream.linear.gather [hbm4b:s19+s2], $0x80, $0x38;
	[tilespmem:$0x8610] =	vst v63  }
0x1c: {  	_ =	swait.ge [sflag:s20], $0x80  }
0x1d: {  	[sflag:s20] =	ssyncset.done $0x0  }
0x1e: {  	[sflag:s20] =	ssyncadd.s32 $0xFFFFFF80  }
0x1f: {  	[tilespmem:s22], [sflag:$0x1] =	stream.indirect.gather [hbm4b:s3+s21], $0x40, s2, s21, $0xb8;
	[tilespmem:$0x8610] =	vst v63  }
0x20: {  	s16 =	simm.s32 $0x0  }
0x21: {  	[tilespmem:s23], [sflag:$0x1] =	stream.indirect.gather [hbm4b:s4+s21], $0x40, s21, s21, $0xb8;
	[tilespmem:$0x8610] =	vst v63  }
.LBB2_2:
0x22: {  	s18 =	sshll.u32 s16, $0x8  }
0x23: {  	s0 =	sadd.s32 s18, s5  }
0x24: {  	s17 =	sadd.s32 $0x80, s0  }
0x25: {  	s0 =	sshrl.u32 s17, $0x3  }
0x26: {  	s19 =	simm.s32 $0x0;
	s1 =	sadd.s32 s6, s0  }
0x27: {  	[tilespmem:s24], [sflag:$0x3] =	stream.linear.gather [hbm4b:s1+s19], $0x80, $0x38;
	[tilespmem:$0x8610] =	vst v63  }
0x28: {  	_ =	swait.ge [sflag:s20], $0x80  }
0x29: {  	[sflag:s20] =	ssyncset.done $0x0  }
0x2a: {  	s0 =	sadd.s32 s8, s0;
	[sflag:s20] =	ssyncadd.s32 $0xFFFFFF80  }
0x2b: {  	[tilespmem:s25], [sflag:$0x3] =	stream.linear.gather [hbm4b:s0+s19], $0x80, $0x38;
	[tilespmem:$0x8610] =	vst v63  }
0x2c: {  	_ =	swait.ge [sflag:s20], $0x80  }
0x2d: {  	[sflag:s20] =	ssyncset.done $0x0  }
0x2e: {  	[sflag:s20] =	ssyncadd.s32 $0xFFFFFF80  }
0x2f: {  	[tilespmem:s26], [sflag:$0x2] =	stream.indirect.gather [hbm4b:s3+s21], $0x40, s24, s21, $0xb8;
	[tilespmem:$0x8610] =	vst v63  }
0x30: {  	_ = 	snop  }
0x31: {  	[tilespmem:s28], [sflag:$0x2] =	stream.indirect.gather [hbm4b:s4+s21], $0x40, s25, s21, $0xb8;
	[tilespmem:$0x8610] =	vst v63  }
0x32: {  	_ =	swait.ge [sflag:s29], $0x2000  }
0x33: {  	[sflag:s29] =	ssyncset.done $0x0  }
0x34: {  	[sflag:s29] =	ssyncadd.s32 $0xFFFFE000  }
0x35: {  	_ =	swait.ge [sflag:s29], $0x2000  }
0x36: {  	[sflag:s29] =	ssyncset.done $0x0  }
0x37: {  	s19 =	simm.s32 $0x0;
	[sflag:s29] =	ssyncadd.s32 $0xFFFFE000  }
0x38: {  	v1 =	vld [tilespmem:s19+$0x2130]  }
0x39: {  	v2 =	vld [tilespmem:s19+$0x2100]  }
0x3a: {  	v3 =	vld [tilespmem:s19+$0x2110]  }
0x3b: {  	v0 =	vld [tilespmem:s19+$0x2120];
	_ =	sdelay $0x1  }
0x3c: {  	[tilespmem:s19+$0x130] =	vst.add.f32.msk $0xffff, v1  }
0x3d: {  	[tilespmem:s19+$0x100] =	vst.add.f32.msk $0xffff, v2  }
0x3e: {  	s1 =	simm.s32 $0x200;
	s0 =	simm.s32 $0x40;
	[tilespmem:s19+$0x110] =	vst.add.f32.msk $0xffff, v3  }
.LBB2_3:
0x3f: {  	p0 =	sne.s32 s1, $0x7F00;
	v1 =	vld [tilespmem:s0+$0x2130];
	v2 =	vmov v0  }
0x40: {  	v3 =	vld [tilespmem:s0+$0x2100]  }
0x41: {  	v4 =	vld [tilespmem:s0+$0x2110]  }
.Ltmp0:
0x42: {  	v0 =	vld [tilespmem:s0+$0x2120];
	(pc) =	sbr.rel @p0 .LBB2_3-.Ltmp0, $4  }
0x43: {  	[tilespmem:s19+$0x120] =	vst.add.f32.msk $0xffff, v2;
	s19 =	smov.u32 s0  }
0x44: {  	[tilespmem:s19+$0x130] =	vst.add.f32.msk $0xffff, v1  }
0x45: {  	[tilespmem:s19+$0x100] =	vst.add.f32.msk $0xffff, v3  }
0x46: {  	s0 =	sshra.s32 s1, $0x2;
	s1 =	sadd.s32 $0x100, s1;
	[tilespmem:s19+$0x110] =	vst.add.f32.msk $0xffff, v4  }
0x47: {  	v1 =	vld [tilespmem:s0+$0x2130]  }
0x48: {  	v2 =	vld [tilespmem:s0+$0x2100]  }
0x49: {  	v3 =	vld [tilespmem:s0+$0x2110]  }
0x4a: {  	v4 =	vld [tilespmem:s0+$0x2120]  }
0x4b: {  	[tilespmem:s19+$0x120] =	vst.add.f32.msk $0xffff, v0;
	s1 =	sadd.s32 s18, s11  }
0x4c: {  	s1 =	sshll.u32 s1, $0x7;
	[tilespmem:s0+$0x130] =	vst.add.f32.msk $0xffff, v1  }
0x4d: {  	s1 =	sor.u32 s10, s1;
	[tilespmem:s0+$0x100] =	vst.add.f32.msk $0xffff, v2  }
0x4e: {  	s1 =	sshrl.u32 s1, $0x3;
	[tilespmem:s0+$0x110] =	vst.add.f32.msk $0xffff, v3  }
0x4f: {  	s19 =	sadd.s32 s9, s1;
	[tilespmem:s0+$0x120] =	vst.add.f32.msk $0xffff, v4  }
0x50: {  	[hbm4b:s19+s30] =	stream.strided.scatter [tilespmem:s22], [sflag:$0x3], $0x2000, s21, s30, $0x38;
	[tilespmem:$0x8610] =	vst v63  }
0x51: {  	s1 =	sadd.s32 s18, s14;
	_ =	swait.ge [sflag:s20], $0x2000  }
0x52: {  	s0 =	sshrl.u32 s1, $0x3;
	[sflag:s20] =	ssyncset.done $0x0  }
0x53: {  	s18 =	sadd.s32 s6, s0;
	s19 =	simm.s32 $0x0;
	[sflag:s20] =	ssyncadd.s32 $0xFFFFE000  }
0x54: {  	[tilespmem:s19], [sflag:$0x3] =	stream.linear.gather [hbm4b:s18+s19], $0x80, $0x38;
	[tilespmem:$0x8610] =	vst v63  }
0x55: {  	_ =	swait.ge [sflag:s20], $0x80  }
0x56: {  	[sflag:s20] =	ssyncset.done $0x0  }
0x57: {  	s0 =	sadd.s32 s8, s0;
	[sflag:s20] =	ssyncadd.s32 $0xFFFFFF80  }
0x58: {  	[tilespmem:s21], [sflag:$0x3] =	stream.linear.gather [hbm4b:s0+s19], $0x80, $0x38;
	[tilespmem:$0x8610] =	vst v63  }
0x59: {  	_ =	swait.ge [sflag:s20], $0x80  }
0x5a: {  	[sflag:s20] =	ssyncset.done $0x0  }
0x5b: {  	[sflag:s20] =	ssyncadd.s32 $0xFFFFFF80  }
0x5c: {  	[tilespmem:s22], [sflag:$0x1] =	stream.indirect.gather [hbm4b:s3+s21], $0x40, s19, s21, $0xb8;
	[tilespmem:$0x8610] =	vst v63  }
0x5d: {  	_ = 	snop  }
0x5e: {  	[tilespmem:s23], [sflag:$0x1] =	stream.indirect.gather [hbm4b:s4+s21], $0x40, s21, s21, $0xb8;
	[tilespmem:$0x8610] =	vst v63  }
0x5f: {  	_ =	swait.ge [sflag:s31], $0x2000  }
0x60: {  	[sflag:s31] =	ssyncset.done $0x0  }
0x61: {  	[sflag:s31] =	ssyncadd.s32 $0xFFFFE000  }
0x62: {  	_ =	swait.ge [sflag:s31], $0x2000  }
0x63: {  	[sflag:s31] =	ssyncset.done $0x0  }
0x64: {  	s18 =	simm.s32 $0x0;
	[sflag:s31] =	ssyncadd.s32 $0xFFFFE000  }
0x65: {  	v1 =	vld [tilespmem:s18+$0x6230]  }
0x66: {  	v2 =	vld [tilespmem:s18+$0x6200]  }
0x67: {  	v3 =	vld [tilespmem:s18+$0x6210]  }
0x68: {  	v0 =	vld [tilespmem:s18+$0x6220];
	_ =	sdelay $0x1  }
0x69: {  	[tilespmem:s18+$0x4230] =	vst.add.f32.msk $0xffff, v1  }
0x6a: {  	[tilespmem:s18+$0x4200] =	vst.add.f32.msk $0xffff, v2  }
0x6b: {  	s1 =	simm.s32 $0x200;
	s0 =	simm.s32 $0x40;
	[tilespmem:s18+$0x4210] =	vst.add.f32.msk $0xffff, v3  }
.LBB2_5:
0x6c: {  	p0 =	sne.s32 s1, $0x7F00;
	v1 =	vld [tilespmem:s0+$0x6230];
	v2 =	vmov v0  }
0x6d: {  	v3 =	vld [tilespmem:s0+$0x6200]  }
0x6e: {  	v4 =	vld [tilespmem:s0+$0x6210]  }
.Ltmp1:
0x6f: {  	v0 =	vld [tilespmem:s0+$0x6220];
	(pc) =	sbr.rel @p0 .LBB2_5-.Ltmp1, $4  }
0x70: {  	[tilespmem:s18+$0x4220] =	vst.add.f32.msk $0xffff, v2;
	s18 =	smov.u32 s0  }
0x71: {  	[tilespmem:s18+$0x4230] =	vst.add.f32.msk $0xffff, v1  }
0x72: {  	[tilespmem:s18+$0x4200] =	vst.add.f32.msk $0xffff, v3  }
0x73: {  	s0 =	sshra.s32 s1, $0x2;
	s1 =	sadd.s32 $0x100, s1;
	[tilespmem:s18+$0x4210] =	vst.add.f32.msk $0xffff, v4  }
0x74: {  	v1 =	vld [tilespmem:s0+$0x6230]  }
0x75: {  	v2 =	vld [tilespmem:s0+$0x6200]  }
0x76: {  	v3 =	vld [tilespmem:s0+$0x6210]  }
0x77: {  	v4 =	vld [tilespmem:s0+$0x6220]  }
0x78: {  	[tilespmem:s18+$0x4220] =	vst.add.f32.msk $0xffff, v0;
	s1 =	ssub.s32 s17, s7  }
0x79: {  	s1 =	sshll.u32 s1, $0x7;
	[tilespmem:s0+$0x4230] =	vst.add.f32.msk $0xffff, v1  }
0x7a: {  	s16 =	sadd.s32 $0x1, s16;
	s1 =	sor.u32 s10, s1;
	[tilespmem:s0+$0x4200] =	vst.add.f32.msk $0xffff, v2  }
0x7b: {  	p0 =	sne.s32 s16, $0x13;
	s1 =	sshrl.u32 s1, $0x3;
	[tilespmem:s0+$0x4210] =	vst.add.f32.msk $0xffff, v3  }
.Ltmp2:
0x7c: {  	s19 =	sadd.s32 s9, s1;
	[tilespmem:s0+$0x4220] =	vst.add.f32.msk $0xffff, v4;
	(pc) =	sbr.rel @p0 .LBB2_2-.Ltmp2, $4  }
0x7d: {  	[hbm4b:s19+s30] =	stream.strided.scatter [tilespmem:s26], [sflag:$0x3], $0x2000, s21, s30, $0x38;
	[tilespmem:$0x8610] =	vst v63  }
0x7e: {  	_ =	swait.ge [sflag:s20], $0x2000  }
0x7f: {  	[sflag:s20] =	ssyncset.done $0x0  }
0x80: {  	[sflag:s20] =	ssyncadd.s32 $0xFFFFE000  }
0x81: {  	_ =	swait.ge [sflag:s29], $0x2000  }
0x82: {  	[sflag:s29] =	ssyncset.done $0x0  }
0x83: {  	[sflag:s29] =	ssyncadd.s32 $0xFFFFE000  }
0x84: {  	_ =	swait.ge [sflag:s29], $0x2000  }
0x85: {  	[sflag:s29] =	ssyncset.done $0x0  }
0x86: {  	s16 =	simm.s32 $0x0;
	[sflag:s29] =	ssyncadd.s32 $0xFFFFE000  }
0x87: {  	v1 =	vld [tilespmem:s16+$0x2130]  }
0x88: {  	v2 =	vld [tilespmem:s16+$0x2100]  }
0x89: {  	v3 =	vld [tilespmem:s16+$0x2110]  }
0x8a: {  	v0 =	vld [tilespmem:s16+$0x2120];
	_ =	sdelay $0x1  }
0x8b: {  	[tilespmem:s16+$0x130] =	vst.add.f32.msk $0xffff, v1  }
0x8c: {  	[tilespmem:s16+$0x100] =	vst.add.f32.msk $0xffff, v2  }
0x8d: {  	s0 =	simm.s32 $0x40;
	s1 =	simm.s32 $0x200;
	[tilespmem:s16+$0x110] =	vst.add.f32.msk $0xffff, v3  }
.LBB2_8:
0x8e: {  	p0 =	sne.s32 s1, $0x7F00;
	v1 =	vld [tilespmem:s0+$0x2130];
	v2 =	vmov v0  }
0x8f: {  	v3 =	vld [tilespmem:s0+$0x2100]  }
0x90: {  	v4 =	vld [tilespmem:s0+$0x2110]  }
.Ltmp3:
0x91: {  	v0 =	vld [tilespmem:s0+$0x2120];
	(pc) =	sbr.rel @p0 .LBB2_8-.Ltmp3, $4  }
0x92: {  	[tilespmem:s16+$0x120] =	vst.add.f32.msk $0xffff, v2;
	s16 =	smov.u32 s0  }
0x93: {  	[tilespmem:s16+$0x130] =	vst.add.f32.msk $0xffff, v1  }
0x94: {  	[tilespmem:s16+$0x100] =	vst.add.f32.msk $0xffff, v3  }
0x95: {  	s0 =	sshra.s32 s1, $0x2;
	s1 =	sadd.s32 $0x100, s1;
	[tilespmem:s16+$0x110] =	vst.add.f32.msk $0xffff, v4  }
0x96: {  	v1 =	vld [tilespmem:s0+$0x2130]  }
0x97: {  	v2 =	vld [tilespmem:s0+$0x2100]  }
0x98: {  	v3 =	vld [tilespmem:s0+$0x2110]  }
0x99: {  	v4 =	vld [tilespmem:s0+$0x2120]  }
0x9a: {  	[tilespmem:s16+$0x120] =	vst.add.f32.msk $0xffff, v0  }
0x9b: {  	[tilespmem:s0+$0x130] =	vst.add.f32.msk $0xffff, v1  }
0x9c: {  	[tilespmem:s0+$0x100] =	vst.add.f32.msk $0xffff, v2  }
0x9d: {  	[tilespmem:s0+$0x110] =	vst.add.f32.msk $0xffff, v3  }
0x9e: {  	s16 =	rddreg [dreg:$0x4];
	[tilespmem:s0+$0x120] =	vst.add.f32.msk $0xffff, v4  }
0x9f: {  	[hbm4b:s16+s30] =	stream.strided.scatter [tilespmem:s22], [sflag:$0x3], $0x2000, s21, s30, $0x38;
	[tilespmem:$0x8610] =	vst v63  }
0xa0: {  	_ =	swait.ge [sflag:s20], $0x2000  }
0xa1: {  	[sflag:s20] =	ssyncset.done $0x0  }
0xa2: {  	s1 =	simm.s32 $0x8200;
	s17 =	rddreg [dreg:$0x5];
	[sflag:s20] =	ssyncadd.s32 $0xFFFFE000  }
0xa3: {  	[tilespmem:s1], [sflag:$0x3] =	stream.linear.gather [hbm4b:s17+s2], $0x8, $0x38;
	[tilespmem:$0x8610] =	vst v63  }
0xa4: {  	_ =	swait.ge [sflag:s20], $0x8  }
0xa5: {  	[sflag:s20] =	ssyncset.done $0x0  }
0xa6: {  	s19 =	simm.s32 $0x8208;
	s18 =	rddreg [dreg:$0x6];
	[sflag:s20] =	ssyncadd.s32 $0xFFFFFFF8  }
0xa7: {  	[tilespmem:s19], [sflag:$0x3] =	stream.linear.gather [hbm4b:s18+s2], $0x8, $0x38;
	[tilespmem:$0x8610] =	vst v63  }
0xa8: {  	_ =	swait.ge [sflag:s20], $0x8  }
0xa9: {  	[sflag:s20] =	ssyncset.done $0x0  }
0xaa: {  	[sflag:s20] =	ssyncadd.s32 $0xFFFFFFF8  }
0xab: {  	[tilespmem:s13], [sflag:$0x2] =	stream.indirect.gather [hbm4b:s3+s12], $0x40, s1, s12, $0xb8;
	[tilespmem:$0x8610] =	vst v63  }
0xac: {  	s1 =	simm.s32 $0x8410  }
0xad: {  	[tilespmem:s1], [sflag:$0x2] =	stream.indirect.gather [hbm4b:s4+s12], $0x40, s19, s12, $0xb8;
	[tilespmem:$0x8610] =	vst v63  }
0xae: {  	_ =	swait.ge [sflag:s31], $0x200  }
0xaf: {  	[sflag:s31] =	ssyncset.done $0x0  }
0xb0: {  	[sflag:s31] =	ssyncadd.s32 $0xFFFFFE00  }
0xb1: {  	_ =	swait.ge [sflag:s31], $0x200  }
0xb2: {  	[sflag:s31] =	ssyncset.done $0x0  }
0xb3: {  	[sflag:s31] =	ssyncadd.s32 $0xFFFFFE00  }
0xb4: {  	v63 =	vld [tilespmem:$0x8410];
	_ =	sdelay $0x4  }
0xb5: {  	[tilespmem:s13+$0x0] =	vst.add.f32.msk $0xffff, v63  }
0xb6: {  	v0 =	vld [tilespmem:$0x8420];
	_ =	sdelay $0x3  }
0xb7: {  	s17 =	simm.s32 $0x8220  }
0xb8: {  	[tilespmem:s17+$0x0] =	vst.add.f32.msk $0xffff, v0  }
0xb9: {  	v0 =	vld [tilespmem:$0x8430];
	_ =	sdelay $0x3  }
0xba: {  	s18 =	simm.s32 $0x8230  }
0xbb: {  	[tilespmem:s18+$0x0] =	vst.add.f32.msk $0xffff, v0  }
0xbc: {  	v0 =	vld [tilespmem:$0x8440];
	_ =	sdelay $0x3  }
0xbd: {  	s19 =	simm.s32 $0x8240  }
0xbe: {  	[tilespmem:s19+$0x0] =	vst.add.f32.msk $0xffff, v0  }
0xbf: {  	v0 =	vld [tilespmem:$0x8450];
	_ =	sdelay $0x3  }
0xc0: {  	s1 =	simm.s32 $0x8250  }
0xc1: {  	[tilespmem:s1+$0x0] =	vst.add.f32.msk $0xffff, v0  }
0xc2: {  	v0 =	vld [tilespmem:$0x8460];
	_ =	sdelay $0x3  }
0xc3: {  	s16 =	simm.s32 $0x8260  }
0xc4: {  	[tilespmem:s16+$0x0] =	vst.add.f32.msk $0xffff, v0  }
0xc5: {  	v0 =	vld [tilespmem:$0x8470];
	_ =	sdelay $0x3  }
0xc6: {  	s17 =	simm.s32 $0x8270  }
0xc7: {  	[tilespmem:s17+$0x0] =	vst.add.f32.msk $0xffff, v0  }
0xc8: {  	v0 =	vld [tilespmem:$0x8480];
	_ =	sdelay $0x3  }
0xc9: {  	s18 =	simm.s32 $0x8280  }
0xca: {  	[tilespmem:s18+$0x0] =	vst.add.f32.msk $0xffff, v0  }
0xcb: {  	v0 =	vld [tilespmem:$0x8490];
	_ =	sdelay $0x3  }
0xcc: {  	s19 =	simm.s32 $0x8290  }
0xcd: {  	[tilespmem:s19+$0x0] =	vst.add.f32.msk $0xffff, v0  }
0xce: {  	v0 =	vld [tilespmem:$0x84A0];
	_ =	sdelay $0x3  }
0xcf: {  	s1 =	simm.s32 $0x82A0  }
0xd0: {  	[tilespmem:s1+$0x0] =	vst.add.f32.msk $0xffff, v0  }
0xd1: {  	v0 =	vld [tilespmem:$0x84B0];
	_ =	sdelay $0x3  }
0xd2: {  	s16 =	simm.s32 $0x82B0  }
0xd3: {  	[tilespmem:s16+$0x0] =	vst.add.f32.msk $0xffff, v0  }
0xd4: {  	v0 =	vld [tilespmem:$0x84C0];
	_ =	sdelay $0x3  }
0xd5: {  	s17 =	simm.s32 $0x82C0  }
0xd6: {  	[tilespmem:s17+$0x0] =	vst.add.f32.msk $0xffff, v0  }
0xd7: {  	v0 =	vld [tilespmem:$0x84D0];
	_ =	sdelay $0x3  }
0xd8: {  	s18 =	simm.s32 $0x82D0  }
0xd9: {  	[tilespmem:s18+$0x0] =	vst.add.f32.msk $0xffff, v0  }
0xda: {  	v0 =	vld [tilespmem:$0x84E0];
	_ =	sdelay $0x3  }
0xdb: {  	s19 =	simm.s32 $0x82E0  }
0xdc: {  	[tilespmem:s19+$0x0] =	vst.add.f32.msk $0xffff, v0  }
0xdd: {  	v0 =	vld [tilespmem:$0x84F0];
	_ =	sdelay $0x3  }
0xde: {  	s1 =	simm.s32 $0x82F0  }
0xdf: {  	[tilespmem:s1+$0x0] =	vst.add.f32.msk $0xffff, v0  }
0xe0: {  	v0 =	vld [tilespmem:$0x8500];
	_ =	sdelay $0x3  }
0xe1: {  	s16 =	simm.s32 $0x8300  }
0xe2: {  	[tilespmem:s16+$0x0] =	vst.add.f32.msk $0xffff, v0  }
0xe3: {  	v0 =	vld [tilespmem:$0x8510];
	_ =	sdelay $0x3  }
0xe4: {  	s17 =	simm.s32 $0x8310  }
0xe5: {  	[tilespmem:s17+$0x0] =	vst.add.f32.msk $0xffff, v0  }
0xe6: {  	v0 =	vld [tilespmem:$0x8520];
	_ =	sdelay $0x3  }
0xe7: {  	s18 =	simm.s32 $0x8320  }
0xe8: {  	[tilespmem:s18+$0x0] =	vst.add.f32.msk $0xffff, v0  }
0xe9: {  	v0 =	vld [tilespmem:$0x8530];
	_ =	sdelay $0x3  }
0xea: {  	s19 =	simm.s32 $0x8330  }
0xeb: {  	[tilespmem:s19+$0x0] =	vst.add.f32.msk $0xffff, v0  }
0xec: {  	v0 =	vld [tilespmem:$0x8540];
	_ =	sdelay $0x3  }
0xed: {  	s1 =	simm.s32 $0x8340  }
0xee: {  	[tilespmem:s1+$0x0] =	vst.add.f32.msk $0xffff, v0  }
0xef: {  	v0 =	vld [tilespmem:$0x8550];
	_ =	sdelay $0x3  }
0xf0: {  	s16 =	simm.s32 $0x8350  }
0xf1: {  	[tilespmem:s16+$0x0] =	vst.add.f32.msk $0xffff, v0  }
0xf2: {  	v0 =	vld [tilespmem:$0x8560];
	_ =	sdelay $0x3  }
0xf3: {  	s17 =	simm.s32 $0x8360  }
0xf4: {  	[tilespmem:s17+$0x0] =	vst.add.f32.msk $0xffff, v0  }
0xf5: {  	v0 =	vld [tilespmem:$0x8570];
	_ =	sdelay $0x3  }
0xf6: {  	s18 =	simm.s32 $0x8370  }
0xf7: {  	[tilespmem:s18+$0x0] =	vst.add.f32.msk $0xffff, v0  }
0xf8: {  	v0 =	vld [tilespmem:$0x8580];
	_ =	sdelay $0x3  }
0xf9: {  	s19 =	simm.s32 $0x8380  }
0xfa: {  	[tilespmem:s19+$0x0] =	vst.add.f32.msk $0xffff, v0  }
0xfb: {  	v0 =	vld [tilespmem:$0x8590];
	_ =	sdelay $0x3  }
0xfc: {  	s1 =	simm.s32 $0x8390  }
0xfd: {  	[tilespmem:s1+$0x0] =	vst.add.f32.msk $0xffff, v0  }
0xfe: {  	v0 =	vld [tilespmem:$0x85A0];
	_ =	sdelay $0x3  }
0xff: {  	s16 =	simm.s32 $0x83A0  }
0x100: {  	[tilespmem:s16+$0x0] =	vst.add.f32.msk $0xffff, v0  }
0x101: {  	v0 =	vld [tilespmem:$0x85B0];
	_ =	sdelay $0x3  }
0x102: {  	s17 =	simm.s32 $0x83B0  }
0x103: {  	[tilespmem:s17+$0x0] =	vst.add.f32.msk $0xffff, v0  }
0x104: {  	v0 =	vld [tilespmem:$0x85C0];
	_ =	sdelay $0x3  }
0x105: {  	s18 =	simm.s32 $0x83C0  }
0x106: {  	[tilespmem:s18+$0x0] =	vst.add.f32.msk $0xffff, v0  }
0x107: {  	v0 =	vld [tilespmem:$0x85D0];
	_ =	sdelay $0x3  }
0x108: {  	s19 =	simm.s32 $0x83D0  }
0x109: {  	[tilespmem:s19+$0x0] =	vst.add.f32.msk $0xffff, v0  }
0x10a: {  	v0 =	vld [tilespmem:$0x85E0];
	_ =	sdelay $0x3  }
0x10b: {  	s1 =	simm.s32 $0x83E0  }
0x10c: {  	[tilespmem:s1+$0x0] =	vst.add.f32.msk $0xffff, v0  }
0x10d: {  	v0 =	vld [tilespmem:$0x85F0];
	_ =	sdelay $0x3  }
0x10e: {  	s16 =	simm.s32 $0x83F0  }
0x10f: {  	[tilespmem:s16+$0x0] =	vst.add.f32.msk $0xffff, v0  }
0x110: {  	v0 =	vld [tilespmem:$0x8600];
	_ =	sdelay $0x3  }
0x111: {  	s17 =	simm.s32 $0x8400  }
0x112: {  	s18 =	rddreg [dreg:$0x7];
	[tilespmem:s17+$0x0] =	vst.add.f32.msk $0xffff, v0  }
0x113: {  	[hbm4b:s18+s30] =	stream.strided.scatter [tilespmem:s13], [sflag:$0x3], $0x200, s21, s30, $0x38;
	[tilespmem:$0x8610] =	vst v63  }
0x114: {  	_ =	swait.ge [sflag:s20], $0x200  }
0x115: {  	s15 =	sadd.s32 $0x1, s15;
	s19 =	rddreg [dreg:$0x8]  }
0x116: {  	p0 =	sne.s32 s15, s19  }
.Ltmp4:
0x117: {  	_ = 	snop;
	(pc) =	sbr.rel @p0 .LBB2_1-.Ltmp4, $3  }
0x118: {  	_ =	sdelay $0x1  }
0x119: {  	[sflag:s20] =	ssyncset.done $0x0  }
0x11a: {  	[sflag:s20] =	ssyncadd.s32 $0xFFFFFE00  }
0x11b: {  	_ =	sfence.sel $0x180000  }
0x11c: {  	[bflag:$0x0] =	sbarrier.arrive $0xFFFF  }
0x11d: {  	_ =	strace $0x90000053  }
0x11e: {  	s0 =	stileid.u32;
	[bflag:$0x2] =	sbarrier.arrive $0xFFFF  }
0x11f: {  	p0 =	sne.s32 s0, $0x0;
	s0 =	rddreg [dreg:$0x1]  }
0x120: {  	s0 =	sadd.s32 @!p0 $0x100000, s0  }
0x121: {  	[sflag:s0] =	ssyncadd.tile.s32 @!p0 $0x1;
	_ =	shalt  }
.Lfunc_end2:
_tile_overlayer_lowered:
.L_overlay_start_2:
0x122: {  	(tag) =	ssettag $0x2  }
0x123: {  	s0 =	rddreg [dreg:$0x0];
	s2 =	stileid.u32  }
0x124: {  	s1 =	rddreg [dreg:$0x1];
	p0 =	sne.s32 s2, $0x0  }
0x125: {  	s3 =	rddreg [dreg:$0x2];
	[bflag:$0x3] =	sbarrier.arrive $0xFFFF;
	s2 =	simm.s32 @!p0 $0x1C03  }
0x126: {  	[timem:s3], [sflag:s2] =	dma.local @!p0 [hbm:s0], s1  }
0x127: {  	s0 =	simm.s32 @!p0 $0x3  }
0x128: {  	_ =	swait.ge @!p0 [sflag:s0], s1  }
0x129: {  	s1 =	ssub.s32 @!p0 $0x0, s1;
	[sflag:s0] =	ssyncset.done @!p0 $0x0  }
0x12a: {  	[sflag:s0] =	ssyncadd.s32 @!p0 s1  }
0x12b: {  	[bflag:$0x3] =	sbarrier.arrive $0xFFFF  }
0x12c: {  	_ =	shalt  }

</sc_bundles>
